<compile_context>
chip_gen: v7x
topology: tpu7x:2x2x1
jax: 0.10.2.dev20260603
libtpu: 0.0.44.dev20260713+nightly
codegen_flags: <defaults>
</compile_context>

<pallas_src>
import functools

import jax
import jax.numpy as jnp
from jax import lax
from jax.experimental import pallas as pl
from jax.experimental.pallas import tpu as pltpu
from jax.experimental.pallas import tpu_sc as plsc

T = 2048
D = 1024
DFF = 4096
G = 4
EG = 4
NE = G * EG
NA = 2 * T
BLK = 128
NBLK = 48
NPAD = NBLK * BLK
NW = 32



def _router_body(xf_ref, wcat_ref, gl_ref, ent_ref, gw_ref, pos_ref,
                 po_ref, nb_ref):
    xf = xf_ref[...]
    logits = lax.dot_general(
        xf.astype(jnp.bfloat16), wcat_ref[...].astype(jnp.bfloat16),
        (((1,), (1,)), ((), ())),
        preferred_element_type=jnp.float32)
    gl = logits[:, :G]
    gl_ref[...] = gl

    m = jnp.max(gl, axis=1, keepdims=True)
    ex = jnp.exp(gl - m)
    z = jnp.sum(ex, axis=1, keepdims=True)
    p = ex / z
    logp = (gl - m) - jnp.log(z)
    ent_ref[...] = jnp.reshape(-jnp.sum(p * logp) / T, (1, 1))

    ids4 = lax.broadcasted_iota(jnp.int32, (T, G), 1)
    a1 = jnp.min(jnp.where(gl == m, ids4, G), axis=1, keepdims=True)
    masked = jnp.where(ids4 == a1, -jnp.inf, gl)
    m2 = jnp.max(masked, axis=1, keepdims=True)
    a2 = jnp.min(jnp.where(masked == m2, ids4, G), axis=1, keepdims=True)
    e2v = jnp.exp(m2 - m)
    gw0 = 1.0 / (1.0 + e2v)
    gw1 = e2v / (1.0 + e2v)
    gw_ref[...] = jnp.concatenate([gw0, gw1], axis=0)

    eids = []
    for g in range(G):
        elg = logits[:, G + EG * g: G + EG * (g + 1)]
        mm = jnp.max(elg, axis=1, keepdims=True)
        ag = jnp.min(jnp.where(elg == mm, ids4, EG), axis=1, keepdims=True)
        eids.append(ag.astype(jnp.float32))
    eidm = jnp.concatenate(eids, axis=1)
    sel1 = jnp.sum(jnp.where(ids4 == a1, eidm, 0.0), axis=1, keepdims=True)
    sel2 = jnp.sum(jnp.where(ids4 == a2, eidm, 0.0), axis=1, keepdims=True)
    e1 = a1.astype(jnp.float32) * EG + sel1
    e2 = a2.astype(jnp.float32) * EG + sel2

    ids16 = lax.broadcasted_iota(jnp.int32, (NA, NE), 1).astype(jnp.float32)
    ea = jnp.concatenate([e1, e2], axis=0)
    oh = (ea == ids16).astype(jnp.float32)
    incl = oh
    k = 1
    while k < NA:
        shifted = jnp.concatenate(
            [jnp.zeros((k, NE), jnp.float32), incl[:-k, :]], axis=0)
        incl = incl + shifted
        k *= 2
    rex = incl - oh
    counts = incl[NA - 1:NA, :]
    pc = jnp.ceil(counts / BLK) * BLK
    iot16r = lax.broadcasted_iota(jnp.int32, (NE, NE), 0)
    iot16c = lax.broadcasted_iota(jnp.int32, (NE, NE), 1)
    mstrict = (iot16r < iot16c).astype(jnp.float32)
    po = lax.dot_general(pc, mstrict, (((1,), (0,)), ((), ())),
                         preferred_element_type=jnp.float32)
    pos = jnp.sum((po + rex) * oh, axis=1, keepdims=True)
    pos_ref[...] = pos.astype(jnp.int32)

    eye = (iot16r == iot16c).astype(jnp.float32)
    po_ref[...] = lax.dot_general(
        eye, po, (((1,), (1,)), ((), ())),
        preferred_element_type=jnp.float32).astype(jnp.int32)
    nb_ref[...] = lax.dot_general(
        eye, pc / BLK, (((1,), (1,)), ((), ())),
        preferred_element_type=jnp.float32).astype(jnp.int32)


def _router_call(xf, wcat):
    return pl.pallas_call(
        _router_body,
        out_shape=[
            jax.ShapeDtypeStruct((T, G), jnp.float32),
            jax.ShapeDtypeStruct((1, 1), jnp.float32),
            jax.ShapeDtypeStruct((NA, 1), jnp.float32),
            jax.ShapeDtypeStruct((NA, 1), jnp.int32),
            jax.ShapeDtypeStruct((NE, 1), jnp.int32),
            jax.ShapeDtypeStruct((NE, 1), jnp.int32),
        ],
    )(xf, wcat)



def _dispatch_body(xf_hbm, pos_hbm, xg_hbm, pos_v, rows_v, sem):
    wid = lax.axis_index("s") * 2 + lax.axis_index("c")
    base = wid * (NA // NW)
    for o in (0, 64):
        start = base + o
        pltpu.sync_copy(pos_hbm.at[pl.ds(start, 64)], pos_v)
        pltpu.sync_copy(xf_hbm.at[pl.ds(start % T, 64)], rows_v)
        pltpu.async_copy(rows_v, xg_hbm.at[pos_v], sem).wait()


def _dispatch_call(xf, posf):
    mesh = plsc.VectorSubcoreMesh(core_axis_name="c", subcore_axis_name="s")
    fn = functools.partial(
        pl.kernel, mesh=mesh,
        out_type=jax.ShapeDtypeStruct((NPAD, D), jnp.float32),
        scratch_types=[
            pltpu.VMEM((64,), jnp.int32),
            pltpu.VMEM((64, D), jnp.float32),
            pltpu.SemaphoreType.DMA,
        ],
    )(_dispatch_body)
    return fn(xf, posf)



NCH = 8
CHD = DFF // NCH


def _ffn_body(po_ref, nb_ref, xg_ref, w1_ref, w2_ref, y_ref):
    j = pl.program_id(1)
    e = pl.program_id(0)
    row0 = po_ref[e]
    nb = nb_ref[e]
    wc1 = w1_ref[0].astype(jnp.bfloat16)
    wc2 = w2_ref[0].astype(jnp.bfloat16)

    def blk_body(b, carry):
        r = pl.multiple_of(row0 + b * BLK, BLK)
        xi = xg_ref[pl.ds(r, BLK), :].astype(jnp.bfloat16)
        h = lax.dot_general(xi, wc1, (((1,), (1,)), ((), ())),
                            preferred_element_type=jnp.float32)
        h = 0.5 * h * (1.0 + lax.erf(h * 0.7071067811865476))
        yp = lax.dot_general(h.astype(jnp.bfloat16), wc2,
                             (((1,), (1,)), ((), ())),
                             preferred_element_type=jnp.float32)

        @pl.when(j == 0)
        def _():
            y_ref[pl.ds(r, BLK), :] = yp

        @pl.when(j != 0)
        def _():
            y_ref[pl.ds(r, BLK), :] += yp

        return carry

    lax.fori_loop(0, nb, blk_body, 0)


def _ffn_call(po, nb, xg, w1f, w2f):
    grid_spec = pltpu.PrefetchScalarGridSpec(
        num_scalar_prefetch=2,
        grid=(NE, NCH),
        in_specs=[
            pl.BlockSpec((NPAD, D), lambda e, j, po, nb: (0, 0)),
            pl.BlockSpec((1, CHD, D), lambda e, j, po, nb: (e, j, 0)),
            pl.BlockSpec((1, D, CHD), lambda e, j, po, nb: (e, 0, j)),
        ],
        out_specs=pl.BlockSpec((NPAD, D), lambda e, j, po, nb: (0, 0)),
    )
    return pl.pallas_call(
        _ffn_body,
        grid_spec=grid_spec,
        out_shape=jax.ShapeDtypeStruct((NPAD, D), jnp.float32),
        compiler_params=pltpu.CompilerParams(
            vmem_limit_bytes=63 * 1024 * 1024),
    )(po, nb, xg, w1f, w2f)



def _combine_body(y_hbm, pos0_hbm, pos1_hbm, gw0_hbm, gw1_hbm, out_hbm,
                  p0_v, p1_v, g0_v, g1_v, y0_v, y1_v, sem):
    wid = lax.axis_index("s") * 2 + lax.axis_index("c")
    base = wid * (T // NW)
    for o in (0, 32):
        start = base + o
        pltpu.sync_copy(pos0_hbm.at[pl.ds(start, 32)], p0_v)
        pltpu.sync_copy(pos1_hbm.at[pl.ds(start, 32)], p1_v)
        pltpu.sync_copy(gw0_hbm.at[pl.ds(start, 32)], g0_v)
        pltpu.sync_copy(gw1_hbm.at[pl.ds(start, 32)], g1_v)
        pltpu.async_copy(y_hbm.at[p0_v], y0_v, sem).wait()
        pltpu.async_copy(y_hbm.at[p1_v], y1_v, sem).wait()

        for half in range(2):
            wv0 = g0_v[pl.ds(16 * half, 16)]
            wv1 = g1_v[pl.ds(16 * half, 16)]
            for l in range(16):
                t = 16 * half + l
                a = wv0[l]
                b = wv1[l]

                def lane_body(j, c, t=t, a=a, b=b):
                    sl = pl.ds(j * 16, 16)
                    y0_v[t, sl] = a * y0_v[t, sl] + b * y1_v[t, sl]
                    return c

                lax.fori_loop(0, D // 16, lane_body, 0)
        pltpu.sync_copy(y0_v, out_hbm.at[pl.ds(start, 32)])


def _combine_call(y, pos0, pos1, gw0, gw1):
    mesh = plsc.VectorSubcoreMesh(core_axis_name="c", subcore_axis_name="s")
    fn = functools.partial(
        pl.kernel, mesh=mesh,
        out_type=jax.ShapeDtypeStruct((T, D), jnp.float32),
        scratch_types=[
            pltpu.VMEM((32,), jnp.int32),
            pltpu.VMEM((32,), jnp.int32),
            pltpu.VMEM((32,), jnp.float32),
            pltpu.VMEM((32,), jnp.float32),
            pltpu.VMEM((32, D), jnp.float32),
            pltpu.VMEM((32, D), jnp.float32),
            pltpu.SemaphoreType.DMA,
        ],
    )(_combine_body)
    return fn(y, pos0, pos1, gw0, gw1)



def kernel(x, Wg, Wr, W1, W2):
    Bc, Tc, Dc = x.shape
    xf = x.reshape(Tc, Dc)
    wcat = jnp.concatenate([Wg, Wr.reshape(NE, D)], axis=0)

    gl, ent, gw, pos, po, nb = _router_call(xf, wcat)

    posf = pos.reshape(NA)
    gwf = gw.reshape(NA)

    xg = _dispatch_call(xf, posf)
    y = _ffn_call(po.reshape(NE), nb.reshape(NE), xg,
                  W1.reshape(NE, DFF, D), W2.reshape(NE, D, DFF))
    out = _combine_call(y, posf[:T], posf[T:], gwf[:T], gwf[T:])

    return (out.reshape(Bc, Tc, Dc), gl.reshape(Bc, Tc, G), ent[0, 0])

# --- scband reference (transcript-rebuilt; emitter-appended) ---
"""Pipeline reference for scband-hierarchical-mo-e-40355512714068 (READ-ONLY COPY).

The authoritative reference and input builder live on the scoring server;
editing this copy changes nothing except your own understanding.
"""

import jax, jax.numpy as jnp
import numpy as np

B = 1
T = 2048
D_MODEL = 1024
D_FF = 4096
G = 4
EG = 4
TKG = 2
TKE = 1


def setup_inputs(seed: int = 0):
    key = jax.random.key(seed)
    ks = jax.random.split(key, 5)
    x = jax.random.normal(ks[0], (B, T, D_MODEL), dtype=jnp.float32)
    Wg = jax.random.normal(ks[1], (G, D_MODEL), dtype=jnp.float32) * 0.02
    Wr = jax.random.normal(ks[2], (G, EG, D_MODEL), dtype=jnp.float32) * 0.02
    W1 = jax.random.normal(ks[3], (G, EG, D_FF, D_MODEL), dtype=jnp.float32) * 0.02
    W2 = jax.random.normal(ks[4], (G, EG, D_MODEL, D_FF), dtype=jnp.float32) * 0.02
    return {"x": x, "Wg": Wg, "Wr": Wr, "W1": W1, "W2": W2}


def reference(x, Wg, Wr, W1, W2):
    Bc, Tc, Dc = x.shape
    xf = x.reshape(Bc * Tc, Dc)
    group_logits = xf @ Wg.T
    gw, gid = jax.lax.top_k(group_logits, TKG)
    gw = jax.nn.softmax(gw, axis=-1)
    out = jnp.zeros_like(xf)
    for g_rank in range(TKG):
        g_idx = gid[:, g_rank]
        for g in range(G):
            g_mask = g_idx == g
            el = xf @ Wr[g].T
            ew, eid = jax.lax.top_k(el, TKE)
            ew = jax.nn.softmax(ew, axis=-1)
            eo = jnp.zeros_like(xf)
            for e_rank in range(TKE):
                e_i = eid[:, e_rank]
                for e in range(EG):
                    e_mask = g_mask & (e_i == e)
                    h = jax.nn.gelu(xf @ W1[g, e].T, approximate=False) @ W2[g, e].T
                    eo = eo + jnp.where(e_mask[:, None], ew[:, e_rank:e_rank + 1] * h, 0.0)
            out = out + jnp.where(g_mask[:, None], gw[:, g_rank:g_rank + 1] * eo, 0.0)
    output = out.reshape(Bc, Tc, Dc)
    gl_btg = group_logits.reshape(Bc, Tc, G)
    p = jax.nn.softmax(group_logits, axis=-1)
    lp = jax.nn.log_softmax(group_logits, axis=-1)
    group_entropy = -(p * lp).sum(-1).mean()
    return (output, gl_btg, group_entropy)

if __name__ == "__main__":
    import jax
    _d = setup_inputs()
    print(jax.jit(kernel)(*tuple(_d.values())))

</pallas_src>

<mosaic_0001>
#map = affine_map<(d0, d1) -> (0, 0)>
#map1 = affine_map<(d0, d1) -> (0)>
module attributes {stable_mosaic.version = 14 : i64} {
  func.func @_dispatch_body(%arg0: i32, %arg1: i32, %arg2: memref<2048x1024xf32, #tpu.memory_space<hbm>>, %arg3: memref<4096xi32, #tpu.memory_space<hbm>>, %arg4: memref<6144x1024xf32, #tpu.memory_space<hbm>>, %arg5: memref<64xi32, #tpu.memory_space<vmem>>, %arg6: memref<64x1024xf32, #tpu.memory_space<vmem>>, %arg7: memref<!tpu.dma_semaphore, #tpu.memory_space<semaphore_mem>>) attributes {dimension_semantics = [#tpu.dimension_semantics<core_parallel>, #tpu.dimension_semantics<subcore_parallel>], iteration_bounds = array<i64: 2, 16>, scalar_prefetch = 0 : i64, scratch_operands = 3 : i64, tpu.core_type = #tpu.core_type<sc_vector_subcore>, window_params = [{transform_indices = #map}, {transform_indices = #map1}, {transform_indices = #map}]} {
    %mul3A = arith.constant 2 : i32
    %mul3A_0 = arith.muli %arg1, %mul3A : i32
    %add3A = arith.addi %mul3A_0, %arg0 : i32
    %mul3A_1 = arith.constant 128 : i32
    %mul3A_2 = arith.muli %add3A, %mul3A_1 : i32
    %add3A_3 = arith.constant 0 : i32
    %add3A_4 = arith.addi %mul3A_2, %add3A_3 : i32
    "tpu.region"() ({
      %run_scoped3A = tpu.sem_alloc : memref<!tpu.dma_semaphore, #tpu.memory_space<semaphore_mem>>
      %dma_start3A_42 = tpu.memref_slice %arg3[%add3A_4] : memref<4096xi32, #tpu.memory_space<hbm>> -> memref<64xi32, #tpu.memory_space<hbm>>
      %dma_start3A_43 = tpu.memref_slice %arg3[%add3A_4] : memref<4096xi32, #tpu.memory_space<hbm>> -> memref<64xi32, #tpu.memory_space<hbm>>
      tpu.enqueue_dma source(%dma_start3A_43 : memref<64xi32, #tpu.memory_space<hbm>>) target(%arg5 : memref<64xi32, #tpu.memory_space<vmem>>) target_semaphore(%run_scoped3A : memref<!tpu.dma_semaphore, #tpu.memory_space<semaphore_mem>>)
      %dma_wait3A_44 = tpu.memref_slice %arg3[%add3A_4] : memref<4096xi32, #tpu.memory_space<hbm>> -> memref<64xi32, #tpu.memory_space<hbm>>
      %dma_wait3A_45 = tpu.memref_slice %arg3[%add3A_4] : memref<4096xi32, #tpu.memory_space<hbm>> -> memref<64xi32, #tpu.memory_space<hbm>>
      tpu.wait_dma2 semaphore(%run_scoped3A : memref<!tpu.dma_semaphore, #tpu.memory_space<semaphore_mem>>) src(%dma_wait3A_45 : memref<64xi32, #tpu.memory_space<hbm>>) dst(%arg5 : memref<64xi32, #tpu.memory_space<vmem>>)
      tpu.yield
    }) : () -> ()
    %jit3A = arith.constant 2048 : i32
    %eq3A = arith.constant 0 : i32
    %eq3A_5 = arith.cmpi eq, %jit3A, %eq3A : i32
    %jit3A_6 = arith.constant 1 : i32
    %select_n3A = arith.select %eq3A_5, %jit3A_6, %jit3A : i32
    %rem3A = arith.remsi %add3A_4, %select_n3A : i32
    %ne3A = arith.constant 0 : i32
    %ne3A_7 = arith.cmpi ne, %rem3A, %ne3A : i32
    %lt3A = arith.constant 0 : i32
    %lt3A_8 = arith.cmpi slt, %rem3A, %lt3A : i32
    %lt3A_9 = arith.constant 0 : i32
    %lt3A_10 = arith.cmpi slt, %select_n3A, %lt3A_9 : i32
    %ne3A_11 = arith.xori %lt3A_8, %lt3A_10 : i1
    %and3A = arith.andi %ne3A_11, %ne3A_7 : i1
    %add3A_12 = arith.addi %rem3A, %select_n3A : i32
    %select_n3A_13 = arith.select %and3A, %add3A_12, %rem3A : i32
    "tpu.region"() ({
      %run_scoped3A = tpu.sem_alloc : memref<!tpu.dma_semaphore, #tpu.memory_space<semaphore_mem>>
      %dma_start3A_42 = arith.constant 0 : i32
      %dma_start3A_43 = tpu.memref_slice %arg2[%select_n3A_13, %dma_start3A_42] : memref<2048x1024xf32, #tpu.memory_space<hbm>> -> memref<64x1024xf32, #tpu.memory_space<hbm>>
      %dma_start3A_44 = arith.constant 0 : i32
      %dma_start3A_45 = tpu.memref_slice %arg2[%select_n3A_13, %dma_start3A_44] : memref<2048x1024xf32, #tpu.memory_space<hbm>> -> memref<64x1024xf32, #tpu.memory_space<hbm>>
      tpu.enqueue_dma source(%dma_start3A_45 : memref<64x1024xf32, #tpu.memory_space<hbm>>) target(%arg6 : memref<64x1024xf32, #tpu.memory_space<vmem>>) target_semaphore(%run_scoped3A : memref<!tpu.dma_semaphore, #tpu.memory_space<semaphore_mem>>)
      %dma_wait3A_46 = arith.constant 0 : i32
      %dma_wait3A_47 = tpu.memref_slice %arg2[%select_n3A_13, %dma_wait3A_46] : memref<2048x1024xf32, #tpu.memory_space<hbm>> -> memref<64x1024xf32, #tpu.memory_space<hbm>>
      %dma_wait3A_48 = arith.constant 0 : i32
      %dma_wait3A_49 = tpu.memref_slice %arg2[%select_n3A_13, %dma_wait3A_48] : memref<2048x1024xf32, #tpu.memory_space<hbm>> -> memref<64x1024xf32, #tpu.memory_space<hbm>>
      tpu.wait_dma2 semaphore(%run_scoped3A : memref<!tpu.dma_semaphore, #tpu.memory_space<semaphore_mem>>) src(%dma_wait3A_49 : memref<64x1024xf32, #tpu.memory_space<hbm>>) dst(%arg6 : memref<64x1024xf32, #tpu.memory_space<vmem>>)
      tpu.yield
    }) : () -> ()
    %dma_start3A = arith.constant 0 : i32
    %dma_start3A_14 = arith.constant 0 : i32
    %dma_start3A_15 = tpu.memref_slice %arg4[%dma_start3A, %dma_start3A_14] : memref<6144x1024xf32, #tpu.memory_space<hbm>> -> memref<6144x1024xf32, #tpu.memory_space<hbm>>
    tpu.enqueue_indirect_dma source(%arg6 : memref<64x1024xf32, #tpu.memory_space<vmem>>) target(%dma_start3A_15 : memref<6144x1024xf32, #tpu.memory_space<hbm>>) offsets(%arg5 : memref<64xi32, #tpu.memory_space<vmem>>) semaphore(%arg7 : memref<!tpu.dma_semaphore, #tpu.memory_space<semaphore_mem>>)
    %dma_wait3A = arith.constant 0 : i32
    %dma_wait3A_16 = arith.constant 0 : i32
    %dma_wait3A_17 = tpu.memref_slice %arg4[%dma_wait3A, %dma_wait3A_16] : memref<6144x1024xf32, #tpu.memory_space<hbm>> -> memref<6144x1024xf32, #tpu.memory_space<hbm>>
    tpu.wait_indirect_dma semaphore(%arg7 : memref<!tpu.dma_semaphore, #tpu.memory_space<semaphore_mem>>) src(%arg6 : memref<64x1024xf32, #tpu.memory_space<vmem>>) dst(%dma_wait3A_17 : memref<6144x1024xf32, #tpu.memory_space<hbm>>)
    %add3A_18 = arith.constant 64 : i32
    %add3A_19 = arith.addi %mul3A_2, %add3A_18 : i32
    "tpu.region"() ({
      %run_scoped3A = tpu.sem_alloc : memref<!tpu.dma_semaphore, #tpu.memory_space<semaphore_mem>>
      %dma_start3A_42 = tpu.memref_slice %arg3[%add3A_19] : memref<4096xi32, #tpu.memory_space<hbm>> -> memref<64xi32, #tpu.memory_space<hbm>>
      %dma_start3A_43 = tpu.memref_slice %arg3[%add3A_19] : memref<4096xi32, #tpu.memory_space<hbm>> -> memref<64xi32, #tpu.memory_space<hbm>>
      tpu.enqueue_dma source(%dma_start3A_43 : memref<64xi32, #tpu.memory_space<hbm>>) target(%arg5 : memref<64xi32, #tpu.memory_space<vmem>>) target_semaphore(%run_scoped3A : memref<!tpu.dma_semaphore, #tpu.memory_space<semaphore_mem>>)
      %dma_wait3A_44 = tpu.memref_slice %arg3[%add3A_19] : memref<4096xi32, #tpu.memory_space<hbm>> -> memref<64xi32, #tpu.memory_space<hbm>>
      %dma_wait3A_45 = tpu.memref_slice %arg3[%add3A_19] : memref<4096xi32, #tpu.memory_space<hbm>> -> memref<64xi32, #tpu.memory_space<hbm>>
      tpu.wait_dma2 semaphore(%run_scoped3A : memref<!tpu.dma_semaphore, #tpu.memory_space<semaphore_mem>>) src(%dma_wait3A_45 : memref<64xi32, #tpu.memory_space<hbm>>) dst(%arg5 : memref<64xi32, #tpu.memory_space<vmem>>)
      tpu.yield
    }) : () -> ()
    %jit3A_20 = arith.constant 2048 : i32
    %eq3A_21 = arith.constant 0 : i32
    %eq3A_22 = arith.cmpi eq, %jit3A_20, %eq3A_21 : i32
    %jit3A_23 = arith.constant 1 : i32
    %select_n3A_24 = arith.select %eq3A_22, %jit3A_23, %jit3A_20 : i32
    %rem3A_25 = arith.remsi %add3A_19, %select_n3A_24 : i32
    %ne3A_26 = arith.constant 0 : i32
    %ne3A_27 = arith.cmpi ne, %rem3A_25, %ne3A_26 : i32
    %lt3A_28 = arith.constant 0 : i32
    %lt3A_29 = arith.cmpi slt, %rem3A_25, %lt3A_28 : i32
    %lt3A_30 = arith.constant 0 : i32
    %lt3A_31 = arith.cmpi slt, %select_n3A_24, %lt3A_30 : i32
    %ne3A_32 = arith.xori %lt3A_29, %lt3A_31 : i1
    %and3A_33 = arith.andi %ne3A_32, %ne3A_27 : i1
    %add3A_34 = arith.addi %rem3A_25, %select_n3A_24 : i32
    %select_n3A_35 = arith.select %and3A_33, %add3A_34, %rem3A_25 : i32
    "tpu.region"() ({
      %run_scoped3A = tpu.sem_alloc : memref<!tpu.dma_semaphore, #tpu.memory_space<semaphore_mem>>
      %dma_start3A_42 = arith.constant 0 : i32
      %dma_start3A_43 = tpu.memref_slice %arg2[%select_n3A_35, %dma_start3A_42] : memref<2048x1024xf32, #tpu.memory_space<hbm>> -> memref<64x1024xf32, #tpu.memory_space<hbm>>
      %dma_start3A_44 = arith.constant 0 : i32
      %dma_start3A_45 = tpu.memref_slice %arg2[%select_n3A_35, %dma_start3A_44] : memref<2048x1024xf32, #tpu.memory_space<hbm>> -> memref<64x1024xf32, #tpu.memory_space<hbm>>
      tpu.enqueue_dma source(%dma_start3A_45 : memref<64x1024xf32, #tpu.memory_space<hbm>>) target(%arg6 : memref<64x1024xf32, #tpu.memory_space<vmem>>) target_semaphore(%run_scoped3A : memref<!tpu.dma_semaphore, #tpu.memory_space<semaphore_mem>>)
      %dma_wait3A_46 = arith.constant 0 : i32
      %dma_wait3A_47 = tpu.memref_slice %arg2[%select_n3A_35, %dma_wait3A_46] : memref<2048x1024xf32, #tpu.memory_space<hbm>> -> memref<64x1024xf32, #tpu.memory_space<hbm>>
      %dma_wait3A_48 = arith.constant 0 : i32
      %dma_wait3A_49 = tpu.memref_slice %arg2[%select_n3A_35, %dma_wait3A_48] : memref<2048x1024xf32, #tpu.memory_space<hbm>> -> memref<64x1024xf32, #tpu.memory_space<hbm>>
      tpu.wait_dma2 semaphore(%run_scoped3A : memref<!tpu.dma_semaphore, #tpu.memory_space<semaphore_mem>>) src(%dma_wait3A_49 : memref<64x1024xf32, #tpu.memory_space<hbm>>) dst(%arg6 : memref<64x1024xf32, #tpu.memory_space<vmem>>)
      tpu.yield
    }) : () -> ()
    %dma_start3A_36 = arith.constant 0 : i32
    %dma_start3A_37 = arith.constant 0 : i32
    %dma_start3A_38 = tpu.memref_slice %arg4[%dma_start3A_36, %dma_start3A_37] : memref<6144x1024xf32, #tpu.memory_space<hbm>> -> memref<6144x1024xf32, #tpu.memory_space<hbm>>
    tpu.enqueue_indirect_dma source(%arg6 : memref<64x1024xf32, #tpu.memory_space<vmem>>) target(%dma_start3A_38 : memref<6144x1024xf32, #tpu.memory_space<hbm>>) offsets(%arg5 : memref<64xi32, #tpu.memory_space<vmem>>) semaphore(%arg7 : memref<!tpu.dma_semaphore, #tpu.memory_space<semaphore_mem>>)
    %dma_wait3A_39 = arith.constant 0 : i32
    %dma_wait3A_40 = arith.constant 0 : i32
    %dma_wait3A_41 = tpu.memref_slice %arg4[%dma_wait3A_39, %dma_wait3A_40] : memref<6144x1024xf32, #tpu.memory_space<hbm>> -> memref<6144x1024xf32, #tpu.memory_space<hbm>>
    tpu.wait_indirect_dma semaphore(%arg7 : memref<!tpu.dma_semaphore, #tpu.memory_space<semaphore_mem>>) src(%arg6 : memref<64x1024xf32, #tpu.memory_space<vmem>>) dst(%dma_wait3A_41 : memref<6144x1024xf32, #tpu.memory_space<hbm>>)
    return
  }
}

#map = affine_map<(d0, d1) -> (0, 0)>
#map1 = affine_map<(d0, d1) -> (0)>
module attributes {stable_mosaic.version = 14 : i64} {
  func.func @_combine_body(%arg0: i32, %arg1: i32, %arg2: memref<6144x1024xf32, #tpu.memory_space<hbm>>, %arg3: memref<2048xi32, #tpu.memory_space<hbm>>, %arg4: memref<2048xi32, #tpu.memory_space<hbm>>, %arg5: memref<2048xf32, #tpu.memory_space<hbm>>, %arg6: memref<2048xf32, #tpu.memory_space<hbm>>, %arg7: memref<2048x1024xf32, #tpu.memory_space<hbm>>, %arg8: memref<32xi32, #tpu.memory_space<vmem>>, %arg9: memref<32xi32, #tpu.memory_space<vmem>>, %arg10: memref<32xf32, #tpu.memory_space<vmem>>, %arg11: memref<32xf32, #tpu.memory_space<vmem>>, %arg12: memref<32x1024xf32, #tpu.memory_space<vmem>>, %arg13: memref<32x1024xf32, #tpu.memory_space<vmem>>, %arg14: memref<!tpu.dma_semaphore, #tpu.memory_space<semaphore_mem>>) attributes {dimension_semantics = [#tpu.dimension_semantics<core_parallel>, #tpu.dimension_semantics<subcore_parallel>], iteration_bounds = array<i64: 2, 16>, scalar_prefetch = 0 : i64, scratch_operands = 7 : i64, tpu.core_type = #tpu.core_type<sc_vector_subcore>, window_params = [{transform_indices = #map}, {transform_indices = #map1}, {transform_indices = #map1}, {transform_indices = #map1}, {transform_indices = #map1}, {transform_indices = #map}]} {
    %mul3A = arith.constant 2 : i32
    %mul3A_0 = arith.muli %arg1, %mul3A : i32
    %add3A = arith.addi %mul3A_0, %arg0 : i32
    %mul3A_1 = arith.constant 64 : i32
    %mul3A_2 = arith.muli %add3A, %mul3A_1 : i32
    %add3A_3 = arith.constant 0 : i32
    %add3A_4 = arith.addi %mul3A_2, %add3A_3 : i32
    "tpu.region"() ({
      %run_scoped3A = tpu.sem_alloc : memref<!tpu.dma_semaphore, #tpu.memory_space<semaphore_mem>>
      %dma_start3A_689 = tpu.memref_slice %arg3[%add3A_4] : memref<2048xi32, #tpu.memory_space<hbm>> -> memref<32xi32, #tpu.memory_space<hbm>>
      %dma_start3A_690 = tpu.memref_slice %arg3[%add3A_4] : memref<2048xi32, #tpu.memory_space<hbm>> -> memref<32xi32, #tpu.memory_space<hbm>>
      tpu.enqueue_dma source(%dma_start3A_690 : memref<32xi32, #tpu.memory_space<hbm>>) target(%arg8 : memref<32xi32, #tpu.memory_space<vmem>>) target_semaphore(%run_scoped3A : memref<!tpu.dma_semaphore, #tpu.memory_space<semaphore_mem>>)
      %dma_wait3A_691 = tpu.memref_slice %arg3[%add3A_4] : memref<2048xi32, #tpu.memory_space<hbm>> -> memref<32xi32, #tpu.memory_space<hbm>>
      %dma_wait3A_692 = tpu.memref_slice %arg3[%add3A_4] : memref<2048xi32, #tpu.memory_space<hbm>> -> memref<32xi32, #tpu.memory_space<hbm>>
      tpu.wait_dma2 semaphore(%run_scoped3A : memref<!tpu.dma_semaphore, #tpu.memory_space<semaphore_mem>>) src(%dma_wait3A_692 : memref<32xi32, #tpu.memory_space<hbm>>) dst(%arg8 : memref<32xi32, #tpu.memory_space<vmem>>)
      tpu.yield
    }) : () -> ()
    "tpu.region"() ({
      %run_scoped3A = tpu.sem_alloc : memref<!tpu.dma_semaphore, #tpu.memory_space<semaphore_mem>>
      %dma_start3A_689 = tpu.memref_slice %arg4[%add3A_4] : memref<2048xi32, #tpu.memory_space<hbm>> -> memref<32xi32, #tpu.memory_space<hbm>>
      %dma_start3A_690 = tpu.memref_slice %arg4[%add3A_4] : memref<2048xi32, #tpu.memory_space<hbm>> -> memref<32xi32, #tpu.memory_space<hbm>>
      tpu.enqueue_dma source(%dma_start3A_690 : memref<32xi32, #tpu.memory_space<hbm>>) target(%arg9 : memref<32xi32, #tpu.memory_space<vmem>>) target_semaphore(%run_scoped3A : memref<!tpu.dma_semaphore, #tpu.memory_space<semaphore_mem>>)
      %dma_wait3A_691 = tpu.memref_slice %arg4[%add3A_4] : memref<2048xi32, #tpu.memory_space<hbm>> -> memref<32xi32, #tpu.memory_space<hbm>>
      %dma_wait3A_692 = tpu.memref_slice %arg4[%add3A_4] : memref<2048xi32, #tpu.memory_space<hbm>> -> memref<32xi32, #tpu.memory_space<hbm>>
      tpu.wait_dma2 semaphore(%run_scoped3A : memref<!tpu.dma_semaphore, #tpu.memory_space<semaphore_mem>>) src(%dma_wait3A_692 : memref<32xi32, #tpu.memory_space<hbm>>) dst(%arg9 : memref<32xi32, #tpu.memory_space<vmem>>)
      tpu.yield
    }) : () -> ()
    "tpu.region"() ({
      %run_scoped3A = tpu.sem_alloc : memref<!tpu.dma_semaphore, #tpu.memory_space<semaphore_mem>>
      %dma_start3A_689 = tpu.memref_slice %arg5[%add3A_4] : memref<2048xf32, #tpu.memory_space<hbm>> -> memref<32xf32, #tpu.memory_space<hbm>>
      %dma_start3A_690 = tpu.memref_slice %arg5[%add3A_4] : memref<2048xf32, #tpu.memory_space<hbm>> -> memref<32xf32, #tpu.memory_space<hbm>>
      tpu.enqueue_dma source(%dma_start3A_690 : memref<32xf32, #tpu.memory_space<hbm>>) target(%arg10 : memref<32xf32, #tpu.memory_space<vmem>>) target_semaphore(%run_scoped3A : memref<!tpu.dma_semaphore, #tpu.memory_space<semaphore_mem>>)
      %dma_wait3A_691 = tpu.memref_slice %arg5[%add3A_4] : memref<2048xf32, #tpu.memory_space<hbm>> -> memref<32xf32, #tpu.memory_space<hbm>>
      %dma_wait3A_692 = tpu.memref_slice %arg5[%add3A_4] : memref<2048xf32, #tpu.memory_space<hbm>> -> memref<32xf32, #tpu.memory_space<hbm>>
      tpu.wait_dma2 semaphore(%run_scoped3A : memref<!tpu.dma_semaphore, #tpu.memory_space<semaphore_mem>>) src(%dma_wait3A_692 : memref<32xf32, #tpu.memory_space<hbm>>) dst(%arg10 : memref<32xf32, #tpu.memory_space<vmem>>)
      tpu.yield
    }) : () -> ()
    "tpu.region"() ({
      %run_scoped3A = tpu.sem_alloc : memref<!tpu.dma_semaphore, #tpu.memory_space<semaphore_mem>>
      %dma_start3A_689 = tpu.memref_slice %arg6[%add3A_4] : memref<2048xf32, #tpu.memory_space<hbm>> -> memref<32xf32, #tpu.memory_space<hbm>>
      %dma_start3A_690 = tpu.memref_slice %arg6[%add3A_4] : memref<2048xf32, #tpu.memory_space<hbm>> -> memref<32xf32, #tpu.memory_space<hbm>>
      tpu.enqueue_dma source(%dma_start3A_690 : memref<32xf32, #tpu.memory_space<hbm>>) target(%arg11 : memref<32xf32, #tpu.memory_space<vmem>>) target_semaphore(%run_scoped3A : memref<!tpu.dma_semaphore, #tpu.memory_space<semaphore_mem>>)
      %dma_wait3A_691 = tpu.memref_slice %arg6[%add3A_4] : memref<2048xf32, #tpu.memory_space<hbm>> -> memref<32xf32, #tpu.memory_space<hbm>>
      %dma_wait3A_692 = tpu.memref_slice %arg6[%add3A_4] : memref<2048xf32, #tpu.memory_space<hbm>> -> memref<32xf32, #tpu.memory_space<hbm>>
      tpu.wait_dma2 semaphore(%run_scoped3A : memref<!tpu.dma_semaphore, #tpu.memory_space<semaphore_mem>>) src(%dma_wait3A_692 : memref<32xf32, #tpu.memory_space<hbm>>) dst(%arg11 : memref<32xf32, #tpu.memory_space<vmem>>)
      tpu.yield
    }) : () -> ()
    %dma_start3A = arith.constant 0 : i32
    %dma_start3A_5 = arith.constant 0 : i32
    %dma_start3A_6 = tpu.memref_slice %arg2[%dma_start3A, %dma_start3A_5] : memref<6144x1024xf32, #tpu.memory_space<hbm>> -> memref<6144x1024xf32, #tpu.memory_space<hbm>>
    tpu.enqueue_indirect_dma source(%dma_start3A_6 : memref<6144x1024xf32, #tpu.memory_space<hbm>>) target(%arg12 : memref<32x1024xf32, #tpu.memory_space<vmem>>) offsets(%arg8 : memref<32xi32, #tpu.memory_space<vmem>>) semaphore(%arg14 : memref<!tpu.dma_semaphore, #tpu.memory_space<semaphore_mem>>)
    %dma_wait3A = arith.constant 0 : i32
    %dma_wait3A_7 = arith.constant 0 : i32
    %dma_wait3A_8 = tpu.memref_slice %arg2[%dma_wait3A, %dma_wait3A_7] : memref<6144x1024xf32, #tpu.memory_space<hbm>> -> memref<6144x1024xf32, #tpu.memory_space<hbm>>
    tpu.wait_indirect_dma semaphore(%arg14 : memref<!tpu.dma_semaphore, #tpu.memory_space<semaphore_mem>>) src(%dma_wait3A_8 : memref<6144x1024xf32, #tpu.memory_space<hbm>>) dst(%arg12 : memref<32x1024xf32, #tpu.memory_space<vmem>>)
    %dma_start3A_9 = arith.constant 0 : i32
    %dma_start3A_10 = arith.constant 0 : i32
    %dma_start3A_11 = tpu.memref_slice %arg2[%dma_start3A_9, %dma_start3A_10] : memref<6144x1024xf32, #tpu.memory_space<hbm>> -> memref<6144x1024xf32, #tpu.memory_space<hbm>>
    tpu.enqueue_indirect_dma source(%dma_start3A_11 : memref<6144x1024xf32, #tpu.memory_space<hbm>>) target(%arg13 : memref<32x1024xf32, #tpu.memory_space<vmem>>) offsets(%arg9 : memref<32xi32, #tpu.memory_space<vmem>>) semaphore(%arg14 : memref<!tpu.dma_semaphore, #tpu.memory_space<semaphore_mem>>)
    %dma_wait3A_12 = arith.constant 0 : i32
    %dma_wait3A_13 = arith.constant 0 : i32
    %dma_wait3A_14 = tpu.memref_slice %arg2[%dma_wait3A_12, %dma_wait3A_13] : memref<6144x1024xf32, #tpu.memory_space<hbm>> -> memref<6144x1024xf32, #tpu.memory_space<hbm>>
    tpu.wait_indirect_dma semaphore(%arg14 : memref<!tpu.dma_semaphore, #tpu.memory_space<semaphore_mem>>) src(%dma_wait3A_14 : memref<6144x1024xf32, #tpu.memory_space<hbm>>) dst(%arg13 : memref<32x1024xf32, #tpu.memory_space<vmem>>)
    %get3A = arith.constant 0 : index
    %get3A_15 = tpu.vector_load %arg10[%get3A] {strides = array<i32>} : memref<32xf32, #tpu.memory_space<vmem>>, vector<16xf32>,
    %get3A_16 = vector.shape_cast %get3A_15 : vector<16xf32> to vector<16xf32>
    %get3A_17 = arith.constant 0 : index
    %get3A_18 = tpu.vector_load %arg11[%get3A_17] {strides = array<i32>} : memref<32xf32, #tpu.memory_space<vmem>>, vector<16xf32>,
    %get3A_19 = vector.shape_cast %get3A_18 : vector<16xf32> to vector<16xf32>
    %slice3A = vector.extract_strided_slice %get3A_16 {offsets = [0], sizes = [1], strides = [1]} : vector<16xf32> to vector<1xf32>
    %squeeze3A = vector.extract %slice3A[0] : f32 from vector<1xf32>
    %slice3A_20 = vector.extract_strided_slice %get3A_19 {offsets = [0], sizes = [1], strides = [1]} : vector<16xf32> to vector<1xf32>
    %squeeze3A_21 = vector.extract %slice3A_20[0] : f32 from vector<1xf32>
    %scan3A = arith.constant 0 : i32
    %scan3A_22 = arith.constant 0 : i32
    %scan3A_23 = arith.constant 64 : i32
    %scan3A_24 = arith.addi %scan3A_22, %scan3A_23 : i32
    %scan3A_25 = arith.constant 1 : i32
    scf.for %scan3A_689 = %scan3A_22 to %scan3A_24 step %scan3A_25  : i32 {
      %mul3A_690 = arith.constant 16 : i32
      %mul3A_691 = arith.muli %scan3A_689, %mul3A_690 : i32
      %get3A_692 = arith.constant 0 : i32
      %get3A_693 = arith.index_cast %get3A_692 : i32 to index
      %get3A_694 = arith.index_cast %mul3A_691 : i32 to index
      %get3A_695 = tpu.vector_load %arg12[%get3A_693, %get3A_694] {strides = array<i32>} : memref<32x1024xf32, #tpu.memory_space<vmem>>, vector<1x16xf32>,
      %get3A_696 = vector.shape_cast %get3A_695 : vector<1x16xf32> to vector<16xf32>
      %mul3A_697 = vector.broadcast %squeeze3A : f32 to vector<16xf32>
      %mul3A_698 = arith.mulf %mul3A_697, %get3A_696 : vector<16xf32>
      %get3A_699 = arith.constant 0 : i32
      %get3A_700 = arith.index_cast %get3A_699 : i32 to index
      %get3A_701 = arith.index_cast %mul3A_691 : i32 to index
      %get3A_702 = tpu.vector_load %arg13[%get3A_700, %get3A_701] {strides = array<i32>} : memref<32x1024xf32, #tpu.memory_space<vmem>>, vector<1x16xf32>,
      %get3A_703 = vector.shape_cast %get3A_702 : vector<1x16xf32> to vector<16xf32>
      %mul3A_704 = vector.broadcast %squeeze3A_21 : f32 to vector<16xf32>
      %mul3A_705 = arith.mulf %mul3A_704, %get3A_703 : vector<16xf32>
      %add3A_706 = arith.addf %mul3A_698, %mul3A_705 : vector<16xf32>
      %swap3A = arith.constant 0 : i32
      %swap3A_707 = arith.index_cast %swap3A : i32 to index
      %swap3A_708 = arith.index_cast %mul3A_691 : i32 to index
      %swap3A_709 = tpu.vector_load %arg12[%swap3A_707, %swap3A_708] {strides = array<i32>} : memref<32x1024xf32, #tpu.memory_space<vmem>>, vector<1x16xf32>,
      %swap3A_710 = vector.shape_cast %swap3A_709 : vector<1x16xf32> to vector<16xf32>
      %swap3A_711 = vector.shape_cast %add3A_706 : vector<16xf32> to vector<1x16xf32>
      tpu.vector_store %arg12[%swap3A_707, %swap3A_708], %swap3A_711 {strides = array<i32>} : memref<32x1024xf32, #tpu.memory_space<vmem>>, vector<1x16xf32>,
    }
    %scan3A_26 = arith.constant 64 : i32
    %slice3A_27 = vector.extract_strided_slice %get3A_16 {offsets = [1], sizes = [1], strides = [1]} : vector<16xf32> to vector<1xf32>
    %squeeze3A_28 = vector.extract %slice3A_27[0] : f32 from vector<1xf32>
    %slice3A_29 = vector.extract_strided_slice %get3A_19 {offsets = [1], sizes = [1], strides = [1]} : vector<16xf32> to vector<1xf32>
    %squeeze3A_30 = vector.extract %slice3A_29[0] : f32 from vector<1xf32>
    %scan3A_31 = arith.constant 0 : i32
    %scan3A_32 = arith.constant 0 : i32
    %scan3A_33 = arith.constant 64 : i32
    %scan3A_34 = arith.addi %scan3A_32, %scan3A_33 : i32
    %scan3A_35 = arith.constant 1 : i32
    scf.for %scan3A_689 = %scan3A_32 to %scan3A_34 step %scan3A_35  : i32 {
      %mul3A_690 = arith.constant 16 : i32
      %mul3A_691 = arith.muli %scan3A_689, %mul3A_690 : i32
      %get3A_692 = arith.constant 1 : i32
      %get3A_693 = arith.index_cast %get3A_692 : i32 to index
      %get3A_694 = arith.index_cast %mul3A_691 : i32 to index
      %get3A_695 = tpu.vector_load %arg12[%get3A_693, %get3A_694] {strides = array<i32>} : memref<32x1024xf32, #tpu.memory_space<vmem>>, vector<1x16xf32>,
      %get3A_696 = vector.shape_cast %get3A_695 : vector<1x16xf32> to vector<16xf32>
      %mul3A_697 = vector.broadcast %squeeze3A_28 : f32 to vector<16xf32>
      %mul3A_698 = arith.mulf %mul3A_697, %get3A_696 : vector<16xf32>
      %get3A_699 = arith.constant 1 : i32
      %get3A_700 = arith.index_cast %get3A_699 : i32 to index
      %get3A_701 = arith.index_cast %mul3A_691 : i32 to index
      %get3A_702 = tpu.vector_load %arg13[%get3A_700, %get3A_701] {strides = array<i32>} : memref<32x1024xf32, #tpu.memory_space<vmem>>, vector<1x16xf32>,
      %get3A_703 = vector.shape_cast %get3A_702 : vector<1x16xf32> to vector<16xf32>
      %mul3A_704 = vector.broadcast %squeeze3A_30 : f32 to vector<16xf32>
      %mul3A_705 = arith.mulf %mul3A_704, %get3A_703 : vector<16xf32>
      %add3A_706 = arith.addf %mul3A_698, %mul3A_705 : vector<16xf32>
      %swap3A = arith.constant 1 : i32
      %swap3A_707 = arith.index_cast %swap3A : i32 to index
      %swap3A_708 = arith.index_cast %mul3A_691 : i32 to index
      %swap3A_709 = tpu.vector_load %arg12[%swap3A_707, %swap3A_708] {strides = array<i32>} : memref<32x1024xf32, #tpu.memory_space<vmem>>, vector<1x16xf32>,
      %swap3A_710 = vector.shape_cast %swap3A_709 : vector<1x16xf32> to vector<16xf32>
      %swap3A_711 = vector.shape_cast %add3A_706 : vector<16xf32> to vector<1x16xf32>
      tpu.vector_store %arg12[%swap3A_707, %swap3A_708], %swap3A_711 {strides = array<i32>} : memref<32x1024xf32, #tpu.memory_space<vmem>>, vector<1x16xf32>,
    }
    %scan3A_36 = arith.constant 64 : i32
    %slice3A_37 = vector.extract_strided_slice %get3A_16 {offsets = [2], sizes = [1], strides = [1]} : vector<16xf32> to vector<1xf32>
    %squeeze3A_38 = vector.extract %slice3A_37[0] : f32 from vector<1xf32>
    %slice3A_39 = vector.extract_strided_slice %get3A_19 {offsets = [2], sizes = [1], strides = [1]} : vector<16xf32> to vector<1xf32>
    %squeeze3A_40 = vector.extract %slice3A_39[0] : f32 from vector<1xf32>
    %scan3A_41 = arith.constant 0 : i32
    %scan3A_42 = arith.constant 0 : i32
    %scan3A_43 = arith.constant 64 : i32
    %scan3A_44 = arith.addi %scan3A_42, %scan3A_43 : i32
    %scan3A_45 = arith.constant 1 : i32
    scf.for %scan3A_689 = %scan3A_42 to %scan3A_44 step %scan3A_45  : i32 {
      %mul3A_690 = arith.constant 16 : i32
      %mul3A_691 = arith.muli %scan3A_689, %mul3A_690 : i32
      %get3A_692 = arith.constant 2 : i32
      %get3A_693 = arith.index_cast %get3A_692 : i32 to index
      %get3A_694 = arith.index_cast %mul3A_691 : i32 to index
      %get3A_695 = tpu.vector_load %arg12[%get3A_693, %get3A_694] {strides = array<i32>} : memref<32x1024xf32, #tpu.memory_space<vmem>>, vector<1x16xf32>,
      %get3A_696 = vector.shape_cast %get3A_695 : vector<1x16xf32> to vector<16xf32>
      %mul3A_697 = vector.broadcast %squeeze3A_38 : f32 to vector<16xf32>
      %mul3A_698 = arith.mulf %mul3A_697, %get3A_696 : vector<16xf32>
      %get3A_699 = arith.constant 2 : i32
      %get3A_700 = arith.index_cast %get3A_699 : i32 to index
      %get3A_701 = arith.index_cast %mul3A_691 : i32 to index
      %get3A_702 = tpu.vector_load %arg13[%get3A_700, %get3A_701] {strides = array<i32>} : memref<32x1024xf32, #tpu.memory_space<vmem>>, vector<1x16xf32>,
      %get3A_703 = vector.shape_cast %get3A_702 : vector<1x16xf32> to vector<16xf32>
      %mul3A_704 = vector.broadcast %squeeze3A_40 : f32 to vector<16xf32>
      %mul3A_705 = arith.mulf %mul3A_704, %get3A_703 : vector<16xf32>
      %add3A_706 = arith.addf %mul3A_698, %mul3A_705 : vector<16xf32>
      %swap3A = arith.constant 2 : i32
      %swap3A_707 = arith.index_cast %swap3A : i32 to index
      %swap3A_708 = arith.index_cast %mul3A_691 : i32 to index
      %swap3A_709 = tpu.vector_load %arg12[%swap3A_707, %swap3A_708] {strides = array<i32>} : memref<32x1024xf32, #tpu.memory_space<vmem>>, vector<1x16xf32>,
      %swap3A_710 = vector.shape_cast %swap3A_709 : vector<1x16xf32> to vector<16xf32>
      %swap3A_711 = vector.shape_cast %add3A_706 : vector<16xf32> to vector<1x16xf32>
      tpu.vector_store %arg12[%swap3A_707, %swap3A_708], %swap3A_711 {strides = array<i32>} : memref<32x1024xf32, #tpu.memory_space<vmem>>, vector<1x16xf32>,
    }
    %scan3A_46 = arith.constant 64 : i32
    %slice3A_47 = vector.extract_strided_slice %get3A_16 {offsets = [3], sizes = [1], strides = [1]} : vector<16xf32> to vector<1xf32>
    %squeeze3A_48 = vector.extract %slice3A_47[0] : f32 from vector<1xf32>
    %slice3A_49 = vector.extract_strided_slice %get3A_19 {offsets = [3], sizes = [1], strides = [1]} : vector<16xf32> to vector<1xf32>
    %squeeze3A_50 = vector.extract %slice3A_49[0] : f32 from vector<1xf32>
    %scan3A_51 = arith.constant 0 : i32
    %scan3A_52 = arith.constant 0 : i32
    %scan3A_53 = arith.constant 64 : i32
    %scan3A_54 = arith.addi %scan3A_52, %scan3A_53 : i32
    %scan3A_55 = arith.constant 1 : i32
    scf.for %scan3A_689 = %scan3A_52 to %scan3A_54 step %scan3A_55  : i32 {
      %mul3A_690 = arith.constant 16 : i32
      %mul3A_691 = arith.muli %scan3A_689, %mul3A_690 : i32
      %get3A_692 = arith.constant 3 : i32
      %get3A_693 = arith.index_cast %get3A_692 : i32 to index
      %get3A_694 = arith.index_cast %mul3A_691 : i32 to index
      %get3A_695 = tpu.vector_load %arg12[%get3A_693, %get3A_694] {strides = array<i32>} : memref<32x1024xf32, #tpu.memory_space<vmem>>, vector<1x16xf32>,
      %get3A_696 = vector.shape_cast %get3A_695 : vector<1x16xf32> to vector<16xf32>
      %mul3A_697 = vector.broadcast %squeeze3A_48 : f32 to vector<16xf32>
      %mul3A_698 = arith.mulf %mul3A_697, %get3A_696 : vector<16xf32>
      %get3A_699 = arith.constant 3 : i32
      %get3A_700 = arith.index_cast %get3A_699 : i32 to index
      %get3A_701 = arith.index_cast %mul3A_691 : i32 to index
      %get3A_702 = tpu.vector_load %arg13[%get3A_700, %get3A_701] {strides = array<i32>} : memref<32x1024xf32, #tpu.memory_space<vmem>>, vector<1x16xf32>,
      %get3A_703 = vector.shape_cast %get3A_702 : vector<1x16xf32> to vector<16xf32>
      %mul3A_704 = vector.broadcast %squeeze3A_50 : f32 to vector<16xf32>
      %mul3A_705 = arith.mulf %mul3A_704, %get3A_703 : vector<16xf32>
      %add3A_706 = arith.addf %mul3A_698, %mul3A_705 : vector<16xf32>
      %swap3A = arith.constant 3 : i32
      %swap3A_707 = arith.index_cast %swap3A : i32 to index
      %swap3A_708 = arith.index_cast %mul3A_691 : i32 to index
      %swap3A_709 = tpu.vector_load %arg12[%swap3A_707, %swap3A_708] {strides = array<i32>} : memref<32x1024xf32, #tpu.memory_space<vmem>>, vector<1x16xf32>,
      %swap3A_710 = vector.shape_cast %swap3A_709 : vector<1x16xf32> to vector<16xf32>
      %swap3A_711 = vector.shape_cast %add3A_706 : vector<16xf32> to vector<1x16xf32>
      tpu.vector_store %arg12[%swap3A_707, %swap3A_708], %swap3A_711 {strides = array<i32>} : memref<32x1024xf32, #tpu.memory_space<vmem>>, vector<1x16xf32>,
    }
    %scan3A_56 = arith.constant 64 : i32
    %slice3A_57 = vector.extract_strided_slice %get3A_16 {offsets = [4], sizes = [1], strides = [1]} : vector<16xf32> to vector<1xf32>
    %squeeze3A_58 = vector.extract %slice3A_57[0] : f32 from vector<1xf32>
    %slice3A_59 = vector.extract_strided_slice %get3A_19 {offsets = [4], sizes = [1], strides = [1]} : vector<16xf32> to vector<1xf32>
    %squeeze3A_60 = vector.extract %slice3A_59[0] : f32 from vector<1xf32>
    %scan3A_61 = arith.constant 0 : i32
    %scan3A_62 = arith.constant 0 : i32
    %scan3A_63 = arith.constant 64 : i32
    %scan3A_64 = arith.addi %scan3A_62, %scan3A_63 : i32
    %scan3A_65 = arith.constant 1 : i32
    scf.for %scan3A_689 = %scan3A_62 to %scan3A_64 step %scan3A_65  : i32 {
      %mul3A_690 = arith.constant 16 : i32
      %mul3A_691 = arith.muli %scan3A_689, %mul3A_690 : i32
      %get3A_692 = arith.constant 4 : i32
      %get3A_693 = arith.index_cast %get3A_692 : i32 to index
      %get3A_694 = arith.index_cast %mul3A_691 : i32 to index
      %get3A_695 = tpu.vector_load %arg12[%get3A_693, %get3A_694] {strides = array<i32>} : memref<32x1024xf32, #tpu.memory_space<vmem>>, vector<1x16xf32>,
      %get3A_696 = vector.shape_cast %get3A_695 : vector<1x16xf32> to vector<16xf32>
      %mul3A_697 = vector.broadcast %squeeze3A_58 : f32 to vector<16xf32>
      %mul3A_698 = arith.mulf %mul3A_697, %get3A_696 : vector<16xf32>
      %get3A_699 = arith.constant 4 : i32
      %get3A_700 = arith.index_cast %get3A_699 : i32 to index
      %get3A_701 = arith.index_cast %mul3A_691 : i32 to index
      %get3A_702 = tpu.vector_load %arg13[%get3A_700, %get3A_701] {strides = array<i32>} : memref<32x1024xf32, #tpu.memory_space<vmem>>, vector<1x16xf32>,
      %get3A_703 = vector.shape_cast %get3A_702 : vector<1x16xf32> to vector<16xf32>
      %mul3A_704 = vector.broadcast %squeeze3A_60 : f32 to vector<16xf32>
      %mul3A_705 = arith.mulf %mul3A_704, %get3A_703 : vector<16xf32>
      %add3A_706 = arith.addf %mul3A_698, %mul3A_705 : vector<16xf32>
      %swap3A = arith.constant 4 : i32
      %swap3A_707 = arith.index_cast %swap3A : i32 to index
      %swap3A_708 = arith.index_cast %mul3A_691 : i32 to index
      %swap3A_709 = tpu.vector_load %arg12[%swap3A_707, %swap3A_708] {strides = array<i32>} : memref<32x1024xf32, #tpu.memory_space<vmem>>, vector<1x16xf32>,
      %swap3A_710 = vector.shape_cast %swap3A_709 : vector<1x16xf32> to vector<16xf32>
      %swap3A_711 = vector.shape_cast %add3A_706 : vector<16xf32> to vector<1x16xf32>
      tpu.vector_store %arg12[%swap3A_707, %swap3A_708], %swap3A_711 {strides = array<i32>} : memref<32x1024xf32, #tpu.memory_space<vmem>>, vector<1x16xf32>,
    }
    %scan3A_66 = arith.constant 64 : i32
    %slice3A_67 = vector.extract_strided_slice %get3A_16 {offsets = [5], sizes = [1], strides = [1]} : vector<16xf32> to vector<1xf32>
    %squeeze3A_68 = vector.extract %slice3A_67[0] : f32 from vector<1xf32>
    %slice3A_69 = vector.extract_strided_slice %get3A_19 {offsets = [5], sizes = [1], strides = [1]} : vector<16xf32> to vector<1xf32>
    %squeeze3A_70 = vector.extract %slice3A_69[0] : f32 from vector<1xf32>
    %scan3A_71 = arith.constant 0 : i32
    %scan3A_72 = arith.constant 0 : i32
    %scan3A_73 = arith.constant 64 : i32
    %scan3A_74 = arith.addi %scan3A_72, %scan3A_73 : i32
    %scan3A_75 = arith.constant 1 : i32
    scf.for %scan3A_689 = %scan3A_72 to %scan3A_74 step %scan3A_75  : i32 {
      %mul3A_690 = arith.constant 16 : i32
      %mul3A_691 = arith.muli %scan3A_689, %mul3A_690 : i32
      %get3A_692 = arith.constant 5 : i32
      %get3A_693 = arith.index_cast %get3A_692 : i32 to index
      %get3A_694 = arith.index_cast %mul3A_691 : i32 to index
      %get3A_695 = tpu.vector_load %arg12[%get3A_693, %get3A_694] {strides = array<i32>} : memref<32x1024xf32, #tpu.memory_space<vmem>>, vector<1x16xf32>,
      %get3A_696 = vector.shape_cast %get3A_695 : vector<1x16xf32> to vector<16xf32>
      %mul3A_697 = vector.broadcast %squeeze3A_68 : f32 to vector<16xf32>
      %mul3A_698 = arith.mulf %mul3A_697, %get3A_696 : vector<16xf32>
      %get3A_699 = arith.constant 5 : i32
      %get3A_700 = arith.index_cast %get3A_699 : i32 to index
      %get3A_701 = arith.index_cast %mul3A_691 : i32 to index
      %get3A_702 = tpu.vector_load %arg13[%get3A_700, %get3A_701] {strides = array<i32>} : memref<32x1024xf32, #tpu.memory_space<vmem>>, vector<1x16xf32>,
      %get3A_703 = vector.shape_cast %get3A_702 : vector<1x16xf32> to vector<16xf32>
      %mul3A_704 = vector.broadcast %squeeze3A_70 : f32 to vector<16xf32>
      %mul3A_705 = arith.mulf %mul3A_704, %get3A_703 : vector<16xf32>
      %add3A_706 = arith.addf %mul3A_698, %mul3A_705 : vector<16xf32>
      %swap3A = arith.constant 5 : i32
      %swap3A_707 = arith.index_cast %swap3A : i32 to index
      %swap3A_708 = arith.index_cast %mul3A_691 : i32 to index
      %swap3A_709 = tpu.vector_load %arg12[%swap3A_707, %swap3A_708] {strides = array<i32>} : memref<32x1024xf32, #tpu.memory_space<vmem>>, vector<1x16xf32>,
      %swap3A_710 = vector.shape_cast %swap3A_709 : vector<1x16xf32> to vector<16xf32>
      %swap3A_711 = vector.shape_cast %add3A_706 : vector<16xf32> to vector<1x16xf32>
      tpu.vector_store %arg12[%swap3A_707, %swap3A_708], %swap3A_711 {strides = array<i32>} : memref<32x1024xf32, #tpu.memory_space<vmem>>, vector<1x16xf32>,
    }
    %scan3A_76 = arith.constant 64 : i32
    %slice3A_77 = vector.extract_strided_slice %get3A_16 {offsets = [6], sizes = [1], strides = [1]} : vector<16xf32> to vector<1xf32>
    %squeeze3A_78 = vector.extract %slice3A_77[0] : f32 from vector<1xf32>
    %slice3A_79 = vector.extract_strided_slice %get3A_19 {offsets = [6], sizes = [1], strides = [1]} : vector<16xf32> to vector<1xf32>
    %squeeze3A_80 = vector.extract %slice3A_79[0] : f32 from vector<1xf32>
    %scan3A_81 = arith.constant 0 : i32
    %scan3A_82 = arith.constant 0 : i32
    %scan3A_83 = arith.constant 64 : i32
    %scan3A_84 = arith.addi %scan3A_82, %scan3A_83 : i32
    %scan3A_85 = arith.constant 1 : i32
    scf.for %scan3A_689 = %scan3A_82 to %scan3A_84 step %scan3A_85  : i32 {
      %mul3A_690 = arith.constant 16 : i32
      %mul3A_691 = arith.muli %scan3A_689, %mul3A_690 : i32
      %get3A_692 = arith.constant 6 : i32
      %get3A_693 = arith.index_cast %get3A_692 : i32 to index
      %get3A_694 = arith.index_cast %mul3A_691 : i32 to index
      %get3A_695 = tpu.vector_load %arg12[%get3A_693, %get3A_694] {strides = array<i32>} : memref<32x1024xf32, #tpu.memory_space<vmem>>, vector<1x16xf32>,
      %get3A_696 = vector.shape_cast %get3A_695 : vector<1x16xf32> to vector<16xf32>
      %mul3A_697 = vector.broadcast %squeeze3A_78 : f32 to vector<16xf32>
      %mul3A_698 = arith.mulf %mul3A_697, %get3A_696 : vector<16xf32>
      %get3A_699 = arith.constant 6 : i32
      %get3A_700 = arith.index_cast %get3A_699 : i32 to index
      %get3A_701 = arith.index_cast %mul3A_691 : i32 to index
      %get3A_702 = tpu.vector_load %arg13[%get3A_700, %get3A_701] {strides = array<i32>} : memref<32x1024xf32, #tpu.memory_space<vmem>>, vector<1x16xf32>,
      %get3A_703 = vector.shape_cast %get3A_702 : vector<1x16xf32> to vector<16xf32>
      %mul3A_704 = vector.broadcast %squeeze3A_80 : f32 to vector<16xf32>
      %mul3A_705 = arith.mulf %mul3A_704, %get3A_703 : vector<16xf32>
      %add3A_706 = arith.addf %mul3A_698, %mul3A_705 : vector<16xf32>
      %swap3A = arith.constant 6 : i32
      %swap3A_707 = arith.index_cast %swap3A : i32 to index
      %swap3A_708 = arith.index_cast %mul3A_691 : i32 to index
      %swap3A_709 = tpu.vector_load %arg12[%swap3A_707, %swap3A_708] {strides = array<i32>} : memref<32x1024xf32, #tpu.memory_space<vmem>>, vector<1x16xf32>,
      %swap3A_710 = vector.shape_cast %swap3A_709 : vector<1x16xf32> to vector<16xf32>
      %swap3A_711 = vector.shape_cast %add3A_706 : vector<16xf32> to vector<1x16xf32>
      tpu.vector_store %arg12[%swap3A_707, %swap3A_708], %swap3A_711 {strides = array<i32>} : memref<32x1024xf32, #tpu.memory_space<vmem>>, vector<1x16xf32>,
    }
    %scan3A_86 = arith.constant 64 : i32
    %slice3A_87 = vector.extract_strided_slice %get3A_16 {offsets = [7], sizes = [1], strides = [1]} : vector<16xf32> to vector<1xf32>
    %squeeze3A_88 = vector.extract %slice3A_87[0] : f32 from vector<1xf32>
    %slice3A_89 = vector.extract_strided_slice %get3A_19 {offsets = [7], sizes = [1], strides = [1]} : vector<16xf32> to vector<1xf32>
    %squeeze3A_90 = vector.extract %slice3A_89[0] : f32 from vector<1xf32>
    %scan3A_91 = arith.constant 0 : i32
    %scan3A_92 = arith.constant 0 : i32
    %scan3A_93 = arith.constant 64 : i32
    %scan3A_94 = arith.addi %scan3A_92, %scan3A_93 : i32
    %scan3A_95 = arith.constant 1 : i32
    scf.for %scan3A_689 = %scan3A_92 to %scan3A_94 step %scan3A_95  : i32 {
      %mul3A_690 = arith.constant 16 : i32
      %mul3A_691 = arith.muli %scan3A_689, %mul3A_690 : i32
      %get3A_692 = arith.constant 7 : i32
      %get3A_693 = arith.index_cast %get3A_692 : i32 to index
      %get3A_694 = arith.index_cast %mul3A_691 : i32 to index
      %get3A_695 = tpu.vector_load %arg12[%get3A_693, %get3A_694] {strides = array<i32>} : memref<32x1024xf32, #tpu.memory_space<vmem>>, vector<1x16xf32>,
      %get3A_696 = vector.shape_cast %get3A_695 : vector<1x16xf32> to vector<16xf32>
      %mul3A_697 = vector.broadcast %squeeze3A_88 : f32 to vector<16xf32>
      %mul3A_698 = arith.mulf %mul3A_697, %get3A_696 : vector<16xf32>
      %get3A_699 = arith.constant 7 : i32
      %get3A_700 = arith.index_cast %get3A_699 : i32 to index
      %get3A_701 = arith.index_cast %mul3A_691 : i32 to index
      %get3A_702 = tpu.vector_load %arg13[%get3A_700, %get3A_701] {strides = array<i32>} : memref<32x1024xf32, #tpu.memory_space<vmem>>, vector<1x16xf32>,
      %get3A_703 = vector.shape_cast %get3A_702 : vector<1x16xf32> to vector<16xf32>
      %mul3A_704 = vector.broadcast %squeeze3A_90 : f32 to vector<16xf32>
      %mul3A_705 = arith.mulf %mul3A_704, %get3A_703 : vector<16xf32>
      %add3A_706 = arith.addf %mul3A_698, %mul3A_705 : vector<16xf32>
      %swap3A = arith.constant 7 : i32
      %swap3A_707 = arith.index_cast %swap3A : i32 to index
      %swap3A_708 = arith.index_cast %mul3A_691 : i32 to index
      %swap3A_709 = tpu.vector_load %arg12[%swap3A_707, %swap3A_708] {strides = array<i32>} : memref<32x1024xf32, #tpu.memory_space<vmem>>, vector<1x16xf32>,
      %swap3A_710 = vector.shape_cast %swap3A_709 : vector<1x16xf32> to vector<16xf32>
      %swap3A_711 = vector.shape_cast %add3A_706 : vector<16xf32> to vector<1x16xf32>
      tpu.vector_store %arg12[%swap3A_707, %swap3A_708], %swap3A_711 {strides = array<i32>} : memref<32x1024xf32, #tpu.memory_space<vmem>>, vector<1x16xf32>,
    }
    %scan3A_96 = arith.constant 64 : i32
    %slice3A_97 = vector.extract_strided_slice %get3A_16 {offsets = [8], sizes = [1], strides = [1]} : vector<16xf32> to vector<1xf32>
    %squeeze3A_98 = vector.extract %slice3A_97[0] : f32 from vector<1xf32>
    %slice3A_99 = vector.extract_strided_slice %get3A_19 {offsets = [8], sizes = [1], strides = [1]} : vector<16xf32> to vector<1xf32>
    %squeeze3A_100 = vector.extract %slice3A_99[0] : f32 from vector<1xf32>
    %scan3A_101 = arith.constant 0 : i32
    %scan3A_102 = arith.constant 0 : i32
    %scan3A_103 = arith.constant 64 : i32
    %scan3A_104 = arith.addi %scan3A_102, %scan3A_103 : i32
    %scan3A_105 = arith.constant 1 : i32
    scf.for %scan3A_689 = %scan3A_102 to %scan3A_104 step %scan3A_105  : i32 {
      %mul3A_690 = arith.constant 16 : i32
      %mul3A_691 = arith.muli %scan3A_689, %mul3A_690 : i32
      %get3A_692 = arith.constant 8 : i32
      %get3A_693 = arith.index_cast %get3A_692 : i32 to index
      %get3A_694 = arith.index_cast %mul3A_691 : i32 to index
      %get3A_695 = tpu.vector_load %arg12[%get3A_693, %get3A_694] {strides = array<i32>} : memref<32x1024xf32, #tpu.memory_space<vmem>>, vector<1x16xf32>,
      %get3A_696 = vector.shape_cast %get3A_695 : vector<1x16xf32> to vector<16xf32>
      %mul3A_697 = vector.broadcast %squeeze3A_98 : f32 to vector<16xf32>
      %mul3A_698 = arith.mulf %mul3A_697, %get3A_696 : vector<16xf32>
      %get3A_699 = arith.constant 8 : i32
      %get3A_700 = arith.index_cast %get3A_699 : i32 to index
      %get3A_701 = arith.index_cast %mul3A_691 : i32 to index
      %get3A_702 = tpu.vector_load %arg13[%get3A_700, %get3A_701] {strides = array<i32>} : memref<32x1024xf32, #tpu.memory_space<vmem>>, vector<1x16xf32>,
      %get3A_703 = vector.shape_cast %get3A_702 : vector<1x16xf32> to vector<16xf32>
      %mul3A_704 = vector.broadcast %squeeze3A_100 : f32 to vector<16xf32>
      %mul3A_705 = arith.mulf %mul3A_704, %get3A_703 : vector<16xf32>
      %add3A_706 = arith.addf %mul3A_698, %mul3A_705 : vector<16xf32>
      %swap3A = arith.constant 8 : i32
      %swap3A_707 = arith.index_cast %swap3A : i32 to index
      %swap3A_708 = arith.index_cast %mul3A_691 : i32 to index
      %swap3A_709 = tpu.vector_load %arg12[%swap3A_707, %swap3A_708] {strides = array<i32>} : memref<32x1024xf32, #tpu.memory_space<vmem>>, vector<1x16xf32>,
      %swap3A_710 = vector.shape_cast %swap3A_709 : vector<1x16xf32> to vector<16xf32>
      %swap3A_711 = vector.shape_cast %add3A_706 : vector<16xf32> to vector<1x16xf32>
      tpu.vector_store %arg12[%swap3A_707, %swap3A_708], %swap3A_711 {strides = array<i32>} : memref<32x1024xf32, #tpu.memory_space<vmem>>, vector<1x16xf32>,
    }
    %scan3A_106 = arith.constant 64 : i32
    %slice3A_107 = vector.extract_strided_slice %get3A_16 {offsets = [9], sizes = [1], strides = [1]} : vector<16xf32> to vector<1xf32>
    %squeeze3A_108 = vector.extract %slice3A_107[0] : f32 from vector<1xf32>
    %slice3A_109 = vector.extract_strided_slice %get3A_19 {offsets = [9], sizes = [1], strides = [1]} : vector<16xf32> to vector<1xf32>
    %squeeze3A_110 = vector.extract %slice3A_109[0] : f32 from vector<1xf32>
    %scan3A_111 = arith.constant 0 : i32
    %scan3A_112 = arith.constant 0 : i32
    %scan3A_113 = arith.constant 64 : i32
    %scan3A_114 = arith.addi %scan3A_112, %scan3A_113 : i32
    %scan3A_115 = arith.constant 1 : i32
    scf.for %scan3A_689 = %scan3A_112 to %scan3A_114 step %scan3A_115  : i32 {
      %mul3A_690 = arith.constant 16 : i32
      %mul3A_691 = arith.muli %scan3A_689, %mul3A_690 : i32
      %get3A_692 = arith.constant 9 : i32
      %get3A_693 = arith.index_cast %get3A_692 : i32 to index
      %get3A_694 = arith.index_cast %mul3A_691 : i32 to index
      %get3A_695 = tpu.vector_load %arg12[%get3A_693, %get3A_694] {strides = array<i32>} : memref<32x1024xf32, #tpu.memory_space<vmem>>, vector<1x16xf32>,
      %get3A_696 = vector.shape_cast %get3A_695 : vector<1x16xf32> to vector<16xf32>
      %mul3A_697 = vector.broadcast %squeeze3A_108 : f32 to vector<16xf32>
      %mul3A_698 = arith.mulf %mul3A_697, %get3A_696 : vector<16xf32>
      %get3A_699 = arith.constant 9 : i32
      %get3A_700 = arith.index_cast %get3A_699 : i32 to index
      %get3A_701 = arith.index_cast %mul3A_691 : i32 to index
      %get3A_702 = tpu.vector_load %arg13[%get3A_700, %get3A_701] {strides = array<i32>} : memref<32x1024xf32, #tpu.memory_space<vmem>>, vector<1x16xf32>,
      %get3A_703 = vector.shape_cast %get3A_702 : vector<1x16xf32> to vector<16xf32>
      %mul3A_704 = vector.broadcast %squeeze3A_110 : f32 to vector<16xf32>
      %mul3A_705 = arith.mulf %mul3A_704, %get3A_703 : vector<16xf32>
      %add3A_706 = arith.addf %mul3A_698, %mul3A_705 : vector<16xf32>
      %swap3A = arith.constant 9 : i32
      %swap3A_707 = arith.index_cast %swap3A : i32 to index
      %swap3A_708 = arith.index_cast %mul3A_691 : i32 to index
      %swap3A_709 = tpu.vector_load %arg12[%swap3A_707, %swap3A_708] {strides = array<i32>} : memref<32x1024xf32, #tpu.memory_space<vmem>>, vector<1x16xf32>,
      %swap3A_710 = vector.shape_cast %swap3A_709 : vector<1x16xf32> to vector<16xf32>
      %swap3A_711 = vector.shape_cast %add3A_706 : vector<16xf32> to vector<1x16xf32>
      tpu.vector_store %arg12[%swap3A_707, %swap3A_708], %swap3A_711 {strides = array<i32>} : memref<32x1024xf32, #tpu.memory_space<vmem>>, vector<1x16xf32>,
    }
    %scan3A_116 = arith.constant 64 : i32
    %slice3A_117 = vector.extract_strided_slice %get3A_16 {offsets = [10], sizes = [1], strides = [1]} : vector<16xf32> to vector<1xf32>
    %squeeze3A_118 = vector.extract %slice3A_117[0] : f32 from vector<1xf32>
    %slice3A_119 = vector.extract_strided_slice %get3A_19 {offsets = [10], sizes = [1], strides = [1]} : vector<16xf32> to vector<1xf32>
    %squeeze3A_120 = vector.extract %slice3A_119[0] : f32 from vector<1xf32>
    %scan3A_121 = arith.constant 0 : i32
    %scan3A_122 = arith.constant 0 : i32
    %scan3A_123 = arith.constant 64 : i32
    %scan3A_124 = arith.addi %scan3A_122, %scan3A_123 : i32
    %scan3A_125 = arith.constant 1 : i32
    scf.for %scan3A_689 = %scan3A_122 to %scan3A_124 step %scan3A_125  : i32 {
      %mul3A_690 = arith.constant 16 : i32
      %mul3A_691 = arith.muli %scan3A_689, %mul3A_690 : i32
      %get3A_692 = arith.constant 10 : i32
      %get3A_693 = arith.index_cast %get3A_692 : i32 to index
      %get3A_694 = arith.index_cast %mul3A_691 : i32 to index
      %get3A_695 = tpu.vector_load %arg12[%get3A_693, %get3A_694] {strides = array<i32>} : memref<32x1024xf32, #tpu.memory_space<vmem>>, vector<1x16xf32>,
      %get3A_696 = vector.shape_cast %get3A_695 : vector<1x16xf32> to vector<16xf32>
      %mul3A_697 = vector.broadcast %squeeze3A_118 : f32 to vector<16xf32>
      %mul3A_698 = arith.mulf %mul3A_697, %get3A_696 : vector<16xf32>
      %get3A_699 = arith.constant 10 : i32
      %get3A_700 = arith.index_cast %get3A_699 : i32 to index
      %get3A_701 = arith.index_cast %mul3A_691 : i32 to index
      %get3A_702 = tpu.vector_load %arg13[%get3A_700, %get3A_701] {strides = array<i32>} : memref<32x1024xf32, #tpu.memory_space<vmem>>, vector<1x16xf32>,
      %get3A_703 = vector.shape_cast %get3A_702 : vector<1x16xf32> to vector<16xf32>
      %mul3A_704 = vector.broadcast %squeeze3A_120 : f32 to vector<16xf32>
      %mul3A_705 = arith.mulf %mul3A_704, %get3A_703 : vector<16xf32>
      %add3A_706 = arith.addf %mul3A_698, %mul3A_705 : vector<16xf32>
      %swap3A = arith.constant 10 : i32
      %swap3A_707 = arith.index_cast %swap3A : i32 to index
      %swap3A_708 = arith.index_cast %mul3A_691 : i32 to index
      %swap3A_709 = tpu.vector_load %arg12[%swap3A_707, %swap3A_708] {strides = array<i32>} : memref<32x1024xf32, #tpu.memory_space<vmem>>, vector<1x16xf32>,
      %swap3A_710 = vector.shape_cast %swap3A_709 : vector<1x16xf32> to vector<16xf32>
      %swap3A_711 = vector.shape_cast %add3A_706 : vector<16xf32> to vector<1x16xf32>
      tpu.vector_store %arg12[%swap3A_707, %swap3A_708], %swap3A_711 {strides = array<i32>} : memref<32x1024xf32, #tpu.memory_space<vmem>>, vector<1x16xf32>,
    }
    %scan3A_126 = arith.constant 64 : i32
    %slice3A_127 = vector.extract_strided_slice %get3A_16 {offsets = [11], sizes = [1], strides = [1]} : vector<16xf32> to vector<1xf32>
    %squeeze3A_128 = vector.extract %slice3A_127[0] : f32 from vector<1xf32>
    %slice3A_129 = vector.extract_strided_slice %get3A_19 {offsets = [11], sizes = [1], strides = [1]} : vector<16xf32> to vector<1xf32>
    %squeeze3A_130 = vector.extract %slice3A_129[0] : f32 from vector<1xf32>
    %scan3A_131 = arith.constant 0 : i32
    %scan3A_132 = arith.constant 0 : i32
    %scan3A_133 = arith.constant 64 : i32
    %scan3A_134 = arith.addi %scan3A_132, %scan3A_133 : i32
    %scan3A_135 = arith.constant 1 : i32
    scf.for %scan3A_689 = %scan3A_132 to %scan3A_134 step %scan3A_135  : i32 {
      %mul3A_690 = arith.constant 16 : i32
      %mul3A_691 = arith.muli %scan3A_689, %mul3A_690 : i32
      %get3A_692 = arith.constant 11 : i32
      %get3A_693 = arith.index_cast %get3A_692 : i32 to index
      %get3A_694 = arith.index_cast %mul3A_691 : i32 to index
      %get3A_695 = tpu.vector_load %arg12[%get3A_693, %get3A_694] {strides = array<i32>} : memref<32x1024xf32, #tpu.memory_space<vmem>>, vector<1x16xf32>,
      %get3A_696 = vector.shape_cast %get3A_695 : vector<1x16xf32> to vector<16xf32>
      %mul3A_697 = vector.broadcast %squeeze3A_128 : f32 to vector<16xf32>
      %mul3A_698 = arith.mulf %mul3A_697, %get3A_696 : vector<16xf32>
      %get3A_699 = arith.constant 11 : i32
      %get3A_700 = arith.index_cast %get3A_699 : i32 to index
      %get3A_701 = arith.index_cast %mul3A_691 : i32 to index
      %get3A_702 = tpu.vector_load %arg13[%get3A_700, %get3A_701] {strides = array<i32>} : memref<32x1024xf32, #tpu.memory_space<vmem>>, vector<1x16xf32>,
      %get3A_703 = vector.shape_cast %get3A_702 : vector<1x16xf32> to vector<16xf32>
      %mul3A_704 = vector.broadcast %squeeze3A_130 : f32 to vector<16xf32>
      %mul3A_705 = arith.mulf %mul3A_704, %get3A_703 : vector<16xf32>
      %add3A_706 = arith.addf %mul3A_698, %mul3A_705 : vector<16xf32>
      %swap3A = arith.constant 11 : i32
      %swap3A_707 = arith.index_cast %swap3A : i32 to index
      %swap3A_708 = arith.index_cast %mul3A_691 : i32 to index
      %swap3A_709 = tpu.vector_load %arg12[%swap3A_707, %swap3A_708] {strides = array<i32>} : memref<32x1024xf32, #tpu.memory_space<vmem>>, vector<1x16xf32>,
      %swap3A_710 = vector.shape_cast %swap3A_709 : vector<1x16xf32> to vector<16xf32>
      %swap3A_711 = vector.shape_cast %add3A_706 : vector<16xf32> to vector<1x16xf32>
      tpu.vector_store %arg12[%swap3A_707, %swap3A_708], %swap3A_711 {strides = array<i32>} : memref<32x1024xf32, #tpu.memory_space<vmem>>, vector<1x16xf32>,
    }
    %scan3A_136 = arith.constant 64 : i32
    %slice3A_137 = vector.extract_strided_slice %get3A_16 {offsets = [12], sizes = [1], strides = [1]} : vector<16xf32> to vector<1xf32>
    %squeeze3A_138 = vector.extract %slice3A_137[0] : f32 from vector<1xf32>
    %slice3A_139 = vector.extract_strided_slice %get3A_19 {offsets = [12], sizes = [1], strides = [1]} : vector<16xf32> to vector<1xf32>
    %squeeze3A_140 = vector.extract %slice3A_139[0] : f32 from vector<1xf32>
    %scan3A_141 = arith.constant 0 : i32
    %scan3A_142 = arith.constant 0 : i32
    %scan3A_143 = arith.constant 64 : i32
    %scan3A_144 = arith.addi %scan3A_142, %scan3A_143 : i32
    %scan3A_145 = arith.constant 1 : i32
    scf.for %scan3A_689 = %scan3A_142 to %scan3A_144 step %scan3A_145  : i32 {
      %mul3A_690 = arith.constant 16 : i32
      %mul3A_691 = arith.muli %scan3A_689, %mul3A_690 : i32
      %get3A_692 = arith.constant 12 : i32
      %get3A_693 = arith.index_cast %get3A_692 : i32 to index
      %get3A_694 = arith.index_cast %mul3A_691 : i32 to index
      %get3A_695 = tpu.vector_load %arg12[%get3A_693, %get3A_694] {strides = array<i32>} : memref<32x1024xf32, #tpu.memory_space<vmem>>, vector<1x16xf32>,
      %get3A_696 = vector.shape_cast %get3A_695 : vector<1x16xf32> to vector<16xf32>
      %mul3A_697 = vector.broadcast %squeeze3A_138 : f32 to vector<16xf32>
      %mul3A_698 = arith.mulf %mul3A_697, %get3A_696 : vector<16xf32>
      %get3A_699 = arith.constant 12 : i32
      %get3A_700 = arith.index_cast %get3A_699 : i32 to index
      %get3A_701 = arith.index_cast %mul3A_691 : i32 to index
      %get3A_702 = tpu.vector_load %arg13[%get3A_700, %get3A_701] {strides = array<i32>} : memref<32x1024xf32, #tpu.memory_space<vmem>>, vector<1x16xf32>,
      %get3A_703 = vector.shape_cast %get3A_702 : vector<1x16xf32> to vector<16xf32>
      %mul3A_704 = vector.broadcast %squeeze3A_140 : f32 to vector<16xf32>
      %mul3A_705 = arith.mulf %mul3A_704, %get3A_703 : vector<16xf32>
      %add3A_706 = arith.addf %mul3A_698, %mul3A_705 : vector<16xf32>
      %swap3A = arith.constant 12 : i32
      %swap3A_707 = arith.index_cast %swap3A : i32 to index
      %swap3A_708 = arith.index_cast %mul3A_691 : i32 to index
      %swap3A_709 = tpu.vector_load %arg12[%swap3A_707, %swap3A_708] {strides = array<i32>} : memref<32x1024xf32, #tpu.memory_space<vmem>>, vector<1x16xf32>,
      %swap3A_710 = vector.shape_cast %swap3A_709 : vector<1x16xf32> to vector<16xf32>
      %swap3A_711 = vector.shape_cast %add3A_706 : vector<16xf32> to vector<1x16xf32>
      tpu.vector_store %arg12[%swap3A_707, %swap3A_708], %swap3A_711 {strides = array<i32>} : memref<32x1024xf32, #tpu.memory_space<vmem>>, vector<1x16xf32>,
    }
    %scan3A_146 = arith.constant 64 : i32
    %slice3A_147 = vector.extract_strided_slice %get3A_16 {offsets = [13], sizes = [1], strides = [1]} : vector<16xf32> to vector<1xf32>
    %squeeze3A_148 = vector.extract %slice3A_147[0] : f32 from vector<1xf32>
    %slice3A_149 = vector.extract_strided_slice %get3A_19 {offsets = [13], sizes = [1], strides = [1]} : vector<16xf32> to vector<1xf32>
    %squeeze3A_150 = vector.extract %slice3A_149[0] : f32 from vector<1xf32>
    %scan3A_151 = arith.constant 0 : i32
    %scan3A_152 = arith.constant 0 : i32
    %scan3A_153 = arith.constant 64 : i32
    %scan3A_154 = arith.addi %scan3A_152, %scan3A_153 : i32
    %scan3A_155 = arith.constant 1 : i32
    scf.for %scan3A_689 = %scan3A_152 to %scan3A_154 step %scan3A_155  : i32 {
      %mul3A_690 = arith.constant 16 : i32
      %mul3A_691 = arith.muli %scan3A_689, %mul3A_690 : i32
      %get3A_692 = arith.constant 13 : i32
      %get3A_693 = arith.index_cast %get3A_692 : i32 to index
      %get3A_694 = arith.index_cast %mul3A_691 : i32 to index
      %get3A_695 = tpu.vector_load %arg12[%get3A_693, %get3A_694] {strides = array<i32>} : memref<32x1024xf32, #tpu.memory_space<vmem>>, vector<1x16xf32>,
      %get3A_696 = vector.shape_cast %get3A_695 : vector<1x16xf32> to vector<16xf32>
      %mul3A_697 = vector.broadcast %squeeze3A_148 : f32 to vector<16xf32>
      %mul3A_698 = arith.mulf %mul3A_697, %get3A_696 : vector<16xf32>
      %get3A_699 = arith.constant 13 : i32
      %get3A_700 = arith.index_cast %get3A_699 : i32 to index
      %get3A_701 = arith.index_cast %mul3A_691 : i32 to index
      %get3A_702 = tpu.vector_load %arg13[%get3A_700, %get3A_701] {strides = array<i32>} : memref<32x1024xf32, #tpu.memory_space<vmem>>, vector<1x16xf32>,
      %get3A_703 = vector.shape_cast %get3A_702 : vector<1x16xf32> to vector<16xf32>
      %mul3A_704 = vector.broadcast %squeeze3A_150 : f32 to vector<16xf32>
      %mul3A_705 = arith.mulf %mul3A_704, %get3A_703 : vector<16xf32>
      %add3A_706 = arith.addf %mul3A_698, %mul3A_705 : vector<16xf32>
      %swap3A = arith.constant 13 : i32
      %swap3A_707 = arith.index_cast %swap3A : i32 to index
      %swap3A_708 = arith.index_cast %mul3A_691 : i32 to index
      %swap3A_709 = tpu.vector_load %arg12[%swap3A_707, %swap3A_708] {strides = array<i32>} : memref<32x1024xf32, #tpu.memory_space<vmem>>, vector<1x16xf32>,
      %swap3A_710 = vector.shape_cast %swap3A_709 : vector<1x16xf32> to vector<16xf32>
      %swap3A_711 = vector.shape_cast %add3A_706 : vector<16xf32> to vector<1x16xf32>
      tpu.vector_store %arg12[%swap3A_707, %swap3A_708], %swap3A_711 {strides = array<i32>} : memref<32x1024xf32, #tpu.memory_space<vmem>>, vector<1x16xf32>,
    }
    %scan3A_156 = arith.constant 64 : i32
    %slice3A_157 = vector.extract_strided_slice %get3A_16 {offsets = [14], sizes = [1], strides = [1]} : vector<16xf32> to vector<1xf32>
    %squeeze3A_158 = vector.extract %slice3A_157[0] : f32 from vector<1xf32>
    %slice3A_159 = vector.extract_strided_slice %get3A_19 {offsets = [14], sizes = [1], strides = [1]} : vector<16xf32> to vector<1xf32>
    %squeeze3A_160 = vector.extract %slice3A_159[0] : f32 from vector<1xf32>
    %scan3A_161 = arith.constant 0 : i32
    %scan3A_162 = arith.constant 0 : i32
    %scan3A_163 = arith.constant 64 : i32
    %scan3A_164 = arith.addi %scan3A_162, %scan3A_163 : i32
    %scan3A_165 = arith.constant 1 : i32
    scf.for %scan3A_689 = %scan3A_162 to %scan3A_164 step %scan3A_165  : i32 {
      %mul3A_690 = arith.constant 16 : i32
      %mul3A_691 = arith.muli %scan3A_689, %mul3A_690 : i32
      %get3A_692 = arith.constant 14 : i32
      %get3A_693 = arith.index_cast %get3A_692 : i32 to index
      %get3A_694 = arith.index_cast %mul3A_691 : i32 to index
      %get3A_695 = tpu.vector_load %arg12[%get3A_693, %get3A_694] {strides = array<i32>} : memref<32x1024xf32, #tpu.memory_space<vmem>>, vector<1x16xf32>,
      %get3A_696 = vector.shape_cast %get3A_695 : vector<1x16xf32> to vector<16xf32>
      %mul3A_697 = vector.broadcast %squeeze3A_158 : f32 to vector<16xf32>
      %mul3A_698 = arith.mulf %mul3A_697, %get3A_696 : vector<16xf32>
      %get3A_699 = arith.constant 14 : i32
      %get3A_700 = arith.index_cast %get3A_699 : i32 to index
      %get3A_701 = arith.index_cast %mul3A_691 : i32 to index
      %get3A_702 = tpu.vector_load %arg13[%get3A_700, %get3A_701] {strides = array<i32>} : memref<32x1024xf32, #tpu.memory_space<vmem>>, vector<1x16xf32>,
      %get3A_703 = vector.shape_cast %get3A_702 : vector<1x16xf32> to vector<16xf32>
      %mul3A_704 = vector.broadcast %squeeze3A_160 : f32 to vector<16xf32>
      %mul3A_705 = arith.mulf %mul3A_704, %get3A_703 : vector<16xf32>
      %add3A_706 = arith.addf %mul3A_698, %mul3A_705 : vector<16xf32>
      %swap3A = arith.constant 14 : i32
      %swap3A_707 = arith.index_cast %swap3A : i32 to index
      %swap3A_708 = arith.index_cast %mul3A_691 : i32 to index
      %swap3A_709 = tpu.vector_load %arg12[%swap3A_707, %swap3A_708] {strides = array<i32>} : memref<32x1024xf32, #tpu.memory_space<vmem>>, vector<1x16xf32>,
      %swap3A_710 = vector.shape_cast %swap3A_709 : vector<1x16xf32> to vector<16xf32>
      %swap3A_711 = vector.shape_cast %add3A_706 : vector<16xf32> to vector<1x16xf32>
      tpu.vector_store %arg12[%swap3A_707, %swap3A_708], %swap3A_711 {strides = array<i32>} : memref<32x1024xf32, #tpu.memory_space<vmem>>, vector<1x16xf32>,
    }
    %scan3A_166 = arith.constant 64 : i32
    %slice3A_167 = vector.extract_strided_slice %get3A_16 {offsets = [15], sizes = [1], strides = [1]} : vector<16xf32> to vector<1xf32>
    %squeeze3A_168 = vector.extract %slice3A_167[0] : f32 from vector<1xf32>
    %slice3A_169 = vector.extract_strided_slice %get3A_19 {offsets = [15], sizes = [1], strides = [1]} : vector<16xf32> to vector<1xf32>
    %squeeze3A_170 = vector.extract %slice3A_169[0] : f32 from vector<1xf32>
    %scan3A_171 = arith.constant 0 : i32
    %scan3A_172 = arith.constant 0 : i32
    %scan3A_173 = arith.constant 64 : i32
    %scan3A_174 = arith.addi %scan3A_172, %scan3A_173 : i32
    %scan3A_175 = arith.constant 1 : i32
    scf.for %scan3A_689 = %scan3A_172 to %scan3A_174 step %scan3A_175  : i32 {
      %mul3A_690 = arith.constant 16 : i32
      %mul3A_691 = arith.muli %scan3A_689, %mul3A_690 : i32
      %get3A_692 = arith.constant 15 : i32
      %get3A_693 = arith.index_cast %get3A_692 : i32 to index
      %get3A_694 = arith.index_cast %mul3A_691 : i32 to index
      %get3A_695 = tpu.vector_load %arg12[%get3A_693, %get3A_694] {strides = array<i32>} : memref<32x1024xf32, #tpu.memory_space<vmem>>, vector<1x16xf32>,
      %get3A_696 = vector.shape_cast %get3A_695 : vector<1x16xf32> to vector<16xf32>
      %mul3A_697 = vector.broadcast %squeeze3A_168 : f32 to vector<16xf32>
      %mul3A_698 = arith.mulf %mul3A_697, %get3A_696 : vector<16xf32>
      %get3A_699 = arith.constant 15 : i32
      %get3A_700 = arith.index_cast %get3A_699 : i32 to index
      %get3A_701 = arith.index_cast %mul3A_691 : i32 to index
      %get3A_702 = tpu.vector_load %arg13[%get3A_700, %get3A_701] {strides = array<i32>} : memref<32x1024xf32, #tpu.memory_space<vmem>>, vector<1x16xf32>,
      %get3A_703 = vector.shape_cast %get3A_702 : vector<1x16xf32> to vector<16xf32>
      %mul3A_704 = vector.broadcast %squeeze3A_170 : f32 to vector<16xf32>
      %mul3A_705 = arith.mulf %mul3A_704, %get3A_703 : vector<16xf32>
      %add3A_706 = arith.addf %mul3A_698, %mul3A_705 : vector<16xf32>
      %swap3A = arith.constant 15 : i32
      %swap3A_707 = arith.index_cast %swap3A : i32 to index
      %swap3A_708 = arith.index_cast %mul3A_691 : i32 to index
      %swap3A_709 = tpu.vector_load %arg12[%swap3A_707, %swap3A_708] {strides = array<i32>} : memref<32x1024xf32, #tpu.memory_space<vmem>>, vector<1x16xf32>,
      %swap3A_710 = vector.shape_cast %swap3A_709 : vector<1x16xf32> to vector<16xf32>
      %swap3A_711 = vector.shape_cast %add3A_706 : vector<16xf32> to vector<1x16xf32>
      tpu.vector_store %arg12[%swap3A_707, %swap3A_708], %swap3A_711 {strides = array<i32>} : memref<32x1024xf32, #tpu.memory_space<vmem>>, vector<1x16xf32>,
    }
    %scan3A_176 = arith.constant 64 : i32
    %get3A_177 = arith.constant 16 : index
    %get3A_178 = tpu.vector_load %arg10[%get3A_177] {strides = array<i32>} : memref<32xf32, #tpu.memory_space<vmem>>, vector<16xf32>,
    %get3A_179 = vector.shape_cast %get3A_178 : vector<16xf32> to vector<16xf32>
    %get3A_180 = arith.constant 16 : index
    %get3A_181 = tpu.vector_load %arg11[%get3A_180] {strides = array<i32>} : memref<32xf32, #tpu.memory_space<vmem>>, vector<16xf32>,
    %get3A_182 = vector.shape_cast %get3A_181 : vector<16xf32> to vector<16xf32>
    %slice3A_183 = vector.extract_strided_slice %get3A_179 {offsets = [0], sizes = [1], strides = [1]} : vector<16xf32> to vector<1xf32>
    %squeeze3A_184 = vector.extract %slice3A_183[0] : f32 from vector<1xf32>
    %slice3A_185 = vector.extract_strided_slice %get3A_182 {offsets = [0], sizes = [1], strides = [1]} : vector<16xf32> to vector<1xf32>
    %squeeze3A_186 = vector.extract %slice3A_185[0] : f32 from vector<1xf32>
    %scan3A_187 = arith.constant 0 : i32
    %scan3A_188 = arith.constant 0 : i32
    %scan3A_189 = arith.constant 64 : i32
    %scan3A_190 = arith.addi %scan3A_188, %scan3A_189 : i32
    %scan3A_191 = arith.constant 1 : i32
    scf.for %scan3A_689 = %scan3A_188 to %scan3A_190 step %scan3A_191  : i32 {
      %mul3A_690 = arith.constant 16 : i32
      %mul3A_691 = arith.muli %scan3A_689, %mul3A_690 : i32
      %get3A_692 = arith.constant 16 : i32
      %get3A_693 = arith.index_cast %get3A_692 : i32 to index
      %get3A_694 = arith.index_cast %mul3A_691 : i32 to index
      %get3A_695 = tpu.vector_load %arg12[%get3A_693, %get3A_694] {strides = array<i32>} : memref<32x1024xf32, #tpu.memory_space<vmem>>, vector<1x16xf32>,
      %get3A_696 = vector.shape_cast %get3A_695 : vector<1x16xf32> to vector<16xf32>
      %mul3A_697 = vector.broadcast %squeeze3A_184 : f32 to vector<16xf32>
      %mul3A_698 = arith.mulf %mul3A_697, %get3A_696 : vector<16xf32>
      %get3A_699 = arith.constant 16 : i32
      %get3A_700 = arith.index_cast %get3A_699 : i32 to index
      %get3A_701 = arith.index_cast %mul3A_691 : i32 to index
      %get3A_702 = tpu.vector_load %arg13[%get3A_700, %get3A_701] {strides = array<i32>} : memref<32x1024xf32, #tpu.memory_space<vmem>>, vector<1x16xf32>,
      %get3A_703 = vector.shape_cast %get3A_702 : vector<1x16xf32> to vector<16xf32>
      %mul3A_704 = vector.broadcast %squeeze3A_186 : f32 to vector<16xf32>
      %mul3A_705 = arith.mulf %mul3A_704, %get3A_703 : vector<16xf32>
      %add3A_706 = arith.addf %mul3A_698, %mul3A_705 : vector<16xf32>
      %swap3A = arith.constant 16 : i32
      %swap3A_707 = arith.index_cast %swap3A : i32 to index
      %swap3A_708 = arith.index_cast %mul3A_691 : i32 to index
      %swap3A_709 = tpu.vector_load %arg12[%swap3A_707, %swap3A_708] {strides = array<i32>} : memref<32x1024xf32, #tpu.memory_space<vmem>>, vector<1x16xf32>,
      %swap3A_710 = vector.shape_cast %swap3A_709 : vector<1x16xf32> to vector<16xf32>
      %swap3A_711 = vector.shape_cast %add3A_706 : vector<16xf32> to vector<1x16xf32>
      tpu.vector_store %arg12[%swap3A_707, %swap3A_708], %swap3A_711 {strides = array<i32>} : memref<32x1024xf32, #tpu.memory_space<vmem>>, vector<1x16xf32>,
    }
    %scan3A_192 = arith.constant 64 : i32
    %slice3A_193 = vector.extract_strided_slice %get3A_179 {offsets = [1], sizes = [1], strides = [1]} : vector<16xf32> to vector<1xf32>
    %squeeze3A_194 = vector.extract %slice3A_193[0] : f32 from vector<1xf32>
    %slice3A_195 = vector.extract_strided_slice %get3A_182 {offsets = [1], sizes = [1], strides = [1]} : vector<16xf32> to vector<1xf32>
    %squeeze3A_196 = vector.extract %slice3A_195[0] : f32 from vector<1xf32>
    %scan3A_197 = arith.constant 0 : i32
    %scan3A_198 = arith.constant 0 : i32
    %scan3A_199 = arith.constant 64 : i32
    %scan3A_200 = arith.addi %scan3A_198, %scan3A_199 : i32
    %scan3A_201 = arith.constant 1 : i32
    scf.for %scan3A_689 = %scan3A_198 to %scan3A_200 step %scan3A_201  : i32 {
      %mul3A_690 = arith.constant 16 : i32
      %mul3A_691 = arith.muli %scan3A_689, %mul3A_690 : i32
      %get3A_692 = arith.constant 17 : i32
      %get3A_693 = arith.index_cast %get3A_692 : i32 to index
      %get3A_694 = arith.index_cast %mul3A_691 : i32 to index
      %get3A_695 = tpu.vector_load %arg12[%get3A_693, %get3A_694] {strides = array<i32>} : memref<32x1024xf32, #tpu.memory_space<vmem>>, vector<1x16xf32>,
      %get3A_696 = vector.shape_cast %get3A_695 : vector<1x16xf32> to vector<16xf32>
      %mul3A_697 = vector.broadcast %squeeze3A_194 : f32 to vector<16xf32>
      %mul3A_698 = arith.mulf %mul3A_697, %get3A_696 : vector<16xf32>
      %get3A_699 = arith.constant 17 : i32
      %get3A_700 = arith.index_cast %get3A_699 : i32 to index
      %get3A_701 = arith.index_cast %mul3A_691 : i32 to index
      %get3A_702 = tpu.vector_load %arg13[%get3A_700, %get3A_701] {strides = array<i32>} : memref<32x1024xf32, #tpu.memory_space<vmem>>, vector<1x16xf32>,
      %get3A_703 = vector.shape_cast %get3A_702 : vector<1x16xf32> to vector<16xf32>
      %mul3A_704 = vector.broadcast %squeeze3A_196 : f32 to vector<16xf32>
      %mul3A_705 = arith.mulf %mul3A_704, %get3A_703 : vector<16xf32>
      %add3A_706 = arith.addf %mul3A_698, %mul3A_705 : vector<16xf32>
      %swap3A = arith.constant 17 : i32
      %swap3A_707 = arith.index_cast %swap3A : i32 to index
      %swap3A_708 = arith.index_cast %mul3A_691 : i32 to index
      %swap3A_709 = tpu.vector_load %arg12[%swap3A_707, %swap3A_708] {strides = array<i32>} : memref<32x1024xf32, #tpu.memory_space<vmem>>, vector<1x16xf32>,
      %swap3A_710 = vector.shape_cast %swap3A_709 : vector<1x16xf32> to vector<16xf32>
      %swap3A_711 = vector.shape_cast %add3A_706 : vector<16xf32> to vector<1x16xf32>
      tpu.vector_store %arg12[%swap3A_707, %swap3A_708], %swap3A_711 {strides = array<i32>} : memref<32x1024xf32, #tpu.memory_space<vmem>>, vector<1x16xf32>,
    }
    %scan3A_202 = arith.constant 64 : i32
    %slice3A_203 = vector.extract_strided_slice %get3A_179 {offsets = [2], sizes = [1], strides = [1]} : vector<16xf32> to vector<1xf32>
    %squeeze3A_204 = vector.extract %slice3A_203[0] : f32 from vector<1xf32>
    %slice3A_205 = vector.extract_strided_slice %get3A_182 {offsets = [2], sizes = [1], strides = [1]} : vector<16xf32> to vector<1xf32>
    %squeeze3A_206 = vector.extract %slice3A_205[0] : f32 from vector<1xf32>
    %scan3A_207 = arith.constant 0 : i32
    %scan3A_208 = arith.constant 0 : i32
    %scan3A_209 = arith.constant 64 : i32
    %scan3A_210 = arith.addi %scan3A_208, %scan3A_209 : i32
    %scan3A_211 = arith.constant 1 : i32
    scf.for %scan3A_689 = %scan3A_208 to %scan3A_210 step %scan3A_211  : i32 {
      %mul3A_690 = arith.constant 16 : i32
      %mul3A_691 = arith.muli %scan3A_689, %mul3A_690 : i32
      %get3A_692 = arith.constant 18 : i32
      %get3A_693 = arith.index_cast %get3A_692 : i32 to index
      %get3A_694 = arith.index_cast %mul3A_691 : i32 to index
      %get3A_695 = tpu.vector_load %arg12[%get3A_693, %get3A_694] {strides = array<i32>} : memref<32x1024xf32, #tpu.memory_space<vmem>>, vector<1x16xf32>,
      %get3A_696 = vector.shape_cast %get3A_695 : vector<1x16xf32> to vector<16xf32>
      %mul3A_697 = vector.broadcast %squeeze3A_204 : f32 to vector<16xf32>
      %mul3A_698 = arith.mulf %mul3A_697, %get3A_696 : vector<16xf32>
      %get3A_699 = arith.constant 18 : i32
      %get3A_700 = arith.index_cast %get3A_699 : i32 to index
      %get3A_701 = arith.index_cast %mul3A_691 : i32 to index
      %get3A_702 = tpu.vector_load %arg13[%get3A_700, %get3A_701] {strides = array<i32>} : memref<32x1024xf32, #tpu.memory_space<vmem>>, vector<1x16xf32>,
      %get3A_703 = vector.shape_cast %get3A_702 : vector<1x16xf32> to vector<16xf32>
      %mul3A_704 = vector.broadcast %squeeze3A_206 : f32 to vector<16xf32>
      %mul3A_705 = arith.mulf %mul3A_704, %get3A_703 : vector<16xf32>
      %add3A_706 = arith.addf %mul3A_698, %mul3A_705 : vector<16xf32>
      %swap3A = arith.constant 18 : i32
      %swap3A_707 = arith.index_cast %swap3A : i32 to index
      %swap3A_708 = arith.index_cast %mul3A_691 : i32 to index
      %swap3A_709 = tpu.vector_load %arg12[%swap3A_707, %swap3A_708] {strides = array<i32>} : memref<32x1024xf32, #tpu.memory_space<vmem>>, vector<1x16xf32>,
      %swap3A_710 = vector.shape_cast %swap3A_709 : vector<1x16xf32> to vector<16xf32>
      %swap3A_711 = vector.shape_cast %add3A_706 : vector<16xf32> to vector<1x16xf32>
      tpu.vector_store %arg12[%swap3A_707, %swap3A_708], %swap3A_711 {strides = array<i32>} : memref<32x1024xf32, #tpu.memory_space<vmem>>, vector<1x16xf32>,
    }
    %scan3A_212 = arith.constant 64 : i32
    %slice3A_213 = vector.extract_strided_slice %get3A_179 {offsets = [3], sizes = [1], strides = [1]} : vector<16xf32> to vector<1xf32>
    %squeeze3A_214 = vector.extract %slice3A_213[0] : f32 from vector<1xf32>
    %slice3A_215 = vector.extract_strided_slice %get3A_182 {offsets = [3], sizes = [1], strides = [1]} : vector<16xf32> to vector<1xf32>
    %squeeze3A_216 = vector.extract %slice3A_215[0] : f32 from vector<1xf32>
    %scan3A_217 = arith.constant 0 : i32
    %scan3A_218 = arith.constant 0 : i32
    %scan3A_219 = arith.constant 64 : i32
    %scan3A_220 = arith.addi %scan3A_218, %scan3A_219 : i32
    %scan3A_221 = arith.constant 1 : i32
    scf.for %scan3A_689 = %scan3A_218 to %scan3A_220 step %scan3A_221  : i32 {
      %mul3A_690 = arith.constant 16 : i32
      %mul3A_691 = arith.muli %scan3A_689, %mul3A_690 : i32
      %get3A_692 = arith.constant 19 : i32
      %get3A_693 = arith.index_cast %get3A_692 : i32 to index
      %get3A_694 = arith.index_cast %mul3A_691 : i32 to index
      %get3A_695 = tpu.vector_load %arg12[%get3A_693, %get3A_694] {strides = array<i32>} : memref<32x1024xf32, #tpu.memory_space<vmem>>, vector<1x16xf32>,
      %get3A_696 = vector.shape_cast %get3A_695 : vector<1x16xf32> to vector<16xf32>
      %mul3A_697 = vector.broadcast %squeeze3A_214 : f32 to vector<16xf32>
      %mul3A_698 = arith.mulf %mul3A_697, %get3A_696 : vector<16xf32>
      %get3A_699 = arith.constant 19 : i32
      %get3A_700 = arith.index_cast %get3A_699 : i32 to index
      %get3A_701 = arith.index_cast %mul3A_691 : i32 to index
      %get3A_702 = tpu.vector_load %arg13[%get3A_700, %get3A_701] {strides = array<i32>} : memref<32x1024xf32, #tpu.memory_space<vmem>>, vector<1x16xf32>,
      %get3A_703 = vector.shape_cast %get3A_702 : vector<1x16xf32> to vector<16xf32>
      %mul3A_704 = vector.broadcast %squeeze3A_216 : f32 to vector<16xf32>
      %mul3A_705 = arith.mulf %mul3A_704, %get3A_703 : vector<16xf32>
      %add3A_706 = arith.addf %mul3A_698, %mul3A_705 : vector<16xf32>
      %swap3A = arith.constant 19 : i32
      %swap3A_707 = arith.index_cast %swap3A : i32 to index
      %swap3A_708 = arith.index_cast %mul3A_691 : i32 to index
      %swap3A_709 = tpu.vector_load %arg12[%swap3A_707, %swap3A_708] {strides = array<i32>} : memref<32x1024xf32, #tpu.memory_space<vmem>>, vector<1x16xf32>,
      %swap3A_710 = vector.shape_cast %swap3A_709 : vector<1x16xf32> to vector<16xf32>
      %swap3A_711 = vector.shape_cast %add3A_706 : vector<16xf32> to vector<1x16xf32>
      tpu.vector_store %arg12[%swap3A_707, %swap3A_708], %swap3A_711 {strides = array<i32>} : memref<32x1024xf32, #tpu.memory_space<vmem>>, vector<1x16xf32>,
    }
    %scan3A_222 = arith.constant 64 : i32
    %slice3A_223 = vector.extract_strided_slice %get3A_179 {offsets = [4], sizes = [1], strides = [1]} : vector<16xf32> to vector<1xf32>
    %squeeze3A_224 = vector.extract %slice3A_223[0] : f32 from vector<1xf32>
    %slice3A_225 = vector.extract_strided_slice %get3A_182 {offsets = [4], sizes = [1], strides = [1]} : vector<16xf32> to vector<1xf32>
    %squeeze3A_226 = vector.extract %slice3A_225[0] : f32 from vector<1xf32>
    %scan3A_227 = arith.constant 0 : i32
    %scan3A_228 = arith.constant 0 : i32
    %scan3A_229 = arith.constant 64 : i32
    %scan3A_230 = arith.addi %scan3A_228, %scan3A_229 : i32
    %scan3A_231 = arith.constant 1 : i32
    scf.for %scan3A_689 = %scan3A_228 to %scan3A_230 step %scan3A_231  : i32 {
      %mul3A_690 = arith.constant 16 : i32
      %mul3A_691 = arith.muli %scan3A_689, %mul3A_690 : i32
      %get3A_692 = arith.constant 20 : i32
      %get3A_693 = arith.index_cast %get3A_692 : i32 to index
      %get3A_694 = arith.index_cast %mul3A_691 : i32 to index
      %get3A_695 = tpu.vector_load %arg12[%get3A_693, %get3A_694] {strides = array<i32>} : memref<32x1024xf32, #tpu.memory_space<vmem>>, vector<1x16xf32>,
      %get3A_696 = vector.shape_cast %get3A_695 : vector<1x16xf32> to vector<16xf32>
      %mul3A_697 = vector.broadcast %squeeze3A_224 : f32 to vector<16xf32>
      %mul3A_698 = arith.mulf %mul3A_697, %get3A_696 : vector<16xf32>
      %get3A_699 = arith.constant 20 : i32
      %get3A_700 = arith.index_cast %get3A_699 : i32 to index
      %get3A_701 = arith.index_cast %mul3A_691 : i32 to index
      %get3A_702 = tpu.vector_load %arg13[%get3A_700, %get3A_701] {strides = array<i32>} : memref<32x1024xf32, #tpu.memory_space<vmem>>, vector<1x16xf32>,
      %get3A_703 = vector.shape_cast %get3A_702 : vector<1x16xf32> to vector<16xf32>
      %mul3A_704 = vector.broadcast %squeeze3A_226 : f32 to vector<16xf32>
      %mul3A_705 = arith.mulf %mul3A_704, %get3A_703 : vector<16xf32>
      %add3A_706 = arith.addf %mul3A_698, %mul3A_705 : vector<16xf32>
      %swap3A = arith.constant 20 : i32
      %swap3A_707 = arith.index_cast %swap3A : i32 to index
      %swap3A_708 = arith.index_cast %mul3A_691 : i32 to index
      %swap3A_709 = tpu.vector_load %arg12[%swap3A_707, %swap3A_708] {strides = array<i32>} : memref<32x1024xf32, #tpu.memory_space<vmem>>, vector<1x16xf32>,
      %swap3A_710 = vector.shape_cast %swap3A_709 : vector<1x16xf32> to vector<16xf32>
      %swap3A_711 = vector.shape_cast %add3A_706 : vector<16xf32> to vector<1x16xf32>
      tpu.vector_store %arg12[%swap3A_707, %swap3A_708], %swap3A_711 {strides = array<i32>} : memref<32x1024xf32, #tpu.memory_space<vmem>>, vector<1x16xf32>,
    }
    %scan3A_232 = arith.constant 64 : i32
    %slice3A_233 = vector.extract_strided_slice %get3A_179 {offsets = [5], sizes = [1], strides = [1]} : vector<16xf32> to vector<1xf32>
    %squeeze3A_234 = vector.extract %slice3A_233[0] : f32 from vector<1xf32>
    %slice3A_235 = vector.extract_strided_slice %get3A_182 {offsets = [5], sizes = [1], strides = [1]} : vector<16xf32> to vector<1xf32>
    %squeeze3A_236 = vector.extract %slice3A_235[0] : f32 from vector<1xf32>
    %scan3A_237 = arith.constant 0 : i32
    %scan3A_238 = arith.constant 0 : i32
    %scan3A_239 = arith.constant 64 : i32
    %scan3A_240 = arith.addi %scan3A_238, %scan3A_239 : i32
    %scan3A_241 = arith.constant 1 : i32
    scf.for %scan3A_689 = %scan3A_238 to %scan3A_240 step %scan3A_241  : i32 {
      %mul3A_690 = arith.constant 16 : i32
      %mul3A_691 = arith.muli %scan3A_689, %mul3A_690 : i32
      %get3A_692 = arith.constant 21 : i32
      %get3A_693 = arith.index_cast %get3A_692 : i32 to index
      %get3A_694 = arith.index_cast %mul3A_691 : i32 to index
      %get3A_695 = tpu.vector_load %arg12[%get3A_693, %get3A_694] {strides = array<i32>} : memref<32x1024xf32, #tpu.memory_space<vmem>>, vector<1x16xf32>,
      %get3A_696 = vector.shape_cast %get3A_695 : vector<1x16xf32> to vector<16xf32>
      %mul3A_697 = vector.broadcast %squeeze3A_234 : f32 to vector<16xf32>
      %mul3A_698 = arith.mulf %mul3A_697, %get3A_696 : vector<16xf32>
      %get3A_699 = arith.constant 21 : i32
      %get3A_700 = arith.index_cast %get3A_699 : i32 to index
      %get3A_701 = arith.index_cast %mul3A_691 : i32 to index
      %get3A_702 = tpu.vector_load %arg13[%get3A_700, %get3A_701] {strides = array<i32>} : memref<32x1024xf32, #tpu.memory_space<vmem>>, vector<1x16xf32>,
      %get3A_703 = vector.shape_cast %get3A_702 : vector<1x16xf32> to vector<16xf32>
      %mul3A_704 = vector.broadcast %squeeze3A_236 : f32 to vector<16xf32>
      %mul3A_705 = arith.mulf %mul3A_704, %get3A_703 : vector<16xf32>
      %add3A_706 = arith.addf %mul3A_698, %mul3A_705 : vector<16xf32>
      %swap3A = arith.constant 21 : i32
      %swap3A_707 = arith.index_cast %swap3A : i32 to index
      %swap3A_708 = arith.index_cast %mul3A_691 : i32 to index
      %swap3A_709 = tpu.vector_load %arg12[%swap3A_707, %swap3A_708] {strides = array<i32>} : memref<32x1024xf32, #tpu.memory_space<vmem>>, vector<1x16xf32>,
      %swap3A_710 = vector.shape_cast %swap3A_709 : vector<1x16xf32> to vector<16xf32>
      %swap3A_711 = vector.shape_cast %add3A_706 : vector<16xf32> to vector<1x16xf32>
      tpu.vector_store %arg12[%swap3A_707, %swap3A_708], %swap3A_711 {strides = array<i32>} : memref<32x1024xf32, #tpu.memory_space<vmem>>, vector<1x16xf32>,
    }
    %scan3A_242 = arith.constant 64 : i32
    %slice3A_243 = vector.extract_strided_slice %get3A_179 {offsets = [6], sizes = [1], strides = [1]} : vector<16xf32> to vector<1xf32>
    %squeeze3A_244 = vector.extract %slice3A_243[0] : f32 from vector<1xf32>
    %slice3A_245 = vector.extract_strided_slice %get3A_182 {offsets = [6], sizes = [1], strides = [1]} : vector<16xf32> to vector<1xf32>
    %squeeze3A_246 = vector.extract %slice3A_245[0] : f32 from vector<1xf32>
    %scan3A_247 = arith.constant 0 : i32
    %scan3A_248 = arith.constant 0 : i32
    %scan3A_249 = arith.constant 64 : i32
    %scan3A_250 = arith.addi %scan3A_248, %scan3A_249 : i32
    %scan3A_251 = arith.constant 1 : i32
    scf.for %scan3A_689 = %scan3A_248 to %scan3A_250 step %scan3A_251  : i32 {
      %mul3A_690 = arith.constant 16 : i32
      %mul3A_691 = arith.muli %scan3A_689, %mul3A_690 : i32
      %get3A_692 = arith.constant 22 : i32
      %get3A_693 = arith.index_cast %get3A_692 : i32 to index
      %get3A_694 = arith.index_cast %mul3A_691 : i32 to index
      %get3A_695 = tpu.vector_load %arg12[%get3A_693, %get3A_694] {strides = array<i32>} : memref<32x1024xf32, #tpu.memory_space<vmem>>, vector<1x16xf32>,
      %get3A_696 = vector.shape_cast %get3A_695 : vector<1x16xf32> to vector<16xf32>
      %mul3A_697 = vector.broadcast %squeeze3A_244 : f32 to vector<16xf32>
      %mul3A_698 = arith.mulf %mul3A_697, %get3A_696 : vector<16xf32>
      %get3A_699 = arith.constant 22 : i32
      %get3A_700 = arith.index_cast %get3A_699 : i32 to index
      %get3A_701 = arith.index_cast %mul3A_691 : i32 to index
      %get3A_702 = tpu.vector_load %arg13[%get3A_700, %get3A_701] {strides = array<i32>} : memref<32x1024xf32, #tpu.memory_space<vmem>>, vector<1x16xf32>,
      %get3A_703 = vector.shape_cast %get3A_702 : vector<1x16xf32> to vector<16xf32>
      %mul3A_704 = vector.broadcast %squeeze3A_246 : f32 to vector<16xf32>
      %mul3A_705 = arith.mulf %mul3A_704, %get3A_703 : vector<16xf32>
      %add3A_706 = arith.addf %mul3A_698, %mul3A_705 : vector<16xf32>
      %swap3A = arith.constant 22 : i32
      %swap3A_707 = arith.index_cast %swap3A : i32 to index
      %swap3A_708 = arith.index_cast %mul3A_691 : i32 to index
      %swap3A_709 = tpu.vector_load %arg12[%swap3A_707, %swap3A_708] {strides = array<i32>} : memref<32x1024xf32, #tpu.memory_space<vmem>>, vector<1x16xf32>,
      %swap3A_710 = vector.shape_cast %swap3A_709 : vector<1x16xf32> to vector<16xf32>
      %swap3A_711 = vector.shape_cast %add3A_706 : vector<16xf32> to vector<1x16xf32>
      tpu.vector_store %arg12[%swap3A_707, %swap3A_708], %swap3A_711 {strides = array<i32>} : memref<32x1024xf32, #tpu.memory_space<vmem>>, vector<1x16xf32>,
    }
    %scan3A_252 = arith.constant 64 : i32
    %slice3A_253 = vector.extract_strided_slice %get3A_179 {offsets = [7], sizes = [1], strides = [1]} : vector<16xf32> to vector<1xf32>
    %squeeze3A_254 = vector.extract %slice3A_253[0] : f32 from vector<1xf32>
    %slice3A_255 = vector.extract_strided_slice %get3A_182 {offsets = [7], sizes = [1], strides = [1]} : vector<16xf32> to vector<1xf32>
    %squeeze3A_256 = vector.extract %slice3A_255[0] : f32 from vector<1xf32>
    %scan3A_257 = arith.constant 0 : i32
    %scan3A_258 = arith.constant 0 : i32
    %scan3A_259 = arith.constant 64 : i32
    %scan3A_260 = arith.addi %scan3A_258, %scan3A_259 : i32
    %scan3A_261 = arith.constant 1 : i32
    scf.for %scan3A_689 = %scan3A_258 to %scan3A_260 step %scan3A_261  : i32 {
      %mul3A_690 = arith.constant 16 : i32
      %mul3A_691 = arith.muli %scan3A_689, %mul3A_690 : i32
      %get3A_692 = arith.constant 23 : i32
      %get3A_693 = arith.index_cast %get3A_692 : i32 to index
      %get3A_694 = arith.index_cast %mul3A_691 : i32 to index
      %get3A_695 = tpu.vector_load %arg12[%get3A_693, %get3A_694] {strides = array<i32>} : memref<32x1024xf32, #tpu.memory_space<vmem>>, vector<1x16xf32>,
      %get3A_696 = vector.shape_cast %get3A_695 : vector<1x16xf32> to vector<16xf32>
      %mul3A_697 = vector.broadcast %squeeze3A_254 : f32 to vector<16xf32>
      %mul3A_698 = arith.mulf %mul3A_697, %get3A_696 : vector<16xf32>
      %get3A_699 = arith.constant 23 : i32
      %get3A_700 = arith.index_cast %get3A_699 : i32 to index
      %get3A_701 = arith.index_cast %mul3A_691 : i32 to index
      %get3A_702 = tpu.vector_load %arg13[%get3A_700, %get3A_701] {strides = array<i32>} : memref<32x1024xf32, #tpu.memory_space<vmem>>, vector<1x16xf32>,
      %get3A_703 = vector.shape_cast %get3A_702 : vector<1x16xf32> to vector<16xf32>
      %mul3A_704 = vector.broadcast %squeeze3A_256 : f32 to vector<16xf32>
      %mul3A_705 = arith.mulf %mul3A_704, %get3A_703 : vector<16xf32>
      %add3A_706 = arith.addf %mul3A_698, %mul3A_705 : vector<16xf32>
      %swap3A = arith.constant 23 : i32
      %swap3A_707 = arith.index_cast %swap3A : i32 to index
      %swap3A_708 = arith.index_cast %mul3A_691 : i32 to index
      %swap3A_709 = tpu.vector_load %arg12[%swap3A_707, %swap3A_708] {strides = array<i32>} : memref<32x1024xf32, #tpu.memory_space<vmem>>, vector<1x16xf32>,
      %swap3A_710 = vector.shape_cast %swap3A_709 : vector<1x16xf32> to vector<16xf32>
      %swap3A_711 = vector.shape_cast %add3A_706 : vector<16xf32> to vector<1x16xf32>
      tpu.vector_store %arg12[%swap3A_707, %swap3A_708], %swap3A_711 {strides = array<i32>} : memref<32x1024xf32, #tpu.memory_space<vmem>>, vector<1x16xf32>,
    }
    %scan3A_262 = arith.constant 64 : i32
    %slice3A_263 = vector.extract_strided_slice %get3A_179 {offsets = [8], sizes = [1], strides = [1]} : vector<16xf32> to vector<1xf32>
    %squeeze3A_264 = vector.extract %slice3A_263[0] : f32 from vector<1xf32>
    %slice3A_265 = vector.extract_strided_slice %get3A_182 {offsets = [8], sizes = [1], strides = [1]} : vector<16xf32> to vector<1xf32>
    %squeeze3A_266 = vector.extract %slice3A_265[0] : f32 from vector<1xf32>
    %scan3A_267 = arith.constant 0 : i32
    %scan3A_268 = arith.constant 0 : i32
    %scan3A_269 = arith.constant 64 : i32
    %scan3A_270 = arith.addi %scan3A_268, %scan3A_269 : i32
    %scan3A_271 = arith.constant 1 : i32
    scf.for %scan3A_689 = %scan3A_268 to %scan3A_270 step %scan3A_271  : i32 {
      %mul3A_690 = arith.constant 16 : i32
      %mul3A_691 = arith.muli %scan3A_689, %mul3A_690 : i32
      %get3A_692 = arith.constant 24 : i32
      %get3A_693 = arith.index_cast %get3A_692 : i32 to index
      %get3A_694 = arith.index_cast %mul3A_691 : i32 to index
      %get3A_695 = tpu.vector_load %arg12[%get3A_693, %get3A_694] {strides = array<i32>} : memref<32x1024xf32, #tpu.memory_space<vmem>>, vector<1x16xf32>,
      %get3A_696 = vector.shape_cast %get3A_695 : vector<1x16xf32> to vector<16xf32>
      %mul3A_697 = vector.broadcast %squeeze3A_264 : f32 to vector<16xf32>
      %mul3A_698 = arith.mulf %mul3A_697, %get3A_696 : vector<16xf32>
      %get3A_699 = arith.constant 24 : i32
      %get3A_700 = arith.index_cast %get3A_699 : i32 to index
      %get3A_701 = arith.index_cast %mul3A_691 : i32 to index
      %get3A_702 = tpu.vector_load %arg13[%get3A_700, %get3A_701] {strides = array<i32>} : memref<32x1024xf32, #tpu.memory_space<vmem>>, vector<1x16xf32>,
      %get3A_703 = vector.shape_cast %get3A_702 : vector<1x16xf32> to vector<16xf32>
      %mul3A_704 = vector.broadcast %squeeze3A_266 : f32 to vector<16xf32>
      %mul3A_705 = arith.mulf %mul3A_704, %get3A_703 : vector<16xf32>
      %add3A_706 = arith.addf %mul3A_698, %mul3A_705 : vector<16xf32>
      %swap3A = arith.constant 24 : i32
      %swap3A_707 = arith.index_cast %swap3A : i32 to index
      %swap3A_708 = arith.index_cast %mul3A_691 : i32 to index
      %swap3A_709 = tpu.vector_load %arg12[%swap3A_707, %swap3A_708] {strides = array<i32>} : memref<32x1024xf32, #tpu.memory_space<vmem>>, vector<1x16xf32>,
      %swap3A_710 = vector.shape_cast %swap3A_709 : vector<1x16xf32> to vector<16xf32>
      %swap3A_711 = vector.shape_cast %add3A_706 : vector<16xf32> to vector<1x16xf32>
      tpu.vector_store %arg12[%swap3A_707, %swap3A_708], %swap3A_711 {strides = array<i32>} : memref<32x1024xf32, #tpu.memory_space<vmem>>, vector<1x16xf32>,
    }
    %scan3A_272 = arith.constant 64 : i32
    %slice3A_273 = vector.extract_strided_slice %get3A_179 {offsets = [9], sizes = [1], strides = [1]} : vector<16xf32> to vector<1xf32>
    %squeeze3A_274 = vector.extract %slice3A_273[0] : f32 from vector<1xf32>
    %slice3A_275 = vector.extract_strided_slice %get3A_182 {offsets = [9], sizes = [1], strides = [1]} : vector<16xf32> to vector<1xf32>
    %squeeze3A_276 = vector.extract %slice3A_275[0] : f32 from vector<1xf32>
    %scan3A_277 = arith.constant 0 : i32
    %scan3A_278 = arith.constant 0 : i32
    %scan3A_279 = arith.constant 64 : i32
    %scan3A_280 = arith.addi %scan3A_278, %scan3A_279 : i32
    %scan3A_281 = arith.constant 1 : i32
    scf.for %scan3A_689 = %scan3A_278 to %scan3A_280 step %scan3A_281  : i32 {
      %mul3A_690 = arith.constant 16 : i32
      %mul3A_691 = arith.muli %scan3A_689, %mul3A_690 : i32
      %get3A_692 = arith.constant 25 : i32
      %get3A_693 = arith.index_cast %get3A_692 : i32 to index
      %get3A_694 = arith.index_cast %mul3A_691 : i32 to index
      %get3A_695 = tpu.vector_load %arg12[%get3A_693, %get3A_694] {strides = array<i32>} : memref<32x1024xf32, #tpu.memory_space<vmem>>, vector<1x16xf32>,
      %get3A_696 = vector.shape_cast %get3A_695 : vector<1x16xf32> to vector<16xf32>
      %mul3A_697 = vector.broadcast %squeeze3A_274 : f32 to vector<16xf32>
      %mul3A_698 = arith.mulf %mul3A_697, %get3A_696 : vector<16xf32>
      %get3A_699 = arith.constant 25 : i32
      %get3A_700 = arith.index_cast %get3A_699 : i32 to index
      %get3A_701 = arith.index_cast %mul3A_691 : i32 to index
      %get3A_702 = tpu.vector_load %arg13[%get3A_700, %get3A_701] {strides = array<i32>} : memref<32x1024xf32, #tpu.memory_space<vmem>>, vector<1x16xf32>,
      %get3A_703 = vector.shape_cast %get3A_702 : vector<1x16xf32> to vector<16xf32>
      %mul3A_704 = vector.broadcast %squeeze3A_276 : f32 to vector<16xf32>
      %mul3A_705 = arith.mulf %mul3A_704, %get3A_703 : vector<16xf32>
      %add3A_706 = arith.addf %mul3A_698, %mul3A_705 : vector<16xf32>
      %swap3A = arith.constant 25 : i32
      %swap3A_707 = arith.index_cast %swap3A : i32 to index
      %swap3A_708 = arith.index_cast %mul3A_691 : i32 to index
      %swap3A_709 = tpu.vector_load %arg12[%swap3A_707, %swap3A_708] {strides = array<i32>} : memref<32x1024xf32, #tpu.memory_space<vmem>>, vector<1x16xf32>,
      %swap3A_710 = vector.shape_cast %swap3A_709 : vector<1x16xf32> to vector<16xf32>
      %swap3A_711 = vector.shape_cast %add3A_706 : vector<16xf32> to vector<1x16xf32>
      tpu.vector_store %arg12[%swap3A_707, %swap3A_708], %swap3A_711 {strides = array<i32>} : memref<32x1024xf32, #tpu.memory_space<vmem>>, vector<1x16xf32>,
    }
    %scan3A_282 = arith.constant 64 : i32
    %slice3A_283 = vector.extract_strided_slice %get3A_179 {offsets = [10], sizes = [1], strides = [1]} : vector<16xf32> to vector<1xf32>
    %squeeze3A_284 = vector.extract %slice3A_283[0] : f32 from vector<1xf32>
    %slice3A_285 = vector.extract_strided_slice %get3A_182 {offsets = [10], sizes = [1], strides = [1]} : vector<16xf32> to vector<1xf32>
    %squeeze3A_286 = vector.extract %slice3A_285[0] : f32 from vector<1xf32>
    %scan3A_287 = arith.constant 0 : i32
    %scan3A_288 = arith.constant 0 : i32
    %scan3A_289 = arith.constant 64 : i32
    %scan3A_290 = arith.addi %scan3A_288, %scan3A_289 : i32
    %scan3A_291 = arith.constant 1 : i32
    scf.for %scan3A_689 = %scan3A_288 to %scan3A_290 step %scan3A_291  : i32 {
      %mul3A_690 = arith.constant 16 : i32
      %mul3A_691 = arith.muli %scan3A_689, %mul3A_690 : i32
      %get3A_692 = arith.constant 26 : i32
      %get3A_693 = arith.index_cast %get3A_692 : i32 to index
      %get3A_694 = arith.index_cast %mul3A_691 : i32 to index
      %get3A_695 = tpu.vector_load %arg12[%get3A_693, %get3A_694] {strides = array<i32>} : memref<32x1024xf32, #tpu.memory_space<vmem>>, vector<1x16xf32>,
      %get3A_696 = vector.shape_cast %get3A_695 : vector<1x16xf32> to vector<16xf32>
      %mul3A_697 = vector.broadcast %squeeze3A_284 : f32 to vector<16xf32>
      %mul3A_698 = arith.mulf %mul3A_697, %get3A_696 : vector<16xf32>
      %get3A_699 = arith.constant 26 : i32
      %get3A_700 = arith.index_cast %get3A_699 : i32 to index
      %get3A_701 = arith.index_cast %mul3A_691 : i32 to index
      %get3A_702 = tpu.vector_load %arg13[%get3A_700, %get3A_701] {strides = array<i32>} : memref<32x1024xf32, #tpu.memory_space<vmem>>, vector<1x16xf32>,
      %get3A_703 = vector.shape_cast %get3A_702 : vector<1x16xf32> to vector<16xf32>
      %mul3A_704 = vector.broadcast %squeeze3A_286 : f32 to vector<16xf32>
      %mul3A_705 = arith.mulf %mul3A_704, %get3A_703 : vector<16xf32>
      %add3A_706 = arith.addf %mul3A_698, %mul3A_705 : vector<16xf32>
      %swap3A = arith.constant 26 : i32
      %swap3A_707 = arith.index_cast %swap3A : i32 to index
      %swap3A_708 = arith.index_cast %mul3A_691 : i32 to index
      %swap3A_709 = tpu.vector_load %arg12[%swap3A_707, %swap3A_708] {strides = array<i32>} : memref<32x1024xf32, #tpu.memory_space<vmem>>, vector<1x16xf32>,
      %swap3A_710 = vector.shape_cast %swap3A_709 : vector<1x16xf32> to vector<16xf32>
      %swap3A_711 = vector.shape_cast %add3A_706 : vector<16xf32> to vector<1x16xf32>
      tpu.vector_store %arg12[%swap3A_707, %swap3A_708], %swap3A_711 {strides = array<i32>} : memref<32x1024xf32, #tpu.memory_space<vmem>>, vector<1x16xf32>,
    }
    %scan3A_292 = arith.constant 64 : i32
    %slice3A_293 = vector.extract_strided_slice %get3A_179 {offsets = [11], sizes = [1], strides = [1]} : vector<16xf32> to vector<1xf32>
    %squeeze3A_294 = vector.extract %slice3A_293[0] : f32 from vector<1xf32>
    %slice3A_295 = vector.extract_strided_slice %get3A_182 {offsets = [11], sizes = [1], strides = [1]} : vector<16xf32> to vector<1xf32>
    %squeeze3A_296 = vector.extract %slice3A_295[0] : f32 from vector<1xf32>
    %scan3A_297 = arith.constant 0 : i32
    %scan3A_298 = arith.constant 0 : i32
    %scan3A_299 = arith.constant 64 : i32
    %scan3A_300 = arith.addi %scan3A_298, %scan3A_299 : i32
    %scan3A_301 = arith.constant 1 : i32
    scf.for %scan3A_689 = %scan3A_298 to %scan3A_300 step %scan3A_301  : i32 {
      %mul3A_690 = arith.constant 16 : i32
      %mul3A_691 = arith.muli %scan3A_689, %mul3A_690 : i32
      %get3A_692 = arith.constant 27 : i32
      %get3A_693 = arith.index_cast %get3A_692 : i32 to index
      %get3A_694 = arith.index_cast %mul3A_691 : i32 to index
      %get3A_695 = tpu.vector_load %arg12[%get3A_693, %get3A_694] {strides = array<i32>} : memref<32x1024xf32, #tpu.memory_space<vmem>>, vector<1x16xf32>,
      %get3A_696 = vector.shape_cast %get3A_695 : vector<1x16xf32> to vector<16xf32>
      %mul3A_697 = vector.broadcast %squeeze3A_294 : f32 to vector<16xf32>
      %mul3A_698 = arith.mulf %mul3A_697, %get3A_696 : vector<16xf32>
      %get3A_699 = arith.constant 27 : i32
      %get3A_700 = arith.index_cast %get3A_699 : i32 to index
      %get3A_701 = arith.index_cast %mul3A_691 : i32 to index
      %get3A_702 = tpu.vector_load %arg13[%get3A_700, %get3A_701] {strides = array<i32>} : memref<32x1024xf32, #tpu.memory_space<vmem>>, vector<1x16xf32>,
      %get3A_703 = vector.shape_cast %get3A_702 : vector<1x16xf32> to vector<16xf32>
      %mul3A_704 = vector.broadcast %squeeze3A_296 : f32 to vector<16xf32>
      %mul3A_705 = arith.mulf %mul3A_704, %get3A_703 : vector<16xf32>
      %add3A_706 = arith.addf %mul3A_698, %mul3A_705 : vector<16xf32>
      %swap3A = arith.constant 27 : i32
      %swap3A_707 = arith.index_cast %swap3A : i32 to index
      %swap3A_708 = arith.index_cast %mul3A_691 : i32 to index
      %swap3A_709 = tpu.vector_load %arg12[%swap3A_707, %swap3A_708] {strides = array<i32>} : memref<32x1024xf32, #tpu.memory_space<vmem>>, vector<1x16xf32>,
      %swap3A_710 = vector.shape_cast %swap3A_709 : vector<1x16xf32> to vector<16xf32>
      %swap3A_711 = vector.shape_cast %add3A_706 : vector<16xf32> to vector<1x16xf32>
      tpu.vector_store %arg12[%swap3A_707, %swap3A_708], %swap3A_711 {strides = array<i32>} : memref<32x1024xf32, #tpu.memory_space<vmem>>, vector<1x16xf32>,
    }
    %scan3A_302 = arith.constant 64 : i32
    %slice3A_303 = vector.extract_strided_slice %get3A_179 {offsets = [12], sizes = [1], strides = [1]} : vector<16xf32> to vector<1xf32>
    %squeeze3A_304 = vector.extract %slice3A_303[0] : f32 from vector<1xf32>
    %slice3A_305 = vector.extract_strided_slice %get3A_182 {offsets = [12], sizes = [1], strides = [1]} : vector<16xf32> to vector<1xf32>
    %squeeze3A_306 = vector.extract %slice3A_305[0] : f32 from vector<1xf32>
    %scan3A_307 = arith.constant 0 : i32
    %scan3A_308 = arith.constant 0 : i32
    %scan3A_309 = arith.constant 64 : i32
    %scan3A_310 = arith.addi %scan3A_308, %scan3A_309 : i32
    %scan3A_311 = arith.constant 1 : i32
    scf.for %scan3A_689 = %scan3A_308 to %scan3A_310 step %scan3A_311  : i32 {
      %mul3A_690 = arith.constant 16 : i32
      %mul3A_691 = arith.muli %scan3A_689, %mul3A_690 : i32
      %get3A_692 = arith.constant 28 : i32
      %get3A_693 = arith.index_cast %get3A_692 : i32 to index
      %get3A_694 = arith.index_cast %mul3A_691 : i32 to index
      %get3A_695 = tpu.vector_load %arg12[%get3A_693, %get3A_694] {strides = array<i32>} : memref<32x1024xf32, #tpu.memory_space<vmem>>, vector<1x16xf32>,
      %get3A_696 = vector.shape_cast %get3A_695 : vector<1x16xf32> to vector<16xf32>
      %mul3A_697 = vector.broadcast %squeeze3A_304 : f32 to vector<16xf32>
      %mul3A_698 = arith.mulf %mul3A_697, %get3A_696 : vector<16xf32>
      %get3A_699 = arith.constant 28 : i32
      %get3A_700 = arith.index_cast %get3A_699 : i32 to index
      %get3A_701 = arith.index_cast %mul3A_691 : i32 to index
      %get3A_702 = tpu.vector_load %arg13[%get3A_700, %get3A_701] {strides = array<i32>} : memref<32x1024xf32, #tpu.memory_space<vmem>>, vector<1x16xf32>,
      %get3A_703 = vector.shape_cast %get3A_702 : vector<1x16xf32> to vector<16xf32>
      %mul3A_704 = vector.broadcast %squeeze3A_306 : f32 to vector<16xf32>
      %mul3A_705 = arith.mulf %mul3A_704, %get3A_703 : vector<16xf32>
      %add3A_706 = arith.addf %mul3A_698, %mul3A_705 : vector<16xf32>
      %swap3A = arith.constant 28 : i32
      %swap3A_707 = arith.index_cast %swap3A : i32 to index
      %swap3A_708 = arith.index_cast %mul3A_691 : i32 to index
      %swap3A_709 = tpu.vector_load %arg12[%swap3A_707, %swap3A_708] {strides = array<i32>} : memref<32x1024xf32, #tpu.memory_space<vmem>>, vector<1x16xf32>,
      %swap3A_710 = vector.shape_cast %swap3A_709 : vector<1x16xf32> to vector<16xf32>
      %swap3A_711 = vector.shape_cast %add3A_706 : vector<16xf32> to vector<1x16xf32>
      tpu.vector_store %arg12[%swap3A_707, %swap3A_708], %swap3A_711 {strides = array<i32>} : memref<32x1024xf32, #tpu.memory_space<vmem>>, vector<1x16xf32>,
    }
    %scan3A_312 = arith.constant 64 : i32
    %slice3A_313 = vector.extract_strided_slice %get3A_179 {offsets = [13], sizes = [1], strides = [1]} : vector<16xf32> to vector<1xf32>
    %squeeze3A_314 = vector.extract %slice3A_313[0] : f32 from vector<1xf32>
    %slice3A_315 = vector.extract_strided_slice %get3A_182 {offsets = [13], sizes = [1], strides = [1]} : vector<16xf32> to vector<1xf32>
    %squeeze3A_316 = vector.extract %slice3A_315[0] : f32 from vector<1xf32>
    %scan3A_317 = arith.constant 0 : i32
    %scan3A_318 = arith.constant 0 : i32
    %scan3A_319 = arith.constant 64 : i32
    %scan3A_320 = arith.addi %scan3A_318, %scan3A_319 : i32
    %scan3A_321 = arith.constant 1 : i32
    scf.for %scan3A_689 = %scan3A_318 to %scan3A_320 step %scan3A_321  : i32 {
      %mul3A_690 = arith.constant 16 : i32
      %mul3A_691 = arith.muli %scan3A_689, %mul3A_690 : i32
      %get3A_692 = arith.constant 29 : i32
      %get3A_693 = arith.index_cast %get3A_692 : i32 to index
      %get3A_694 = arith.index_cast %mul3A_691 : i32 to index
      %get3A_695 = tpu.vector_load %arg12[%get3A_693, %get3A_694] {strides = array<i32>} : memref<32x1024xf32, #tpu.memory_space<vmem>>, vector<1x16xf32>,
      %get3A_696 = vector.shape_cast %get3A_695 : vector<1x16xf32> to vector<16xf32>
      %mul3A_697 = vector.broadcast %squeeze3A_314 : f32 to vector<16xf32>
      %mul3A_698 = arith.mulf %mul3A_697, %get3A_696 : vector<16xf32>
      %get3A_699 = arith.constant 29 : i32
      %get3A_700 = arith.index_cast %get3A_699 : i32 to index
      %get3A_701 = arith.index_cast %mul3A_691 : i32 to index
      %get3A_702 = tpu.vector_load %arg13[%get3A_700, %get3A_701] {strides = array<i32>} : memref<32x1024xf32, #tpu.memory_space<vmem>>, vector<1x16xf32>,
      %get3A_703 = vector.shape_cast %get3A_702 : vector<1x16xf32> to vector<16xf32>
      %mul3A_704 = vector.broadcast %squeeze3A_316 : f32 to vector<16xf32>
      %mul3A_705 = arith.mulf %mul3A_704, %get3A_703 : vector<16xf32>
      %add3A_706 = arith.addf %mul3A_698, %mul3A_705 : vector<16xf32>
      %swap3A = arith.constant 29 : i32
      %swap3A_707 = arith.index_cast %swap3A : i32 to index
      %swap3A_708 = arith.index_cast %mul3A_691 : i32 to index
      %swap3A_709 = tpu.vector_load %arg12[%swap3A_707, %swap3A_708] {strides = array<i32>} : memref<32x1024xf32, #tpu.memory_space<vmem>>, vector<1x16xf32>,
      %swap3A_710 = vector.shape_cast %swap3A_709 : vector<1x16xf32> to vector<16xf32>
      %swap3A_711 = vector.shape_cast %add3A_706 : vector<16xf32> to vector<1x16xf32>
      tpu.vector_store %arg12[%swap3A_707, %swap3A_708], %swap3A_711 {strides = array<i32>} : memref<32x1024xf32, #tpu.memory_space<vmem>>, vector<1x16xf32>,
    }
    %scan3A_322 = arith.constant 64 : i32
    %slice3A_323 = vector.extract_strided_slice %get3A_179 {offsets = [14], sizes = [1], strides = [1]} : vector<16xf32> to vector<1xf32>
    %squeeze3A_324 = vector.extract %slice3A_323[0] : f32 from vector<1xf32>
    %slice3A_325 = vector.extract_strided_slice %get3A_182 {offsets = [14], sizes = [1], strides = [1]} : vector<16xf32> to vector<1xf32>
    %squeeze3A_326 = vector.extract %slice3A_325[0] : f32 from vector<1xf32>
    %scan3A_327 = arith.constant 0 : i32
    %scan3A_328 = arith.constant 0 : i32
    %scan3A_329 = arith.constant 64 : i32
    %scan3A_330 = arith.addi %scan3A_328, %scan3A_329 : i32
    %scan3A_331 = arith.constant 1 : i32
    scf.for %scan3A_689 = %scan3A_328 to %scan3A_330 step %scan3A_331  : i32 {
      %mul3A_690 = arith.constant 16 : i32
      %mul3A_691 = arith.muli %scan3A_689, %mul3A_690 : i32
      %get3A_692 = arith.constant 30 : i32
      %get3A_693 = arith.index_cast %get3A_692 : i32 to index
      %get3A_694 = arith.index_cast %mul3A_691 : i32 to index
      %get3A_695 = tpu.vector_load %arg12[%get3A_693, %get3A_694] {strides = array<i32>} : memref<32x1024xf32, #tpu.memory_space<vmem>>, vector<1x16xf32>,
      %get3A_696 = vector.shape_cast %get3A_695 : vector<1x16xf32> to vector<16xf32>
      %mul3A_697 = vector.broadcast %squeeze3A_324 : f32 to vector<16xf32>
      %mul3A_698 = arith.mulf %mul3A_697, %get3A_696 : vector<16xf32>
      %get3A_699 = arith.constant 30 : i32
      %get3A_700 = arith.index_cast %get3A_699 : i32 to index
      %get3A_701 = arith.index_cast %mul3A_691 : i32 to index
      %get3A_702 = tpu.vector_load %arg13[%get3A_700, %get3A_701] {strides = array<i32>} : memref<32x1024xf32, #tpu.memory_space<vmem>>, vector<1x16xf32>,
      %get3A_703 = vector.shape_cast %get3A_702 : vector<1x16xf32> to vector<16xf32>
      %mul3A_704 = vector.broadcast %squeeze3A_326 : f32 to vector<16xf32>
      %mul3A_705 = arith.mulf %mul3A_704, %get3A_703 : vector<16xf32>
      %add3A_706 = arith.addf %mul3A_698, %mul3A_705 : vector<16xf32>
      %swap3A = arith.constant 30 : i32
      %swap3A_707 = arith.index_cast %swap3A : i32 to index
      %swap3A_708 = arith.index_cast %mul3A_691 : i32 to index
      %swap3A_709 = tpu.vector_load %arg12[%swap3A_707, %swap3A_708] {strides = array<i32>} : memref<32x1024xf32, #tpu.memory_space<vmem>>, vector<1x16xf32>,
      %swap3A_710 = vector.shape_cast %swap3A_709 : vector<1x16xf32> to vector<16xf32>
      %swap3A_711 = vector.shape_cast %add3A_706 : vector<16xf32> to vector<1x16xf32>
      tpu.vector_store %arg12[%swap3A_707, %swap3A_708], %swap3A_711 {strides = array<i32>} : memref<32x1024xf32, #tpu.memory_space<vmem>>, vector<1x16xf32>,
    }
    %scan3A_332 = arith.constant 64 : i32
    %slice3A_333 = vector.extract_strided_slice %get3A_179 {offsets = [15], sizes = [1], strides = [1]} : vector<16xf32> to vector<1xf32>
    %squeeze3A_334 = vector.extract %slice3A_333[0] : f32 from vector<1xf32>
    %slice3A_335 = vector.extract_strided_slice %get3A_182 {offsets = [15], sizes = [1], strides = [1]} : vector<16xf32> to vector<1xf32>
    %squeeze3A_336 = vector.extract %slice3A_335[0] : f32 from vector<1xf32>
    %scan3A_337 = arith.constant 0 : i32
    %scan3A_338 = arith.constant 0 : i32
    %scan3A_339 = arith.constant 64 : i32
    %scan3A_340 = arith.addi %scan3A_338, %scan3A_339 : i32
    %scan3A_341 = arith.constant 1 : i32
    scf.for %scan3A_689 = %scan3A_338 to %scan3A_340 step %scan3A_341  : i32 {
      %mul3A_690 = arith.constant 16 : i32
      %mul3A_691 = arith.muli %scan3A_689, %mul3A_690 : i32
      %get3A_692 = arith.constant 31 : i32
      %get3A_693 = arith.index_cast %get3A_692 : i32 to index
      %get3A_694 = arith.index_cast %mul3A_691 : i32 to index
      %get3A_695 = tpu.vector_load %arg12[%get3A_693, %get3A_694] {strides = array<i32>} : memref<32x1024xf32, #tpu.memory_space<vmem>>, vector<1x16xf32>,
      %get3A_696 = vector.shape_cast %get3A_695 : vector<1x16xf32> to vector<16xf32>
      %mul3A_697 = vector.broadcast %squeeze3A_334 : f32 to vector<16xf32>
      %mul3A_698 = arith.mulf %mul3A_697, %get3A_696 : vector<16xf32>
      %get3A_699 = arith.constant 31 : i32
      %get3A_700 = arith.index_cast %get3A_699 : i32 to index
      %get3A_701 = arith.index_cast %mul3A_691 : i32 to index
      %get3A_702 = tpu.vector_load %arg13[%get3A_700, %get3A_701] {strides = array<i32>} : memref<32x1024xf32, #tpu.memory_space<vmem>>, vector<1x16xf32>,
      %get3A_703 = vector.shape_cast %get3A_702 : vector<1x16xf32> to vector<16xf32>
      %mul3A_704 = vector.broadcast %squeeze3A_336 : f32 to vector<16xf32>
      %mul3A_705 = arith.mulf %mul3A_704, %get3A_703 : vector<16xf32>
      %add3A_706 = arith.addf %mul3A_698, %mul3A_705 : vector<16xf32>
      %swap3A = arith.constant 31 : i32
      %swap3A_707 = arith.index_cast %swap3A : i32 to index
      %swap3A_708 = arith.index_cast %mul3A_691 : i32 to index
      %swap3A_709 = tpu.vector_load %arg12[%swap3A_707, %swap3A_708] {strides = array<i32>} : memref<32x1024xf32, #tpu.memory_space<vmem>>, vector<1x16xf32>,
      %swap3A_710 = vector.shape_cast %swap3A_709 : vector<1x16xf32> to vector<16xf32>
      %swap3A_711 = vector.shape_cast %add3A_706 : vector<16xf32> to vector<1x16xf32>
      tpu.vector_store %arg12[%swap3A_707, %swap3A_708], %swap3A_711 {strides = array<i32>} : memref<32x1024xf32, #tpu.memory_space<vmem>>, vector<1x16xf32>,
    }
    %scan3A_342 = arith.constant 64 : i32
    "tpu.region"() ({
      %run_scoped3A = tpu.sem_alloc : memref<!tpu.dma_semaphore, #tpu.memory_space<semaphore_mem>>
      %dma_start3A_689 = arith.constant 0 : i32
      %dma_start3A_690 = tpu.memref_slice %arg7[%add3A_4, %dma_start3A_689] : memref<2048x1024xf32, #tpu.memory_space<hbm>> -> memref<32x1024xf32, #tpu.memory_space<hbm>>
      %dma_start3A_691 = arith.constant 0 : i32
      %dma_start3A_692 = tpu.memref_slice %arg7[%add3A_4, %dma_start3A_691] : memref<2048x1024xf32, #tpu.memory_space<hbm>> -> memref<32x1024xf32, #tpu.memory_space<hbm>>
      tpu.enqueue_dma source(%arg12 : memref<32x1024xf32, #tpu.memory_space<vmem>>) target(%dma_start3A_692 : memref<32x1024xf32, #tpu.memory_space<hbm>>) target_semaphore(%run_scoped3A : memref<!tpu.dma_semaphore, #tpu.memory_space<semaphore_mem>>)
      %dma_wait3A_693 = arith.constant 0 : i32
      %dma_wait3A_694 = tpu.memref_slice %arg7[%add3A_4, %dma_wait3A_693] : memref<2048x1024xf32, #tpu.memory_space<hbm>> -> memref<32x1024xf32, #tpu.memory_space<hbm>>
      %dma_wait3A_695 = arith.constant 0 : i32
      %dma_wait3A_696 = tpu.memref_slice %arg7[%add3A_4, %dma_wait3A_695] : memref<2048x1024xf32, #tpu.memory_space<hbm>> -> memref<32x1024xf32, #tpu.memory_space<hbm>>
      tpu.wait_dma2 semaphore(%run_scoped3A : memref<!tpu.dma_semaphore, #tpu.memory_space<semaphore_mem>>) src(%arg12 : memref<32x1024xf32, #tpu.memory_space<vmem>>) dst(%dma_wait3A_696 : memref<32x1024xf32, #tpu.memory_space<hbm>>)
      tpu.yield
    }) : () -> ()
    %add3A_343 = arith.constant 32 : i32
    %add3A_344 = arith.addi %mul3A_2, %add3A_343 : i32
    "tpu.region"() ({
      %run_scoped3A = tpu.sem_alloc : memref<!tpu.dma_semaphore, #tpu.memory_space<semaphore_mem>>
      %dma_start3A_689 = tpu.memref_slice %arg3[%add3A_344] : memref<2048xi32, #tpu.memory_space<hbm>> -> memref<32xi32, #tpu.memory_space<hbm>>
      %dma_start3A_690 = tpu.memref_slice %arg3[%add3A_344] : memref<2048xi32, #tpu.memory_space<hbm>> -> memref<32xi32, #tpu.memory_space<hbm>>
      tpu.enqueue_dma source(%dma_start3A_690 : memref<32xi32, #tpu.memory_space<hbm>>) target(%arg8 : memref<32xi32, #tpu.memory_space<vmem>>) target_semaphore(%run_scoped3A : memref<!tpu.dma_semaphore, #tpu.memory_space<semaphore_mem>>)
      %dma_wait3A_691 = tpu.memref_slice %arg3[%add3A_344] : memref<2048xi32, #tpu.memory_space<hbm>> -> memref<32xi32, #tpu.memory_space<hbm>>
      %dma_wait3A_692 = tpu.memref_slice %arg3[%add3A_344] : memref<2048xi32, #tpu.memory_space<hbm>> -> memref<32xi32, #tpu.memory_space<hbm>>
      tpu.wait_dma2 semaphore(%run_scoped3A : memref<!tpu.dma_semaphore, #tpu.memory_space<semaphore_mem>>) src(%dma_wait3A_692 : memref<32xi32, #tpu.memory_space<hbm>>) dst(%arg8 : memref<32xi32, #tpu.memory_space<vmem>>)
      tpu.yield
    }) : () -> ()
    "tpu.region"() ({
      %run_scoped3A = tpu.sem_alloc : memref<!tpu.dma_semaphore, #tpu.memory_space<semaphore_mem>>
      %dma_start3A_689 = tpu.memref_slice %arg4[%add3A_344] : memref<2048xi32, #tpu.memory_space<hbm>> -> memref<32xi32, #tpu.memory_space<hbm>>
      %dma_start3A_690 = tpu.memref_slice %arg4[%add3A_344] : memref<2048xi32, #tpu.memory_space<hbm>> -> memref<32xi32, #tpu.memory_space<hbm>>
      tpu.enqueue_dma source(%dma_start3A_690 : memref<32xi32, #tpu.memory_space<hbm>>) target(%arg9 : memref<32xi32, #tpu.memory_space<vmem>>) target_semaphore(%run_scoped3A : memref<!tpu.dma_semaphore, #tpu.memory_space<semaphore_mem>>)
      %dma_wait3A_691 = tpu.memref_slice %arg4[%add3A_344] : memref<2048xi32, #tpu.memory_space<hbm>> -> memref<32xi32, #tpu.memory_space<hbm>>
      %dma_wait3A_692 = tpu.memref_slice %arg4[%add3A_344] : memref<2048xi32, #tpu.memory_space<hbm>> -> memref<32xi32, #tpu.memory_space<hbm>>
      tpu.wait_dma2 semaphore(%run_scoped3A : memref<!tpu.dma_semaphore, #tpu.memory_space<semaphore_mem>>) src(%dma_wait3A_692 : memref<32xi32, #tpu.memory_space<hbm>>) dst(%arg9 : memref<32xi32, #tpu.memory_space<vmem>>)
      tpu.yield
    }) : () -> ()
    "tpu.region"() ({
      %run_scoped3A = tpu.sem_alloc : memref<!tpu.dma_semaphore, #tpu.memory_space<semaphore_mem>>
      %dma_start3A_689 = tpu.memref_slice %arg5[%add3A_344] : memref<2048xf32, #tpu.memory_space<hbm>> -> memref<32xf32, #tpu.memory_space<hbm>>
      %dma_start3A_690 = tpu.memref_slice %arg5[%add3A_344] : memref<2048xf32, #tpu.memory_space<hbm>> -> memref<32xf32, #tpu.memory_space<hbm>>
      tpu.enqueue_dma source(%dma_start3A_690 : memref<32xf32, #tpu.memory_space<hbm>>) target(%arg10 : memref<32xf32, #tpu.memory_space<vmem>>) target_semaphore(%run_scoped3A : memref<!tpu.dma_semaphore, #tpu.memory_space<semaphore_mem>>)
      %dma_wait3A_691 = tpu.memref_slice %arg5[%add3A_344] : memref<2048xf32, #tpu.memory_space<hbm>> -> memref<32xf32, #tpu.memory_space<hbm>>
      %dma_wait3A_692 = tpu.memref_slice %arg5[%add3A_344] : memref<2048xf32, #tpu.memory_space<hbm>> -> memref<32xf32, #tpu.memory_space<hbm>>
      tpu.wait_dma2 semaphore(%run_scoped3A : memref<!tpu.dma_semaphore, #tpu.memory_space<semaphore_mem>>) src(%dma_wait3A_692 : memref<32xf32, #tpu.memory_space<hbm>>) dst(%arg10 : memref<32xf32, #tpu.memory_space<vmem>>)
      tpu.yield
    }) : () -> ()
    "tpu.region"() ({
      %run_scoped3A = tpu.sem_alloc : memref<!tpu.dma_semaphore, #tpu.memory_space<semaphore_mem>>
      %dma_start3A_689 = tpu.memref_slice %arg6[%add3A_344] : memref<2048xf32, #tpu.memory_space<hbm>> -> memref<32xf32, #tpu.memory_space<hbm>>
      %dma_start3A_690 = tpu.memref_slice %arg6[%add3A_344] : memref<2048xf32, #tpu.memory_space<hbm>> -> memref<32xf32, #tpu.memory_space<hbm>>
      tpu.enqueue_dma source(%dma_start3A_690 : memref<32xf32, #tpu.memory_space<hbm>>) target(%arg11 : memref<32xf32, #tpu.memory_space<vmem>>) target_semaphore(%run_scoped3A : memref<!tpu.dma_semaphore, #tpu.memory_space<semaphore_mem>>)
      %dma_wait3A_691 = tpu.memref_slice %arg6[%add3A_344] : memref<2048xf32, #tpu.memory_space<hbm>> -> memref<32xf32, #tpu.memory_space<hbm>>
      %dma_wait3A_692 = tpu.memref_slice %arg6[%add3A_344] : memref<2048xf32, #tpu.memory_space<hbm>> -> memref<32xf32, #tpu.memory_space<hbm>>
      tpu.wait_dma2 semaphore(%run_scoped3A : memref<!tpu.dma_semaphore, #tpu.memory_space<semaphore_mem>>) src(%dma_wait3A_692 : memref<32xf32, #tpu.memory_space<hbm>>) dst(%arg11 : memref<32xf32, #tpu.memory_space<vmem>>)
      tpu.yield
    }) : () -> ()
    %dma_start3A_345 = arith.constant 0 : i32
    %dma_start3A_346 = arith.constant 0 : i32
    %dma_start3A_347 = tpu.memref_slice %arg2[%dma_start3A_345, %dma_start3A_346] : memref<6144x1024xf32, #tpu.memory_space<hbm>> -> memref<6144x1024xf32, #tpu.memory_space<hbm>>
    tpu.enqueue_indirect_dma source(%dma_start3A_347 : memref<6144x1024xf32, #tpu.memory_space<hbm>>) target(%arg12 : memref<32x1024xf32, #tpu.memory_space<vmem>>) offsets(%arg8 : memref<32xi32, #tpu.memory_space<vmem>>) semaphore(%arg14 : memref<!tpu.dma_semaphore, #tpu.memory_space<semaphore_mem>>)
    %dma_wait3A_348 = arith.constant 0 : i32
    %dma_wait3A_349 = arith.constant 0 : i32
    %dma_wait3A_350 = tpu.memref_slice %arg2[%dma_wait3A_348, %dma_wait3A_349] : memref<6144x1024xf32, #tpu.memory_space<hbm>> -> memref<6144x1024xf32, #tpu.memory_space<hbm>>
    tpu.wait_indirect_dma semaphore(%arg14 : memref<!tpu.dma_semaphore, #tpu.memory_space<semaphore_mem>>) src(%dma_wait3A_350 : memref<6144x1024xf32, #tpu.memory_space<hbm>>) dst(%arg12 : memref<32x1024xf32, #tpu.memory_space<vmem>>)
    %dma_start3A_351 = arith.constant 0 : i32
    %dma_start3A_352 = arith.constant 0 : i32
    %dma_start3A_353 = tpu.memref_slice %arg2[%dma_start3A_351, %dma_start3A_352] : memref<6144x1024xf32, #tpu.memory_space<hbm>> -> memref<6144x1024xf32, #tpu.memory_space<hbm>>
    tpu.enqueue_indirect_dma source(%dma_start3A_353 : memref<6144x1024xf32, #tpu.memory_space<hbm>>) target(%arg13 : memref<32x1024xf32, #tpu.memory_space<vmem>>) offsets(%arg9 : memref<32xi32, #tpu.memory_space<vmem>>) semaphore(%arg14 : memref<!tpu.dma_semaphore, #tpu.memory_space<semaphore_mem>>)
    %dma_wait3A_354 = arith.constant 0 : i32
    %dma_wait3A_355 = arith.constant 0 : i32
    %dma_wait3A_356 = tpu.memref_slice %arg2[%dma_wait3A_354, %dma_wait3A_355] : memref<6144x1024xf32, #tpu.memory_space<hbm>> -> memref<6144x1024xf32, #tpu.memory_space<hbm>>
    tpu.wait_indirect_dma semaphore(%arg14 : memref<!tpu.dma_semaphore, #tpu.memory_space<semaphore_mem>>) src(%dma_wait3A_356 : memref<6144x1024xf32, #tpu.memory_space<hbm>>) dst(%arg13 : memref<32x1024xf32, #tpu.memory_space<vmem>>)
    %get3A_357 = arith.constant 0 : index
    %get3A_358 = tpu.vector_load %arg10[%get3A_357] {strides = array<i32>} : memref<32xf32, #tpu.memory_space<vmem>>, vector<16xf32>,
    %get3A_359 = vector.shape_cast %get3A_358 : vector<16xf32> to vector<16xf32>
    %get3A_360 = arith.constant 0 : index
    %get3A_361 = tpu.vector_load %arg11[%get3A_360] {strides = array<i32>} : memref<32xf32, #tpu.memory_space<vmem>>, vector<16xf32>,
    %get3A_362 = vector.shape_cast %get3A_361 : vector<16xf32> to vector<16xf32>
    %slice3A_363 = vector.extract_strided_slice %get3A_359 {offsets = [0], sizes = [1], strides = [1]} : vector<16xf32> to vector<1xf32>
    %squeeze3A_364 = vector.extract %slice3A_363[0] : f32 from vector<1xf32>
    %slice3A_365 = vector.extract_strided_slice %get3A_362 {offsets = [0], sizes = [1], strides = [1]} : vector<16xf32> to vector<1xf32>
    %squeeze3A_366 = vector.extract %slice3A_365[0] : f32 from vector<1xf32>
    %scan3A_367 = arith.constant 0 : i32
    %scan3A_368 = arith.constant 0 : i32
    %scan3A_369 = arith.constant 64 : i32
    %scan3A_370 = arith.addi %scan3A_368, %scan3A_369 : i32
    %scan3A_371 = arith.constant 1 : i32
    scf.for %scan3A_689 = %scan3A_368 to %scan3A_370 step %scan3A_371  : i32 {
      %mul3A_690 = arith.constant 16 : i32
      %mul3A_691 = arith.muli %scan3A_689, %mul3A_690 : i32
      %get3A_692 = arith.constant 0 : i32
      %get3A_693 = arith.index_cast %get3A_692 : i32 to index
      %get3A_694 = arith.index_cast %mul3A_691 : i32 to index
      %get3A_695 = tpu.vector_load %arg12[%get3A_693, %get3A_694] {strides = array<i32>} : memref<32x1024xf32, #tpu.memory_space<vmem>>, vector<1x16xf32>,
      %get3A_696 = vector.shape_cast %get3A_695 : vector<1x16xf32> to vector<16xf32>
      %mul3A_697 = vector.broadcast %squeeze3A_364 : f32 to vector<16xf32>
      %mul3A_698 = arith.mulf %mul3A_697, %get3A_696 : vector<16xf32>
      %get3A_699 = arith.constant 0 : i32
      %get3A_700 = arith.index_cast %get3A_699 : i32 to index
      %get3A_701 = arith.index_cast %mul3A_691 : i32 to index
      %get3A_702 = tpu.vector_load %arg13[%get3A_700, %get3A_701] {strides = array<i32>} : memref<32x1024xf32, #tpu.memory_space<vmem>>, vector<1x16xf32>,
      %get3A_703 = vector.shape_cast %get3A_702 : vector<1x16xf32> to vector<16xf32>
      %mul3A_704 = vector.broadcast %squeeze3A_366 : f32 to vector<16xf32>
      %mul3A_705 = arith.mulf %mul3A_704, %get3A_703 : vector<16xf32>
      %add3A_706 = arith.addf %mul3A_698, %mul3A_705 : vector<16xf32>
      %swap3A = arith.constant 0 : i32
      %swap3A_707 = arith.index_cast %swap3A : i32 to index
      %swap3A_708 = arith.index_cast %mul3A_691 : i32 to index
      %swap3A_709 = tpu.vector_load %arg12[%swap3A_707, %swap3A_708] {strides = array<i32>} : memref<32x1024xf32, #tpu.memory_space<vmem>>, vector<1x16xf32>,
      %swap3A_710 = vector.shape_cast %swap3A_709 : vector<1x16xf32> to vector<16xf32>
      %swap3A_711 = vector.shape_cast %add3A_706 : vector<16xf32> to vector<1x16xf32>
      tpu.vector_store %arg12[%swap3A_707, %swap3A_708], %swap3A_711 {strides = array<i32>} : memref<32x1024xf32, #tpu.memory_space<vmem>>, vector<1x16xf32>,
    }
    %scan3A_372 = arith.constant 64 : i32
    %slice3A_373 = vector.extract_strided_slice %get3A_359 {offsets = [1], sizes = [1], strides = [1]} : vector<16xf32> to vector<1xf32>
    %squeeze3A_374 = vector.extract %slice3A_373[0] : f32 from vector<1xf32>
    %slice3A_375 = vector.extract_strided_slice %get3A_362 {offsets = [1], sizes = [1], strides = [1]} : vector<16xf32> to vector<1xf32>
    %squeeze3A_376 = vector.extract %slice3A_375[0] : f32 from vector<1xf32>
    %scan3A_377 = arith.constant 0 : i32
    %scan3A_378 = arith.constant 0 : i32
    %scan3A_379 = arith.constant 64 : i32
    %scan3A_380 = arith.addi %scan3A_378, %scan3A_379 : i32
    %scan3A_381 = arith.constant 1 : i32
    scf.for %scan3A_689 = %scan3A_378 to %scan3A_380 step %scan3A_381  : i32 {
      %mul3A_690 = arith.constant 16 : i32
      %mul3A_691 = arith.muli %scan3A_689, %mul3A_690 : i32
      %get3A_692 = arith.constant 1 : i32
      %get3A_693 = arith.index_cast %get3A_692 : i32 to index
      %get3A_694 = arith.index_cast %mul3A_691 : i32 to index
      %get3A_695 = tpu.vector_load %arg12[%get3A_693, %get3A_694] {strides = array<i32>} : memref<32x1024xf32, #tpu.memory_space<vmem>>, vector<1x16xf32>,
      %get3A_696 = vector.shape_cast %get3A_695 : vector<1x16xf32> to vector<16xf32>
      %mul3A_697 = vector.broadcast %squeeze3A_374 : f32 to vector<16xf32>
      %mul3A_698 = arith.mulf %mul3A_697, %get3A_696 : vector<16xf32>
      %get3A_699 = arith.constant 1 : i32
      %get3A_700 = arith.index_cast %get3A_699 : i32 to index
      %get3A_701 = arith.index_cast %mul3A_691 : i32 to index
      %get3A_702 = tpu.vector_load %arg13[%get3A_700, %get3A_701] {strides = array<i32>} : memref<32x1024xf32, #tpu.memory_space<vmem>>, vector<1x16xf32>,
      %get3A_703 = vector.shape_cast %get3A_702 : vector<1x16xf32> to vector<16xf32>
      %mul3A_704 = vector.broadcast %squeeze3A_376 : f32 to vector<16xf32>
      %mul3A_705 = arith.mulf %mul3A_704, %get3A_703 : vector<16xf32>
      %add3A_706 = arith.addf %mul3A_698, %mul3A_705 : vector<16xf32>
      %swap3A = arith.constant 1 : i32
      %swap3A_707 = arith.index_cast %swap3A : i32 to index
      %swap3A_708 = arith.index_cast %mul3A_691 : i32 to index
      %swap3A_709 = tpu.vector_load %arg12[%swap3A_707, %swap3A_708] {strides = array<i32>} : memref<32x1024xf32, #tpu.memory_space<vmem>>, vector<1x16xf32>,
      %swap3A_710 = vector.shape_cast %swap3A_709 : vector<1x16xf32> to vector<16xf32>
      %swap3A_711 = vector.shape_cast %add3A_706 : vector<16xf32> to vector<1x16xf32>
      tpu.vector_store %arg12[%swap3A_707, %swap3A_708], %swap3A_711 {strides = array<i32>} : memref<32x1024xf32, #tpu.memory_space<vmem>>, vector<1x16xf32>,
    }
    %scan3A_382 = arith.constant 64 : i32
    %slice3A_383 = vector.extract_strided_slice %get3A_359 {offsets = [2], sizes = [1], strides = [1]} : vector<16xf32> to vector<1xf32>
    %squeeze3A_384 = vector.extract %slice3A_383[0] : f32 from vector<1xf32>
    %slice3A_385 = vector.extract_strided_slice %get3A_362 {offsets = [2], sizes = [1], strides = [1]} : vector<16xf32> to vector<1xf32>
    %squeeze3A_386 = vector.extract %slice3A_385[0] : f32 from vector<1xf32>
    %scan3A_387 = arith.constant 0 : i32
    %scan3A_388 = arith.constant 0 : i32
    %scan3A_389 = arith.constant 64 : i32
    %scan3A_390 = arith.addi %scan3A_388, %scan3A_389 : i32
    %scan3A_391 = arith.constant 1 : i32
    scf.for %scan3A_689 = %scan3A_388 to %scan3A_390 step %scan3A_391  : i32 {
      %mul3A_690 = arith.constant 16 : i32
      %mul3A_691 = arith.muli %scan3A_689, %mul3A_690 : i32
      %get3A_692 = arith.constant 2 : i32
      %get3A_693 = arith.index_cast %get3A_692 : i32 to index
      %get3A_694 = arith.index_cast %mul3A_691 : i32 to index
      %get3A_695 = tpu.vector_load %arg12[%get3A_693, %get3A_694] {strides = array<i32>} : memref<32x1024xf32, #tpu.memory_space<vmem>>, vector<1x16xf32>,
      %get3A_696 = vector.shape_cast %get3A_695 : vector<1x16xf32> to vector<16xf32>
      %mul3A_697 = vector.broadcast %squeeze3A_384 : f32 to vector<16xf32>
      %mul3A_698 = arith.mulf %mul3A_697, %get3A_696 : vector<16xf32>
      %get3A_699 = arith.constant 2 : i32
      %get3A_700 = arith.index_cast %get3A_699 : i32 to index
      %get3A_701 = arith.index_cast %mul3A_691 : i32 to index
      %get3A_702 = tpu.vector_load %arg13[%get3A_700, %get3A_701] {strides = array<i32>} : memref<32x1024xf32, #tpu.memory_space<vmem>>, vector<1x16xf32>,
      %get3A_703 = vector.shape_cast %get3A_702 : vector<1x16xf32> to vector<16xf32>
      %mul3A_704 = vector.broadcast %squeeze3A_386 : f32 to vector<16xf32>
      %mul3A_705 = arith.mulf %mul3A_704, %get3A_703 : vector<16xf32>
      %add3A_706 = arith.addf %mul3A_698, %mul3A_705 : vector<16xf32>
      %swap3A = arith.constant 2 : i32
      %swap3A_707 = arith.index_cast %swap3A : i32 to index
      %swap3A_708 = arith.index_cast %mul3A_691 : i32 to index
      %swap3A_709 = tpu.vector_load %arg12[%swap3A_707, %swap3A_708] {strides = array<i32>} : memref<32x1024xf32, #tpu.memory_space<vmem>>, vector<1x16xf32>,
      %swap3A_710 = vector.shape_cast %swap3A_709 : vector<1x16xf32> to vector<16xf32>
      %swap3A_711 = vector.shape_cast %add3A_706 : vector<16xf32> to vector<1x16xf32>
      tpu.vector_store %arg12[%swap3A_707, %swap3A_708], %swap3A_711 {strides = array<i32>} : memref<32x1024xf32, #tpu.memory_space<vmem>>, vector<1x16xf32>,
    }
    %scan3A_392 = arith.constant 64 : i32
    %slice3A_393 = vector.extract_strided_slice %get3A_359 {offsets = [3], sizes = [1], strides = [1]} : vector<16xf32> to vector<1xf32>
    %squeeze3A_394 = vector.extract %slice3A_393[0] : f32 from vector<1xf32>
    %slice3A_395 = vector.extract_strided_slice %get3A_362 {offsets = [3], sizes = [1], strides = [1]} : vector<16xf32> to vector<1xf32>
    %squeeze3A_396 = vector.extract %slice3A_395[0] : f32 from vector<1xf32>
    %scan3A_397 = arith.constant 0 : i32
    %scan3A_398 = arith.constant 0 : i32
    %scan3A_399 = arith.constant 64 : i32
    %scan3A_400 = arith.addi %scan3A_398, %scan3A_399 : i32
    %scan3A_401 = arith.constant 1 : i32
    scf.for %scan3A_689 = %scan3A_398 to %scan3A_400 step %scan3A_401  : i32 {
      %mul3A_690 = arith.constant 16 : i32
      %mul3A_691 = arith.muli %scan3A_689, %mul3A_690 : i32
      %get3A_692 = arith.constant 3 : i32
      %get3A_693 = arith.index_cast %get3A_692 : i32 to index
      %get3A_694 = arith.index_cast %mul3A_691 : i32 to index
      %get3A_695 = tpu.vector_load %arg12[%get3A_693, %get3A_694] {strides = array<i32>} : memref<32x1024xf32, #tpu.memory_space<vmem>>, vector<1x16xf32>,
      %get3A_696 = vector.shape_cast %get3A_695 : vector<1x16xf32> to vector<16xf32>
      %mul3A_697 = vector.broadcast %squeeze3A_394 : f32 to vector<16xf32>
      %mul3A_698 = arith.mulf %mul3A_697, %get3A_696 : vector<16xf32>
      %get3A_699 = arith.constant 3 : i32
      %get3A_700 = arith.index_cast %get3A_699 : i32 to index
      %get3A_701 = arith.index_cast %mul3A_691 : i32 to index
      %get3A_702 = tpu.vector_load %arg13[%get3A_700, %get3A_701] {strides = array<i32>} : memref<32x1024xf32, #tpu.memory_space<vmem>>, vector<1x16xf32>,
      %get3A_703 = vector.shape_cast %get3A_702 : vector<1x16xf32> to vector<16xf32>
      %mul3A_704 = vector.broadcast %squeeze3A_396 : f32 to vector<16xf32>
      %mul3A_705 = arith.mulf %mul3A_704, %get3A_703 : vector<16xf32>
      %add3A_706 = arith.addf %mul3A_698, %mul3A_705 : vector<16xf32>
      %swap3A = arith.constant 3 : i32
      %swap3A_707 = arith.index_cast %swap3A : i32 to index
      %swap3A_708 = arith.index_cast %mul3A_691 : i32 to index
      %swap3A_709 = tpu.vector_load %arg12[%swap3A_707, %swap3A_708] {strides = array<i32>} : memref<32x1024xf32, #tpu.memory_space<vmem>>, vector<1x16xf32>,
      %swap3A_710 = vector.shape_cast %swap3A_709 : vector<1x16xf32> to vector<16xf32>
      %swap3A_711 = vector.shape_cast %add3A_706 : vector<16xf32> to vector<1x16xf32>
      tpu.vector_store %arg12[%swap3A_707, %swap3A_708], %swap3A_711 {strides = array<i32>} : memref<32x1024xf32, #tpu.memory_space<vmem>>, vector<1x16xf32>,
    }
    %scan3A_402 = arith.constant 64 : i32
    %slice3A_403 = vector.extract_strided_slice %get3A_359 {offsets = [4], sizes = [1], strides = [1]} : vector<16xf32> to vector<1xf32>
    %squeeze3A_404 = vector.extract %slice3A_403[0] : f32 from vector<1xf32>
    %slice3A_405 = vector.extract_strided_slice %get3A_362 {offsets = [4], sizes = [1], strides = [1]} : vector<16xf32> to vector<1xf32>
    %squeeze3A_406 = vector.extract %slice3A_405[0] : f32 from vector<1xf32>
    %scan3A_407 = arith.constant 0 : i32
    %scan3A_408 = arith.constant 0 : i32
    %scan3A_409 = arith.constant 64 : i32
    %scan3A_410 = arith.addi %scan3A_408, %scan3A_409 : i32
    %scan3A_411 = arith.constant 1 : i32
    scf.for %scan3A_689 = %scan3A_408 to %scan3A_410 step %scan3A_411  : i32 {
      %mul3A_690 = arith.constant 16 : i32
      %mul3A_691 = arith.muli %scan3A_689, %mul3A_690 : i32
      %get3A_692 = arith.constant 4 : i32
      %get3A_693 = arith.index_cast %get3A_692 : i32 to index
      %get3A_694 = arith.index_cast %mul3A_691 : i32 to index
      %get3A_695 = tpu.vector_load %arg12[%get3A_693, %get3A_694] {strides = array<i32>} : memref<32x1024xf32, #tpu.memory_space<vmem>>, vector<1x16xf32>,
      %get3A_696 = vector.shape_cast %get3A_695 : vector<1x16xf32> to vector<16xf32>
      %mul3A_697 = vector.broadcast %squeeze3A_404 : f32 to vector<16xf32>
      %mul3A_698 = arith.mulf %mul3A_697, %get3A_696 : vector<16xf32>
      %get3A_699 = arith.constant 4 : i32
      %get3A_700 = arith.index_cast %get3A_699 : i32 to index
      %get3A_701 = arith.index_cast %mul3A_691 : i32 to index
      %get3A_702 = tpu.vector_load %arg13[%get3A_700, %get3A_701] {strides = array<i32>} : memref<32x1024xf32, #tpu.memory_space<vmem>>, vector<1x16xf32>,
      %get3A_703 = vector.shape_cast %get3A_702 : vector<1x16xf32> to vector<16xf32>
      %mul3A_704 = vector.broadcast %squeeze3A_406 : f32 to vector<16xf32>
      %mul3A_705 = arith.mulf %mul3A_704, %get3A_703 : vector<16xf32>
      %add3A_706 = arith.addf %mul3A_698, %mul3A_705 : vector<16xf32>
      %swap3A = arith.constant 4 : i32
      %swap3A_707 = arith.index_cast %swap3A : i32 to index
      %swap3A_708 = arith.index_cast %mul3A_691 : i32 to index
      %swap3A_709 = tpu.vector_load %arg12[%swap3A_707, %swap3A_708] {strides = array<i32>} : memref<32x1024xf32, #tpu.memory_space<vmem>>, vector<1x16xf32>,
      %swap3A_710 = vector.shape_cast %swap3A_709 : vector<1x16xf32> to vector<16xf32>
      %swap3A_711 = vector.shape_cast %add3A_706 : vector<16xf32> to vector<1x16xf32>
      tpu.vector_store %arg12[%swap3A_707, %swap3A_708], %swap3A_711 {strides = array<i32>} : memref<32x1024xf32, #tpu.memory_space<vmem>>, vector<1x16xf32>,
    }
    %scan3A_412 = arith.constant 64 : i32
    %slice3A_413 = vector.extract_strided_slice %get3A_359 {offsets = [5], sizes = [1], strides = [1]} : vector<16xf32> to vector<1xf32>
    %squeeze3A_414 = vector.extract %slice3A_413[0] : f32 from vector<1xf32>
    %slice3A_415 = vector.extract_strided_slice %get3A_362 {offsets = [5], sizes = [1], strides = [1]} : vector<16xf32> to vector<1xf32>
    %squeeze3A_416 = vector.extract %slice3A_415[0] : f32 from vector<1xf32>
    %scan3A_417 = arith.constant 0 : i32
    %scan3A_418 = arith.constant 0 : i32
    %scan3A_419 = arith.constant 64 : i32
    %scan3A_420 = arith.addi %scan3A_418, %scan3A_419 : i32
    %scan3A_421 = arith.constant 1 : i32
    scf.for %scan3A_689 = %scan3A_418 to %scan3A_420 step %scan3A_421  : i32 {
      %mul3A_690 = arith.constant 16 : i32
      %mul3A_691 = arith.muli %scan3A_689, %mul3A_690 : i32
      %get3A_692 = arith.constant 5 : i32
      %get3A_693 = arith.index_cast %get3A_692 : i32 to index
      %get3A_694 = arith.index_cast %mul3A_691 : i32 to index
      %get3A_695 = tpu.vector_load %arg12[%get3A_693, %get3A_694] {strides = array<i32>} : memref<32x1024xf32, #tpu.memory_space<vmem>>, vector<1x16xf32>,
      %get3A_696 = vector.shape_cast %get3A_695 : vector<1x16xf32> to vector<16xf32>
      %mul3A_697 = vector.broadcast %squeeze3A_414 : f32 to vector<16xf32>
      %mul3A_698 = arith.mulf %mul3A_697, %get3A_696 : vector<16xf32>
      %get3A_699 = arith.constant 5 : i32
      %get3A_700 = arith.index_cast %get3A_699 : i32 to index
      %get3A_701 = arith.index_cast %mul3A_691 : i32 to index
      %get3A_702 = tpu.vector_load %arg13[%get3A_700, %get3A_701] {strides = array<i32>} : memref<32x1024xf32, #tpu.memory_space<vmem>>, vector<1x16xf32>,
      %get3A_703 = vector.shape_cast %get3A_702 : vector<1x16xf32> to vector<16xf32>
      %mul3A_704 = vector.broadcast %squeeze3A_416 : f32 to vector<16xf32>
      %mul3A_705 = arith.mulf %mul3A_704, %get3A_703 : vector<16xf32>
      %add3A_706 = arith.addf %mul3A_698, %mul3A_705 : vector<16xf32>
      %swap3A = arith.constant 5 : i32
      %swap3A_707 = arith.index_cast %swap3A : i32 to index
      %swap3A_708 = arith.index_cast %mul3A_691 : i32 to index
      %swap3A_709 = tpu.vector_load %arg12[%swap3A_707, %swap3A_708] {strides = array<i32>} : memref<32x1024xf32, #tpu.memory_space<vmem>>, vector<1x16xf32>,
      %swap3A_710 = vector.shape_cast %swap3A_709 : vector<1x16xf32> to vector<16xf32>
      %swap3A_711 = vector.shape_cast %add3A_706 : vector<16xf32> to vector<1x16xf32>
      tpu.vector_store %arg12[%swap3A_707, %swap3A_708], %swap3A_711 {strides = array<i32>} : memref<32x1024xf32, #tpu.memory_space<vmem>>, vector<1x16xf32>,
    }
    %scan3A_422 = arith.constant 64 : i32
    %slice3A_423 = vector.extract_strided_slice %get3A_359 {offsets = [6], sizes = [1], strides = [1]} : vector<16xf32> to vector<1xf32>
    %squeeze3A_424 = vector.extract %slice3A_423[0] : f32 from vector<1xf32>
    %slice3A_425 = vector.extract_strided_slice %get3A_362 {offsets = [6], sizes = [1], strides = [1]} : vector<16xf32> to vector<1xf32>
    %squeeze3A_426 = vector.extract %slice3A_425[0] : f32 from vector<1xf32>
    %scan3A_427 = arith.constant 0 : i32
    %scan3A_428 = arith.constant 0 : i32
    %scan3A_429 = arith.constant 64 : i32
    %scan3A_430 = arith.addi %scan3A_428, %scan3A_429 : i32
    %scan3A_431 = arith.constant 1 : i32
    scf.for %scan3A_689 = %scan3A_428 to %scan3A_430 step %scan3A_431  : i32 {
      %mul3A_690 = arith.constant 16 : i32
      %mul3A_691 = arith.muli %scan3A_689, %mul3A_690 : i32
      %get3A_692 = arith.constant 6 : i32
      %get3A_693 = arith.index_cast %get3A_692 : i32 to index
      %get3A_694 = arith.index_cast %mul3A_691 : i32 to index
      %get3A_695 = tpu.vector_load %arg12[%get3A_693, %get3A_694] {strides = array<i32>} : memref<32x1024xf32, #tpu.memory_space<vmem>>, vector<1x16xf32>,
      %get3A_696 = vector.shape_cast %get3A_695 : vector<1x16xf32> to vector<16xf32>
      %mul3A_697 = vector.broadcast %squeeze3A_424 : f32 to vector<16xf32>
      %mul3A_698 = arith.mulf %mul3A_697, %get3A_696 : vector<16xf32>
      %get3A_699 = arith.constant 6 : i32
      %get3A_700 = arith.index_cast %get3A_699 : i32 to index
      %get3A_701 = arith.index_cast %mul3A_691 : i32 to index
      %get3A_702 = tpu.vector_load %arg13[%get3A_700, %get3A_701] {strides = array<i32>} : memref<32x1024xf32, #tpu.memory_space<vmem>>, vector<1x16xf32>,
      %get3A_703 = vector.shape_cast %get3A_702 : vector<1x16xf32> to vector<16xf32>
      %mul3A_704 = vector.broadcast %squeeze3A_426 : f32 to vector<16xf32>
      %mul3A_705 = arith.mulf %mul3A_704, %get3A_703 : vector<16xf32>
      %add3A_706 = arith.addf %mul3A_698, %mul3A_705 : vector<16xf32>
      %swap3A = arith.constant 6 : i32
      %swap3A_707 = arith.index_cast %swap3A : i32 to index
      %swap3A_708 = arith.index_cast %mul3A_691 : i32 to index
      %swap3A_709 = tpu.vector_load %arg12[%swap3A_707, %swap3A_708] {strides = array<i32>} : memref<32x1024xf32, #tpu.memory_space<vmem>>, vector<1x16xf32>,
      %swap3A_710 = vector.shape_cast %swap3A_709 : vector<1x16xf32> to vector<16xf32>
      %swap3A_711 = vector.shape_cast %add3A_706 : vector<16xf32> to vector<1x16xf32>
      tpu.vector_store %arg12[%swap3A_707, %swap3A_708], %swap3A_711 {strides = array<i32>} : memref<32x1024xf32, #tpu.memory_space<vmem>>, vector<1x16xf32>,
    }
    %scan3A_432 = arith.constant 64 : i32
    %slice3A_433 = vector.extract_strided_slice %get3A_359 {offsets = [7], sizes = [1], strides = [1]} : vector<16xf32> to vector<1xf32>
    %squeeze3A_434 = vector.extract %slice3A_433[0] : f32 from vector<1xf32>
    %slice3A_435 = vector.extract_strided_slice %get3A_362 {offsets = [7], sizes = [1], strides = [1]} : vector<16xf32> to vector<1xf32>
    %squeeze3A_436 = vector.extract %slice3A_435[0] : f32 from vector<1xf32>
    %scan3A_437 = arith.constant 0 : i32
    %scan3A_438 = arith.constant 0 : i32
    %scan3A_439 = arith.constant 64 : i32
    %scan3A_440 = arith.addi %scan3A_438, %scan3A_439 : i32
    %scan3A_441 = arith.constant 1 : i32
    scf.for %scan3A_689 = %scan3A_438 to %scan3A_440 step %scan3A_441  : i32 {
      %mul3A_690 = arith.constant 16 : i32
      %mul3A_691 = arith.muli %scan3A_689, %mul3A_690 : i32
      %get3A_692 = arith.constant 7 : i32
      %get3A_693 = arith.index_cast %get3A_692 : i32 to index
      %get3A_694 = arith.index_cast %mul3A_691 : i32 to index
      %get3A_695 = tpu.vector_load %arg12[%get3A_693, %get3A_694] {strides = array<i32>} : memref<32x1024xf32, #tpu.memory_space<vmem>>, vector<1x16xf32>,
      %get3A_696 = vector.shape_cast %get3A_695 : vector<1x16xf32> to vector<16xf32>
      %mul3A_697 = vector.broadcast %squeeze3A_434 : f32 to vector<16xf32>
      %mul3A_698 = arith.mulf %mul3A_697, %get3A_696 : vector<16xf32>
      %get3A_699 = arith.constant 7 : i32
      %get3A_700 = arith.index_cast %get3A_699 : i32 to index
      %get3A_701 = arith.index_cast %mul3A_691 : i32 to index
      %get3A_702 = tpu.vector_load %arg13[%get3A_700, %get3A_701] {strides = array<i32>} : memref<32x1024xf32, #tpu.memory_space<vmem>>, vector<1x16xf32>,
      %get3A_703 = vector.shape_cast %get3A_702 : vector<1x16xf32> to vector<16xf32>
      %mul3A_704 = vector.broadcast %squeeze3A_436 : f32 to vector<16xf32>
      %mul3A_705 = arith.mulf %mul3A_704, %get3A_703 : vector<16xf32>
      %add3A_706 = arith.addf %mul3A_698, %mul3A_705 : vector<16xf32>
      %swap3A = arith.constant 7 : i32
      %swap3A_707 = arith.index_cast %swap3A : i32 to index
      %swap3A_708 = arith.index_cast %mul3A_691 : i32 to index
      %swap3A_709 = tpu.vector_load %arg12[%swap3A_707, %swap3A_708] {strides = array<i32>} : memref<32x1024xf32, #tpu.memory_space<vmem>>, vector<1x16xf32>,
      %swap3A_710 = vector.shape_cast %swap3A_709 : vector<1x16xf32> to vector<16xf32>
      %swap3A_711 = vector.shape_cast %add3A_706 : vector<16xf32> to vector<1x16xf32>
      tpu.vector_store %arg12[%swap3A_707, %swap3A_708], %swap3A_711 {strides = array<i32>} : memref<32x1024xf32, #tpu.memory_space<vmem>>, vector<1x16xf32>,
    }
    %scan3A_442 = arith.constant 64 : i32
    %slice3A_443 = vector.extract_strided_slice %get3A_359 {offsets = [8], sizes = [1], strides = [1]} : vector<16xf32> to vector<1xf32>
    %squeeze3A_444 = vector.extract %slice3A_443[0] : f32 from vector<1xf32>
    %slice3A_445 = vector.extract_strided_slice %get3A_362 {offsets = [8], sizes = [1], strides = [1]} : vector<16xf32> to vector<1xf32>
    %squeeze3A_446 = vector.extract %slice3A_445[0] : f32 from vector<1xf32>
    %scan3A_447 = arith.constant 0 : i32
    %scan3A_448 = arith.constant 0 : i32
    %scan3A_449 = arith.constant 64 : i32
    %scan3A_450 = arith.addi %scan3A_448, %scan3A_449 : i32
    %scan3A_451 = arith.constant 1 : i32
    scf.for %scan3A_689 = %scan3A_448 to %scan3A_450 step %scan3A_451  : i32 {
      %mul3A_690 = arith.constant 16 : i32
      %mul3A_691 = arith.muli %scan3A_689, %mul3A_690 : i32
      %get3A_692 = arith.constant 8 : i32
      %get3A_693 = arith.index_cast %get3A_692 : i32 to index
      %get3A_694 = arith.index_cast %mul3A_691 : i32 to index
      %get3A_695 = tpu.vector_load %arg12[%get3A_693, %get3A_694] {strides = array<i32>} : memref<32x1024xf32, #tpu.memory_space<vmem>>, vector<1x16xf32>,
      %get3A_696 = vector.shape_cast %get3A_695 : vector<1x16xf32> to vector<16xf32>
      %mul3A_697 = vector.broadcast %squeeze3A_444 : f32 to vector<16xf32>
      %mul3A_698 = arith.mulf %mul3A_697, %get3A_696 : vector<16xf32>
      %get3A_699 = arith.constant 8 : i32
      %get3A_700 = arith.index_cast %get3A_699 : i32 to index
      %get3A_701 = arith.index_cast %mul3A_691 : i32 to index
      %get3A_702 = tpu.vector_load %arg13[%get3A_700, %get3A_701] {strides = array<i32>} : memref<32x1024xf32, #tpu.memory_space<vmem>>, vector<1x16xf32>,
      %get3A_703 = vector.shape_cast %get3A_702 : vector<1x16xf32> to vector<16xf32>
      %mul3A_704 = vector.broadcast %squeeze3A_446 : f32 to vector<16xf32>
      %mul3A_705 = arith.mulf %mul3A_704, %get3A_703 : vector<16xf32>
      %add3A_706 = arith.addf %mul3A_698, %mul3A_705 : vector<16xf32>
      %swap3A = arith.constant 8 : i32
      %swap3A_707 = arith.index_cast %swap3A : i32 to index
      %swap3A_708 = arith.index_cast %mul3A_691 : i32 to index
      %swap3A_709 = tpu.vector_load %arg12[%swap3A_707, %swap3A_708] {strides = array<i32>} : memref<32x1024xf32, #tpu.memory_space<vmem>>, vector<1x16xf32>,
      %swap3A_710 = vector.shape_cast %swap3A_709 : vector<1x16xf32> to vector<16xf32>
      %swap3A_711 = vector.shape_cast %add3A_706 : vector<16xf32> to vector<1x16xf32>
      tpu.vector_store %arg12[%swap3A_707, %swap3A_708], %swap3A_711 {strides = array<i32>} : memref<32x1024xf32, #tpu.memory_space<vmem>>, vector<1x16xf32>,
    }
    %scan3A_452 = arith.constant 64 : i32
    %slice3A_453 = vector.extract_strided_slice %get3A_359 {offsets = [9], sizes = [1], strides = [1]} : vector<16xf32> to vector<1xf32>
    %squeeze3A_454 = vector.extract %slice3A_453[0] : f32 from vector<1xf32>
    %slice3A_455 = vector.extract_strided_slice %get3A_362 {offsets = [9], sizes = [1], strides = [1]} : vector<16xf32> to vector<1xf32>
    %squeeze3A_456 = vector.extract %slice3A_455[0] : f32 from vector<1xf32>
    %scan3A_457 = arith.constant 0 : i32
    %scan3A_458 = arith.constant 0 : i32
    %scan3A_459 = arith.constant 64 : i32
    %scan3A_460 = arith.addi %scan3A_458, %scan3A_459 : i32
    %scan3A_461 = arith.constant 1 : i32
    scf.for %scan3A_689 = %scan3A_458 to %scan3A_460 step %scan3A_461  : i32 {
      %mul3A_690 = arith.constant 16 : i32
      %mul3A_691 = arith.muli %scan3A_689, %mul3A_690 : i32
      %get3A_692 = arith.constant 9 : i32
      %get3A_693 = arith.index_cast %get3A_692 : i32 to index
      %get3A_694 = arith.index_cast %mul3A_691 : i32 to index
      %get3A_695 = tpu.vector_load %arg12[%get3A_693, %get3A_694] {strides = array<i32>} : memref<32x1024xf32, #tpu.memory_space<vmem>>, vector<1x16xf32>,
      %get3A_696 = vector.shape_cast %get3A_695 : vector<1x16xf32> to vector<16xf32>
      %mul3A_697 = vector.broadcast %squeeze3A_454 : f32 to vector<16xf32>
      %mul3A_698 = arith.mulf %mul3A_697, %get3A_696 : vector<16xf32>
      %get3A_699 = arith.constant 9 : i32
      %get3A_700 = arith.index_cast %get3A_699 : i32 to index
      %get3A_701 = arith.index_cast %mul3A_691 : i32 to index
      %get3A_702 = tpu.vector_load %arg13[%get3A_700, %get3A_701] {strides = array<i32>} : memref<32x1024xf32, #tpu.memory_space<vmem>>, vector<1x16xf32>,
      %get3A_703 = vector.shape_cast %get3A_702 : vector<1x16xf32> to vector<16xf32>
      %mul3A_704 = vector.broadcast %squeeze3A_456 : f32 to vector<16xf32>
      %mul3A_705 = arith.mulf %mul3A_704, %get3A_703 : vector<16xf32>
      %add3A_706 = arith.addf %mul3A_698, %mul3A_705 : vector<16xf32>
      %swap3A = arith.constant 9 : i32
      %swap3A_707 = arith.index_cast %swap3A : i32 to index
      %swap3A_708 = arith.index_cast %mul3A_691 : i32 to index
      %swap3A_709 = tpu.vector_load %arg12[%swap3A_707, %swap3A_708] {strides = array<i32>} : memref<32x1024xf32, #tpu.memory_space<vmem>>, vector<1x16xf32>,
      %swap3A_710 = vector.shape_cast %swap3A_709 : vector<1x16xf32> to vector<16xf32>
      %swap3A_711 = vector.shape_cast %add3A_706 : vector<16xf32> to vector<1x16xf32>
      tpu.vector_store %arg12[%swap3A_707, %swap3A_708], %swap3A_711 {strides = array<i32>} : memref<32x1024xf32, #tpu.memory_space<vmem>>, vector<1x16xf32>,
    }
    %scan3A_462 = arith.constant 64 : i32
    %slice3A_463 = vector.extract_strided_slice %get3A_359 {offsets = [10], sizes = [1], strides = [1]} : vector<16xf32> to vector<1xf32>
    %squeeze3A_464 = vector.extract %slice3A_463[0] : f32 from vector<1xf32>
    %slice3A_465 = vector.extract_strided_slice %get3A_362 {offsets = [10], sizes = [1], strides = [1]} : vector<16xf32> to vector<1xf32>
    %squeeze3A_466 = vector.extract %slice3A_465[0] : f32 from vector<1xf32>
    %scan3A_467 = arith.constant 0 : i32
    %scan3A_468 = arith.constant 0 : i32
    %scan3A_469 = arith.constant 64 : i32
    %scan3A_470 = arith.addi %scan3A_468, %scan3A_469 : i32
    %scan3A_471 = arith.constant 1 : i32
    scf.for %scan3A_689 = %scan3A_468 to %scan3A_470 step %scan3A_471  : i32 {
      %mul3A_690 = arith.constant 16 : i32
      %mul3A_691 = arith.muli %scan3A_689, %mul3A_690 : i32
      %get3A_692 = arith.constant 10 : i32
      %get3A_693 = arith.index_cast %get3A_692 : i32 to index
      %get3A_694 = arith.index_cast %mul3A_691 : i32 to index
      %get3A_695 = tpu.vector_load %arg12[%get3A_693, %get3A_694] {strides = array<i32>} : memref<32x1024xf32, #tpu.memory_space<vmem>>, vector<1x16xf32>,
      %get3A_696 = vector.shape_cast %get3A_695 : vector<1x16xf32> to vector<16xf32>
      %mul3A_697 = vector.broadcast %squeeze3A_464 : f32 to vector<16xf32>
      %mul3A_698 = arith.mulf %mul3A_697, %get3A_696 : vector<16xf32>
      %get3A_699 = arith.constant 10 : i32
      %get3A_700 = arith.index_cast %get3A_699 : i32 to index
      %get3A_701 = arith.index_cast %mul3A_691 : i32 to index
      %get3A_702 = tpu.vector_load %arg13[%get3A_700, %get3A_701] {strides = array<i32>} : memref<32x1024xf32, #tpu.memory_space<vmem>>, vector<1x16xf32>,
      %get3A_703 = vector.shape_cast %get3A_702 : vector<1x16xf32> to vector<16xf32>
      %mul3A_704 = vector.broadcast %squeeze3A_466 : f32 to vector<16xf32>
      %mul3A_705 = arith.mulf %mul3A_704, %get3A_703 : vector<16xf32>
      %add3A_706 = arith.addf %mul3A_698, %mul3A_705 : vector<16xf32>
      %swap3A = arith.constant 10 : i32
      %swap3A_707 = arith.index_cast %swap3A : i32 to index
      %swap3A_708 = arith.index_cast %mul3A_691 : i32 to index
      %swap3A_709 = tpu.vector_load %arg12[%swap3A_707, %swap3A_708] {strides = array<i32>} : memref<32x1024xf32, #tpu.memory_space<vmem>>, vector<1x16xf32>,
      %swap3A_710 = vector.shape_cast %swap3A_709 : vector<1x16xf32> to vector<16xf32>
      %swap3A_711 = vector.shape_cast %add3A_706 : vector<16xf32> to vector<1x16xf32>
      tpu.vector_store %arg12[%swap3A_707, %swap3A_708], %swap3A_711 {strides = array<i32>} : memref<32x1024xf32, #tpu.memory_space<vmem>>, vector<1x16xf32>,
    }
    %scan3A_472 = arith.constant 64 : i32
    %slice3A_473 = vector.extract_strided_slice %get3A_359 {offsets = [11], sizes = [1], strides = [1]} : vector<16xf32> to vector<1xf32>
    %squeeze3A_474 = vector.extract %slice3A_473[0] : f32 from vector<1xf32>
    %slice3A_475 = vector.extract_strided_slice %get3A_362 {offsets = [11], sizes = [1], strides = [1]} : vector<16xf32> to vector<1xf32>
    %squeeze3A_476 = vector.extract %slice3A_475[0] : f32 from vector<1xf32>
    %scan3A_477 = arith.constant 0 : i32
    %scan3A_478 = arith.constant 0 : i32
    %scan3A_479 = arith.constant 64 : i32
    %scan3A_480 = arith.addi %scan3A_478, %scan3A_479 : i32
    %scan3A_481 = arith.constant 1 : i32
    scf.for %scan3A_689 = %scan3A_478 to %scan3A_480 step %scan3A_481  : i32 {
      %mul3A_690 = arith.constant 16 : i32
      %mul3A_691 = arith.muli %scan3A_689, %mul3A_690 : i32
      %get3A_692 = arith.constant 11 : i32
      %get3A_693 = arith.index_cast %get3A_692 : i32 to index
      %get3A_694 = arith.index_cast %mul3A_691 : i32 to index
      %get3A_695 = tpu.vector_load %arg12[%get3A_693, %get3A_694] {strides = array<i32>} : memref<32x1024xf32, #tpu.memory_space<vmem>>, vector<1x16xf32>,
      %get3A_696 = vector.shape_cast %get3A_695 : vector<1x16xf32> to vector<16xf32>
      %mul3A_697 = vector.broadcast %squeeze3A_474 : f32 to vector<16xf32>
      %mul3A_698 = arith.mulf %mul3A_697, %get3A_696 : vector<16xf32>
      %get3A_699 = arith.constant 11 : i32
      %get3A_700 = arith.index_cast %get3A_699 : i32 to index
      %get3A_701 = arith.index_cast %mul3A_691 : i32 to index
      %get3A_702 = tpu.vector_load %arg13[%get3A_700, %get3A_701] {strides = array<i32>} : memref<32x1024xf32, #tpu.memory_space<vmem>>, vector<1x16xf32>,
      %get3A_703 = vector.shape_cast %get3A_702 : vector<1x16xf32> to vector<16xf32>
      %mul3A_704 = vector.broadcast %squeeze3A_476 : f32 to vector<16xf32>
      %mul3A_705 = arith.mulf %mul3A_704, %get3A_703 : vector<16xf32>
      %add3A_706 = arith.addf %mul3A_698, %mul3A_705 : vector<16xf32>
      %swap3A = arith.constant 11 : i32
      %swap3A_707 = arith.index_cast %swap3A : i32 to index
      %swap3A_708 = arith.index_cast %mul3A_691 : i32 to index
      %swap3A_709 = tpu.vector_load %arg12[%swap3A_707, %swap3A_708] {strides = array<i32>} : memref<32x1024xf32, #tpu.memory_space<vmem>>, vector<1x16xf32>,
      %swap3A_710 = vector.shape_cast %swap3A_709 : vector<1x16xf32> to vector<16xf32>
      %swap3A_711 = vector.shape_cast %add3A_706 : vector<16xf32> to vector<1x16xf32>
      tpu.vector_store %arg12[%swap3A_707, %swap3A_708], %swap3A_711 {strides = array<i32>} : memref<32x1024xf32, #tpu.memory_space<vmem>>, vector<1x16xf32>,
    }
    %scan3A_482 = arith.constant 64 : i32
    %slice3A_483 = vector.extract_strided_slice %get3A_359 {offsets = [12], sizes = [1], strides = [1]} : vector<16xf32> to vector<1xf32>
    %squeeze3A_484 = vector.extract %slice3A_483[0] : f32 from vector<1xf32>
    %slice3A_485 = vector.extract_strided_slice %get3A_362 {offsets = [12], sizes = [1], strides = [1]} : vector<16xf32> to vector<1xf32>
    %squeeze3A_486 = vector.extract %slice3A_485[0] : f32 from vector<1xf32>
    %scan3A_487 = arith.constant 0 : i32
    %scan3A_488 = arith.constant 0 : i32
    %scan3A_489 = arith.constant 64 : i32
    %scan3A_490 = arith.addi %scan3A_488, %scan3A_489 : i32
    %scan3A_491 = arith.constant 1 : i32
    scf.for %scan3A_689 = %scan3A_488 to %scan3A_490 step %scan3A_491  : i32 {
      %mul3A_690 = arith.constant 16 : i32
      %mul3A_691 = arith.muli %scan3A_689, %mul3A_690 : i32
      %get3A_692 = arith.constant 12 : i32
      %get3A_693 = arith.index_cast %get3A_692 : i32 to index
      %get3A_694 = arith.index_cast %mul3A_691 : i32 to index
      %get3A_695 = tpu.vector_load %arg12[%get3A_693, %get3A_694] {strides = array<i32>} : memref<32x1024xf32, #tpu.memory_space<vmem>>, vector<1x16xf32>,
      %get3A_696 = vector.shape_cast %get3A_695 : vector<1x16xf32> to vector<16xf32>
      %mul3A_697 = vector.broadcast %squeeze3A_484 : f32 to vector<16xf32>
      %mul3A_698 = arith.mulf %mul3A_697, %get3A_696 : vector<16xf32>
      %get3A_699 = arith.constant 12 : i32
      %get3A_700 = arith.index_cast %get3A_699 : i32 to index
      %get3A_701 = arith.index_cast %mul3A_691 : i32 to index
      %get3A_702 = tpu.vector_load %arg13[%get3A_700, %get3A_701] {strides = array<i32>} : memref<32x1024xf32, #tpu.memory_space<vmem>>, vector<1x16xf32>,
      %get3A_703 = vector.shape_cast %get3A_702 : vector<1x16xf32> to vector<16xf32>
      %mul3A_704 = vector.broadcast %squeeze3A_486 : f32 to vector<16xf32>
      %mul3A_705 = arith.mulf %mul3A_704, %get3A_703 : vector<16xf32>
      %add3A_706 = arith.addf %mul3A_698, %mul3A_705 : vector<16xf32>
      %swap3A = arith.constant 12 : i32
      %swap3A_707 = arith.index_cast %swap3A : i32 to index
      %swap3A_708 = arith.index_cast %mul3A_691 : i32 to index
      %swap3A_709 = tpu.vector_load %arg12[%swap3A_707, %swap3A_708] {strides = array<i32>} : memref<32x1024xf32, #tpu.memory_space<vmem>>, vector<1x16xf32>,
      %swap3A_710 = vector.shape_cast %swap3A_709 : vector<1x16xf32> to vector<16xf32>
      %swap3A_711 = vector.shape_cast %add3A_706 : vector<16xf32> to vector<1x16xf32>
      tpu.vector_store %arg12[%swap3A_707, %swap3A_708], %swap3A_711 {strides = array<i32>} : memref<32x1024xf32, #tpu.memory_space<vmem>>, vector<1x16xf32>,
    }
    %scan3A_492 = arith.constant 64 : i32
    %slice3A_493 = vector.extract_strided_slice %get3A_359 {offsets = [13], sizes = [1], strides = [1]} : vector<16xf32> to vector<1xf32>
    %squeeze3A_494 = vector.extract %slice3A_493[0] : f32 from vector<1xf32>
    %slice3A_495 = vector.extract_strided_slice %get3A_362 {offsets = [13], sizes = [1], strides = [1]} : vector<16xf32> to vector<1xf32>
    %squeeze3A_496 = vector.extract %slice3A_495[0] : f32 from vector<1xf32>
    %scan3A_497 = arith.constant 0 : i32
    %scan3A_498 = arith.constant 0 : i32
    %scan3A_499 = arith.constant 64 : i32
    %scan3A_500 = arith.addi %scan3A_498, %scan3A_499 : i32
    %scan3A_501 = arith.constant 1 : i32
    scf.for %scan3A_689 = %scan3A_498 to %scan3A_500 step %scan3A_501  : i32 {
      %mul3A_690 = arith.constant 16 : i32
      %mul3A_691 = arith.muli %scan3A_689, %mul3A_690 : i32
      %get3A_692 = arith.constant 13 : i32
      %get3A_693 = arith.index_cast %get3A_692 : i32 to index
      %get3A_694 = arith.index_cast %mul3A_691 : i32 to index
      %get3A_695 = tpu.vector_load %arg12[%get3A_693, %get3A_694] {strides = array<i32>} : memref<32x1024xf32, #tpu.memory_space<vmem>>, vector<1x16xf32>,
      %get3A_696 = vector.shape_cast %get3A_695 : vector<1x16xf32> to vector<16xf32>
      %mul3A_697 = vector.broadcast %squeeze3A_494 : f32 to vector<16xf32>
      %mul3A_698 = arith.mulf %mul3A_697, %get3A_696 : vector<16xf32>
      %get3A_699 = arith.constant 13 : i32
      %get3A_700 = arith.index_cast %get3A_699 : i32 to index
      %get3A_701 = arith.index_cast %mul3A_691 : i32 to index
      %get3A_702 = tpu.vector_load %arg13[%get3A_700, %get3A_701] {strides = array<i32>} : memref<32x1024xf32, #tpu.memory_space<vmem>>, vector<1x16xf32>,
      %get3A_703 = vector.shape_cast %get3A_702 : vector<1x16xf32> to vector<16xf32>
      %mul3A_704 = vector.broadcast %squeeze3A_496 : f32 to vector<16xf32>
      %mul3A_705 = arith.mulf %mul3A_704, %get3A_703 : vector<16xf32>
      %add3A_706 = arith.addf %mul3A_698, %mul3A_705 : vector<16xf32>
      %swap3A = arith.constant 13 : i32
      %swap3A_707 = arith.index_cast %swap3A : i32 to index
      %swap3A_708 = arith.index_cast %mul3A_691 : i32 to index
      %swap3A_709 = tpu.vector_load %arg12[%swap3A_707, %swap3A_708] {strides = array<i32>} : memref<32x1024xf32, #tpu.memory_space<vmem>>, vector<1x16xf32>,
      %swap3A_710 = vector.shape_cast %swap3A_709 : vector<1x16xf32> to vector<16xf32>
      %swap3A_711 = vector.shape_cast %add3A_706 : vector<16xf32> to vector<1x16xf32>
      tpu.vector_store %arg12[%swap3A_707, %swap3A_708], %swap3A_711 {strides = array<i32>} : memref<32x1024xf32, #tpu.memory_space<vmem>>, vector<1x16xf32>,
    }
    %scan3A_502 = arith.constant 64 : i32
    %slice3A_503 = vector.extract_strided_slice %get3A_359 {offsets = [14], sizes = [1], strides = [1]} : vector<16xf32> to vector<1xf32>
    %squeeze3A_504 = vector.extract %slice3A_503[0] : f32 from vector<1xf32>
    %slice3A_505 = vector.extract_strided_slice %get3A_362 {offsets = [14], sizes = [1], strides = [1]} : vector<16xf32> to vector<1xf32>
    %squeeze3A_506 = vector.extract %slice3A_505[0] : f32 from vector<1xf32>
    %scan3A_507 = arith.constant 0 : i32
    %scan3A_508 = arith.constant 0 : i32
    %scan3A_509 = arith.constant 64 : i32
    %scan3A_510 = arith.addi %scan3A_508, %scan3A_509 : i32
    %scan3A_511 = arith.constant 1 : i32
    scf.for %scan3A_689 = %scan3A_508 to %scan3A_510 step %scan3A_511  : i32 {
      %mul3A_690 = arith.constant 16 : i32
      %mul3A_691 = arith.muli %scan3A_689, %mul3A_690 : i32
      %get3A_692 = arith.constant 14 : i32
      %get3A_693 = arith.index_cast %get3A_692 : i32 to index
      %get3A_694 = arith.index_cast %mul3A_691 : i32 to index
      %get3A_695 = tpu.vector_load %arg12[%get3A_693, %get3A_694] {strides = array<i32>} : memref<32x1024xf32, #tpu.memory_space<vmem>>, vector<1x16xf32>,
      %get3A_696 = vector.shape_cast %get3A_695 : vector<1x16xf32> to vector<16xf32>
      %mul3A_697 = vector.broadcast %squeeze3A_504 : f32 to vector<16xf32>
      %mul3A_698 = arith.mulf %mul3A_697, %get3A_696 : vector<16xf32>
      %get3A_699 = arith.constant 14 : i32
      %get3A_700 = arith.index_cast %get3A_699 : i32 to index
      %get3A_701 = arith.index_cast %mul3A_691 : i32 to index
      %get3A_702 = tpu.vector_load %arg13[%get3A_700, %get3A_701] {strides = array<i32>} : memref<32x1024xf32, #tpu.memory_space<vmem>>, vector<1x16xf32>,
      %get3A_703 = vector.shape_cast %get3A_702 : vector<1x16xf32> to vector<16xf32>
      %mul3A_704 = vector.broadcast %squeeze3A_506 : f32 to vector<16xf32>
      %mul3A_705 = arith.mulf %mul3A_704, %get3A_703 : vector<16xf32>
      %add3A_706 = arith.addf %mul3A_698, %mul3A_705 : vector<16xf32>
      %swap3A = arith.constant 14 : i32
      %swap3A_707 = arith.index_cast %swap3A : i32 to index
      %swap3A_708 = arith.index_cast %mul3A_691 : i32 to index
      %swap3A_709 = tpu.vector_load %arg12[%swap3A_707, %swap3A_708] {strides = array<i32>} : memref<32x1024xf32, #tpu.memory_space<vmem>>, vector<1x16xf32>,
      %swap3A_710 = vector.shape_cast %swap3A_709 : vector<1x16xf32> to vector<16xf32>
      %swap3A_711 = vector.shape_cast %add3A_706 : vector<16xf32> to vector<1x16xf32>
      tpu.vector_store %arg12[%swap3A_707, %swap3A_708], %swap3A_711 {strides = array<i32>} : memref<32x1024xf32, #tpu.memory_space<vmem>>, vector<1x16xf32>,
    }
    %scan3A_512 = arith.constant 64 : i32
    %slice3A_513 = vector.extract_strided_slice %get3A_359 {offsets = [15], sizes = [1], strides = [1]} : vector<16xf32> to vector<1xf32>
    %squeeze3A_514 = vector.extract %slice3A_513[0] : f32 from vector<1xf32>
    %slice3A_515 = vector.extract_strided_slice %get3A_362 {offsets = [15], sizes = [1], strides = [1]} : vector<16xf32> to vector<1xf32>
    %squeeze3A_516 = vector.extract %slice3A_515[0] : f32 from vector<1xf32>
    %scan3A_517 = arith.constant 0 : i32
    %scan3A_518 = arith.constant 0 : i32
    %scan3A_519 = arith.constant 64 : i32
    %scan3A_520 = arith.addi %scan3A_518, %scan3A_519 : i32
    %scan3A_521 = arith.constant 1 : i32
    scf.for %scan3A_689 = %scan3A_518 to %scan3A_520 step %scan3A_521  : i32 {
      %mul3A_690 = arith.constant 16 : i32
      %mul3A_691 = arith.muli %scan3A_689, %mul3A_690 : i32
      %get3A_692 = arith.constant 15 : i32
      %get3A_693 = arith.index_cast %get3A_692 : i32 to index
      %get3A_694 = arith.index_cast %mul3A_691 : i32 to index
      %get3A_695 = tpu.vector_load %arg12[%get3A_693, %get3A_694] {strides = array<i32>} : memref<32x1024xf32, #tpu.memory_space<vmem>>, vector<1x16xf32>,
      %get3A_696 = vector.shape_cast %get3A_695 : vector<1x16xf32> to vector<16xf32>
      %mul3A_697 = vector.broadcast %squeeze3A_514 : f32 to vector<16xf32>
      %mul3A_698 = arith.mulf %mul3A_697, %get3A_696 : vector<16xf32>
      %get3A_699 = arith.constant 15 : i32
      %get3A_700 = arith.index_cast %get3A_699 : i32 to index
      %get3A_701 = arith.index_cast %mul3A_691 : i32 to index
      %get3A_702 = tpu.vector_load %arg13[%get3A_700, %get3A_701] {strides = array<i32>} : memref<32x1024xf32, #tpu.memory_space<vmem>>, vector<1x16xf32>,
      %get3A_703 = vector.shape_cast %get3A_702 : vector<1x16xf32> to vector<16xf32>
      %mul3A_704 = vector.broadcast %squeeze3A_516 : f32 to vector<16xf32>
      %mul3A_705 = arith.mulf %mul3A_704, %get3A_703 : vector<16xf32>
      %add3A_706 = arith.addf %mul3A_698, %mul3A_705 : vector<16xf32>
      %swap3A = arith.constant 15 : i32
      %swap3A_707 = arith.index_cast %swap3A : i32 to index
      %swap3A_708 = arith.index_cast %mul3A_691 : i32 to index
      %swap3A_709 = tpu.vector_load %arg12[%swap3A_707, %swap3A_708] {strides = array<i32>} : memref<32x1024xf32, #tpu.memory_space<vmem>>, vector<1x16xf32>,
      %swap3A_710 = vector.shape_cast %swap3A_709 : vector<1x16xf32> to vector<16xf32>
      %swap3A_711 = vector.shape_cast %add3A_706 : vector<16xf32> to vector<1x16xf32>
      tpu.vector_store %arg12[%swap3A_707, %swap3A_708], %swap3A_711 {strides = array<i32>} : memref<32x1024xf32, #tpu.memory_space<vmem>>, vector<1x16xf32>,
    }
    %scan3A_522 = arith.constant 64 : i32
    %get3A_523 = arith.constant 16 : index
    %get3A_524 = tpu.vector_load %arg10[%get3A_523] {strides = array<i32>} : memref<32xf32, #tpu.memory_space<vmem>>, vector<16xf32>,
    %get3A_525 = vector.shape_cast %get3A_524 : vector<16xf32> to vector<16xf32>
    %get3A_526 = arith.constant 16 : index
    %get3A_527 = tpu.vector_load %arg11[%get3A_526] {strides = array<i32>} : memref<32xf32, #tpu.memory_space<vmem>>, vector<16xf32>,
    %get3A_528 = vector.shape_cast %get3A_527 : vector<16xf32> to vector<16xf32>
    %slice3A_529 = vector.extract_strided_slice %get3A_525 {offsets = [0], sizes = [1], strides = [1]} : vector<16xf32> to vector<1xf32>
    %squeeze3A_530 = vector.extract %slice3A_529[0] : f32 from vector<1xf32>
    %slice3A_531 = vector.extract_strided_slice %get3A_528 {offsets = [0], sizes = [1], strides = [1]} : vector<16xf32> to vector<1xf32>
    %squeeze3A_532 = vector.extract %slice3A_531[0] : f32 from vector<1xf32>
    %scan3A_533 = arith.constant 0 : i32
    %scan3A_534 = arith.constant 0 : i32
    %scan3A_535 = arith.constant 64 : i32
    %scan3A_536 = arith.addi %scan3A_534, %scan3A_535 : i32
    %scan3A_537 = arith.constant 1 : i32
    scf.for %scan3A_689 = %scan3A_534 to %scan3A_536 step %scan3A_537  : i32 {
      %mul3A_690 = arith.constant 16 : i32
      %mul3A_691 = arith.muli %scan3A_689, %mul3A_690 : i32
      %get3A_692 = arith.constant 16 : i32
      %get3A_693 = arith.index_cast %get3A_692 : i32 to index
      %get3A_694 = arith.index_cast %mul3A_691 : i32 to index
      %get3A_695 = tpu.vector_load %arg12[%get3A_693, %get3A_694] {strides = array<i32>} : memref<32x1024xf32, #tpu.memory_space<vmem>>, vector<1x16xf32>,
      %get3A_696 = vector.shape_cast %get3A_695 : vector<1x16xf32> to vector<16xf32>
      %mul3A_697 = vector.broadcast %squeeze3A_530 : f32 to vector<16xf32>
      %mul3A_698 = arith.mulf %mul3A_697, %get3A_696 : vector<16xf32>
      %get3A_699 = arith.constant 16 : i32
      %get3A_700 = arith.index_cast %get3A_699 : i32 to index
      %get3A_701 = arith.index_cast %mul3A_691 : i32 to index
      %get3A_702 = tpu.vector_load %arg13[%get3A_700, %get3A_701] {strides = array<i32>} : memref<32x1024xf32, #tpu.memory_space<vmem>>, vector<1x16xf32>,
      %get3A_703 = vector.shape_cast %get3A_702 : vector<1x16xf32> to vector<16xf32>
      %mul3A_704 = vector.broadcast %squeeze3A_532 : f32 to vector<16xf32>
      %mul3A_705 = arith.mulf %mul3A_704, %get3A_703 : vector<16xf32>
      %add3A_706 = arith.addf %mul3A_698, %mul3A_705 : vector<16xf32>
      %swap3A = arith.constant 16 : i32
      %swap3A_707 = arith.index_cast %swap3A : i32 to index
      %swap3A_708 = arith.index_cast %mul3A_691 : i32 to index
      %swap3A_709 = tpu.vector_load %arg12[%swap3A_707, %swap3A_708] {strides = array<i32>} : memref<32x1024xf32, #tpu.memory_space<vmem>>, vector<1x16xf32>,
      %swap3A_710 = vector.shape_cast %swap3A_709 : vector<1x16xf32> to vector<16xf32>
      %swap3A_711 = vector.shape_cast %add3A_706 : vector<16xf32> to vector<1x16xf32>
      tpu.vector_store %arg12[%swap3A_707, %swap3A_708], %swap3A_711 {strides = array<i32>} : memref<32x1024xf32, #tpu.memory_space<vmem>>, vector<1x16xf32>,
    }
    %scan3A_538 = arith.constant 64 : i32
    %slice3A_539 = vector.extract_strided_slice %get3A_525 {offsets = [1], sizes = [1], strides = [1]} : vector<16xf32> to vector<1xf32>
    %squeeze3A_540 = vector.extract %slice3A_539[0] : f32 from vector<1xf32>
    %slice3A_541 = vector.extract_strided_slice %get3A_528 {offsets = [1], sizes = [1], strides = [1]} : vector<16xf32> to vector<1xf32>
    %squeeze3A_542 = vector.extract %slice3A_541[0] : f32 from vector<1xf32>
    %scan3A_543 = arith.constant 0 : i32
    %scan3A_544 = arith.constant 0 : i32
    %scan3A_545 = arith.constant 64 : i32
    %scan3A_546 = arith.addi %scan3A_544, %scan3A_545 : i32
    %scan3A_547 = arith.constant 1 : i32
    scf.for %scan3A_689 = %scan3A_544 to %scan3A_546 step %scan3A_547  : i32 {
      %mul3A_690 = arith.constant 16 : i32
      %mul3A_691 = arith.muli %scan3A_689, %mul3A_690 : i32
      %get3A_692 = arith.constant 17 : i32
      %get3A_693 = arith.index_cast %get3A_692 : i32 to index
      %get3A_694 = arith.index_cast %mul3A_691 : i32 to index
      %get3A_695 = tpu.vector_load %arg12[%get3A_693, %get3A_694] {strides = array<i32>} : memref<32x1024xf32, #tpu.memory_space<vmem>>, vector<1x16xf32>,
      %get3A_696 = vector.shape_cast %get3A_695 : vector<1x16xf32> to vector<16xf32>
      %mul3A_697 = vector.broadcast %squeeze3A_540 : f32 to vector<16xf32>
      %mul3A_698 = arith.mulf %mul3A_697, %get3A_696 : vector<16xf32>
      %get3A_699 = arith.constant 17 : i32
      %get3A_700 = arith.index_cast %get3A_699 : i32 to index
      %get3A_701 = arith.index_cast %mul3A_691 : i32 to index
      %get3A_702 = tpu.vector_load %arg13[%get3A_700, %get3A_701] {strides = array<i32>} : memref<32x1024xf32, #tpu.memory_space<vmem>>, vector<1x16xf32>,
      %get3A_703 = vector.shape_cast %get3A_702 : vector<1x16xf32> to vector<16xf32>
      %mul3A_704 = vector.broadcast %squeeze3A_542 : f32 to vector<16xf32>
      %mul3A_705 = arith.mulf %mul3A_704, %get3A_703 : vector<16xf32>
      %add3A_706 = arith.addf %mul3A_698, %mul3A_705 : vector<16xf32>
      %swap3A = arith.constant 17 : i32
      %swap3A_707 = arith.index_cast %swap3A : i32 to index
      %swap3A_708 = arith.index_cast %mul3A_691 : i32 to index
      %swap3A_709 = tpu.vector_load %arg12[%swap3A_707, %swap3A_708] {strides = array<i32>} : memref<32x1024xf32, #tpu.memory_space<vmem>>, vector<1x16xf32>,
      %swap3A_710 = vector.shape_cast %swap3A_709 : vector<1x16xf32> to vector<16xf32>
      %swap3A_711 = vector.shape_cast %add3A_706 : vector<16xf32> to vector<1x16xf32>
      tpu.vector_store %arg12[%swap3A_707, %swap3A_708], %swap3A_711 {strides = array<i32>} : memref<32x1024xf32, #tpu.memory_space<vmem>>, vector<1x16xf32>,
    }
    %scan3A_548 = arith.constant 64 : i32
    %slice3A_549 = vector.extract_strided_slice %get3A_525 {offsets = [2], sizes = [1], strides = [1]} : vector<16xf32> to vector<1xf32>
    %squeeze3A_550 = vector.extract %slice3A_549[0] : f32 from vector<1xf32>
    %slice3A_551 = vector.extract_strided_slice %get3A_528 {offsets = [2], sizes = [1], strides = [1]} : vector<16xf32> to vector<1xf32>
    %squeeze3A_552 = vector.extract %slice3A_551[0] : f32 from vector<1xf32>
    %scan3A_553 = arith.constant 0 : i32
    %scan3A_554 = arith.constant 0 : i32
    %scan3A_555 = arith.constant 64 : i32
    %scan3A_556 = arith.addi %scan3A_554, %scan3A_555 : i32
    %scan3A_557 = arith.constant 1 : i32
    scf.for %scan3A_689 = %scan3A_554 to %scan3A_556 step %scan3A_557  : i32 {
      %mul3A_690 = arith.constant 16 : i32
      %mul3A_691 = arith.muli %scan3A_689, %mul3A_690 : i32
      %get3A_692 = arith.constant 18 : i32
      %get3A_693 = arith.index_cast %get3A_692 : i32 to index
      %get3A_694 = arith.index_cast %mul3A_691 : i32 to index
      %get3A_695 = tpu.vector_load %arg12[%get3A_693, %get3A_694] {strides = array<i32>} : memref<32x1024xf32, #tpu.memory_space<vmem>>, vector<1x16xf32>,
      %get3A_696 = vector.shape_cast %get3A_695 : vector<1x16xf32> to vector<16xf32>
      %mul3A_697 = vector.broadcast %squeeze3A_550 : f32 to vector<16xf32>
      %mul3A_698 = arith.mulf %mul3A_697, %get3A_696 : vector<16xf32>
      %get3A_699 = arith.constant 18 : i32
      %get3A_700 = arith.index_cast %get3A_699 : i32 to index
      %get3A_701 = arith.index_cast %mul3A_691 : i32 to index
      %get3A_702 = tpu.vector_load %arg13[%get3A_700, %get3A_701] {strides = array<i32>} : memref<32x1024xf32, #tpu.memory_space<vmem>>, vector<1x16xf32>,
      %get3A_703 = vector.shape_cast %get3A_702 : vector<1x16xf32> to vector<16xf32>
      %mul3A_704 = vector.broadcast %squeeze3A_552 : f32 to vector<16xf32>
      %mul3A_705 = arith.mulf %mul3A_704, %get3A_703 : vector<16xf32>
      %add3A_706 = arith.addf %mul3A_698, %mul3A_705 : vector<16xf32>
      %swap3A = arith.constant 18 : i32
      %swap3A_707 = arith.index_cast %swap3A : i32 to index
      %swap3A_708 = arith.index_cast %mul3A_691 : i32 to index
      %swap3A_709 = tpu.vector_load %arg12[%swap3A_707, %swap3A_708] {strides = array<i32>} : memref<32x1024xf32, #tpu.memory_space<vmem>>, vector<1x16xf32>,
      %swap3A_710 = vector.shape_cast %swap3A_709 : vector<1x16xf32> to vector<16xf32>
      %swap3A_711 = vector.shape_cast %add3A_706 : vector<16xf32> to vector<1x16xf32>
      tpu.vector_store %arg12[%swap3A_707, %swap3A_708], %swap3A_711 {strides = array<i32>} : memref<32x1024xf32, #tpu.memory_space<vmem>>, vector<1x16xf32>,
    }
    %scan3A_558 = arith.constant 64 : i32
    %slice3A_559 = vector.extract_strided_slice %get3A_525 {offsets = [3], sizes = [1], strides = [1]} : vector<16xf32> to vector<1xf32>
    %squeeze3A_560 = vector.extract %slice3A_559[0] : f32 from vector<1xf32>
    %slice3A_561 = vector.extract_strided_slice %get3A_528 {offsets = [3], sizes = [1], strides = [1]} : vector<16xf32> to vector<1xf32>
    %squeeze3A_562 = vector.extract %slice3A_561[0] : f32 from vector<1xf32>
    %scan3A_563 = arith.constant 0 : i32
    %scan3A_564 = arith.constant 0 : i32
    %scan3A_565 = arith.constant 64 : i32
    %scan3A_566 = arith.addi %scan3A_564, %scan3A_565 : i32
    %scan3A_567 = arith.constant 1 : i32
    scf.for %scan3A_689 = %scan3A_564 to %scan3A_566 step %scan3A_567  : i32 {
      %mul3A_690 = arith.constant 16 : i32
      %mul3A_691 = arith.muli %scan3A_689, %mul3A_690 : i32
      %get3A_692 = arith.constant 19 : i32
      %get3A_693 = arith.index_cast %get3A_692 : i32 to index
      %get3A_694 = arith.index_cast %mul3A_691 : i32 to index
      %get3A_695 = tpu.vector_load %arg12[%get3A_693, %get3A_694] {strides = array<i32>} : memref<32x1024xf32, #tpu.memory_space<vmem>>, vector<1x16xf32>,
      %get3A_696 = vector.shape_cast %get3A_695 : vector<1x16xf32> to vector<16xf32>
      %mul3A_697 = vector.broadcast %squeeze3A_560 : f32 to vector<16xf32>
      %mul3A_698 = arith.mulf %mul3A_697, %get3A_696 : vector<16xf32>
      %get3A_699 = arith.constant 19 : i32
      %get3A_700 = arith.index_cast %get3A_699 : i32 to index
      %get3A_701 = arith.index_cast %mul3A_691 : i32 to index
      %get3A_702 = tpu.vector_load %arg13[%get3A_700, %get3A_701] {strides = array<i32>} : memref<32x1024xf32, #tpu.memory_space<vmem>>, vector<1x16xf32>,
      %get3A_703 = vector.shape_cast %get3A_702 : vector<1x16xf32> to vector<16xf32>
      %mul3A_704 = vector.broadcast %squeeze3A_562 : f32 to vector<16xf32>
      %mul3A_705 = arith.mulf %mul3A_704, %get3A_703 : vector<16xf32>
      %add3A_706 = arith.addf %mul3A_698, %mul3A_705 : vector<16xf32>
      %swap3A = arith.constant 19 : i32
      %swap3A_707 = arith.index_cast %swap3A : i32 to index
      %swap3A_708 = arith.index_cast %mul3A_691 : i32 to index
      %swap3A_709 = tpu.vector_load %arg12[%swap3A_707, %swap3A_708] {strides = array<i32>} : memref<32x1024xf32, #tpu.memory_space<vmem>>, vector<1x16xf32>,
      %swap3A_710 = vector.shape_cast %swap3A_709 : vector<1x16xf32> to vector<16xf32>
      %swap3A_711 = vector.shape_cast %add3A_706 : vector<16xf32> to vector<1x16xf32>
      tpu.vector_store %arg12[%swap3A_707, %swap3A_708], %swap3A_711 {strides = array<i32>} : memref<32x1024xf32, #tpu.memory_space<vmem>>, vector<1x16xf32>,
    }
    %scan3A_568 = arith.constant 64 : i32
    %slice3A_569 = vector.extract_strided_slice %get3A_525 {offsets = [4], sizes = [1], strides = [1]} : vector<16xf32> to vector<1xf32>
    %squeeze3A_570 = vector.extract %slice3A_569[0] : f32 from vector<1xf32>
    %slice3A_571 = vector.extract_strided_slice %get3A_528 {offsets = [4], sizes = [1], strides = [1]} : vector<16xf32> to vector<1xf32>
    %squeeze3A_572 = vector.extract %slice3A_571[0] : f32 from vector<1xf32>
    %scan3A_573 = arith.constant 0 : i32
    %scan3A_574 = arith.constant 0 : i32
    %scan3A_575 = arith.constant 64 : i32
    %scan3A_576 = arith.addi %scan3A_574, %scan3A_575 : i32
    %scan3A_577 = arith.constant 1 : i32
    scf.for %scan3A_689 = %scan3A_574 to %scan3A_576 step %scan3A_577  : i32 {
      %mul3A_690 = arith.constant 16 : i32
      %mul3A_691 = arith.muli %scan3A_689, %mul3A_690 : i32
      %get3A_692 = arith.constant 20 : i32
      %get3A_693 = arith.index_cast %get3A_692 : i32 to index
      %get3A_694 = arith.index_cast %mul3A_691 : i32 to index
      %get3A_695 = tpu.vector_load %arg12[%get3A_693, %get3A_694] {strides = array<i32>} : memref<32x1024xf32, #tpu.memory_space<vmem>>, vector<1x16xf32>,
      %get3A_696 = vector.shape_cast %get3A_695 : vector<1x16xf32> to vector<16xf32>
      %mul3A_697 = vector.broadcast %squeeze3A_570 : f32 to vector<16xf32>
      %mul3A_698 = arith.mulf %mul3A_697, %get3A_696 : vector<16xf32>
      %get3A_699 = arith.constant 20 : i32
      %get3A_700 = arith.index_cast %get3A_699 : i32 to index
      %get3A_701 = arith.index_cast %mul3A_691 : i32 to index
      %get3A_702 = tpu.vector_load %arg13[%get3A_700, %get3A_701] {strides = array<i32>} : memref<32x1024xf32, #tpu.memory_space<vmem>>, vector<1x16xf32>,
      %get3A_703 = vector.shape_cast %get3A_702 : vector<1x16xf32> to vector<16xf32>
      %mul3A_704 = vector.broadcast %squeeze3A_572 : f32 to vector<16xf32>
      %mul3A_705 = arith.mulf %mul3A_704, %get3A_703 : vector<16xf32>
      %add3A_706 = arith.addf %mul3A_698, %mul3A_705 : vector<16xf32>
      %swap3A = arith.constant 20 : i32
      %swap3A_707 = arith.index_cast %swap3A : i32 to index
      %swap3A_708 = arith.index_cast %mul3A_691 : i32 to index
      %swap3A_709 = tpu.vector_load %arg12[%swap3A_707, %swap3A_708] {strides = array<i32>} : memref<32x1024xf32, #tpu.memory_space<vmem>>, vector<1x16xf32>,
      %swap3A_710 = vector.shape_cast %swap3A_709 : vector<1x16xf32> to vector<16xf32>
      %swap3A_711 = vector.shape_cast %add3A_706 : vector<16xf32> to vector<1x16xf32>
      tpu.vector_store %arg12[%swap3A_707, %swap3A_708], %swap3A_711 {strides = array<i32>} : memref<32x1024xf32, #tpu.memory_space<vmem>>, vector<1x16xf32>,
    }
    %scan3A_578 = arith.constant 64 : i32
    %slice3A_579 = vector.extract_strided_slice %get3A_525 {offsets = [5], sizes = [1], strides = [1]} : vector<16xf32> to vector<1xf32>
    %squeeze3A_580 = vector.extract %slice3A_579[0] : f32 from vector<1xf32>
    %slice3A_581 = vector.extract_strided_slice %get3A_528 {offsets = [5], sizes = [1], strides = [1]} : vector<16xf32> to vector<1xf32>
    %squeeze3A_582 = vector.extract %slice3A_581[0] : f32 from vector<1xf32>
    %scan3A_583 = arith.constant 0 : i32
    %scan3A_584 = arith.constant 0 : i32
    %scan3A_585 = arith.constant 64 : i32
    %scan3A_586 = arith.addi %scan3A_584, %scan3A_585 : i32
    %scan3A_587 = arith.constant 1 : i32
    scf.for %scan3A_689 = %scan3A_584 to %scan3A_586 step %scan3A_587  : i32 {
      %mul3A_690 = arith.constant 16 : i32
      %mul3A_691 = arith.muli %scan3A_689, %mul3A_690 : i32
      %get3A_692 = arith.constant 21 : i32
      %get3A_693 = arith.index_cast %get3A_692 : i32 to index
      %get3A_694 = arith.index_cast %mul3A_691 : i32 to index
      %get3A_695 = tpu.vector_load %arg12[%get3A_693, %get3A_694] {strides = array<i32>} : memref<32x1024xf32, #tpu.memory_space<vmem>>, vector<1x16xf32>,
      %get3A_696 = vector.shape_cast %get3A_695 : vector<1x16xf32> to vector<16xf32>
      %mul3A_697 = vector.broadcast %squeeze3A_580 : f32 to vector<16xf32>
      %mul3A_698 = arith.mulf %mul3A_697, %get3A_696 : vector<16xf32>
      %get3A_699 = arith.constant 21 : i32
      %get3A_700 = arith.index_cast %get3A_699 : i32 to index
      %get3A_701 = arith.index_cast %mul3A_691 : i32 to index
      %get3A_702 = tpu.vector_load %arg13[%get3A_700, %get3A_701] {strides = array<i32>} : memref<32x1024xf32, #tpu.memory_space<vmem>>, vector<1x16xf32>,
      %get3A_703 = vector.shape_cast %get3A_702 : vector<1x16xf32> to vector<16xf32>
      %mul3A_704 = vector.broadcast %squeeze3A_582 : f32 to vector<16xf32>
      %mul3A_705 = arith.mulf %mul3A_704, %get3A_703 : vector<16xf32>
      %add3A_706 = arith.addf %mul3A_698, %mul3A_705 : vector<16xf32>
      %swap3A = arith.constant 21 : i32
      %swap3A_707 = arith.index_cast %swap3A : i32 to index
      %swap3A_708 = arith.index_cast %mul3A_691 : i32 to index
      %swap3A_709 = tpu.vector_load %arg12[%swap3A_707, %swap3A_708] {strides = array<i32>} : memref<32x1024xf32, #tpu.memory_space<vmem>>, vector<1x16xf32>,
      %swap3A_710 = vector.shape_cast %swap3A_709 : vector<1x16xf32> to vector<16xf32>
      %swap3A_711 = vector.shape_cast %add3A_706 : vector<16xf32> to vector<1x16xf32>
      tpu.vector_store %arg12[%swap3A_707, %swap3A_708], %swap3A_711 {strides = array<i32>} : memref<32x1024xf32, #tpu.memory_space<vmem>>, vector<1x16xf32>,
    }
    %scan3A_588 = arith.constant 64 : i32
    %slice3A_589 = vector.extract_strided_slice %get3A_525 {offsets = [6], sizes = [1], strides = [1]} : vector<16xf32> to vector<1xf32>
    %squeeze3A_590 = vector.extract %slice3A_589[0] : f32 from vector<1xf32>
    %slice3A_591 = vector.extract_strided_slice %get3A_528 {offsets = [6], sizes = [1], strides = [1]} : vector<16xf32> to vector<1xf32>
    %squeeze3A_592 = vector.extract %slice3A_591[0] : f32 from vector<1xf32>
    %scan3A_593 = arith.constant 0 : i32
    %scan3A_594 = arith.constant 0 : i32
    %scan3A_595 = arith.constant 64 : i32
    %scan3A_596 = arith.addi %scan3A_594, %scan3A_595 : i32
    %scan3A_597 = arith.constant 1 : i32
    scf.for %scan3A_689 = %scan3A_594 to %scan3A_596 step %scan3A_597  : i32 {
      %mul3A_690 = arith.constant 16 : i32
      %mul3A_691 = arith.muli %scan3A_689, %mul3A_690 : i32
      %get3A_692 = arith.constant 22 : i32
      %get3A_693 = arith.index_cast %get3A_692 : i32 to index
      %get3A_694 = arith.index_cast %mul3A_691 : i32 to index
      %get3A_695 = tpu.vector_load %arg12[%get3A_693, %get3A_694] {strides = array<i32>} : memref<32x1024xf32, #tpu.memory_space<vmem>>, vector<1x16xf32>,
      %get3A_696 = vector.shape_cast %get3A_695 : vector<1x16xf32> to vector<16xf32>
      %mul3A_697 = vector.broadcast %squeeze3A_590 : f32 to vector<16xf32>
      %mul3A_698 = arith.mulf %mul3A_697, %get3A_696 : vector<16xf32>
      %get3A_699 = arith.constant 22 : i32
      %get3A_700 = arith.index_cast %get3A_699 : i32 to index
      %get3A_701 = arith.index_cast %mul3A_691 : i32 to index
      %get3A_702 = tpu.vector_load %arg13[%get3A_700, %get3A_701] {strides = array<i32>} : memref<32x1024xf32, #tpu.memory_space<vmem>>, vector<1x16xf32>,
      %get3A_703 = vector.shape_cast %get3A_702 : vector<1x16xf32> to vector<16xf32>
      %mul3A_704 = vector.broadcast %squeeze3A_592 : f32 to vector<16xf32>
      %mul3A_705 = arith.mulf %mul3A_704, %get3A_703 : vector<16xf32>
      %add3A_706 = arith.addf %mul3A_698, %mul3A_705 : vector<16xf32>
      %swap3A = arith.constant 22 : i32
      %swap3A_707 = arith.index_cast %swap3A : i32 to index
      %swap3A_708 = arith.index_cast %mul3A_691 : i32 to index
      %swap3A_709 = tpu.vector_load %arg12[%swap3A_707, %swap3A_708] {strides = array<i32>} : memref<32x1024xf32, #tpu.memory_space<vmem>>, vector<1x16xf32>,
      %swap3A_710 = vector.shape_cast %swap3A_709 : vector<1x16xf32> to vector<16xf32>
      %swap3A_711 = vector.shape_cast %add3A_706 : vector<16xf32> to vector<1x16xf32>
      tpu.vector_store %arg12[%swap3A_707, %swap3A_708], %swap3A_711 {strides = array<i32>} : memref<32x1024xf32, #tpu.memory_space<vmem>>, vector<1x16xf32>,
    }
    %scan3A_598 = arith.constant 64 : i32
    %slice3A_599 = vector.extract_strided_slice %get3A_525 {offsets = [7], sizes = [1], strides = [1]} : vector<16xf32> to vector<1xf32>
    %squeeze3A_600 = vector.extract %slice3A_599[0] : f32 from vector<1xf32>
    %slice3A_601 = vector.extract_strided_slice %get3A_528 {offsets = [7], sizes = [1], strides = [1]} : vector<16xf32> to vector<1xf32>
    %squeeze3A_602 = vector.extract %slice3A_601[0] : f32 from vector<1xf32>
    %scan3A_603 = arith.constant 0 : i32
    %scan3A_604 = arith.constant 0 : i32
    %scan3A_605 = arith.constant 64 : i32
    %scan3A_606 = arith.addi %scan3A_604, %scan3A_605 : i32
    %scan3A_607 = arith.constant 1 : i32
    scf.for %scan3A_689 = %scan3A_604 to %scan3A_606 step %scan3A_607  : i32 {
      %mul3A_690 = arith.constant 16 : i32
      %mul3A_691 = arith.muli %scan3A_689, %mul3A_690 : i32
      %get3A_692 = arith.constant 23 : i32
      %get3A_693 = arith.index_cast %get3A_692 : i32 to index
      %get3A_694 = arith.index_cast %mul3A_691 : i32 to index
      %get3A_695 = tpu.vector_load %arg12[%get3A_693, %get3A_694] {strides = array<i32>} : memref<32x1024xf32, #tpu.memory_space<vmem>>, vector<1x16xf32>,
      %get3A_696 = vector.shape_cast %get3A_695 : vector<1x16xf32> to vector<16xf32>
      %mul3A_697 = vector.broadcast %squeeze3A_600 : f32 to vector<16xf32>
      %mul3A_698 = arith.mulf %mul3A_697, %get3A_696 : vector<16xf32>
      %get3A_699 = arith.constant 23 : i32
      %get3A_700 = arith.index_cast %get3A_699 : i32 to index
      %get3A_701 = arith.index_cast %mul3A_691 : i32 to index
      %get3A_702 = tpu.vector_load %arg13[%get3A_700, %get3A_701] {strides = array<i32>} : memref<32x1024xf32, #tpu.memory_space<vmem>>, vector<1x16xf32>,
      %get3A_703 = vector.shape_cast %get3A_702 : vector<1x16xf32> to vector<16xf32>
      %mul3A_704 = vector.broadcast %squeeze3A_602 : f32 to vector<16xf32>
      %mul3A_705 = arith.mulf %mul3A_704, %get3A_703 : vector<16xf32>
      %add3A_706 = arith.addf %mul3A_698, %mul3A_705 : vector<16xf32>
      %swap3A = arith.constant 23 : i32
      %swap3A_707 = arith.index_cast %swap3A : i32 to index
      %swap3A_708 = arith.index_cast %mul3A_691 : i32 to index
      %swap3A_709 = tpu.vector_load %arg12[%swap3A_707, %swap3A_708] {strides = array<i32>} : memref<32x1024xf32, #tpu.memory_space<vmem>>, vector<1x16xf32>,
      %swap3A_710 = vector.shape_cast %swap3A_709 : vector<1x16xf32> to vector<16xf32>
      %swap3A_711 = vector.shape_cast %add3A_706 : vector<16xf32> to vector<1x16xf32>
      tpu.vector_store %arg12[%swap3A_707, %swap3A_708], %swap3A_711 {strides = array<i32>} : memref<32x1024xf32, #tpu.memory_space<vmem>>, vector<1x16xf32>,
    }
    %scan3A_608 = arith.constant 64 : i32
    %slice3A_609 = vector.extract_strided_slice %get3A_525 {offsets = [8], sizes = [1], strides = [1]} : vector<16xf32> to vector<1xf32>
    %squeeze3A_610 = vector.extract %slice3A_609[0] : f32 from vector<1xf32>
    %slice3A_611 = vector.extract_strided_slice %get3A_528 {offsets = [8], sizes = [1], strides = [1]} : vector<16xf32> to vector<1xf32>
    %squeeze3A_612 = vector.extract %slice3A_611[0] : f32 from vector<1xf32>
    %scan3A_613 = arith.constant 0 : i32
    %scan3A_614 = arith.constant 0 : i32
    %scan3A_615 = arith.constant 64 : i32
    %scan3A_616 = arith.addi %scan3A_614, %scan3A_615 : i32
    %scan3A_617 = arith.constant 1 : i32
    scf.for %scan3A_689 = %scan3A_614 to %scan3A_616 step %scan3A_617  : i32 {
      %mul3A_690 = arith.constant 16 : i32
      %mul3A_691 = arith.muli %scan3A_689, %mul3A_690 : i32
      %get3A_692 = arith.constant 24 : i32
      %get3A_693 = arith.index_cast %get3A_692 : i32 to index
      %get3A_694 = arith.index_cast %mul3A_691 : i32 to index
      %get3A_695 = tpu.vector_load %arg12[%get3A_693, %get3A_694] {strides = array<i32>} : memref<32x1024xf32, #tpu.memory_space<vmem>>, vector<1x16xf32>,
      %get3A_696 = vector.shape_cast %get3A_695 : vector<1x16xf32> to vector<16xf32>
      %mul3A_697 = vector.broadcast %squeeze3A_610 : f32 to vector<16xf32>
      %mul3A_698 = arith.mulf %mul3A_697, %get3A_696 : vector<16xf32>
      %get3A_699 = arith.constant 24 : i32
      %get3A_700 = arith.index_cast %get3A_699 : i32 to index
      %get3A_701 = arith.index_cast %mul3A_691 : i32 to index
      %get3A_702 = tpu.vector_load %arg13[%get3A_700, %get3A_701] {strides = array<i32>} : memref<32x1024xf32, #tpu.memory_space<vmem>>, vector<1x16xf32>,
      %get3A_703 = vector.shape_cast %get3A_702 : vector<1x16xf32> to vector<16xf32>
      %mul3A_704 = vector.broadcast %squeeze3A_612 : f32 to vector<16xf32>
      %mul3A_705 = arith.mulf %mul3A_704, %get3A_703 : vector<16xf32>
      %add3A_706 = arith.addf %mul3A_698, %mul3A_705 : vector<16xf32>
      %swap3A = arith.constant 24 : i32
      %swap3A_707 = arith.index_cast %swap3A : i32 to index
      %swap3A_708 = arith.index_cast %mul3A_691 : i32 to index
      %swap3A_709 = tpu.vector_load %arg12[%swap3A_707, %swap3A_708] {strides = array<i32>} : memref<32x1024xf32, #tpu.memory_space<vmem>>, vector<1x16xf32>,
      %swap3A_710 = vector.shape_cast %swap3A_709 : vector<1x16xf32> to vector<16xf32>
      %swap3A_711 = vector.shape_cast %add3A_706 : vector<16xf32> to vector<1x16xf32>
      tpu.vector_store %arg12[%swap3A_707, %swap3A_708], %swap3A_711 {strides = array<i32>} : memref<32x1024xf32, #tpu.memory_space<vmem>>, vector<1x16xf32>,
    }
    %scan3A_618 = arith.constant 64 : i32
    %slice3A_619 = vector.extract_strided_slice %get3A_525 {offsets = [9], sizes = [1], strides = [1]} : vector<16xf32> to vector<1xf32>
    %squeeze3A_620 = vector.extract %slice3A_619[0] : f32 from vector<1xf32>
    %slice3A_621 = vector.extract_strided_slice %get3A_528 {offsets = [9], sizes = [1], strides = [1]} : vector<16xf32> to vector<1xf32>
    %squeeze3A_622 = vector.extract %slice3A_621[0] : f32 from vector<1xf32>
    %scan3A_623 = arith.constant 0 : i32
    %scan3A_624 = arith.constant 0 : i32
    %scan3A_625 = arith.constant 64 : i32
    %scan3A_626 = arith.addi %scan3A_624, %scan3A_625 : i32
    %scan3A_627 = arith.constant 1 : i32
    scf.for %scan3A_689 = %scan3A_624 to %scan3A_626 step %scan3A_627  : i32 {
      %mul3A_690 = arith.constant 16 : i32
      %mul3A_691 = arith.muli %scan3A_689, %mul3A_690 : i32
      %get3A_692 = arith.constant 25 : i32
      %get3A_693 = arith.index_cast %get3A_692 : i32 to index
      %get3A_694 = arith.index_cast %mul3A_691 : i32 to index
      %get3A_695 = tpu.vector_load %arg12[%get3A_693, %get3A_694] {strides = array<i32>} : memref<32x1024xf32, #tpu.memory_space<vmem>>, vector<1x16xf32>,
      %get3A_696 = vector.shape_cast %get3A_695 : vector<1x16xf32> to vector<16xf32>
      %mul3A_697 = vector.broadcast %squeeze3A_620 : f32 to vector<16xf32>
      %mul3A_698 = arith.mulf %mul3A_697, %get3A_696 : vector<16xf32>
      %get3A_699 = arith.constant 25 : i32
      %get3A_700 = arith.index_cast %get3A_699 : i32 to index
      %get3A_701 = arith.index_cast %mul3A_691 : i32 to index
      %get3A_702 = tpu.vector_load %arg13[%get3A_700, %get3A_701] {strides = array<i32>} : memref<32x1024xf32, #tpu.memory_space<vmem>>, vector<1x16xf32>,
      %get3A_703 = vector.shape_cast %get3A_702 : vector<1x16xf32> to vector<16xf32>
      %mul3A_704 = vector.broadcast %squeeze3A_622 : f32 to vector<16xf32>
      %mul3A_705 = arith.mulf %mul3A_704, %get3A_703 : vector<16xf32>
      %add3A_706 = arith.addf %mul3A_698, %mul3A_705 : vector<16xf32>
      %swap3A = arith.constant 25 : i32
      %swap3A_707 = arith.index_cast %swap3A : i32 to index
      %swap3A_708 = arith.index_cast %mul3A_691 : i32 to index
      %swap3A_709 = tpu.vector_load %arg12[%swap3A_707, %swap3A_708] {strides = array<i32>} : memref<32x1024xf32, #tpu.memory_space<vmem>>, vector<1x16xf32>,
      %swap3A_710 = vector.shape_cast %swap3A_709 : vector<1x16xf32> to vector<16xf32>
      %swap3A_711 = vector.shape_cast %add3A_706 : vector<16xf32> to vector<1x16xf32>
      tpu.vector_store %arg12[%swap3A_707, %swap3A_708], %swap3A_711 {strides = array<i32>} : memref<32x1024xf32, #tpu.memory_space<vmem>>, vector<1x16xf32>,
    }
    %scan3A_628 = arith.constant 64 : i32
    %slice3A_629 = vector.extract_strided_slice %get3A_525 {offsets = [10], sizes = [1], strides = [1]} : vector<16xf32> to vector<1xf32>
    %squeeze3A_630 = vector.extract %slice3A_629[0] : f32 from vector<1xf32>
    %slice3A_631 = vector.extract_strided_slice %get3A_528 {offsets = [10], sizes = [1], strides = [1]} : vector<16xf32> to vector<1xf32>
    %squeeze3A_632 = vector.extract %slice3A_631[0] : f32 from vector<1xf32>
    %scan3A_633 = arith.constant 0 : i32
    %scan3A_634 = arith.constant 0 : i32
    %scan3A_635 = arith.constant 64 : i32
    %scan3A_636 = arith.addi %scan3A_634, %scan3A_635 : i32
    %scan3A_637 = arith.constant 1 : i32
    scf.for %scan3A_689 = %scan3A_634 to %scan3A_636 step %scan3A_637  : i32 {
      %mul3A_690 = arith.constant 16 : i32
      %mul3A_691 = arith.muli %scan3A_689, %mul3A_690 : i32
      %get3A_692 = arith.constant 26 : i32
      %get3A_693 = arith.index_cast %get3A_692 : i32 to index
      %get3A_694 = arith.index_cast %mul3A_691 : i32 to index
      %get3A_695 = tpu.vector_load %arg12[%get3A_693, %get3A_694] {strides = array<i32>} : memref<32x1024xf32, #tpu.memory_space<vmem>>, vector<1x16xf32>,
      %get3A_696 = vector.shape_cast %get3A_695 : vector<1x16xf32> to vector<16xf32>
      %mul3A_697 = vector.broadcast %squeeze3A_630 : f32 to vector<16xf32>
      %mul3A_698 = arith.mulf %mul3A_697, %get3A_696 : vector<16xf32>
      %get3A_699 = arith.constant 26 : i32
      %get3A_700 = arith.index_cast %get3A_699 : i32 to index
      %get3A_701 = arith.index_cast %mul3A_691 : i32 to index
      %get3A_702 = tpu.vector_load %arg13[%get3A_700, %get3A_701] {strides = array<i32>} : memref<32x1024xf32, #tpu.memory_space<vmem>>, vector<1x16xf32>,
      %get3A_703 = vector.shape_cast %get3A_702 : vector<1x16xf32> to vector<16xf32>
      %mul3A_704 = vector.broadcast %squeeze3A_632 : f32 to vector<16xf32>
      %mul3A_705 = arith.mulf %mul3A_704, %get3A_703 : vector<16xf32>
      %add3A_706 = arith.addf %mul3A_698, %mul3A_705 : vector<16xf32>
      %swap3A = arith.constant 26 : i32
      %swap3A_707 = arith.index_cast %swap3A : i32 to index
      %swap3A_708 = arith.index_cast %mul3A_691 : i32 to index
      %swap3A_709 = tpu.vector_load %arg12[%swap3A_707, %swap3A_708] {strides = array<i32>} : memref<32x1024xf32, #tpu.memory_space<vmem>>, vector<1x16xf32>,
      %swap3A_710 = vector.shape_cast %swap3A_709 : vector<1x16xf32> to vector<16xf32>
      %swap3A_711 = vector.shape_cast %add3A_706 : vector<16xf32> to vector<1x16xf32>
      tpu.vector_store %arg12[%swap3A_707, %swap3A_708], %swap3A_711 {strides = array<i32>} : memref<32x1024xf32, #tpu.memory_space<vmem>>, vector<1x16xf32>,
    }
    %scan3A_638 = arith.constant 64 : i32
    %slice3A_639 = vector.extract_strided_slice %get3A_525 {offsets = [11], sizes = [1], strides = [1]} : vector<16xf32> to vector<1xf32>
    %squeeze3A_640 = vector.extract %slice3A_639[0] : f32 from vector<1xf32>
    %slice3A_641 = vector.extract_strided_slice %get3A_528 {offsets = [11], sizes = [1], strides = [1]} : vector<16xf32> to vector<1xf32>
    %squeeze3A_642 = vector.extract %slice3A_641[0] : f32 from vector<1xf32>
    %scan3A_643 = arith.constant 0 : i32
    %scan3A_644 = arith.constant 0 : i32
    %scan3A_645 = arith.constant 64 : i32
    %scan3A_646 = arith.addi %scan3A_644, %scan3A_645 : i32
    %scan3A_647 = arith.constant 1 : i32
    scf.for %scan3A_689 = %scan3A_644 to %scan3A_646 step %scan3A_647  : i32 {
      %mul3A_690 = arith.constant 16 : i32
      %mul3A_691 = arith.muli %scan3A_689, %mul3A_690 : i32
      %get3A_692 = arith.constant 27 : i32
      %get3A_693 = arith.index_cast %get3A_692 : i32 to index
      %get3A_694 = arith.index_cast %mul3A_691 : i32 to index
      %get3A_695 = tpu.vector_load %arg12[%get3A_693, %get3A_694] {strides = array<i32>} : memref<32x1024xf32, #tpu.memory_space<vmem>>, vector<1x16xf32>,
      %get3A_696 = vector.shape_cast %get3A_695 : vector<1x16xf32> to vector<16xf32>
      %mul3A_697 = vector.broadcast %squeeze3A_640 : f32 to vector<16xf32>
      %mul3A_698 = arith.mulf %mul3A_697, %get3A_696 : vector<16xf32>
      %get3A_699 = arith.constant 27 : i32
      %get3A_700 = arith.index_cast %get3A_699 : i32 to index
      %get3A_701 = arith.index_cast %mul3A_691 : i32 to index
      %get3A_702 = tpu.vector_load %arg13[%get3A_700, %get3A_701] {strides = array<i32>} : memref<32x1024xf32, #tpu.memory_space<vmem>>, vector<1x16xf32>,
      %get3A_703 = vector.shape_cast %get3A_702 : vector<1x16xf32> to vector<16xf32>
      %mul3A_704 = vector.broadcast %squeeze3A_642 : f32 to vector<16xf32>
      %mul3A_705 = arith.mulf %mul3A_704, %get3A_703 : vector<16xf32>
      %add3A_706 = arith.addf %mul3A_698, %mul3A_705 : vector<16xf32>
      %swap3A = arith.constant 27 : i32
      %swap3A_707 = arith.index_cast %swap3A : i32 to index
      %swap3A_708 = arith.index_cast %mul3A_691 : i32 to index
      %swap3A_709 = tpu.vector_load %arg12[%swap3A_707, %swap3A_708] {strides = array<i32>} : memref<32x1024xf32, #tpu.memory_space<vmem>>, vector<1x16xf32>,
      %swap3A_710 = vector.shape_cast %swap3A_709 : vector<1x16xf32> to vector<16xf32>
      %swap3A_711 = vector.shape_cast %add3A_706 : vector<16xf32> to vector<1x16xf32>
      tpu.vector_store %arg12[%swap3A_707, %swap3A_708], %swap3A_711 {strides = array<i32>} : memref<32x1024xf32, #tpu.memory_space<vmem>>, vector<1x16xf32>,
    }
    %scan3A_648 = arith.constant 64 : i32
    %slice3A_649 = vector.extract_strided_slice %get3A_525 {offsets = [12], sizes = [1], strides = [1]} : vector<16xf32> to vector<1xf32>
    %squeeze3A_650 = vector.extract %slice3A_649[0] : f32 from vector<1xf32>
    %slice3A_651 = vector.extract_strided_slice %get3A_528 {offsets = [12], sizes = [1], strides = [1]} : vector<16xf32> to vector<1xf32>
    %squeeze3A_652 = vector.extract %slice3A_651[0] : f32 from vector<1xf32>
    %scan3A_653 = arith.constant 0 : i32
    %scan3A_654 = arith.constant 0 : i32
    %scan3A_655 = arith.constant 64 : i32
    %scan3A_656 = arith.addi %scan3A_654, %scan3A_655 : i32
    %scan3A_657 = arith.constant 1 : i32
    scf.for %scan3A_689 = %scan3A_654 to %scan3A_656 step %scan3A_657  : i32 {
      %mul3A_690 = arith.constant 16 : i32
      %mul3A_691 = arith.muli %scan3A_689, %mul3A_690 : i32
      %get3A_692 = arith.constant 28 : i32
      %get3A_693 = arith.index_cast %get3A_692 : i32 to index
      %get3A_694 = arith.index_cast %mul3A_691 : i32 to index
      %get3A_695 = tpu.vector_load %arg12[%get3A_693, %get3A_694] {strides = array<i32>} : memref<32x1024xf32, #tpu.memory_space<vmem>>, vector<1x16xf32>,
      %get3A_696 = vector.shape_cast %get3A_695 : vector<1x16xf32> to vector<16xf32>
      %mul3A_697 = vector.broadcast %squeeze3A_650 : f32 to vector<16xf32>
      %mul3A_698 = arith.mulf %mul3A_697, %get3A_696 : vector<16xf32>
      %get3A_699 = arith.constant 28 : i32
      %get3A_700 = arith.index_cast %get3A_699 : i32 to index
      %get3A_701 = arith.index_cast %mul3A_691 : i32 to index
      %get3A_702 = tpu.vector_load %arg13[%get3A_700, %get3A_701] {strides = array<i32>} : memref<32x1024xf32, #tpu.memory_space<vmem>>, vector<1x16xf32>,
      %get3A_703 = vector.shape_cast %get3A_702 : vector<1x16xf32> to vector<16xf32>
      %mul3A_704 = vector.broadcast %squeeze3A_652 : f32 to vector<16xf32>
      %mul3A_705 = arith.mulf %mul3A_704, %get3A_703 : vector<16xf32>
      %add3A_706 = arith.addf %mul3A_698, %mul3A_705 : vector<16xf32>
      %swap3A = arith.constant 28 : i32
      %swap3A_707 = arith.index_cast %swap3A : i32 to index
      %swap3A_708 = arith.index_cast %mul3A_691 : i32 to index
      %swap3A_709 = tpu.vector_load %arg12[%swap3A_707, %swap3A_708] {strides = array<i32>} : memref<32x1024xf32, #tpu.memory_space<vmem>>, vector<1x16xf32>,
      %swap3A_710 = vector.shape_cast %swap3A_709 : vector<1x16xf32> to vector<16xf32>
      %swap3A_711 = vector.shape_cast %add3A_706 : vector<16xf32> to vector<1x16xf32>
      tpu.vector_store %arg12[%swap3A_707, %swap3A_708], %swap3A_711 {strides = array<i32>} : memref<32x1024xf32, #tpu.memory_space<vmem>>, vector<1x16xf32>,
    }
    %scan3A_658 = arith.constant 64 : i32
    %slice3A_659 = vector.extract_strided_slice %get3A_525 {offsets = [13], sizes = [1], strides = [1]} : vector<16xf32> to vector<1xf32>
    %squeeze3A_660 = vector.extract %slice3A_659[0] : f32 from vector<1xf32>
    %slice3A_661 = vector.extract_strided_slice %get3A_528 {offsets = [13], sizes = [1], strides = [1]} : vector<16xf32> to vector<1xf32>
    %squeeze3A_662 = vector.extract %slice3A_661[0] : f32 from vector<1xf32>
    %scan3A_663 = arith.constant 0 : i32
    %scan3A_664 = arith.constant 0 : i32
    %scan3A_665 = arith.constant 64 : i32
    %scan3A_666 = arith.addi %scan3A_664, %scan3A_665 : i32
    %scan3A_667 = arith.constant 1 : i32
    scf.for %scan3A_689 = %scan3A_664 to %scan3A_666 step %scan3A_667  : i32 {
      %mul3A_690 = arith.constant 16 : i32
      %mul3A_691 = arith.muli %scan3A_689, %mul3A_690 : i32
      %get3A_692 = arith.constant 29 : i32
      %get3A_693 = arith.index_cast %get3A_692 : i32 to index
      %get3A_694 = arith.index_cast %mul3A_691 : i32 to index
      %get3A_695 = tpu.vector_load %arg12[%get3A_693, %get3A_694] {strides = array<i32>} : memref<32x1024xf32, #tpu.memory_space<vmem>>, vector<1x16xf32>,
      %get3A_696 = vector.shape_cast %get3A_695 : vector<1x16xf32> to vector<16xf32>
      %mul3A_697 = vector.broadcast %squeeze3A_660 : f32 to vector<16xf32>
      %mul3A_698 = arith.mulf %mul3A_697, %get3A_696 : vector<16xf32>
      %get3A_699 = arith.constant 29 : i32
      %get3A_700 = arith.index_cast %get3A_699 : i32 to index
      %get3A_701 = arith.index_cast %mul3A_691 : i32 to index
      %get3A_702 = tpu.vector_load %arg13[%get3A_700, %get3A_701] {strides = array<i32>} : memref<32x1024xf32, #tpu.memory_space<vmem>>, vector<1x16xf32>,
      %get3A_703 = vector.shape_cast %get3A_702 : vector<1x16xf32> to vector<16xf32>
      %mul3A_704 = vector.broadcast %squeeze3A_662 : f32 to vector<16xf32>
      %mul3A_705 = arith.mulf %mul3A_704, %get3A_703 : vector<16xf32>
      %add3A_706 = arith.addf %mul3A_698, %mul3A_705 : vector<16xf32>
      %swap3A = arith.constant 29 : i32
      %swap3A_707 = arith.index_cast %swap3A : i32 to index
      %swap3A_708 = arith.index_cast %mul3A_691 : i32 to index
      %swap3A_709 = tpu.vector_load %arg12[%swap3A_707, %swap3A_708] {strides = array<i32>} : memref<32x1024xf32, #tpu.memory_space<vmem>>, vector<1x16xf32>,
      %swap3A_710 = vector.shape_cast %swap3A_709 : vector<1x16xf32> to vector<16xf32>
      %swap3A_711 = vector.shape_cast %add3A_706 : vector<16xf32> to vector<1x16xf32>
      tpu.vector_store %arg12[%swap3A_707, %swap3A_708], %swap3A_711 {strides = array<i32>} : memref<32x1024xf32, #tpu.memory_space<vmem>>, vector<1x16xf32>,
    }
    %scan3A_668 = arith.constant 64 : i32
    %slice3A_669 = vector.extract_strided_slice %get3A_525 {offsets = [14], sizes = [1], strides = [1]} : vector<16xf32> to vector<1xf32>
    %squeeze3A_670 = vector.extract %slice3A_669[0] : f32 from vector<1xf32>
    %slice3A_671 = vector.extract_strided_slice %get3A_528 {offsets = [14], sizes = [1], strides = [1]} : vector<16xf32> to vector<1xf32>
    %squeeze3A_672 = vector.extract %slice3A_671[0] : f32 from vector<1xf32>
    %scan3A_673 = arith.constant 0 : i32
    %scan3A_674 = arith.constant 0 : i32
    %scan3A_675 = arith.constant 64 : i32
    %scan3A_676 = arith.addi %scan3A_674, %scan3A_675 : i32
    %scan3A_677 = arith.constant 1 : i32
    scf.for %scan3A_689 = %scan3A_674 to %scan3A_676 step %scan3A_677  : i32 {
      %mul3A_690 = arith.constant 16 : i32
      %mul3A_691 = arith.muli %scan3A_689, %mul3A_690 : i32
      %get3A_692 = arith.constant 30 : i32
      %get3A_693 = arith.index_cast %get3A_692 : i32 to index
      %get3A_694 = arith.index_cast %mul3A_691 : i32 to index
      %get3A_695 = tpu.vector_load %arg12[%get3A_693, %get3A_694] {strides = array<i32>} : memref<32x1024xf32, #tpu.memory_space<vmem>>, vector<1x16xf32>,
      %get3A_696 = vector.shape_cast %get3A_695 : vector<1x16xf32> to vector<16xf32>
      %mul3A_697 = vector.broadcast %squeeze3A_670 : f32 to vector<16xf32>
      %mul3A_698 = arith.mulf %mul3A_697, %get3A_696 : vector<16xf32>
      %get3A_699 = arith.constant 30 : i32
      %get3A_700 = arith.index_cast %get3A_699 : i32 to index
      %get3A_701 = arith.index_cast %mul3A_691 : i32 to index
      %get3A_702 = tpu.vector_load %arg13[%get3A_700, %get3A_701] {strides = array<i32>} : memref<32x1024xf32, #tpu.memory_space<vmem>>, vector<1x16xf32>,
      %get3A_703 = vector.shape_cast %get3A_702 : vector<1x16xf32> to vector<16xf32>
      %mul3A_704 = vector.broadcast %squeeze3A_672 : f32 to vector<16xf32>
      %mul3A_705 = arith.mulf %mul3A_704, %get3A_703 : vector<16xf32>
      %add3A_706 = arith.addf %mul3A_698, %mul3A_705 : vector<16xf32>
      %swap3A = arith.constant 30 : i32
      %swap3A_707 = arith.index_cast %swap3A : i32 to index
      %swap3A_708 = arith.index_cast %mul3A_691 : i32 to index
      %swap3A_709 = tpu.vector_load %arg12[%swap3A_707, %swap3A_708] {strides = array<i32>} : memref<32x1024xf32, #tpu.memory_space<vmem>>, vector<1x16xf32>,
      %swap3A_710 = vector.shape_cast %swap3A_709 : vector<1x16xf32> to vector<16xf32>
      %swap3A_711 = vector.shape_cast %add3A_706 : vector<16xf32> to vector<1x16xf32>
      tpu.vector_store %arg12[%swap3A_707, %swap3A_708], %swap3A_711 {strides = array<i32>} : memref<32x1024xf32, #tpu.memory_space<vmem>>, vector<1x16xf32>,
    }
    %scan3A_678 = arith.constant 64 : i32
    %slice3A_679 = vector.extract_strided_slice %get3A_525 {offsets = [15], sizes = [1], strides = [1]} : vector<16xf32> to vector<1xf32>
    %squeeze3A_680 = vector.extract %slice3A_679[0] : f32 from vector<1xf32>
    %slice3A_681 = vector.extract_strided_slice %get3A_528 {offsets = [15], sizes = [1], strides = [1]} : vector<16xf32> to vector<1xf32>
    %squeeze3A_682 = vector.extract %slice3A_681[0] : f32 from vector<1xf32>
    %scan3A_683 = arith.constant 0 : i32
    %scan3A_684 = arith.constant 0 : i32
    %scan3A_685 = arith.constant 64 : i32
    %scan3A_686 = arith.addi %scan3A_684, %scan3A_685 : i32
    %scan3A_687 = arith.constant 1 : i32
    scf.for %scan3A_689 = %scan3A_684 to %scan3A_686 step %scan3A_687  : i32 {
      %mul3A_690 = arith.constant 16 : i32
      %mul3A_691 = arith.muli %scan3A_689, %mul3A_690 : i32
      %get3A_692 = arith.constant 31 : i32
      %get3A_693 = arith.index_cast %get3A_692 : i32 to index
      %get3A_694 = arith.index_cast %mul3A_691 : i32 to index
      %get3A_695 = tpu.vector_load %arg12[%get3A_693, %get3A_694] {strides = array<i32>} : memref<32x1024xf32, #tpu.memory_space<vmem>>, vector<1x16xf32>,
      %get3A_696 = vector.shape_cast %get3A_695 : vector<1x16xf32> to vector<16xf32>
      %mul3A_697 = vector.broadcast %squeeze3A_680 : f32 to vector<16xf32>
      %mul3A_698 = arith.mulf %mul3A_697, %get3A_696 : vector<16xf32>
      %get3A_699 = arith.constant 31 : i32
      %get3A_700 = arith.index_cast %get3A_699 : i32 to index
      %get3A_701 = arith.index_cast %mul3A_691 : i32 to index
      %get3A_702 = tpu.vector_load %arg13[%get3A_700, %get3A_701] {strides = array<i32>} : memref<32x1024xf32, #tpu.memory_space<vmem>>, vector<1x16xf32>,
      %get3A_703 = vector.shape_cast %get3A_702 : vector<1x16xf32> to vector<16xf32>
      %mul3A_704 = vector.broadcast %squeeze3A_682 : f32 to vector<16xf32>
      %mul3A_705 = arith.mulf %mul3A_704, %get3A_703 : vector<16xf32>
      %add3A_706 = arith.addf %mul3A_698, %mul3A_705 : vector<16xf32>
      %swap3A = arith.constant 31 : i32
      %swap3A_707 = arith.index_cast %swap3A : i32 to index
      %swap3A_708 = arith.index_cast %mul3A_691 : i32 to index
      %swap3A_709 = tpu.vector_load %arg12[%swap3A_707, %swap3A_708] {strides = array<i32>} : memref<32x1024xf32, #tpu.memory_space<vmem>>, vector<1x16xf32>,
      %swap3A_710 = vector.shape_cast %swap3A_709 : vector<1x16xf32> to vector<16xf32>
      %swap3A_711 = vector.shape_cast %add3A_706 : vector<16xf32> to vector<1x16xf32>
      tpu.vector_store %arg12[%swap3A_707, %swap3A_708], %swap3A_711 {strides = array<i32>} : memref<32x1024xf32, #tpu.memory_space<vmem>>, vector<1x16xf32>,
    }
    %scan3A_688 = arith.constant 64 : i32
    "tpu.region"() ({
      %run_scoped3A = tpu.sem_alloc : memref<!tpu.dma_semaphore, #tpu.memory_space<semaphore_mem>>
      %dma_start3A_689 = arith.constant 0 : i32
      %dma_start3A_690 = tpu.memref_slice %arg7[%add3A_344, %dma_start3A_689] : memref<2048x1024xf32, #tpu.memory_space<hbm>> -> memref<32x1024xf32, #tpu.memory_space<hbm>>
      %dma_start3A_691 = arith.constant 0 : i32
      %dma_start3A_692 = tpu.memref_slice %arg7[%add3A_344, %dma_start3A_691] : memref<2048x1024xf32, #tpu.memory_space<hbm>> -> memref<32x1024xf32, #tpu.memory_space<hbm>>
      tpu.enqueue_dma source(%arg12 : memref<32x1024xf32, #tpu.memory_space<vmem>>) target(%dma_start3A_692 : memref<32x1024xf32, #tpu.memory_space<hbm>>) target_semaphore(%run_scoped3A : memref<!tpu.dma_semaphore, #tpu.memory_space<semaphore_mem>>)
      %dma_wait3A_693 = arith.constant 0 : i32
      %dma_wait3A_694 = tpu.memref_slice %arg7[%add3A_344, %dma_wait3A_693] : memref<2048x1024xf32, #tpu.memory_space<hbm>> -> memref<32x1024xf32, #tpu.memory_space<hbm>>
      %dma_wait3A_695 = arith.constant 0 : i32
      %dma_wait3A_696 = tpu.memref_slice %arg7[%add3A_344, %dma_wait3A_695] : memref<2048x1024xf32, #tpu.memory_space<hbm>> -> memref<32x1024xf32, #tpu.memory_space<hbm>>
      tpu.wait_dma2 semaphore(%run_scoped3A : memref<!tpu.dma_semaphore, #tpu.memory_space<semaphore_mem>>) src(%arg12 : memref<32x1024xf32, #tpu.memory_space<vmem>>) dst(%dma_wait3A_696 : memref<32x1024xf32, #tpu.memory_space<hbm>>)
      tpu.yield
    }) : () -> ()
    return
  }
}

module attributes {stable_mosaic.version = 14 : i64} {
  func.func @_router_body(%arg0: memref<2048x1024xf32, #tpu.memory_space<vmem>>, %arg1: memref<20x1024xf32, #tpu.memory_space<vmem>>, %arg2: memref<2048x4xf32, #tpu.memory_space<vmem>>, %arg3: memref<1x1xf32, #tpu.memory_space<vmem>>, %arg4: memref<4096x1xf32, #tpu.memory_space<vmem>>, %arg5: memref<4096x1xi32, #tpu.memory_space<vmem>>, %arg6: memref<16x1xi32, #tpu.memory_space<vmem>>, %arg7: memref<16x1xi32, #tpu.memory_space<vmem>>) attributes {dimension_semantics = [], scalar_prefetch = 0 : i64, scratch_operands = 0 : i64, tpu.core_type = #tpu.core_type<tc>} {
    %get3A = arith.constant 0 : index
    %get3A_0 = arith.constant 0 : index
    %get3A_1 = vector.load %arg0[%get3A, %get3A_0] : memref<2048x1024xf32, #tpu.memory_space<vmem>>, vector<2048x1024xf32>
    %convert_element_type3A = arith.truncf %get3A_1 : vector<2048x1024xf32> to vector<2048x1024xbf16>
    %get3A_2 = arith.constant 0 : index
    %get3A_3 = arith.constant 0 : index
    %get3A_4 = vector.load %arg1[%get3A_2, %get3A_3] : memref<20x1024xf32, #tpu.memory_space<vmem>>, vector<20x1024xf32>
    %convert_element_type3A_5 = arith.truncf %get3A_4 : vector<20x1024xf32> to vector<20x1024xbf16>
    %dot_general3A = arith.constant dense<0.000000e+00> : vector<2048x20xf32>
    %dot_general3A_6 = tpu.matmul %convert_element_type3A, %convert_element_type3A_5, %dot_general3A {dimension_numbers = #tpu.dot_dimension_numbers<[1], [1], [0], [0], [0, 0, 1, 0], [], []>, transpose_lhs_hint = false} : vector<2048x1024xbf16>, vector<20x1024xbf16>, vector<2048x20xf32> -> vector<2048x20xf32>
    %slice3A = vector.extract_strided_slice %dot_general3A_6 {offsets = [0, 0], sizes = [2048, 4], strides = [1, 1]} : vector<2048x20xf32> to vector<2048x4xf32>
    %swap3A = arith.constant 0 : index
    %swap3A_7 = arith.constant 0 : index
    %swap3A_8 = vector.load %arg2[%swap3A, %swap3A_7] : memref<2048x4xf32, #tpu.memory_space<vmem>>, vector<2048x4xf32>
    tpu.vector_store %arg2[%swap3A, %swap3A_7], %slice3A {strides = array<i32>} : memref<2048x4xf32, #tpu.memory_space<vmem>>, vector<2048x4xf32>,
    %reduce_max3A = arith.constant dense<0xFF800000> : vector<2048xf32>
    %reduce_max3A_9 = vector.multi_reduction <maximumf>, %slice3A, %reduce_max3A [1] : vector<2048x4xf32> to vector<2048xf32>
    %broadcast_in_dim3A = vector.shape_cast %reduce_max3A_9 : vector<2048xf32> to vector<2048x1xf32>
    %sub3A = vector.broadcast %broadcast_in_dim3A : vector<2048x1xf32> to vector<2048x4xf32>
    %sub3A_10 = arith.subf %slice3A, %sub3A : vector<2048x4xf32>
    %exp3A = math.exp %sub3A_10 : vector<2048x4xf32>
    %reduce_sum3A = arith.constant dense<0.000000e+00> : vector<2048xf32>
    %reduce_sum3A_11 = vector.multi_reduction <add>, %exp3A, %reduce_sum3A [1] : vector<2048x4xf32> to vector<2048xf32>
    %broadcast_in_dim3A_12 = vector.shape_cast %reduce_sum3A_11 : vector<2048xf32> to vector<2048x1xf32>
    %div3A = vector.broadcast %broadcast_in_dim3A_12 : vector<2048x1xf32> to vector<2048x4xf32>
    %div3A_13 = arith.divf %exp3A, %div3A : vector<2048x4xf32>
    %sub3A_14 = vector.broadcast %broadcast_in_dim3A : vector<2048x1xf32> to vector<2048x4xf32>
    %sub3A_15 = arith.subf %slice3A, %sub3A_14 : vector<2048x4xf32>
    %log3A = math.log %broadcast_in_dim3A_12 : vector<2048x1xf32>
    %sub3A_16 = vector.broadcast %log3A : vector<2048x1xf32> to vector<2048x4xf32>
    %sub3A_17 = arith.subf %sub3A_15, %sub3A_16 : vector<2048x4xf32>
    %mul3A = arith.mulf %div3A_13, %sub3A_17 : vector<2048x4xf32>
    %reduce_sum3A_18 = vector.shape_cast %mul3A : vector<2048x4xf32> to vector<1x2048x4xf32>
    %reduce_sum3A_19 = arith.constant dense<0.000000e+00> : vector<1xf32>
    %reduce_sum3A_20 = vector.multi_reduction <add>, %reduce_sum3A_18, %reduce_sum3A_19 [1, 2] : vector<1x2048x4xf32> to vector<1xf32>
    %reduce_sum3A_21 = vector.shape_cast %reduce_sum3A_20 : vector<1xf32> to vector<1x1x1xf32>
    %reduce_sum3A_22 = vector.extract %reduce_sum3A_21[0, 0, 0] : f32 from vector<1x1x1xf32>
    %neg3A = arith.constant 0.000000e+00 : f32
    %neg3A_23 = arith.subf %neg3A, %reduce_sum3A_22 : f32
    %div3A_24 = arith.constant 2.048000e+03 : f32
    %div3A_25 = arith.divf %neg3A_23, %div3A_24 : f32
    %reshape3A = vector.broadcast %div3A_25 : f32 to vector<1x1xf32>
    %swap3A_26 = arith.constant 0 : index
    %swap3A_27 = arith.constant 0 : index
    %swap3A_28 = vector.load %arg3[%swap3A_26, %swap3A_27] : memref<1x1xf32, #tpu.memory_space<vmem>>, vector<1x1xf32>
    tpu.vector_store %arg3[%swap3A_26, %swap3A_27], %reshape3A {strides = array<i32>} : memref<1x1xf32, #tpu.memory_space<vmem>>, vector<1x1xf32>,
    %iota3A = tpu.iota {dimensions = array<i32: 1>} : vector<2048x4xi32>
    %eq3A = vector.broadcast %broadcast_in_dim3A : vector<2048x1xf32> to vector<2048x4xf32>
    %eq3A_29 = arith.cmpf oeq, %slice3A, %eq3A : vector<2048x4xf32>
    %jit3A = arith.constant 4 : i32
    %broadcast_in_dim3A_30 = vector.broadcast %jit3A : i32 to vector<2048x4xi32>
    %select_n3A = arith.select %eq3A_29, %iota3A, %broadcast_in_dim3A_30 : vector<2048x4xi1>, vector<2048x4xi32>
    %reduce_min3A = arith.constant dense<2147483647> : vector<2048xi32>
    %reduce_min3A_31 = vector.multi_reduction <minsi>, %select_n3A, %reduce_min3A [1] : vector<2048x4xi32> to vector<2048xi32>
    %broadcast_in_dim3A_32 = vector.shape_cast %reduce_min3A_31 : vector<2048xi32> to vector<2048x1xi32>
    %eq3A_33 = vector.broadcast %broadcast_in_dim3A_32 : vector<2048x1xi32> to vector<2048x4xi32>
    %eq3A_34 = arith.cmpi eq, %iota3A, %eq3A_33 : vector<2048x4xi32>
    %jit3A_35 = arith.constant 0xFF800000 : f32
    %broadcast_in_dim3A_36 = vector.broadcast %jit3A_35 : f32 to vector<2048x4xf32>
    %select_n3A_37 = arith.select %eq3A_34, %broadcast_in_dim3A_36, %slice3A : vector<2048x4xi1>, vector<2048x4xf32>
    %reduce_max3A_38 = arith.constant dense<0xFF800000> : vector<2048xf32>
    %reduce_max3A_39 = vector.multi_reduction <maximumf>, %select_n3A_37, %reduce_max3A_38 [1] : vector<2048x4xf32> to vector<2048xf32>
    %broadcast_in_dim3A_40 = vector.shape_cast %reduce_max3A_39 : vector<2048xf32> to vector<2048x1xf32>
    %eq3A_41 = vector.broadcast %broadcast_in_dim3A_40 : vector<2048x1xf32> to vector<2048x4xf32>
    %eq3A_42 = arith.cmpf oeq, %select_n3A_37, %eq3A_41 : vector<2048x4xf32>
    %jit3A_43 = arith.constant 4 : i32
    %broadcast_in_dim3A_44 = vector.broadcast %jit3A_43 : i32 to vector<2048x4xi32>
    %select_n3A_45 = arith.select %eq3A_42, %iota3A, %broadcast_in_dim3A_44 : vector<2048x4xi1>, vector<2048x4xi32>
    %reduce_min3A_46 = arith.constant dense<2147483647> : vector<2048xi32>
    %reduce_min3A_47 = vector.multi_reduction <minsi>, %select_n3A_45, %reduce_min3A_46 [1] : vector<2048x4xi32> to vector<2048xi32>
    %broadcast_in_dim3A_48 = vector.shape_cast %reduce_min3A_47 : vector<2048xi32> to vector<2048x1xi32>
    %sub3A_49 = arith.subf %broadcast_in_dim3A_40, %broadcast_in_dim3A : vector<2048x1xf32>
    %exp3A_50 = math.exp %sub3A_49 : vector<2048x1xf32>
    %add3A = arith.constant 1.000000e+00 : f32
    %add3A_51 = vector.broadcast %add3A : f32 to vector<2048x1xf32>
    %add3A_52 = arith.addf %add3A_51, %exp3A_50 : vector<2048x1xf32>
    %div3A_53 = arith.constant 1.000000e+00 : f32
    %div3A_54 = vector.broadcast %div3A_53 : f32 to vector<2048x1xf32>
    %div3A_55 = arith.divf %div3A_54, %add3A_52 : vector<2048x1xf32>
    %add3A_56 = arith.constant 1.000000e+00 : f32
    %add3A_57 = vector.broadcast %add3A_56 : f32 to vector<2048x1xf32>
    %add3A_58 = arith.addf %add3A_57, %exp3A_50 : vector<2048x1xf32>
    %div3A_59 = arith.divf %exp3A_50, %add3A_58 : vector<2048x1xf32>
    %concatenate3A = tpu.concatenate %div3A_55, %div3A_59 in 0 : vector<2048x1xf32>, vector<2048x1xf32> -> vector<4096x1xf32>
    %swap3A_60 = arith.constant 0 : index
    %swap3A_61 = arith.constant 0 : index
    %swap3A_62 = vector.load %arg4[%swap3A_60, %swap3A_61] : memref<4096x1xf32, #tpu.memory_space<vmem>>, vector<4096x1xf32>
    tpu.vector_store %arg4[%swap3A_60, %swap3A_61], %concatenate3A {strides = array<i32>} : memref<4096x1xf32, #tpu.memory_space<vmem>>, vector<4096x1xf32>,
    %slice3A_63 = vector.extract_strided_slice %dot_general3A_6 {offsets = [0, 4], sizes = [2048, 4], strides = [1, 1]} : vector<2048x20xf32> to vector<2048x4xf32>
    %reduce_max3A_64 = arith.constant dense<0xFF800000> : vector<2048xf32>
    %reduce_max3A_65 = vector.multi_reduction <maximumf>, %slice3A_63, %reduce_max3A_64 [1] : vector<2048x4xf32> to vector<2048xf32>
    %broadcast_in_dim3A_66 = vector.shape_cast %reduce_max3A_65 : vector<2048xf32> to vector<2048x1xf32>
    %eq3A_67 = vector.broadcast %broadcast_in_dim3A_66 : vector<2048x1xf32> to vector<2048x4xf32>
    %eq3A_68 = arith.cmpf oeq, %slice3A_63, %eq3A_67 : vector<2048x4xf32>
    %jit3A_69 = arith.constant 4 : i32
    %broadcast_in_dim3A_70 = vector.broadcast %jit3A_69 : i32 to vector<2048x4xi32>
    %select_n3A_71 = arith.select %eq3A_68, %iota3A, %broadcast_in_dim3A_70 : vector<2048x4xi1>, vector<2048x4xi32>
    %reduce_min3A_72 = arith.constant dense<2147483647> : vector<2048xi32>
    %reduce_min3A_73 = vector.multi_reduction <minsi>, %select_n3A_71, %reduce_min3A_72 [1] : vector<2048x4xi32> to vector<2048xi32>
    %broadcast_in_dim3A_74 = vector.shape_cast %reduce_min3A_73 : vector<2048xi32> to vector<2048x1xi32>
    %convert_element_type3A_75 = arith.sitofp %broadcast_in_dim3A_74 : vector<2048x1xi32> to vector<2048x1xf32>
    %slice3A_76 = vector.extract_strided_slice %dot_general3A_6 {offsets = [0, 8], sizes = [2048, 4], strides = [1, 1]} : vector<2048x20xf32> to vector<2048x4xf32>
    %reduce_max3A_77 = arith.constant dense<0xFF800000> : vector<2048xf32>
    %reduce_max3A_78 = vector.multi_reduction <maximumf>, %slice3A_76, %reduce_max3A_77 [1] : vector<2048x4xf32> to vector<2048xf32>
    %broadcast_in_dim3A_79 = vector.shape_cast %reduce_max3A_78 : vector<2048xf32> to vector<2048x1xf32>
    %eq3A_80 = vector.broadcast %broadcast_in_dim3A_79 : vector<2048x1xf32> to vector<2048x4xf32>
    %eq3A_81 = arith.cmpf oeq, %slice3A_76, %eq3A_80 : vector<2048x4xf32>
    %jit3A_82 = arith.constant 4 : i32
    %broadcast_in_dim3A_83 = vector.broadcast %jit3A_82 : i32 to vector<2048x4xi32>
    %select_n3A_84 = arith.select %eq3A_81, %iota3A, %broadcast_in_dim3A_83 : vector<2048x4xi1>, vector<2048x4xi32>
    %reduce_min3A_85 = arith.constant dense<2147483647> : vector<2048xi32>
    %reduce_min3A_86 = vector.multi_reduction <minsi>, %select_n3A_84, %reduce_min3A_85 [1] : vector<2048x4xi32> to vector<2048xi32>
    %broadcast_in_dim3A_87 = vector.shape_cast %reduce_min3A_86 : vector<2048xi32> to vector<2048x1xi32>
    %convert_element_type3A_88 = arith.sitofp %broadcast_in_dim3A_87 : vector<2048x1xi32> to vector<2048x1xf32>
    %slice3A_89 = vector.extract_strided_slice %dot_general3A_6 {offsets = [0, 12], sizes = [2048, 4], strides = [1, 1]} : vector<2048x20xf32> to vector<2048x4xf32>
    %reduce_max3A_90 = arith.constant dense<0xFF800000> : vector<2048xf32>
    %reduce_max3A_91 = vector.multi_reduction <maximumf>, %slice3A_89, %reduce_max3A_90 [1] : vector<2048x4xf32> to vector<2048xf32>
    %broadcast_in_dim3A_92 = vector.shape_cast %reduce_max3A_91 : vector<2048xf32> to vector<2048x1xf32>
    %eq3A_93 = vector.broadcast %broadcast_in_dim3A_92 : vector<2048x1xf32> to vector<2048x4xf32>
    %eq3A_94 = arith.cmpf oeq, %slice3A_89, %eq3A_93 : vector<2048x4xf32>
    %jit3A_95 = arith.constant 4 : i32
    %broadcast_in_dim3A_96 = vector.broadcast %jit3A_95 : i32 to vector<2048x4xi32>
    %select_n3A_97 = arith.select %eq3A_94, %iota3A, %broadcast_in_dim3A_96 : vector<2048x4xi1>, vector<2048x4xi32>
    %reduce_min3A_98 = arith.constant dense<2147483647> : vector<2048xi32>
    %reduce_min3A_99 = vector.multi_reduction <minsi>, %select_n3A_97, %reduce_min3A_98 [1] : vector<2048x4xi32> to vector<2048xi32>
    %broadcast_in_dim3A_100 = vector.shape_cast %reduce_min3A_99 : vector<2048xi32> to vector<2048x1xi32>
    %convert_element_type3A_101 = arith.sitofp %broadcast_in_dim3A_100 : vector<2048x1xi32> to vector<2048x1xf32>
    %slice3A_102 = vector.extract_strided_slice %dot_general3A_6 {offsets = [0, 16], sizes = [2048, 4], strides = [1, 1]} : vector<2048x20xf32> to vector<2048x4xf32>
    %reduce_max3A_103 = arith.constant dense<0xFF800000> : vector<2048xf32>
    %reduce_max3A_104 = vector.multi_reduction <maximumf>, %slice3A_102, %reduce_max3A_103 [1] : vector<2048x4xf32> to vector<2048xf32>
    %broadcast_in_dim3A_105 = vector.shape_cast %reduce_max3A_104 : vector<2048xf32> to vector<2048x1xf32>
    %eq3A_106 = vector.broadcast %broadcast_in_dim3A_105 : vector<2048x1xf32> to vector<2048x4xf32>
    %eq3A_107 = arith.cmpf oeq, %slice3A_102, %eq3A_106 : vector<2048x4xf32>
    %jit3A_108 = arith.constant 4 : i32
    %broadcast_in_dim3A_109 = vector.broadcast %jit3A_108 : i32 to vector<2048x4xi32>
    %select_n3A_110 = arith.select %eq3A_107, %iota3A, %broadcast_in_dim3A_109 : vector<2048x4xi1>, vector<2048x4xi32>
    %reduce_min3A_111 = arith.constant dense<2147483647> : vector<2048xi32>
    %reduce_min3A_112 = vector.multi_reduction <minsi>, %select_n3A_110, %reduce_min3A_111 [1] : vector<2048x4xi32> to vector<2048xi32>
    %broadcast_in_dim3A_113 = vector.shape_cast %reduce_min3A_112 : vector<2048xi32> to vector<2048x1xi32>
    %convert_element_type3A_114 = arith.sitofp %broadcast_in_dim3A_113 : vector<2048x1xi32> to vector<2048x1xf32>
    %concatenate3A_115 = tpu.concatenate %convert_element_type3A_75, %convert_element_type3A_88, %convert_element_type3A_101, %convert_element_type3A_114 in 1 : vector<2048x1xf32>, vector<2048x1xf32>, vector<2048x1xf32>, vector<2048x1xf32> -> vector<2048x4xf32>
    %eq3A_116 = vector.broadcast %broadcast_in_dim3A_32 : vector<2048x1xi32> to vector<2048x4xi32>
    %eq3A_117 = arith.cmpi eq, %iota3A, %eq3A_116 : vector<2048x4xi32>
    %jit3A_118 = arith.constant 0.000000e+00 : f32
    %broadcast_in_dim3A_119 = vector.broadcast %jit3A_118 : f32 to vector<2048x4xf32>
    %select_n3A_120 = arith.select %eq3A_117, %concatenate3A_115, %broadcast_in_dim3A_119 : vector<2048x4xi1>, vector<2048x4xf32>
    %reduce_sum3A_121 = arith.constant dense<0.000000e+00> : vector<2048xf32>
    %reduce_sum3A_122 = vector.multi_reduction <add>, %select_n3A_120, %reduce_sum3A_121 [1] : vector<2048x4xf32> to vector<2048xf32>
    %broadcast_in_dim3A_123 = vector.shape_cast %reduce_sum3A_122 : vector<2048xf32> to vector<2048x1xf32>
    %eq3A_124 = vector.broadcast %broadcast_in_dim3A_48 : vector<2048x1xi32> to vector<2048x4xi32>
    %eq3A_125 = arith.cmpi eq, %iota3A, %eq3A_124 : vector<2048x4xi32>
    %jit3A_126 = arith.constant 0.000000e+00 : f32
    %broadcast_in_dim3A_127 = vector.broadcast %jit3A_126 : f32 to vector<2048x4xf32>
    %select_n3A_128 = arith.select %eq3A_125, %concatenate3A_115, %broadcast_in_dim3A_127 : vector<2048x4xi1>, vector<2048x4xf32>
    %reduce_sum3A_129 = arith.constant dense<0.000000e+00> : vector<2048xf32>
    %reduce_sum3A_130 = vector.multi_reduction <add>, %select_n3A_128, %reduce_sum3A_129 [1] : vector<2048x4xf32> to vector<2048xf32>
    %broadcast_in_dim3A_131 = vector.shape_cast %reduce_sum3A_130 : vector<2048xf32> to vector<2048x1xf32>
    %convert_element_type3A_132 = arith.sitofp %broadcast_in_dim3A_32 : vector<2048x1xi32> to vector<2048x1xf32>
    %mul3A_133 = arith.constant 4.000000e+00 : f32
    %mul3A_134 = vector.broadcast %mul3A_133 : f32 to vector<2048x1xf32>
    %mul3A_135 = arith.mulf %convert_element_type3A_132, %mul3A_134 : vector<2048x1xf32>
    %add3A_136 = arith.addf %mul3A_135, %broadcast_in_dim3A_123 : vector<2048x1xf32>
    %convert_element_type3A_137 = arith.sitofp %broadcast_in_dim3A_48 : vector<2048x1xi32> to vector<2048x1xf32>
    %mul3A_138 = arith.constant 4.000000e+00 : f32
    %mul3A_139 = vector.broadcast %mul3A_138 : f32 to vector<2048x1xf32>
    %mul3A_140 = arith.mulf %convert_element_type3A_137, %mul3A_139 : vector<2048x1xf32>
    %add3A_141 = arith.addf %mul3A_140, %broadcast_in_dim3A_131 : vector<2048x1xf32>
    %iota3A_142 = tpu.iota {dimensions = array<i32: 1>} : vector<4096x16xi32>
    %convert_element_type3A_143 = arith.sitofp %iota3A_142 : vector<4096x16xi32> to vector<4096x16xf32>
    %concatenate3A_144 = tpu.concatenate %add3A_136, %add3A_141 in 0 : vector<2048x1xf32>, vector<2048x1xf32> -> vector<4096x1xf32>
    %eq3A_145 = vector.broadcast %concatenate3A_144 : vector<4096x1xf32> to vector<4096x16xf32>
    %eq3A_146 = arith.cmpf oeq, %eq3A_145, %convert_element_type3A_143 : vector<4096x16xf32>
    %convert_element_type3A_147 = arith.extui %eq3A_146 : vector<4096x16xi1> to vector<4096x16xi32>
    %convert_element_type3A_148 = arith.sitofp %convert_element_type3A_147 : vector<4096x16xi32> to vector<4096x16xf32>
    %broadcast_in_dim3A_149 = arith.constant 0.000000e+00 : f32
    %broadcast_in_dim3A_150 = vector.broadcast %broadcast_in_dim3A_149 : f32 to vector<1x16xf32>
    %slice3A_151 = vector.extract_strided_slice %convert_element_type3A_148 {offsets = [0, 0], sizes = [4095, 16], strides = [1, 1]} : vector<4096x16xf32> to vector<4095x16xf32>
    %concatenate3A_152 = tpu.concatenate %broadcast_in_dim3A_150, %slice3A_151 in 0 : vector<1x16xf32>, vector<4095x16xf32> -> vector<4096x16xf32>
    %add3A_153 = arith.addf %convert_element_type3A_148, %concatenate3A_152 : vector<4096x16xf32>
    %broadcast_in_dim3A_154 = arith.constant 0.000000e+00 : f32
    %broadcast_in_dim3A_155 = vector.broadcast %broadcast_in_dim3A_154 : f32 to vector<2x16xf32>
    %slice3A_156 = vector.extract_strided_slice %add3A_153 {offsets = [0, 0], sizes = [4094, 16], strides = [1, 1]} : vector<4096x16xf32> to vector<4094x16xf32>
    %concatenate3A_157 = tpu.concatenate %broadcast_in_dim3A_155, %slice3A_156 in 0 : vector<2x16xf32>, vector<4094x16xf32> -> vector<4096x16xf32>
    %add3A_158 = arith.addf %add3A_153, %concatenate3A_157 : vector<4096x16xf32>
    %broadcast_in_dim3A_159 = arith.constant 0.000000e+00 : f32
    %broadcast_in_dim3A_160 = vector.broadcast %broadcast_in_dim3A_159 : f32 to vector<4x16xf32>
    %slice3A_161 = vector.extract_strided_slice %add3A_158 {offsets = [0, 0], sizes = [4092, 16], strides = [1, 1]} : vector<4096x16xf32> to vector<4092x16xf32>
    %concatenate3A_162 = tpu.concatenate %broadcast_in_dim3A_160, %slice3A_161 in 0 : vector<4x16xf32>, vector<4092x16xf32> -> vector<4096x16xf32>
    %add3A_163 = arith.addf %add3A_158, %concatenate3A_162 : vector<4096x16xf32>
    %broadcast_in_dim3A_164 = arith.constant 0.000000e+00 : f32
    %broadcast_in_dim3A_165 = vector.broadcast %broadcast_in_dim3A_164 : f32 to vector<8x16xf32>
    %slice3A_166 = vector.extract_strided_slice %add3A_163 {offsets = [0, 0], sizes = [4088, 16], strides = [1, 1]} : vector<4096x16xf32> to vector<4088x16xf32>
    %concatenate3A_167 = tpu.concatenate %broadcast_in_dim3A_165, %slice3A_166 in 0 : vector<8x16xf32>, vector<4088x16xf32> -> vector<4096x16xf32>
    %add3A_168 = arith.addf %add3A_163, %concatenate3A_167 : vector<4096x16xf32>
    %broadcast_in_dim3A_169 = arith.constant 0.000000e+00 : f32
    %broadcast_in_dim3A_170 = vector.broadcast %broadcast_in_dim3A_169 : f32 to vector<16x16xf32>
    %slice3A_171 = vector.extract_strided_slice %add3A_168 {offsets = [0, 0], sizes = [4080, 16], strides = [1, 1]} : vector<4096x16xf32> to vector<4080x16xf32>
    %concatenate3A_172 = tpu.concatenate %broadcast_in_dim3A_170, %slice3A_171 in 0 : vector<16x16xf32>, vector<4080x16xf32> -> vector<4096x16xf32>
    %add3A_173 = arith.addf %add3A_168, %concatenate3A_172 : vector<4096x16xf32>
    %broadcast_in_dim3A_174 = arith.constant 0.000000e+00 : f32
    %broadcast_in_dim3A_175 = vector.broadcast %broadcast_in_dim3A_174 : f32 to vector<32x16xf32>
    %slice3A_176 = vector.extract_strided_slice %add3A_173 {offsets = [0, 0], sizes = [4064, 16], strides = [1, 1]} : vector<4096x16xf32> to vector<4064x16xf32>
    %concatenate3A_177 = tpu.concatenate %broadcast_in_dim3A_175, %slice3A_176 in 0 : vector<32x16xf32>, vector<4064x16xf32> -> vector<4096x16xf32>
    %add3A_178 = arith.addf %add3A_173, %concatenate3A_177 : vector<4096x16xf32>
    %broadcast_in_dim3A_179 = arith.constant 0.000000e+00 : f32
    %broadcast_in_dim3A_180 = vector.broadcast %broadcast_in_dim3A_179 : f32 to vector<64x16xf32>
    %slice3A_181 = vector.extract_strided_slice %add3A_178 {offsets = [0, 0], sizes = [4032, 16], strides = [1, 1]} : vector<4096x16xf32> to vector<4032x16xf32>
    %concatenate3A_182 = tpu.concatenate %broadcast_in_dim3A_180, %slice3A_181 in 0 : vector<64x16xf32>, vector<4032x16xf32> -> vector<4096x16xf32>
    %add3A_183 = arith.addf %add3A_178, %concatenate3A_182 : vector<4096x16xf32>
    %broadcast_in_dim3A_184 = arith.constant 0.000000e+00 : f32
    %broadcast_in_dim3A_185 = vector.broadcast %broadcast_in_dim3A_184 : f32 to vector<128x16xf32>
    %slice3A_186 = vector.extract_strided_slice %add3A_183 {offsets = [0, 0], sizes = [3968, 16], strides = [1, 1]} : vector<4096x16xf32> to vector<3968x16xf32>
    %concatenate3A_187 = tpu.concatenate %broadcast_in_dim3A_185, %slice3A_186 in 0 : vector<128x16xf32>, vector<3968x16xf32> -> vector<4096x16xf32>
    %add3A_188 = arith.addf %add3A_183, %concatenate3A_187 : vector<4096x16xf32>
    %broadcast_in_dim3A_189 = arith.constant 0.000000e+00 : f32
    %broadcast_in_dim3A_190 = vector.broadcast %broadcast_in_dim3A_189 : f32 to vector<256x16xf32>
    %slice3A_191 = vector.extract_strided_slice %add3A_188 {offsets = [0, 0], sizes = [3840, 16], strides = [1, 1]} : vector<4096x16xf32> to vector<3840x16xf32>
    %concatenate3A_192 = tpu.concatenate %broadcast_in_dim3A_190, %slice3A_191 in 0 : vector<256x16xf32>, vector<3840x16xf32> -> vector<4096x16xf32>
    %add3A_193 = arith.addf %add3A_188, %concatenate3A_192 : vector<4096x16xf32>
    %broadcast_in_dim3A_194 = arith.constant 0.000000e+00 : f32
    %broadcast_in_dim3A_195 = vector.broadcast %broadcast_in_dim3A_194 : f32 to vector<512x16xf32>
    %slice3A_196 = vector.extract_strided_slice %add3A_193 {offsets = [0, 0], sizes = [3584, 16], strides = [1, 1]} : vector<4096x16xf32> to vector<3584x16xf32>
    %concatenate3A_197 = tpu.concatenate %broadcast_in_dim3A_195, %slice3A_196 in 0 : vector<512x16xf32>, vector<3584x16xf32> -> vector<4096x16xf32>
    %add3A_198 = arith.addf %add3A_193, %concatenate3A_197 : vector<4096x16xf32>
    %broadcast_in_dim3A_199 = arith.constant 0.000000e+00 : f32
    %broadcast_in_dim3A_200 = vector.broadcast %broadcast_in_dim3A_199 : f32 to vector<1024x16xf32>
    %slice3A_201 = vector.extract_strided_slice %add3A_198 {offsets = [0, 0], sizes = [3072, 16], strides = [1, 1]} : vector<4096x16xf32> to vector<3072x16xf32>
    %concatenate3A_202 = tpu.concatenate %broadcast_in_dim3A_200, %slice3A_201 in 0 : vector<1024x16xf32>, vector<3072x16xf32> -> vector<4096x16xf32>
    %add3A_203 = arith.addf %add3A_198, %concatenate3A_202 : vector<4096x16xf32>
    %broadcast_in_dim3A_204 = arith.constant 0.000000e+00 : f32
    %broadcast_in_dim3A_205 = vector.broadcast %broadcast_in_dim3A_204 : f32 to vector<2048x16xf32>
    %slice3A_206 = vector.extract_strided_slice %add3A_203 {offsets = [0, 0], sizes = [2048, 16], strides = [1, 1]} : vector<4096x16xf32> to vector<2048x16xf32>
    %concatenate3A_207 = tpu.concatenate %broadcast_in_dim3A_205, %slice3A_206 in 0 : vector<2048x16xf32>, vector<2048x16xf32> -> vector<4096x16xf32>
    %add3A_208 = arith.addf %add3A_203, %concatenate3A_207 : vector<4096x16xf32>
    %sub3A_209 = arith.subf %add3A_208, %convert_element_type3A_148 : vector<4096x16xf32>
    %slice3A_210 = vector.extract_strided_slice %add3A_208 {offsets = [4095, 0], sizes = [1, 16], strides = [1, 1]} : vector<4096x16xf32> to vector<1x16xf32>
    %div3A_211 = arith.constant 1.280000e+02 : f32
    %div3A_212 = vector.broadcast %div3A_211 : f32 to vector<1x16xf32>
    %div3A_213 = arith.divf %slice3A_210, %div3A_212 : vector<1x16xf32>
    %ceil3A = math.ceil %div3A_213 : vector<1x16xf32>
    %mul3A_214 = arith.constant 1.280000e+02 : f32
    %mul3A_215 = vector.broadcast %mul3A_214 : f32 to vector<1x16xf32>
    %mul3A_216 = arith.mulf %ceil3A, %mul3A_215 : vector<1x16xf32>
    %iota3A_217 = tpu.iota {dimensions = array<i32: 0>} : vector<16x16xi32>
    %iota3A_218 = tpu.iota {dimensions = array<i32: 1>} : vector<16x16xi32>
    %lt3A = arith.cmpi slt, %iota3A_217, %iota3A_218 : vector<16x16xi32>
    %convert_element_type3A_219 = arith.extui %lt3A : vector<16x16xi1> to vector<16x16xi32>
    %convert_element_type3A_220 = arith.sitofp %convert_element_type3A_219 : vector<16x16xi32> to vector<16x16xf32>
    %dot_general3A_221 = arith.constant dense<0.000000e+00> : vector<1x16xf32>
    %dot_general3A_222 = tpu.matmul %mul3A_216, %convert_element_type3A_220, %dot_general3A_221 {dimension_numbers = #tpu.dot_dimension_numbers<[1], [0], [0], [1], [0, 0, 1, 1], [], []>, transpose_lhs_hint = false} : vector<1x16xf32>, vector<16x16xf32>, vector<1x16xf32> -> vector<1x16xf32>
    %add3A_223 = vector.broadcast %dot_general3A_222 : vector<1x16xf32> to vector<4096x16xf32>
    %add3A_224 = arith.addf %add3A_223, %sub3A_209 : vector<4096x16xf32>
    %mul3A_225 = arith.mulf %add3A_224, %convert_element_type3A_148 : vector<4096x16xf32>
    %reduce_sum3A_226 = arith.constant dense<0.000000e+00> : vector<4096xf32>
    %reduce_sum3A_227 = vector.multi_reduction <add>, %mul3A_225, %reduce_sum3A_226 [1] : vector<4096x16xf32> to vector<4096xf32>
    %broadcast_in_dim3A_228 = vector.shape_cast %reduce_sum3A_227 : vector<4096xf32> to vector<4096x1xf32>
    %convert_element_type3A_229 = arith.fptosi %broadcast_in_dim3A_228 : vector<4096x1xf32> to vector<4096x1xi32>
    %swap3A_230 = arith.constant 0 : index
    %swap3A_231 = arith.constant 0 : index
    %swap3A_232 = vector.load %arg5[%swap3A_230, %swap3A_231] : memref<4096x1xi32, #tpu.memory_space<vmem>>, vector<4096x1xi32>
    tpu.vector_store %arg5[%swap3A_230, %swap3A_231], %convert_element_type3A_229 {strides = array<i32>} : memref<4096x1xi32, #tpu.memory_space<vmem>>, vector<4096x1xi32>,
    %eq3A_233 = arith.cmpi eq, %iota3A_217, %iota3A_218 : vector<16x16xi32>
    %convert_element_type3A_234 = arith.extui %eq3A_233 : vector<16x16xi1> to vector<16x16xi32>
    %convert_element_type3A_235 = arith.sitofp %convert_element_type3A_234 : vector<16x16xi32> to vector<16x16xf32>
    %dot_general3A_236 = arith.constant dense<0.000000e+00> : vector<16x1xf32>
    %dot_general3A_237 = tpu.matmul %convert_element_type3A_235, %dot_general3A_222, %dot_general3A_236 {dimension_numbers = #tpu.dot_dimension_numbers<[1], [1], [0], [0], [0, 0, 1, 0], [], []>, transpose_lhs_hint = false} : vector<16x16xf32>, vector<1x16xf32>, vector<16x1xf32> -> vector<16x1xf32>
    %convert_element_type3A_238 = arith.fptosi %dot_general3A_237 : vector<16x1xf32> to vector<16x1xi32>
    %swap3A_239 = arith.constant 0 : index
    %swap3A_240 = arith.constant 0 : index
    %swap3A_241 = vector.load %arg6[%swap3A_239, %swap3A_240] : memref<16x1xi32, #tpu.memory_space<vmem>>, vector<16x1xi32>
    tpu.vector_store %arg6[%swap3A_239, %swap3A_240], %convert_element_type3A_238 {strides = array<i32>} : memref<16x1xi32, #tpu.memory_space<vmem>>, vector<16x1xi32>,
    %div3A_242 = arith.constant 1.280000e+02 : f32
    %div3A_243 = vector.broadcast %div3A_242 : f32 to vector<1x16xf32>
    %div3A_244 = arith.divf %mul3A_216, %div3A_243 : vector<1x16xf32>
    %dot_general3A_245 = arith.constant dense<0.000000e+00> : vector<16x1xf32>
    %dot_general3A_246 = tpu.matmul %convert_element_type3A_235, %div3A_244, %dot_general3A_245 {dimension_numbers = #tpu.dot_dimension_numbers<[1], [1], [0], [0], [0, 0, 1, 0], [], []>, transpose_lhs_hint = false} : vector<16x16xf32>, vector<1x16xf32>, vector<16x1xf32> -> vector<16x1xf32>
    %convert_element_type3A_247 = arith.fptosi %dot_general3A_246 : vector<16x1xf32> to vector<16x1xi32>
    %swap3A_248 = arith.constant 0 : index
    %swap3A_249 = arith.constant 0 : index
    %swap3A_250 = vector.load %arg7[%swap3A_248, %swap3A_249] : memref<16x1xi32, #tpu.memory_space<vmem>>, vector<16x1xi32>
    tpu.vector_store %arg7[%swap3A_248, %swap3A_249], %convert_element_type3A_247 {strides = array<i32>} : memref<16x1xi32, #tpu.memory_space<vmem>>, vector<16x1xi32>,
    return
  }
}

module attributes {stable_mosaic.version = 14 : i64} {
  func.func @_ffn_body(%arg0: i32, %arg1: i32, %arg2: memref<16xi32, #tpu.memory_space<smem>>, %arg3: memref<16xi32, #tpu.memory_space<smem>>, %arg4: memref<6144x1024xf32, #tpu.memory_space<vmem>>, %arg5: memref<1x512x1024xf32, #tpu.memory_space<vmem>>, %arg6: memref<1x1024x512xf32, #tpu.memory_space<vmem>>, %arg7: memref<6144x1024xf32, #tpu.memory_space<vmem>>) attributes {dimension_semantics = [#tpu.dimension_semantics<arbitrary>, #tpu.dimension_semantics<arbitrary>], iteration_bounds = array<i64: 16, 8>, scalar_prefetch = 2 : i64, scratch_operands = 0 : i64, tpu.core_type = #tpu.core_type<tc>, window_params = [{pipeline_mode = #tpu.pipeline_mode<synchronous>, transform_indices = @transform_0, window_bounds = array<i64: 6144, 1024>}, {transform_indices = @transform_1, window_bounds = array<i64: 1, 512, 1024>}, {transform_indices = @transform_2, window_bounds = array<i64: 1, 1024, 512>}, {pipeline_mode = #tpu.pipeline_mode<synchronous>, transform_indices = @transform_3, window_bounds = array<i64: 6144, 1024>}]} {
    %get3A = arith.index_cast %arg0 : i32 to index
    %get3A_0 = memref.load %arg2[%get3A] : memref<16xi32, #tpu.memory_space<smem>>
    %get3A_1 = arith.index_cast %arg0 : i32 to index
    %get3A_2 = memref.load %arg3[%get3A_1] : memref<16xi32, #tpu.memory_space<smem>>
    %get3A_3 = arith.constant 0 : index
    %get3A_4 = arith.constant 0 : index
    %get3A_5 = arith.constant 0 : index
    %get3A_6 = vector.load %arg5[%get3A_3, %get3A_4, %get3A_5] : memref<1x512x1024xf32, #tpu.memory_space<vmem>>, vector<1x512x1024xf32>
    %get3A_7 = vector.shape_cast %get3A_6 : vector<1x512x1024xf32> to vector<512x1024xf32>
    %convert_element_type3A = arith.truncf %get3A_7 : vector<512x1024xf32> to vector<512x1024xbf16>
    %get3A_8 = arith.constant 0 : index
    %get3A_9 = arith.constant 0 : index
    %get3A_10 = arith.constant 0 : index
    %get3A_11 = vector.load %arg6[%get3A_8, %get3A_9, %get3A_10] : memref<1x1024x512xf32, #tpu.memory_space<vmem>>, vector<1x1024x512xf32>
    %get3A_12 = vector.shape_cast %get3A_11 : vector<1x1024x512xf32> to vector<1024x512xf32>
    %convert_element_type3A_13 = arith.truncf %get3A_12 : vector<1024x512xf32> to vector<1024x512xbf16>
    %while3A = arith.constant 0 : i32
    %while3A_14 = arith.constant 0 : i32
    %while3A_15 = arith.subi %get3A_2, %while3A_14 : i32
    %while3A_16 = arith.addi %while3A_14, %while3A_15 : i32
    %while3A_17 = arith.constant 1 : i32
    %while3A_18 = arith.divsi %while3A_15, %while3A_17 : i32
    %while3A_19 = arith.muli %while3A_18, %while3A_17 : i32
    %while3A_20 = arith.addi %while3A_14, %while3A_19 : i32
    %while3A_21 = arith.constant 1 : i32
    scf.for %while3A_23 = %while3A_14 to %while3A_20 step %while3A_21  : i32 {
      %mul3A = arith.constant 128 : i32
      %mul3A_24 = arith.muli %while3A_23, %mul3A : i32
      %add3A = arith.addi %get3A_0, %mul3A_24 : i32
      %multiple_of3A = tpu.assume_multiple %add3A, 128 : i32
      %get3A_25 = arith.index_cast %multiple_of3A : i32 to index
      %get3A_26 = arith.constant 0 : index
      %get3A_27 = vector.load %arg4[%get3A_25, %get3A_26] : memref<6144x1024xf32, #tpu.memory_space<vmem>>, vector<128x1024xf32>
      %convert_element_type3A_28 = arith.truncf %get3A_27 : vector<128x1024xf32> to vector<128x1024xbf16>
      %dot_general3A = arith.constant dense<0.000000e+00> : vector<128x512xf32>
      %dot_general3A_29 = tpu.matmul %convert_element_type3A_28, %convert_element_type3A, %dot_general3A {dimension_numbers = #tpu.dot_dimension_numbers<[1], [1], [0], [0], [0, 0, 1, 0], [], []>, transpose_lhs_hint = false} : vector<128x1024xbf16>, vector<512x1024xbf16>, vector<128x512xf32> -> vector<128x512xf32>
      %mul3A_30 = arith.constant 5.000000e-01 : f32
      %mul3A_31 = vector.broadcast %mul3A_30 : f32 to vector<128x512xf32>
      %mul3A_32 = arith.mulf %mul3A_31, %dot_general3A_29 : vector<128x512xf32>
      %mul3A_33 = arith.constant 0.707106769 : f32
      %mul3A_34 = vector.broadcast %mul3A_33 : f32 to vector<128x512xf32>
      %mul3A_35 = arith.mulf %dot_general3A_29, %mul3A_34 : vector<128x512xf32>
      %erf3A = math.erf %mul3A_35 : vector<128x512xf32>
      %add3A_36 = arith.constant 1.000000e+00 : f32
      %add3A_37 = vector.broadcast %add3A_36 : f32 to vector<128x512xf32>
      %add3A_38 = arith.addf %add3A_37, %erf3A : vector<128x512xf32>
      %mul3A_39 = arith.mulf %mul3A_32, %add3A_38 : vector<128x512xf32>
      %convert_element_type3A_40 = arith.truncf %mul3A_39 : vector<128x512xf32> to vector<128x512xbf16>
      %dot_general3A_41 = arith.constant dense<0.000000e+00> : vector<128x1024xf32>
      %dot_general3A_42 = tpu.matmul %convert_element_type3A_40, %convert_element_type3A_13, %dot_general3A_41 {dimension_numbers = #tpu.dot_dimension_numbers<[1], [1], [0], [0], [0, 0, 1, 0], [], []>, transpose_lhs_hint = false} : vector<128x512xbf16>, vector<1024x512xbf16>, vector<128x1024xf32> -> vector<128x1024xf32>
      %eq3A = arith.constant 0 : i32
      %eq3A_43 = arith.cmpi eq, %arg1, %eq3A : i32
      %convert_element_type3A_44 = arith.extui %eq3A_43 : i1 to i32
      %cond3A = arith.constant 0 : i32
      %cond3A_45 = arith.cmpi ne, %convert_element_type3A_44, %cond3A : i32
      scf.if %cond3A_45 {
        %swap3A = arith.index_cast %multiple_of3A : i32 to index
        %swap3A_50 = arith.constant 0 : index
        %swap3A_51 = vector.load %arg7[%swap3A, %swap3A_50] : memref<6144x1024xf32, #tpu.memory_space<vmem>>, vector<128x1024xf32>
        tpu.vector_store %arg7[%swap3A, %swap3A_50], %dot_general3A_42 {strides = array<i32>} : memref<6144x1024xf32, #tpu.memory_space<vmem>>, vector<128x1024xf32>,
      } else {
      }
      %ne3A = arith.constant 0 : i32
      %ne3A_46 = arith.cmpi ne, %arg1, %ne3A : i32
      %convert_element_type3A_47 = arith.extui %ne3A_46 : i1 to i32
      %cond3A_48 = arith.constant 0 : i32
      %cond3A_49 = arith.cmpi ne, %convert_element_type3A_47, %cond3A_48 : i32
      scf.if %cond3A_49 {
        %get3A_50 = arith.index_cast %multiple_of3A : i32 to index
        %get3A_51 = arith.constant 0 : index
        %get3A_52 = vector.load %arg7[%get3A_50, %get3A_51] : memref<6144x1024xf32, #tpu.memory_space<vmem>>, vector<128x1024xf32>
        %add3A_53 = arith.addf %get3A_52, %dot_general3A_42 : vector<128x1024xf32>
        %swap3A = arith.index_cast %multiple_of3A : i32 to index
        %swap3A_54 = arith.constant 0 : index
        %swap3A_55 = vector.load %arg7[%swap3A, %swap3A_54] : memref<6144x1024xf32, #tpu.memory_space<vmem>>, vector<128x1024xf32>
        tpu.vector_store %arg7[%swap3A, %swap3A_54], %add3A_53 {strides = array<i32>} : memref<6144x1024xf32, #tpu.memory_space<vmem>>, vector<128x1024xf32>,
      } else {
      }
    }
    %while3A_22 = arith.constant 1 : i32
    scf.for %while3A_23 = %while3A_20 to %while3A_16 step %while3A_22  : i32 {
      %mul3A = arith.constant 128 : i32
      %mul3A_24 = arith.muli %while3A_23, %mul3A : i32
      %add3A = arith.addi %get3A_0, %mul3A_24 : i32
      %multiple_of3A = tpu.assume_multiple %add3A, 128 : i32
      %get3A_25 = arith.index_cast %multiple_of3A : i32 to index
      %get3A_26 = arith.constant 0 : index
      %get3A_27 = vector.load %arg4[%get3A_25, %get3A_26] : memref<6144x1024xf32, #tpu.memory_space<vmem>>, vector<128x1024xf32>
      %convert_element_type3A_28 = arith.truncf %get3A_27 : vector<128x1024xf32> to vector<128x1024xbf16>
      %dot_general3A = arith.constant dense<0.000000e+00> : vector<128x512xf32>
      %dot_general3A_29 = tpu.matmul %convert_element_type3A_28, %convert_element_type3A, %dot_general3A {dimension_numbers = #tpu.dot_dimension_numbers<[1], [1], [0], [0], [0, 0, 1, 0], [], []>, transpose_lhs_hint = false} : vector<128x1024xbf16>, vector<512x1024xbf16>, vector<128x512xf32> -> vector<128x512xf32>
      %mul3A_30 = arith.constant 5.000000e-01 : f32
      %mul3A_31 = vector.broadcast %mul3A_30 : f32 to vector<128x512xf32>
      %mul3A_32 = arith.mulf %mul3A_31, %dot_general3A_29 : vector<128x512xf32>
      %mul3A_33 = arith.constant 0.707106769 : f32
      %mul3A_34 = vector.broadcast %mul3A_33 : f32 to vector<128x512xf32>
      %mul3A_35 = arith.mulf %dot_general3A_29, %mul3A_34 : vector<128x512xf32>
      %erf3A = math.erf %mul3A_35 : vector<128x512xf32>
      %add3A_36 = arith.constant 1.000000e+00 : f32
      %add3A_37 = vector.broadcast %add3A_36 : f32 to vector<128x512xf32>
      %add3A_38 = arith.addf %add3A_37, %erf3A : vector<128x512xf32>
      %mul3A_39 = arith.mulf %mul3A_32, %add3A_38 : vector<128x512xf32>
      %convert_element_type3A_40 = arith.truncf %mul3A_39 : vector<128x512xf32> to vector<128x512xbf16>
      %dot_general3A_41 = arith.constant dense<0.000000e+00> : vector<128x1024xf32>
      %dot_general3A_42 = tpu.matmul %convert_element_type3A_40, %convert_element_type3A_13, %dot_general3A_41 {dimension_numbers = #tpu.dot_dimension_numbers<[1], [1], [0], [0], [0, 0, 1, 0], [], []>, transpose_lhs_hint = false} : vector<128x512xbf16>, vector<1024x512xbf16>, vector<128x1024xf32> -> vector<128x1024xf32>
      %eq3A = arith.constant 0 : i32
      %eq3A_43 = arith.cmpi eq, %arg1, %eq3A : i32
      %convert_element_type3A_44 = arith.extui %eq3A_43 : i1 to i32
      %cond3A = arith.constant 0 : i32
      %cond3A_45 = arith.cmpi ne, %convert_element_type3A_44, %cond3A : i32
      scf.if %cond3A_45 {
        %swap3A = arith.index_cast %multiple_of3A : i32 to index
        %swap3A_50 = arith.constant 0 : index
        %swap3A_51 = vector.load %arg7[%swap3A, %swap3A_50] : memref<6144x1024xf32, #tpu.memory_space<vmem>>, vector<128x1024xf32>
        tpu.vector_store %arg7[%swap3A, %swap3A_50], %dot_general3A_42 {strides = array<i32>} : memref<6144x1024xf32, #tpu.memory_space<vmem>>, vector<128x1024xf32>,
      } else {
      }
      %ne3A = arith.constant 0 : i32
      %ne3A_46 = arith.cmpi ne, %arg1, %ne3A : i32
      %convert_element_type3A_47 = arith.extui %ne3A_46 : i1 to i32
      %cond3A_48 = arith.constant 0 : i32
      %cond3A_49 = arith.cmpi ne, %convert_element_type3A_47, %cond3A_48 : i32
      scf.if %cond3A_49 {
        %get3A_50 = arith.index_cast %multiple_of3A : i32 to index
        %get3A_51 = arith.constant 0 : index
        %get3A_52 = vector.load %arg7[%get3A_50, %get3A_51] : memref<6144x1024xf32, #tpu.memory_space<vmem>>, vector<128x1024xf32>
        %add3A_53 = arith.addf %get3A_52, %dot_general3A_42 : vector<128x1024xf32>
        %swap3A = arith.index_cast %multiple_of3A : i32 to index
        %swap3A_54 = arith.constant 0 : index
        %swap3A_55 = vector.load %arg7[%swap3A, %swap3A_54] : memref<6144x1024xf32, #tpu.memory_space<vmem>>, vector<128x1024xf32>
        tpu.vector_store %arg7[%swap3A, %swap3A_54], %add3A_53 {strides = array<i32>} : memref<6144x1024xf32, #tpu.memory_space<vmem>>, vector<128x1024xf32>,
      } else {
      }
    }
    return
  }
  func.func @transform_0(%arg0: i32, %arg1: i32, %arg2: memref<16xi32, #tpu.memory_space<smem>>, %arg3: memref<16xi32, #tpu.memory_space<smem>>) -> (i32, i32) {
    %c0_i32 = arith.constant 0 : i32
    %c0_i32_0 = arith.constant 0 : i32
    %c0_i32_1 = arith.constant 0 : i32
    return %c0_i32, %c0_i32_0 : i32, i32
  }
  func.func @transform_1(%arg0: i32, %arg1: i32, %arg2: memref<16xi32, #tpu.memory_space<smem>>, %arg3: memref<16xi32, #tpu.memory_space<smem>>) -> (i32, i32, i32) {
    %c0_i32 = arith.constant 0 : i32
    %c0_i32_0 = arith.constant 0 : i32
    return %arg0, %arg1, %c0_i32 : i32, i32, i32
  }
  func.func @transform_2(%arg0: i32, %arg1: i32, %arg2: memref<16xi32, #tpu.memory_space<smem>>, %arg3: memref<16xi32, #tpu.memory_space<smem>>) -> (i32, i32, i32) {
    %c0_i32 = arith.constant 0 : i32
    %c0_i32_0 = arith.constant 0 : i32
    return %arg0, %c0_i32, %arg1 : i32, i32, i32
  }
  func.func @transform_3(%arg0: i32, %arg1: i32, %arg2: memref<16xi32, #tpu.memory_space<smem>>, %arg3: memref<16xi32, #tpu.memory_space<smem>>) -> (i32, i32) {
    %c0_i32 = arith.constant 0 : i32
    %c0_i32_0 = arith.constant 0 : i32
    %c0_i32_1 = arith.constant 0 : i32
    return %c0_i32, %c0_i32_0 : i32, i32
  }
}

</mosaic_0001>

<sc_bundles>
// kernel: kernel.6.cloned.1.call-start
scs
__scs_entry_jumppad:
0x0: {  	(pc) =	sbr.rel $0x88, $3  }
0x1: {  	(tag) =	ssettag $0x0;
	lr =	simm.s32 $0x1  }
0x2: {  	[smem:$0x3F9C] =	sst lr;
	_ =	strace $0xD0000000  }
0x3: {  	_ = 	snop  }
0x4: {  	_ = 	snop  }
0x5: {  	_ = 	snop  }
0x6: {  	_ = 	snop  }
0x7: {  	_ = 	snop  }
__scs_overlays_trampoline_lowered:
0x8: {  	[smem:$0x3FAB] =	sst s0  }
0x9: {  	[smem:$0x3FAC] =	sst s1  }
0xa: {  	[smem:$0x3FAD] =	sst s2  }
0xb: {  	[smem:$0x3FAE] =	sst s3  }
0xc: {  	[smem:$0x3FAF] =	sst s4  }
0xd: {  	[smem:$0x3FB0] =	sst s5  }
0xe: {  	[smem:$0x3FB1] =	sst s6  }
0xf: {  	[smem:$0x3FB2] =	sst s7  }
0x10: {  	[smem:$0x3FB3] =	sst s8  }
0x11: {  	[smem:$0x3FB4] =	sst s9;
	s0 =	simm.s32 @!p0 $0x0  }
0x12: {  	s1 =	sld [smem:$0x3F9A];
	s0 =	simm.s32 @p0 $0x1  }
0x13: {  	[smem:$0x3FB5] =	sst s0;
	s0 =	simm.s32 @!p1 $0x0  }
0x14: {  	s2 =	sld [smem:$0x3F99];
	s0 =	simm.s32 @p1 $0x1  }
0x15: {  	[smem:$0x3FB6] =	sst s0;
	s0 =	simm.s32 @!p2 $0x0  }
0x16: {  	s3 =	sld [smem:$0x3FDB];
	s0 =	simm.s32 @p2 $0x1  }
0x17: {  	s4 =	simm.s32 $0x1BF5;
	[smem:$0x3FB8] =	sst s0  }
0x18: {  	s0 =	sld [smem:$0x3F9B];
	_ =	swait.ge [sflag:s4], $0x0  }
0x19: {  	s7 =	sld [smem:$0x3F9C]  }
0x1a: {  	s8 =	sadd.s32 $0xFFFFE003, lr  }
0x1b: {  	s9 =	sadd.s32 $0xFFFFFEF7, lr;
	s5 =	simm.s32 $0xFFFFFFFF;
	p2 =	slt.u32 s8, $0xFFFFF086  }
0x1c: {  	p1 =	slt.u32 s9, $0xF7A;
	s5 =	simm.s32 @!p2 $0x0  }
0x1d: {  	s5 =	simm.s32 @p1 $0x1;
	p0 =	seq.s32 s7, s2  }
0x1e: {  	s7 =	smul.u32 @!p0 $0xF7A, s2;
	p2 =	seq.s32 @!p0 s5, $0x0  }
0x1f: {  	s9 =	smul.u32 $0xF7A, s1;
	s8 =	simm.s32 @!p0 $0x1BF5;
	p2 =	por !p2, p0  }
0x20: {  	[sflag:s8] =	ssyncset.s32 @!p0 $0xFFFFF086;
	s6 =	sadd.s32 @!p0 s3, s7;
	s7 =	simm.s32 @!p0 $0x108  }
0x21: {  	s3 =	sadd.s32 s3, s9;
	s6 =	sadd.s32 @!p0 $0x88, s6;
	s7 =	simm.s32 @p2 $0x1082  }
0x22: {  	[simem:s7], [sflag:s8] =	dma.local @!p0 [hbm:s6], $0xF7A  }
0x23: {  	s9 =	sor.u32 $0xD0000000, s2;
	s6 =	simm.s32 $0x108;
	_ =	swait.ge @!p0 [sflag:s8], $0x0  }
0x24: {  	s3 =	sadd.s32 $0x88, s3;
	s6 =	simm.s32 @!p1 $0x1082;
	[sflag:s4] =	ssyncset.s32 $0xFFFFF086  }
0x25: {  	[simem:s6], [sflag:s4] =	dma.local [hbm:s3], $0xF7A  }
0x26: {  	[smem:$0x3F9C] =	sst s1;
	(tag) =	ssettag s2;
	_ =	strace s9  }
0x27: {  	s1 =	sld [smem:$0x3FAC]  }
0x28: {  	s2 =	sld [smem:$0x3FAD]  }
0x29: {  	s4 =	sld [smem:$0x3FAF]  }
0x2a: {  	p0 =	seq.s32 s5, $0x0;
	s5 =	sld [smem:$0x3FB0]  }
0x2b: {  	s6 =	sld [smem:$0x3FB1]  }
0x2c: {  	s7 =	sld [smem:$0x3FB2]  }
0x2d: {  	s3 =	simm.s32 $0x108;
	s8 =	sld [smem:$0x3FB3]  }
0x2e: {  	s3 =	simm.s32 @!p0 $0x1082;
	s9 =	sld [smem:$0x3FB4]  }
0x2f: {  	lr =	sadd.s32 s0, s3;
	s0 =	sld [smem:$0x3FAB]  }
0x30: {  	s3 =	sld [smem:$0x3FAE]  }
0x31: {  	[smem:$0x3FB7] =	sst s10  }
0x32: {  	s10 =	sld [smem:$0x3FB5];
	_ =	sdelay $0x3  }
0x33: {  	p0 =	seq.s32 s10, $0x1;
	s10 =	sld [smem:$0x3FB7];
	_ =	sdelay $0x3  }
0x34: {  	[smem:$0x3FB7] =	sst s10  }
0x35: {  	s10 =	sld [smem:$0x3FB6];
	_ =	sdelay $0x3  }
0x36: {  	p1 =	seq.s32 s10, $0x1;
	s10 =	sld [smem:$0x3FB7];
	_ =	sdelay $0x3  }
0x37: {  	[smem:$0x3FB7] =	sst s10  }
0x38: {  	s10 =	sld [smem:$0x3FB8]  }
0x39: {  	_ = 	snop;
	(pc) =	sbr.ind lr, $3  }
0x3a: {  	_ = 	snop  }
0x3b: {  	_ = 	snop  }
0x3c: {  	p2 =	seq.s32 s10, $0x1;
	s10 =	sld [smem:$0x3FB7]  }
0x3d: {  	_ =	shalt  }
0x3e: {  	_ =	shalt  }
0x3f: {  	_ =	shalt  }
0x40: {  	_ =	shalt  }
0x41: {  	_ =	shalt  }
0x42: {  	_ =	shalt  }
0x43: {  	_ =	shalt  }
0x44: {  	_ =	shalt  }
0x45: {  	_ =	shalt  }
0x46: {  	_ =	shalt  }
0x47: {  	_ =	shalt  }
0x48: {  	_ =	shalt  }
0x49: {  	_ =	shalt  }
0x4a: {  	_ =	shalt  }
0x4b: {  	_ =	shalt  }
0x4c: {  	_ =	shalt  }
0x4d: {  	_ =	shalt  }
0x4e: {  	_ =	shalt  }
0x4f: {  	_ =	shalt  }
0x50: {  	_ =	shalt  }
0x51: {  	_ =	shalt  }
0x52: {  	_ =	shalt  }
0x53: {  	_ =	shalt  }
0x54: {  	_ =	shalt  }
0x55: {  	_ =	shalt  }
0x56: {  	_ =	shalt  }
0x57: {  	_ =	shalt  }
0x58: {  	_ =	shalt  }
0x59: {  	_ =	shalt  }
0x5a: {  	_ =	shalt  }
0x5b: {  	_ =	shalt  }
0x5c: {  	_ =	shalt  }
0x5d: {  	_ =	shalt  }
0x5e: {  	_ =	shalt  }
0x5f: {  	_ =	shalt  }
0x60: {  	_ =	shalt  }
0x61: {  	_ =	shalt  }
0x62: {  	_ =	shalt  }
0x63: {  	_ =	shalt  }
0x64: {  	_ =	shalt  }
0x65: {  	_ =	shalt  }
0x66: {  	_ =	shalt  }
0x67: {  	_ =	shalt  }
0x68: {  	_ =	shalt  }
0x69: {  	_ =	shalt  }
0x6a: {  	_ =	shalt  }
0x6b: {  	_ =	shalt  }
0x6c: {  	_ =	shalt  }
0x6d: {  	_ =	shalt  }
0x6e: {  	_ =	shalt  }
0x6f: {  	_ =	shalt  }
0x70: {  	_ =	shalt  }
0x71: {  	_ =	shalt  }
0x72: {  	_ =	shalt  }
0x73: {  	_ =	shalt  }
0x74: {  	_ =	shalt  }
0x75: {  	_ =	shalt  }
0x76: {  	_ =	shalt  }
0x77: {  	_ =	shalt  }
0x78: {  	_ =	shalt  }
0x79: {  	_ =	shalt  }
0x7a: {  	_ =	shalt  }
0x7b: {  	_ =	shalt  }
0x7c: {  	_ =	shalt  }
0x7d: {  	_ =	shalt  }
0x7e: {  	_ =	shalt  }
0x7f: {  	_ =	shalt  }
0x80: {  	_ =	shalt  }
0x81: {  	_ =	shalt  }
0x82: {  	_ =	shalt  }
0x83: {  	_ =	shalt  }
0x84: {  	_ =	shalt  }
0x85: {  	_ =	shalt  }
0x86: {  	_ =	shalt  }
0x87: {  	_ =	shalt  }
.Lfunc_end0:
.L_simem_size_0:
called_computation_lowered:
.L_overlay_start_0:
0x88: {  	s2 =	sld [smem:$0x3FD9]  }
0x89: {  	s3 =	sld [smem:$0x3FFE];
	_ =	sdelay $0x1  }
0x8a: {  	s1 =	srdreg.scid  }
0x8b: {  	s0 =	sand.u32 $0x1, s1  }
0x8c: {  	s14 =	sshll.u32 s0, $0xA;
	s2 =	sadd.s32 s3, s2  }
0x8d: {  	s2 =	sadd.s32 s2, s14  }
0x8e: {  	[smem:$0x3FC3] =	sst s2  }
0x8f: {  	_ = 	snop  }
0x90: {  	s2 =	sld [smem:$0x3FD0];
	_ =	sdelay $0x2  }
0x91: {  	s4 =	simm.s32 $0xA;
	s5 =	simm.s32 $0x10;
	s15 =	sld [smem:$0x3FC9]  }
0x92: {  	[smem:s5], [sflag:s4] =	dma.local [hbm:s2], $0x1  }
0x93: {  	_ =	swait.eq [sflag:s4], $0x1  }
0x94: {  	[sflag:s4] =	ssyncset.done $0x0  }
0x95: {  	[sflag:s4] =	ssyncadd.s32 $0xFFFFFFFF  }
0x96: {  	s16 =	sld [smem:$0x11];
	(tm) =	ssettm $0x1  }
0x97: {  	s17 =	sld [smem:$0x3FFB];
	_ =	sdelay $0x3  }
0x98: {  	_ =	strace s17  }
0x99: {  	s4 =	sld [smem:$0x3FFC];
	_ =	sdelay $0x3  }
0x9a: {  	_ =	strace s4  }
0x9b: {  	s4 =	sld [smem:$0x3FFD];
	_ =	sdelay $0x3  }
0x9c: {  	_ =	strace s4  }
0x9d: {  	_ =	strace $0x8FFFFFFF  }
0x9e: {  	s18 =	sld [smem:$0x3FDB];
	_ =	sdelay $0x1  }
0x9f: {  	s19 =	simm.s32 $_scs_section_size  }
0xa0: {  	s6 =	simm.s32 $_size__tile_overlayer_lowered;
	s7 =	simm.s32 $_tile_overlayer_lowered  }
0xa1: {  	s22 =	simm.s32 $0x1BFF;
	s21 =	sshll.u32 s7, $0x1;
	s4 =	sadd.s32 s19, s18  }
0xa2: {  	s8 =	simm.s32 $0x0;
	s20 =	sshll.u32 s6, $0x1;
	s6 =	sadd.s32 s21, s4  }
0xa3: {  	[timem:s8], [sflag:s22] =	dma.local [hbm:s6], s20  }
0xa4: {  	_ =	swait.ge [sflag:s22], s20  }
0xa5: {  	s5 =	ssub.s32 $0x0, s20;
	[sflag:s22] =	ssyncset.done $0x0  }
0xa6: {  	[sflag:s22] =	ssyncadd.s32 s5;
	_ =	sdelay $0x1  }
0xa7: {  	s23 =	simm.s32 $0x1B8B  }
0xa8: {  	_ =	swait.ge [sflag:s23], $0x1  }
0xa9: {  	[sflag:s23] =	ssyncset.done $0x0  }
0xaa: {  	s25 =	simm.s32 $0x1B8E;
	s24 =	sld [smem:$0x3FFE];
	[sflag:s23] =	ssyncadd.s32 $0xFFFFFFFF  }
0xab: {  	s26 =	simm.s32 $execute0_lowered;
	[smem:$0x3FD2] =	sst s25  }
0xac: {  	s6 =	sshll.u32 s26, $0x1;
	_ =	strace $0x80000046;
	[dreg:$0x1] =	wrdreg $0xFFFFFFFF  }
0xad: {  	s28 =	simm.s32 $_size_execute0_lowered;
	s4 =	sadd.s32 s4, s6;
	[dreg:$0x0] =	wrdreg $0x0  }
0xae: {  	s6 =	sshll.u32 s28, $0x1;
	[dreg:$0x2] =	wrdreg s4  }
0xaf: {  	[dreg:$0x3] =	wrdreg s6  }
0xb0: {  	[dreg:$0x4] =	wrdreg $0xC0  }
0xb1: {  	_ =	task [dreg:s8], $0x5FFFF  }
0xb2: {  	[dreg:$0x1] =	wrdreg $0xFFFFFFFF  }
0xb3: {  	[dreg:$0x0] =	wrdreg $0x60  }
0xb4: {  	[dreg:$0x2] =	wrdreg s15  }
0xb5: {  	[dreg:$0x3] =	wrdreg s16  }
0xb6: {  	[dreg:$0x4] =	wrdreg s24  }
0xb7: {  	[dreg:$0x5] =	wrdreg $0x9  }
0xb8: {  	_ =	task.clear_ibuf [dreg:s8], $0x6FFFF;
	_ =	strace $0x90000046  }
0xb9: {  	s29 =	simm.s32 $0x9;
	_ =	strace $0x80000048  }
0xba: {  	_ =	swait.ge [sflag:s29], $0x1  }
0xbb: {  	[sflag:s29] =	ssyncadd.s32 $0xFFFFFFFF  }
0xbc: {  	_ =	strace $0x90000048  }
0xbd: {  	_ =	sfence  }
0xbe: {  	s30 =	sld [smem:$0x0];
	_ =	sdelay $0x2  }
0xbf: {  	s31 =	sshll.u32 s1, $0xD;
	s1 =	sshrl.u32 s1, $0x2  }
0xc0: {  	s3 =	sand.u32 $0x4000, s31;
	s1 =	sadd.s32 s1, s30  }
0xc1: {  	s0 =	sor.u32 s3, s0;
	s1 =	sshll.u32 s1, $0x11  }
0xc2: {  	s0 =	sor.u32 s1, s0  }
0xc3: {  	s0 =	sadd.s32 $0x8F2B, s0  }
0xc4: {  	[sflag:s0] =	ssyncadd.remote.s32 $0x1  }
0xc5: {  	_ =	sfence.sel $0xFFFF  }
0xc6: {  	[dreg:$0x0] =	wrdreg $0xFFFFFFFF;
	(pc) =	sbr.abs _section_cstart, $3  }
0xc7: {  	[dreg:$0x1] =	wrdreg $0xFFFFFFFF  }
0xc8: {  	_ =	task.clear_ibuf [dreg:s8], $0x2FFFF;
	_ =	strace $0x9FFFFFFF  }
0xc9: {  	(tm) =	ssettm $0x7FFFFFFF  }
tec
execute0_lowered:
.L_overlay_start_1:
0x0: {  	(tag) =	ssettag $0x1  }
0x1: {  	s0 =	rddreg [dreg:$0x0]  }
0x2: {  	s1 =	rddreg [dreg:$0x1]  }
0x3: {  	s6 =	rddreg [dreg:$0x2]  }
0x4: {  	s3 =	srdreg.scid;
	s2 =	simm.s32 $0x0;
	s5 =	stileid.u32  }
0x5: {  	s18 =	simm.s32 $0x1;
	s28 =	simm.s32 $0x4080;
	s29 =	simm.s32 $0x4880  }
0x6: {  	s30 =	simm.s32 $0x5080;
	s31 =	simm.s32 $0x5880;
	s10 =	simm.s32 $0x7080  }
0x7: {  	s11 =	simm.s32 $0x7880;
	s12 =	simm.s32 $0x8080;
	s13 =	simm.s32 $0x8880  }
0x8: {  	s14 =	simm.s32 $0x9080;
	s15 =	simm.s32 $0x9880;
	s16 =	simm.s32 $0xA080  }
0x9: {  	s17 =	simm.s32 $0xA880;
	s4 =	sand.u32 $0x1, s3;
	[smem:$0x7FF] =	sst s2  }
0xa: {  	s20 =	sshll.u32 s5, $0x8;
	s3 =	sadd.s32 $0x8000, s6;
	s21 =	sshll.u32 s4, $0x7  }
0xb: {  	_ =	strace $0x80000047;
	s4 =	ssub.s32 $0x2, s4;
	s5 =	sor.u32 s21, s20  }
0xc: {  	s9 =	sshrl.u32 s4, $0x1;
	s20 =	simm.s32 $0x880;
	s21 =	simm.s32 $0x1080  }
0xd: {  	s7 =	sshrl.u32 s5, $0x3;
	s8 =	sshll.u32 s5, $0x7;
	s23 =	ssub.s32 s4, s9  }
0xe: {  	s5 =	sor.u32 $0x40, s5;
	s4 =	sadd.s32 $0x8100, s6;
	s9 =	simm.s32 $0xB080  }
0xf: {  	s7 =	sadd.s32 s1, s7;
	s8 =	sand.u32 $0x3C000, s8;
	s24 =	sshrl.u32 s5, $0x3  }
0x10: {  	s25 =	sshll.u32 s5, $0x7;
	s5 =	sadd.s32 $0x8200, s6;
	s6 =	sadd.s32 $0x8300, s6  }
0x11: {  	[dreg:$0x4] =	wrdreg s7;
	s22 =	sadd.s32 s0, s8;
	s1 =	sadd.s32 s1, s24  }
0x12: {  	s26 =	sand.u32 $0x3E000, s25;
	s7 =	smax.u32 s23, $0x1;
	s8 =	simm.s32 $0x2  }
0x13: {  	v2 =	vlaneseq.u32;
	s23 =	simm.s32 $0x2080;
	s24 =	simm.s32 $0x2880;
	[dreg:$0x5] =	wrdreg s22  }
0x14: {  	vm0 =	vmmov $0xffff;
	v1 =	vshrl.u32 v2, $0x3;
	s25 =	simm.s32 $0x3080;
	[dreg:$0x6] =	wrdreg s1;
	s0 =	sadd.s32 s0, s26  }
0x15: {  	v0 =	vand.u32 $0x7, v2;
	v2 =	vor.u32 $0x8, v2;
	v1 =	vmul.u32 $0x8, v1;
	s22 =	simm.s32 $0x1880;
	s26 =	simm.s32 $0x3880;
	[dreg:$0x7] =	wrdreg s0  }
.LBB2_1:
0x16: {  	s19 =	rddreg [dreg:$0x4]  }
0x17: {  	[tilespmem:s2], [sflag:$0x2] =	stream.linear.gather [hbm4b:s19+s2], $0x40, $0x38;
	[tilespmem:$0x10080] =	vst v63  }
0x18: {  	_ =	swait.ge [sflag:s8], $0x40  }
0x19: {  	[sflag:s8] =	ssyncset.done $0x0  }
0x1a: {  	s0 =	simm.s32 $0x80;
	s1 =	rddreg [dreg:$0x5];
	[sflag:s8] =	ssyncadd.s32 $0xFFFFFFC0  }
0x1b: {  	[tilespmem:s0], [sflag:$0x2] =	stream.linear.gather [hbm4b:s1+s2], $0x10000, $0x38;
	[tilespmem:$0x10080] =	vst v63  }
0x1c: {  	_ =	swait.ge [sflag:s8], $0x10000  }
0x1d: {  	[sflag:s8] =	ssyncset.done $0x0  }
0x1e: {  	[sflag:s8] =	ssyncadd.s32 $0xFFFF0000  }
0x1f: {  	v3 =	vld [tilespmem:$0x0];
	_ =	sdelay $0x4  }
0x20: {  	v4 =	vshll.u32 v3, $0x3  }
0x21: {  	v3 =	vand.u32 $0x7, v3;
	v4 =	vand.u32 $0xFFFFFFC0, v4  }
0x22: {  	v3 =	vor.u32 v3, v4  }
0x23: {  	v4 =	vperm.xlane v3, v0;
	_ =	sdelay $0x1  }
0x24: {  	v4 =	vadd.s32 v1, v4;
	_ =	sdelay $0x4  }
0x25: {  	[hbm4b:s3+s2] =	stream.indirect_vreg.scatter [tilespmem:s0], [sflag:$0x1], $0x80, v4, vm0, $0xb8;
	[tilespmem:$0x10080] =	vst v63  }
0x26: {  	v3 =	vperm.xlane v3, v2  }
0x27: {  	[hbm4b:s4+s2] =	stream.indirect_vreg.scatter [tilespmem:s20], [sflag:$0x1], $0x80, v4, vm0, $0xb8;
	[tilespmem:$0x10080] =	vst v63  }
0x28: {  	v3 =	vadd.s32 v1, v3  }
0x29: {  	[hbm4b:s5+s2] =	stream.indirect_vreg.scatter [tilespmem:s21], [sflag:$0x1], $0x80, v4, vm0, $0xb8;
	[tilespmem:$0x10080] =	vst v63  }
0x2a: {  	_ = 	snop  }
0x2b: {  	[hbm4b:s6+s2] =	stream.indirect_vreg.scatter [tilespmem:s22], [sflag:$0x1], $0x80, v4, vm0, $0xb8;
	[tilespmem:$0x10080] =	vst v63  }
0x2c: {  	_ = 	snop  }
0x2d: {  	[hbm4b:s3+s2] =	stream.indirect_vreg.scatter [tilespmem:s23], [sflag:$0x1], $0x80, v3, vm0, $0xb8;
	[tilespmem:$0x10080] =	vst v63  }
0x2e: {  	_ = 	snop  }
0x2f: {  	[hbm4b:s4+s2] =	stream.indirect_vreg.scatter [tilespmem:s24], [sflag:$0x1], $0x80, v3, vm0, $0xb8;
	[tilespmem:$0x10080] =	vst v63  }
0x30: {  	_ = 	snop  }
0x31: {  	[hbm4b:s5+s2] =	stream.indirect_vreg.scatter [tilespmem:s25], [sflag:$0x1], $0x80, v3, vm0, $0xb8;
	[tilespmem:$0x10080] =	vst v63  }
0x32: {  	_ = 	snop  }
0x33: {  	[hbm4b:s6+s2] =	stream.indirect_vreg.scatter [tilespmem:s26], [sflag:$0x1], $0x80, v3, vm0, $0xb8;
	[tilespmem:$0x10080] =	vst v63  }
0x34: {  	v3 =	vld [tilespmem:$0x10];
	_ =	sdelay $0x4  }
0x35: {  	v57 =	vshll.u32 v3, $0x3  }
0x36: {  	v3 =	vand.u32 $0x7, v3;
	v4 =	vand.u32 $0xFFFFFFC0, v57  }
0x37: {  	v3 =	vor.u32 v3, v4  }
0x38: {  	v4 =	vperm.xlane v3, v0;
	_ =	sdelay $0x1  }
0x39: {  	v4 =	vadd.s32 v1, v4;
	_ =	sdelay $0x4  }
0x3a: {  	[hbm4b:s3+s2] =	stream.indirect_vreg.scatter [tilespmem:s28], [sflag:$0x1], $0x80, v4, vm0, $0xb8;
	[tilespmem:$0x10080] =	vst v63  }
0x3b: {  	v3 =	vperm.xlane v3, v2  }
0x3c: {  	[hbm4b:s4+s2] =	stream.indirect_vreg.scatter [tilespmem:s29], [sflag:$0x1], $0x80, v4, vm0, $0xb8;
	[tilespmem:$0x10080] =	vst v63  }
0x3d: {  	v3 =	vadd.s32 v1, v3  }
0x3e: {  	[hbm4b:s5+s2] =	stream.indirect_vreg.scatter [tilespmem:s30], [sflag:$0x1], $0x80, v4, vm0, $0xb8;
	[tilespmem:$0x10080] =	vst v63  }
0x3f: {  	_ = 	snop  }
0x40: {  	[hbm4b:s6+s2] =	stream.indirect_vreg.scatter [tilespmem:s31], [sflag:$0x1], $0x80, v4, vm0, $0xb8;
	[tilespmem:$0x10080] =	vst v63  }
0x41: {  	s1 =	simm.s32 $0x6080  }
0x42: {  	[hbm4b:s3+s2] =	stream.indirect_vreg.scatter [tilespmem:s1], [sflag:$0x1], $0x80, v3, vm0, $0xb8;
	[tilespmem:$0x10080] =	vst v63  }
0x43: {  	s1 =	simm.s32 $0x6880  }
0x44: {  	[hbm4b:s4+s2] =	stream.indirect_vreg.scatter [tilespmem:s1], [sflag:$0x1], $0x80, v3, vm0, $0xb8;
	[tilespmem:$0x10080] =	vst v63  }
0x45: {  	_ = 	snop  }
0x46: {  	[hbm4b:s5+s2] =	stream.indirect_vreg.scatter [tilespmem:s10], [sflag:$0x1], $0x80, v3, vm0, $0xb8;
	[tilespmem:$0x10080] =	vst v63  }
0x47: {  	_ = 	snop  }
0x48: {  	[hbm4b:s6+s2] =	stream.indirect_vreg.scatter [tilespmem:s11], [sflag:$0x1], $0x80, v3, vm0, $0xb8;
	[tilespmem:$0x10080] =	vst v63  }
0x49: {  	v3 =	vld [tilespmem:$0x20];
	_ =	sdelay $0x4  }
0x4a: {  	v58 =	vshll.u32 v3, $0x3  }
0x4b: {  	v3 =	vand.u32 $0x7, v3;
	v4 =	vand.u32 $0xFFFFFFC0, v58  }
0x4c: {  	v3 =	vor.u32 v3, v4  }
0x4d: {  	v4 =	vperm.xlane v3, v0;
	_ =	sdelay $0x1  }
0x4e: {  	v4 =	vadd.s32 v1, v4;
	_ =	sdelay $0x4  }
0x4f: {  	[hbm4b:s3+s2] =	stream.indirect_vreg.scatter [tilespmem:s12], [sflag:$0x1], $0x80, v4, vm0, $0xb8;
	[tilespmem:$0x10080] =	vst v63  }
0x50: {  	v3 =	vperm.xlane v3, v2  }
0x51: {  	[hbm4b:s4+s2] =	stream.indirect_vreg.scatter [tilespmem:s13], [sflag:$0x1], $0x80, v4, vm0, $0xb8;
	[tilespmem:$0x10080] =	vst v63  }
0x52: {  	v3 =	vadd.s32 v1, v3  }
0x53: {  	[hbm4b:s5+s2] =	stream.indirect_vreg.scatter [tilespmem:s14], [sflag:$0x1], $0x80, v4, vm0, $0xb8;
	[tilespmem:$0x10080] =	vst v63  }
0x54: {  	_ = 	snop  }
0x55: {  	[hbm4b:s6+s2] =	stream.indirect_vreg.scatter [tilespmem:s15], [sflag:$0x1], $0x80, v4, vm0, $0xb8;
	[tilespmem:$0x10080] =	vst v63  }
0x56: {  	_ = 	snop  }
0x57: {  	[hbm4b:s3+s2] =	stream.indirect_vreg.scatter [tilespmem:s16], [sflag:$0x1], $0x80, v3, vm0, $0xb8;
	[tilespmem:$0x10080] =	vst v63  }
0x58: {  	_ = 	snop  }
0x59: {  	[hbm4b:s4+s2] =	stream.indirect_vreg.scatter [tilespmem:s17], [sflag:$0x1], $0x80, v3, vm0, $0xb8;
	[tilespmem:$0x10080] =	vst v63  }
0x5a: {  	_ = 	snop  }
0x5b: {  	[hbm4b:s5+s2] =	stream.indirect_vreg.scatter [tilespmem:s9], [sflag:$0x1], $0x80, v3, vm0, $0xb8;
	[tilespmem:$0x10080] =	vst v63  }
0x5c: {  	s19 =	simm.s32 $0xB880  }
0x5d: {  	[hbm4b:s6+s2] =	stream.indirect_vreg.scatter [tilespmem:s19], [sflag:$0x1], $0x80, v3, vm0, $0xb8;
	[tilespmem:$0x10080] =	vst v63  }
0x5e: {  	v3 =	vld [tilespmem:$0x30];
	_ =	sdelay $0x4  }
0x5f: {  	v59 =	vshll.u32 v3, $0x3  }
0x60: {  	v3 =	vand.u32 $0x7, v3;
	v4 =	vand.u32 $0xFFFFFFC0, v59  }
0x61: {  	v3 =	vor.u32 v3, v4  }
0x62: {  	v4 =	vperm.xlane v3, v0;
	_ =	sdelay $0x1  }
0x63: {  	v4 =	vadd.s32 v1, v4;
	_ =	sdelay $0x3  }
0x64: {  	s19 =	simm.s32 $0xC080  }
0x65: {  	[hbm4b:s3+s2] =	stream.indirect_vreg.scatter [tilespmem:s19], [sflag:$0x1], $0x80, v4, vm0, $0xb8;
	[tilespmem:$0x10080] =	vst v63  }
0x66: {  	v3 =	vperm.xlane v3, v2;
	s19 =	simm.s32 $0xC880  }
0x67: {  	[hbm4b:s4+s2] =	stream.indirect_vreg.scatter [tilespmem:s19], [sflag:$0x1], $0x80, v4, vm0, $0xb8;
	[tilespmem:$0x10080] =	vst v63  }
0x68: {  	v3 =	vadd.s32 v1, v3;
	s19 =	simm.s32 $0xD080  }
0x69: {  	[hbm4b:s5+s2] =	stream.indirect_vreg.scatter [tilespmem:s19], [sflag:$0x1], $0x80, v4, vm0, $0xb8;
	[tilespmem:$0x10080] =	vst v63  }
0x6a: {  	s19 =	simm.s32 $0xD880  }
0x6b: {  	[hbm4b:s6+s2] =	stream.indirect_vreg.scatter [tilespmem:s19], [sflag:$0x1], $0x80, v4, vm0, $0xb8;
	[tilespmem:$0x10080] =	vst v63  }
0x6c: {  	s19 =	simm.s32 $0xE080  }
0x6d: {  	[hbm4b:s3+s2] =	stream.indirect_vreg.scatter [tilespmem:s19], [sflag:$0x1], $0x80, v3, vm0, $0xb8;
	[tilespmem:$0x10080] =	vst v63  }
0x6e: {  	s19 =	simm.s32 $0xE880  }
0x6f: {  	[hbm4b:s4+s2] =	stream.indirect_vreg.scatter [tilespmem:s19], [sflag:$0x1], $0x80, v3, vm0, $0xb8;
	[tilespmem:$0x10080] =	vst v63  }
0x70: {  	s19 =	simm.s32 $0xF080  }
0x71: {  	[hbm4b:s5+s2] =	stream.indirect_vreg.scatter [tilespmem:s19], [sflag:$0x1], $0x80, v3, vm0, $0xb8;
	[tilespmem:$0x10080] =	vst v63  }
0x72: {  	s19 =	simm.s32 $0xF880  }
0x73: {  	[hbm4b:s6+s2] =	stream.indirect_vreg.scatter [tilespmem:s19], [sflag:$0x1], $0x80, v3, vm0, $0xb8;
	[tilespmem:$0x10080] =	vst v63  }
0x74: {  	_ =	swait.ge [sflag:s18], $0x10000  }
0x75: {  	[sflag:s18] =	ssyncset.done $0x0  }
0x76: {  	s19 =	rddreg [dreg:$0x6];
	[sflag:s18] =	ssyncadd.s32 $0xFFFF0000  }
0x77: {  	[tilespmem:s2], [sflag:$0x2] =	stream.linear.gather [hbm4b:s19+s2], $0x40, $0x38;
	[tilespmem:$0x10080] =	vst v63  }
0x78: {  	_ =	swait.ge [sflag:s8], $0x40  }
0x79: {  	[sflag:s8] =	ssyncset.done $0x0  }
0x7a: {  	s19 =	rddreg [dreg:$0x7];
	[sflag:s8] =	ssyncadd.s32 $0xFFFFFFC0  }
0x7b: {  	[tilespmem:s0], [sflag:$0x2] =	stream.linear.gather [hbm4b:s19+s2], $0x10000, $0x38;
	[tilespmem:$0x10080] =	vst v63  }
0x7c: {  	_ =	swait.ge [sflag:s8], $0x10000  }
0x7d: {  	[sflag:s8] =	ssyncset.done $0x0  }
0x7e: {  	[sflag:s8] =	ssyncadd.s32 $0xFFFF0000  }
0x7f: {  	v3 =	vld [tilespmem:$0x0];
	_ =	sdelay $0x4  }
0x80: {  	v60 =	vshll.u32 v3, $0x3  }
0x81: {  	v3 =	vand.u32 $0x7, v3;
	v4 =	vand.u32 $0xFFFFFFC0, v60  }
0x82: {  	v3 =	vor.u32 v3, v4  }
0x83: {  	v4 =	vperm.xlane v3, v0;
	_ =	sdelay $0x1  }
0x84: {  	v4 =	vadd.s32 v1, v4;
	_ =	sdelay $0x4  }
0x85: {  	[hbm4b:s3+s2] =	stream.indirect_vreg.scatter [tilespmem:s0], [sflag:$0x1], $0x80, v4, vm0, $0xb8;
	[tilespmem:$0x10080] =	vst v63  }
0x86: {  	v3 =	vperm.xlane v3, v2  }
0x87: {  	[hbm4b:s4+s2] =	stream.indirect_vreg.scatter [tilespmem:s20], [sflag:$0x1], $0x80, v4, vm0, $0xb8;
	[tilespmem:$0x10080] =	vst v63  }
0x88: {  	v3 =	vadd.s32 v1, v3  }
0x89: {  	[hbm4b:s5+s2] =	stream.indirect_vreg.scatter [tilespmem:s21], [sflag:$0x1], $0x80, v4, vm0, $0xb8;
	[tilespmem:$0x10080] =	vst v63  }
0x8a: {  	_ = 	snop  }
0x8b: {  	[hbm4b:s6+s2] =	stream.indirect_vreg.scatter [tilespmem:s22], [sflag:$0x1], $0x80, v4, vm0, $0xb8;
	[tilespmem:$0x10080] =	vst v63  }
0x8c: {  	_ = 	snop  }
0x8d: {  	[hbm4b:s3+s2] =	stream.indirect_vreg.scatter [tilespmem:s23], [sflag:$0x1], $0x80, v3, vm0, $0xb8;
	[tilespmem:$0x10080] =	vst v63  }
0x8e: {  	_ = 	snop  }
0x8f: {  	[hbm4b:s4+s2] =	stream.indirect_vreg.scatter [tilespmem:s24], [sflag:$0x1], $0x80, v3, vm0, $0xb8;
	[tilespmem:$0x10080] =	vst v63  }
0x90: {  	_ = 	snop  }
0x91: {  	[hbm4b:s5+s2] =	stream.indirect_vreg.scatter [tilespmem:s25], [sflag:$0x1], $0x80, v3, vm0, $0xb8;
	[tilespmem:$0x10080] =	vst v63  }
0x92: {  	_ = 	snop  }
0x93: {  	[hbm4b:s6+s2] =	stream.indirect_vreg.scatter [tilespmem:s26], [sflag:$0x1], $0x80, v3, vm0, $0xb8;
	[tilespmem:$0x10080] =	vst v63  }
0x94: {  	v3 =	vld [tilespmem:$0x10];
	_ =	sdelay $0x4  }
0x95: {  	v61 =	vshll.u32 v3, $0x3  }
0x96: {  	v3 =	vand.u32 $0x7, v3;
	v4 =	vand.u32 $0xFFFFFFC0, v61  }
0x97: {  	v3 =	vor.u32 v3, v4  }
0x98: {  	v4 =	vperm.xlane v3, v0;
	_ =	sdelay $0x1  }
0x99: {  	v4 =	vadd.s32 v1, v4;
	_ =	sdelay $0x4  }
0x9a: {  	[hbm4b:s3+s2] =	stream.indirect_vreg.scatter [tilespmem:s28], [sflag:$0x1], $0x80, v4, vm0, $0xb8;
	[tilespmem:$0x10080] =	vst v63  }
0x9b: {  	v3 =	vperm.xlane v3, v2  }
0x9c: {  	[hbm4b:s4+s2] =	stream.indirect_vreg.scatter [tilespmem:s29], [sflag:$0x1], $0x80, v4, vm0, $0xb8;
	[tilespmem:$0x10080] =	vst v63  }
0x9d: {  	v3 =	vadd.s32 v1, v3  }
0x9e: {  	[hbm4b:s5+s2] =	stream.indirect_vreg.scatter [tilespmem:s30], [sflag:$0x1], $0x80, v4, vm0, $0xb8;
	[tilespmem:$0x10080] =	vst v63  }
0x9f: {  	_ = 	snop  }
0xa0: {  	[hbm4b:s6+s2] =	stream.indirect_vreg.scatter [tilespmem:s31], [sflag:$0x1], $0x80, v4, vm0, $0xb8;
	[tilespmem:$0x10080] =	vst v63  }
0xa1: {  	s19 =	simm.s32 $0x6080  }
0xa2: {  	[hbm4b:s3+s2] =	stream.indirect_vreg.scatter [tilespmem:s19], [sflag:$0x1], $0x80, v3, vm0, $0xb8;
	[tilespmem:$0x10080] =	vst v63  }
0xa3: {  	_ = 	snop  }
0xa4: {  	[hbm4b:s4+s2] =	stream.indirect_vreg.scatter [tilespmem:s1], [sflag:$0x1], $0x80, v3, vm0, $0xb8;
	[tilespmem:$0x10080] =	vst v63  }
0xa5: {  	_ = 	snop  }
0xa6: {  	[hbm4b:s5+s2] =	stream.indirect_vreg.scatter [tilespmem:s10], [sflag:$0x1], $0x80, v3, vm0, $0xb8;
	[tilespmem:$0x10080] =	vst v63  }
0xa7: {  	_ = 	snop  }
0xa8: {  	[hbm4b:s6+s2] =	stream.indirect_vreg.scatter [tilespmem:s11], [sflag:$0x1], $0x80, v3, vm0, $0xb8;
	[tilespmem:$0x10080] =	vst v63  }
0xa9: {  	v3 =	vld [tilespmem:$0x20];
	_ =	sdelay $0x4  }
0xaa: {  	v62 =	vshll.u32 v3, $0x3  }
0xab: {  	v3 =	vand.u32 $0x7, v3;
	v4 =	vand.u32 $0xFFFFFFC0, v62  }
0xac: {  	v3 =	vor.u32 v3, v4  }
0xad: {  	v4 =	vperm.xlane v3, v0;
	_ =	sdelay $0x1  }
0xae: {  	v4 =	vadd.s32 v1, v4;
	_ =	sdelay $0x4  }
0xaf: {  	[hbm4b:s3+s2] =	stream.indirect_vreg.scatter [tilespmem:s12], [sflag:$0x1], $0x80, v4, vm0, $0xb8;
	[tilespmem:$0x10080] =	vst v63  }
0xb0: {  	v3 =	vperm.xlane v3, v2  }
0xb1: {  	[hbm4b:s4+s2] =	stream.indirect_vreg.scatter [tilespmem:s13], [sflag:$0x1], $0x80, v4, vm0, $0xb8;
	[tilespmem:$0x10080] =	vst v63  }
0xb2: {  	v3 =	vadd.s32 v1, v3  }
0xb3: {  	[hbm4b:s5+s2] =	stream.indirect_vreg.scatter [tilespmem:s14], [sflag:$0x1], $0x80, v4, vm0, $0xb8;
	[tilespmem:$0x10080] =	vst v63  }
0xb4: {  	_ = 	snop  }
0xb5: {  	[hbm4b:s6+s2] =	stream.indirect_vreg.scatter [tilespmem:s15], [sflag:$0x1], $0x80, v4, vm0, $0xb8;
	[tilespmem:$0x10080] =	vst v63  }
0xb6: {  	_ = 	snop  }
0xb7: {  	[hbm4b:s3+s2] =	stream.indirect_vreg.scatter [tilespmem:s16], [sflag:$0x1], $0x80, v3, vm0, $0xb8;
	[tilespmem:$0x10080] =	vst v63  }
0xb8: {  	_ = 	snop  }
0xb9: {  	[hbm4b:s4+s2] =	stream.indirect_vreg.scatter [tilespmem:s17], [sflag:$0x1], $0x80, v3, vm0, $0xb8;
	[tilespmem:$0x10080] =	vst v63  }
0xba: {  	_ = 	snop  }
0xbb: {  	[hbm4b:s5+s2] =	stream.indirect_vreg.scatter [tilespmem:s9], [sflag:$0x1], $0x80, v3, vm0, $0xb8;
	[tilespmem:$0x10080] =	vst v63  }
0xbc: {  	s19 =	simm.s32 $0xB880  }
0xbd: {  	[hbm4b:s6+s2] =	stream.indirect_vreg.scatter [tilespmem:s19], [sflag:$0x1], $0x80, v3, vm0, $0xb8;
	[tilespmem:$0x10080] =	vst v63  }
0xbe: {  	v3 =	vld [tilespmem:$0x30];
	_ =	sdelay $0x4  }
0xbf: {  	v63 =	vshll.u32 v3, $0x3  }
0xc0: {  	v3 =	vand.u32 $0x7, v3;
	v4 =	vand.u32 $0xFFFFFFC0, v63  }
0xc1: {  	v3 =	vor.u32 v3, v4  }
0xc2: {  	v4 =	vperm.xlane v3, v0;
	_ =	sdelay $0x1  }
0xc3: {  	v4 =	vadd.s32 v1, v4;
	_ =	sdelay $0x3  }
0xc4: {  	s1 =	simm.s32 $0xC080  }
0xc5: {  	[hbm4b:s3+s2] =	stream.indirect_vreg.scatter [tilespmem:s1], [sflag:$0x1], $0x80, v4, vm0, $0xb8;
	[tilespmem:$0x10080] =	vst v63  }
0xc6: {  	s19 =	simm.s32 $0xC880;
	v3 =	vperm.xlane v3, v2  }
0xc7: {  	[hbm4b:s4+s2] =	stream.indirect_vreg.scatter [tilespmem:s19], [sflag:$0x1], $0x80, v4, vm0, $0xb8;
	[tilespmem:$0x10080] =	vst v63  }
0xc8: {  	v3 =	vadd.s32 v1, v3;
	s1 =	simm.s32 $0xD080  }
0xc9: {  	[hbm4b:s5+s2] =	stream.indirect_vreg.scatter [tilespmem:s1], [sflag:$0x1], $0x80, v4, vm0, $0xb8;
	[tilespmem:$0x10080] =	vst v63  }
0xca: {  	s19 =	simm.s32 $0xD880  }
0xcb: {  	[hbm4b:s6+s2] =	stream.indirect_vreg.scatter [tilespmem:s19], [sflag:$0x1], $0x80, v4, vm0, $0xb8;
	[tilespmem:$0x10080] =	vst v63  }
0xcc: {  	s1 =	simm.s32 $0xE080  }
0xcd: {  	[hbm4b:s3+s2] =	stream.indirect_vreg.scatter [tilespmem:s1], [sflag:$0x1], $0x80, v3, vm0, $0xb8;
	[tilespmem:$0x10080] =	vst v63  }
0xce: {  	s19 =	simm.s32 $0xE880  }
0xcf: {  	[hbm4b:s4+s2] =	stream.indirect_vreg.scatter [tilespmem:s19], [sflag:$0x1], $0x80, v3, vm0, $0xb8;
	[tilespmem:$0x10080] =	vst v63  }
0xd0: {  	p0 =	sne.s32 s7, $0x1;
	s1 =	simm.s32 $0xF080  }
0xd1: {  	[hbm4b:s5+s2] =	stream.indirect_vreg.scatter [tilespmem:s1], [sflag:$0x1], $0x80, v3, vm0, $0xb8;
	[tilespmem:$0x10080] =	vst v63  }
.Ltmp0:
0xd2: {  	s19 =	simm.s32 $0xF880;
	(pc) =	sbr.rel @p0 .LBB2_1-.Ltmp0, $4  }
0xd3: {  	[hbm4b:s6+s2] =	stream.indirect_vreg.scatter [tilespmem:s19], [sflag:$0x1], $0x80, v3, vm0, $0xb8;
	[tilespmem:$0x10080] =	vst v63  }
0xd4: {  	_ =	swait.ge [sflag:s18], $0x10000  }
0xd5: {  	[sflag:s18] =	ssyncset.done $0x0  }
0xd6: {  	s7 =	sadd.s32 $0xFFFFFFFF, s7;
	[sflag:s18] =	ssyncadd.s32 $0xFFFF0000  }
0xd7: {  	_ =	sfence.sel $0x180000  }
0xd8: {  	[bflag:$0x0] =	sbarrier.arrive $0xFFFF  }
0xd9: {  	_ =	strace $0x90000047  }
0xda: {  	s0 =	stileid.u32;
	[bflag:$0x2] =	sbarrier.arrive $0xFFFF  }
0xdb: {  	p0 =	sne.s32 s0, $0x0;
	s0 =	rddreg [dreg:$0x3]  }
0xdc: {  	s0 =	sadd.s32 @!p0 $0x100000, s0  }
0xdd: {  	[sflag:s0] =	ssyncadd.tile.s32 @!p0 $0x1;
	_ =	shalt  }
.Lfunc_end2:
_tile_overlayer_lowered:
.L_overlay_start_2:
0xde: {  	(tag) =	ssettag $0x2  }
0xdf: {  	s0 =	rddreg [dreg:$0x0];
	s2 =	stileid.u32  }
0xe0: {  	s1 =	rddreg [dreg:$0x1];
	p0 =	sne.s32 s2, $0x0  }
0xe1: {  	s3 =	rddreg [dreg:$0x2];
	[bflag:$0x3] =	sbarrier.arrive $0xFFFF;
	s2 =	simm.s32 @!p0 $0x1C02  }
0xe2: {  	[timem:s3], [sflag:s2] =	dma.local @!p0 [hbm:s0], s1  }
0xe3: {  	s0 =	simm.s32 @!p0 $0x2  }
0xe4: {  	_ =	swait.ge @!p0 [sflag:s0], s1  }
0xe5: {  	s1 =	ssub.s32 @!p0 $0x0, s1;
	[sflag:s0] =	ssyncset.done @!p0 $0x0  }
0xe6: {  	[sflag:s0] =	ssyncadd.s32 @!p0 s1  }
0xe7: {  	[bflag:$0x3] =	sbarrier.arrive $0xFFFF  }
0xe8: {  	_ =	shalt  }

// kernel: kernel.9.cloned.1.call-start
scs
__scs_entry_jumppad:
0x0: {  	(pc) =	sbr.rel $0x88, $3  }
0x1: {  	(tag) =	ssettag $0x0;
	lr =	simm.s32 $0x1  }
0x2: {  	[smem:$0x3F9C] =	sst lr;
	_ =	strace $0xD0000000  }
0x3: {  	_ = 	snop  }
0x4: {  	_ = 	snop  }
0x5: {  	_ = 	snop  }
0x6: {  	_ = 	snop  }
0x7: {  	_ = 	snop  }
__scs_overlays_trampoline_lowered:
0x8: {  	[smem:$0x3FAB] =	sst s0  }
0x9: {  	[smem:$0x3FAC] =	sst s1  }
0xa: {  	[smem:$0x3FAD] =	sst s2  }
0xb: {  	[smem:$0x3FAE] =	sst s3  }
0xc: {  	[smem:$0x3FAF] =	sst s4  }
0xd: {  	[smem:$0x3FB0] =	sst s5  }
0xe: {  	[smem:$0x3FB1] =	sst s6  }
0xf: {  	[smem:$0x3FB2] =	sst s7  }
0x10: {  	[smem:$0x3FB3] =	sst s8  }
0x11: {  	[smem:$0x3FB4] =	sst s9;
	s0 =	simm.s32 @!p0 $0x0  }
0x12: {  	s1 =	sld [smem:$0x3F9A];
	s0 =	simm.s32 @p0 $0x1  }
0x13: {  	[smem:$0x3FB5] =	sst s0;
	s0 =	simm.s32 @!p1 $0x0  }
0x14: {  	s2 =	sld [smem:$0x3F99];
	s0 =	simm.s32 @p1 $0x1  }
0x15: {  	[smem:$0x3FB6] =	sst s0;
	s0 =	simm.s32 @!p2 $0x0  }
0x16: {  	s3 =	sld [smem:$0x3FDB];
	s0 =	simm.s32 @p2 $0x1  }
0x17: {  	s4 =	simm.s32 $0x1BF5;
	[smem:$0x3FB8] =	sst s0  }
0x18: {  	s0 =	sld [smem:$0x3F9B];
	_ =	swait.ge [sflag:s4], $0x0  }
0x19: {  	s7 =	sld [smem:$0x3F9C]  }
0x1a: {  	s8 =	sadd.s32 $0xFFFFE003, lr  }
0x1b: {  	s9 =	sadd.s32 $0xFFFFFEF7, lr;
	s5 =	simm.s32 $0xFFFFFFFF;
	p2 =	slt.u32 s8, $0xFFFFF086  }
0x1c: {  	p1 =	slt.u32 s9, $0xF7A;
	s5 =	simm.s32 @!p2 $0x0  }
0x1d: {  	s5 =	simm.s32 @p1 $0x1;
	p0 =	seq.s32 s7, s2  }
0x1e: {  	s7 =	smul.u32 @!p0 $0xF7A, s2;
	p2 =	seq.s32 @!p0 s5, $0x0  }
0x1f: {  	s9 =	smul.u32 $0xF7A, s1;
	s8 =	simm.s32 @!p0 $0x1BF5;
	p2 =	por !p2, p0  }
0x20: {  	[sflag:s8] =	ssyncset.s32 @!p0 $0xFFFFF086;
	s6 =	sadd.s32 @!p0 s3, s7;
	s7 =	simm.s32 @!p0 $0x108  }
0x21: {  	s3 =	sadd.s32 s3, s9;
	s6 =	sadd.s32 @!p0 $0x88, s6;
	s7 =	simm.s32 @p2 $0x1082  }
0x22: {  	[simem:s7], [sflag:s8] =	dma.local @!p0 [hbm:s6], $0xF7A  }
0x23: {  	s9 =	sor.u32 $0xD0000000, s2;
	s6 =	simm.s32 $0x108;
	_ =	swait.ge @!p0 [sflag:s8], $0x0  }
0x24: {  	s3 =	sadd.s32 $0x88, s3;
	s6 =	simm.s32 @!p1 $0x1082;
	[sflag:s4] =	ssyncset.s32 $0xFFFFF086  }
0x25: {  	[simem:s6], [sflag:s4] =	dma.local [hbm:s3], $0xF7A  }
0x26: {  	[smem:$0x3F9C] =	sst s1;
	(tag) =	ssettag s2;
	_ =	strace s9  }
0x27: {  	s1 =	sld [smem:$0x3FAC]  }
0x28: {  	s2 =	sld [smem:$0x3FAD]  }
0x29: {  	s4 =	sld [smem:$0x3FAF]  }
0x2a: {  	p0 =	seq.s32 s5, $0x0;
	s5 =	sld [smem:$0x3FB0]  }
0x2b: {  	s6 =	sld [smem:$0x3FB1]  }
0x2c: {  	s7 =	sld [smem:$0x3FB2]  }
0x2d: {  	s3 =	simm.s32 $0x108;
	s8 =	sld [smem:$0x3FB3]  }
0x2e: {  	s3 =	simm.s32 @!p0 $0x1082;
	s9 =	sld [smem:$0x3FB4]  }
0x2f: {  	lr =	sadd.s32 s0, s3;
	s0 =	sld [smem:$0x3FAB]  }
0x30: {  	s3 =	sld [smem:$0x3FAE]  }
0x31: {  	[smem:$0x3FB7] =	sst s10  }
0x32: {  	s10 =	sld [smem:$0x3FB5];
	_ =	sdelay $0x3  }
0x33: {  	p0 =	seq.s32 s10, $0x1;
	s10 =	sld [smem:$0x3FB7];
	_ =	sdelay $0x3  }
0x34: {  	[smem:$0x3FB7] =	sst s10  }
0x35: {  	s10 =	sld [smem:$0x3FB6];
	_ =	sdelay $0x3  }
0x36: {  	p1 =	seq.s32 s10, $0x1;
	s10 =	sld [smem:$0x3FB7];
	_ =	sdelay $0x3  }
0x37: {  	[smem:$0x3FB7] =	sst s10  }
0x38: {  	s10 =	sld [smem:$0x3FB8]  }
0x39: {  	_ = 	snop;
	(pc) =	sbr.ind lr, $3  }
0x3a: {  	_ = 	snop  }
0x3b: {  	_ = 	snop  }
0x3c: {  	p2 =	seq.s32 s10, $0x1;
	s10 =	sld [smem:$0x3FB7]  }
0x3d: {  	_ =	shalt  }
0x3e: {  	_ =	shalt  }
0x3f: {  	_ =	shalt  }
0x40: {  	_ =	shalt  }
0x41: {  	_ =	shalt  }
0x42: {  	_ =	shalt  }
0x43: {  	_ =	shalt  }
0x44: {  	_ =	shalt  }
0x45: {  	_ =	shalt  }
0x46: {  	_ =	shalt  }
0x47: {  	_ =	shalt  }
0x48: {  	_ =	shalt  }
0x49: {  	_ =	shalt  }
0x4a: {  	_ =	shalt  }
0x4b: {  	_ =	shalt  }
0x4c: {  	_ =	shalt  }
0x4d: {  	_ =	shalt  }
0x4e: {  	_ =	shalt  }
0x4f: {  	_ =	shalt  }
0x50: {  	_ =	shalt  }
0x51: {  	_ =	shalt  }
0x52: {  	_ =	shalt  }
0x53: {  	_ =	shalt  }
0x54: {  	_ =	shalt  }
0x55: {  	_ =	shalt  }
0x56: {  	_ =	shalt  }
0x57: {  	_ =	shalt  }
0x58: {  	_ =	shalt  }
0x59: {  	_ =	shalt  }
0x5a: {  	_ =	shalt  }
0x5b: {  	_ =	shalt  }
0x5c: {  	_ =	shalt  }
0x5d: {  	_ =	shalt  }
0x5e: {  	_ =	shalt  }
0x5f: {  	_ =	shalt  }
0x60: {  	_ =	shalt  }
0x61: {  	_ =	shalt  }
0x62: {  	_ =	shalt  }
0x63: {  	_ =	shalt  }
0x64: {  	_ =	shalt  }
0x65: {  	_ =	shalt  }
0x66: {  	_ =	shalt  }
0x67: {  	_ =	shalt  }
0x68: {  	_ =	shalt  }
0x69: {  	_ =	shalt  }
0x6a: {  	_ =	shalt  }
0x6b: {  	_ =	shalt  }
0x6c: {  	_ =	shalt  }
0x6d: {  	_ =	shalt  }
0x6e: {  	_ =	shalt  }
0x6f: {  	_ =	shalt  }
0x70: {  	_ =	shalt  }
0x71: {  	_ =	shalt  }
0x72: {  	_ =	shalt  }
0x73: {  	_ =	shalt  }
0x74: {  	_ =	shalt  }
0x75: {  	_ =	shalt  }
0x76: {  	_ =	shalt  }
0x77: {  	_ =	shalt  }
0x78: {  	_ =	shalt  }
0x79: {  	_ =	shalt  }
0x7a: {  	_ =	shalt  }
0x7b: {  	_ =	shalt  }
0x7c: {  	_ =	shalt  }
0x7d: {  	_ =	shalt  }
0x7e: {  	_ =	shalt  }
0x7f: {  	_ =	shalt  }
0x80: {  	_ =	shalt  }
0x81: {  	_ =	shalt  }
0x82: {  	_ =	shalt  }
0x83: {  	_ =	shalt  }
0x84: {  	_ =	shalt  }
0x85: {  	_ =	shalt  }
0x86: {  	_ =	shalt  }
0x87: {  	_ =	shalt  }
.Lfunc_end0:
.L_simem_size_0:
called_computation.1_lowered:
.L_overlay_start_0:
0x88: {  	s2 =	sld [smem:$0x3FD9]  }
0x89: {  	s3 =	sld [smem:$0x3FFE];
	_ =	sdelay $0x1  }
0x8a: {  	s1 =	srdreg.scid  }
0x8b: {  	s0 =	sand.u32 $0x1, s1  }
0x8c: {  	s14 =	sshll.u32 s0, $0xA;
	s2 =	sadd.s32 s3, s2  }
0x8d: {  	s2 =	sadd.s32 s2, s14  }
0x8e: {  	[smem:$0x3FC3] =	sst s2  }
0x8f: {  	_ = 	snop  }
0x90: {  	s2 =	sld [smem:$0x3FD0];
	_ =	sdelay $0x2  }
0x91: {  	s15 =	simm.s32 $0xA;
	s4 =	simm.s32 $0x10  }
0x92: {  	[smem:s4], [sflag:s15] =	dma.local [hbm:s2], $0x1  }
0x93: {  	_ =	swait.eq [sflag:s15], $0x1  }
0x94: {  	[sflag:s15] =	ssyncset.done $0x0  }
0x95: {  	[sflag:s15] =	ssyncadd.s32 $0xFFFFFFFF  }
0x96: {  	s16 =	sld [smem:$0x10];
	(tm) =	ssettm $0x1  }
0x97: {  	s17 =	sld [smem:$0x3FFB];
	_ =	sdelay $0x3  }
0x98: {  	_ =	strace s17  }
0x99: {  	s3 =	sld [smem:$0x3FFC];
	_ =	sdelay $0x3  }
0x9a: {  	_ =	strace s3  }
0x9b: {  	s3 =	sld [smem:$0x3FFD];
	_ =	sdelay $0x3  }
0x9c: {  	_ =	strace s3  }
0x9d: {  	_ =	strace $0x8FFFFFFF  }
0x9e: {  	s18 =	sld [smem:$0x3FDB];
	_ =	sdelay $0x1  }
0x9f: {  	s19 =	simm.s32 $_scs_section_size  }
0xa0: {  	s5 =	simm.s32 $_size__tile_overlayer_lowered;
	s6 =	simm.s32 $_tile_overlayer_lowered  }
0xa1: {  	s22 =	simm.s32 $0x1BFF;
	s21 =	sshll.u32 s6, $0x1;
	s3 =	sadd.s32 s19, s18  }
0xa2: {  	s7 =	simm.s32 $0x0;
	s20 =	sshll.u32 s5, $0x1;
	s5 =	sadd.s32 s21, s3  }
0xa3: {  	[timem:s7], [sflag:s22] =	dma.local [hbm:s5], s20  }
0xa4: {  	_ =	swait.ge [sflag:s22], s20  }
0xa5: {  	s4 =	ssub.s32 $0x0, s20;
	[sflag:s22] =	ssyncset.done $0x0  }
0xa6: {  	[sflag:s22] =	ssyncadd.s32 s4;
	_ =	sdelay $0x1  }
0xa7: {  	s23 =	simm.s32 $0x1B8B  }
0xa8: {  	_ =	swait.ge [sflag:s23], $0x1  }
0xa9: {  	[sflag:s23] =	ssyncset.done $0x0  }
0xaa: {  	s25 =	simm.s32 $0x1B8E;
	s24 =	sld [smem:$0x3FFE];
	[sflag:s23] =	ssyncadd.s32 $0xFFFFFFFF  }
0xab: {  	s26 =	simm.s32 $execute0_lowered;
	[smem:$0x3FD2] =	sst s25  }
0xac: {  	s5 =	sshll.u32 s26, $0x1;
	_ =	strace $0x80000049;
	[dreg:$0x1] =	wrdreg $0xFFFFFFFF  }
0xad: {  	s28 =	simm.s32 $_size_execute0_lowered;
	s3 =	sadd.s32 s3, s5;
	[dreg:$0x0] =	wrdreg $0x0  }
0xae: {  	s5 =	sshll.u32 s28, $0x1;
	[dreg:$0x2] =	wrdreg s3  }
0xaf: {  	[dreg:$0x3] =	wrdreg s5  }
0xb0: {  	[dreg:$0x4] =	wrdreg $0xC0  }
0xb1: {  	_ =	task [dreg:s7], $0x5FFFF  }
0xb2: {  	[dreg:$0x1] =	wrdreg $0xFFFFFFFF  }
0xb3: {  	[dreg:$0x0] =	wrdreg $0x60  }
0xb4: {  	[dreg:$0x2] =	wrdreg s24  }
0xb5: {  	[dreg:$0x3] =	wrdreg s16  }
0xb6: {  	[dreg:$0x4] =	wrdreg $0x9  }
0xb7: {  	_ =	task.clear_ibuf [dreg:s7], $0x5FFFF;
	_ =	strace $0x90000049  }
0xb8: {  	s29 =	simm.s32 $0x9;
	_ =	strace $0x8000004B  }
0xb9: {  	_ =	swait.ge [sflag:s29], $0x1  }
0xba: {  	[sflag:s29] =	ssyncadd.s32 $0xFFFFFFFF  }
0xbb: {  	_ =	strace $0x9000004B  }
0xbc: {  	_ =	sfence  }
0xbd: {  	s30 =	sld [smem:$0x0];
	_ =	sdelay $0x2  }
0xbe: {  	s31 =	sshll.u32 s1, $0xD;
	s1 =	sshrl.u32 s1, $0x2  }
0xbf: {  	s3 =	sand.u32 $0x4000, s31;
	s1 =	sadd.s32 s1, s30  }
0xc0: {  	s0 =	sor.u32 s3, s0;
	s1 =	sshll.u32 s1, $0x11  }
0xc1: {  	s0 =	sor.u32 s1, s0  }
0xc2: {  	s0 =	sadd.s32 $0x8F2B, s0  }
0xc3: {  	[sflag:s0] =	ssyncadd.remote.s32 $0x1  }
0xc4: {  	_ =	sfence.sel $0xFFFF  }
0xc5: {  	[dreg:$0x0] =	wrdreg $0xFFFFFFFF;
	(pc) =	sbr.abs _section_cstart, $3  }
0xc6: {  	[dreg:$0x1] =	wrdreg $0xFFFFFFFF  }
0xc7: {  	_ =	task.clear_ibuf [dreg:s7], $0x2FFFF;
	_ =	strace $0x9FFFFFFF  }
0xc8: {  	(tm) =	ssettm $0x7FFFFFFF  }
0xc9: {  	_ =	shalt  }
tec
execute0_lowered:
.L_overlay_start_1:
0x0: {  	(tag) =	ssettag $0x1  }
0x1: {  	s0 =	rddreg [dreg:$0x0]  }
0x2: {  	s2 =	rddreg [dreg:$0x1];
	s1 =	simm.s32 $0x0  }
0x3: {  	s4 =	srdreg.scid;
	s5 =	stileid.u32;
	s18 =	simm.s32 $0x2  }
0x4: {  	s22 =	simm.s32 $0x200;
	s23 =	simm.s32 $0xD200;
	s24 =	simm.s32 $0xDA00  }
0x5: {  	s28 =	simm.s32 $0xEA00;
	s29 =	simm.s32 $0xF200;
	s30 =	simm.s32 $0xFA00  }
0x6: {  	s31 =	simm.s32 $0x0;
	[smem:$0x7FF] =	sst s1;
	s3 =	sadd.s32 $0xC8A00, s0  }
0x7: {  	s12 =	sadd.s32 $0xC8600, s0;
	s4 =	sand.u32 $0x1, s4;
	s13 =	sadd.s32 $0xC8000, s0  }
0x8: {  	s5 =	sshll.u32 s5, $0x7;
	s14 =	sadd.s32 $0xC8800, s0;
	s15 =	sadd.s32 $0xC8400, s0  }
0x9: {  	s8 =	sadd.s32 $0xC8B00, s0;
	s6 =	sshll.u32 s4, $0x6;
	s4 =	ssub.s32 $0x2, s4  }
0xa: {  	s9 =	sadd.s32 $0xC8C00, s0;
	s10 =	sor.u32 s6, s5;
	s25 =	sshrl.u32 s4, $0x1  }
0xb: {  	_ =	strace $0x8000004A;
	s7 =	sshrl.u32 s10, $0x3;
	s17 =	ssub.s32 s4, s25  }
0xc: {  	s11 =	sshll.u32 s10, $0x7;
	s16 =	sor.u32 $0x20, s10;
	s10 =	sadd.s32 $0xC8D00, s0  }
0xd: {  	s25 =	simm.s32 $0x1;
	s4 =	sadd.s32 s12, s7;
	s5 =	sadd.s32 s13, s7  }
0xe: {  	s6 =	sadd.s32 s14, s7;
	s7 =	sadd.s32 s15, s7;
	s11 =	sadd.s32 s2, s11  }
0xf: {  	v2 =	vlaneseq.u32;
	s26 =	sshrl.u32 s16, $0x3;
	s16 =	sshll.u32 s16, $0x7;
	s17 =	smax.u32 s17, $0x1  }
0x10: {  	vm0 =	vmmov $0xffff;
	v1 =	vshrl.u32 v2, $0x3;
	s12 =	sadd.s32 s12, s26;
	s13 =	sadd.s32 s13, s26;
	s14 =	sadd.s32 s14, s26  }
0x11: {  	v0 =	vand.u32 $0x7, v2;
	v2 =	vor.u32 $0x8, v2;
	v1 =	vmul.u32 $0x8, v1;
	s15 =	sadd.s32 s15, s26;
	s16 =	sadd.s32 s2, s16;
	s26 =	simm.s32 $0xE200  }
.LBB2_1:
0x12: {  	[tilespmem:s1], [sflag:$0x2] =	stream.linear.gather [hbm4b:s4+s1], $0x20, $0x38;
	[tilespmem:$0x10200] =	vst v63  }
0x13: {  	_ =	swait.ge [sflag:s18], $0x20  }
0x14: {  	[sflag:s18] =	ssyncset.done $0x0  }
0x15: {  	s0 =	simm.s32 $0x80;
	[sflag:s18] =	ssyncadd.s32 $0xFFFFFFE0  }
0x16: {  	[tilespmem:s0], [sflag:$0x2] =	stream.linear.gather [hbm4b:s5+s1], $0x20, $0x38;
	[tilespmem:$0x10200] =	vst v63  }
0x17: {  	_ =	swait.ge [sflag:s18], $0x20  }
0x18: {  	[sflag:s18] =	ssyncset.done $0x0  }
0x19: {  	s2 =	simm.s32 $0x100;
	[sflag:s18] =	ssyncadd.s32 $0xFFFFFFE0  }
0x1a: {  	[tilespmem:s2], [sflag:$0x2] =	stream.linear.gather [hbm4b:s6+s1], $0x20, $0x38;
	[tilespmem:$0x10200] =	vst v63  }
0x1b: {  	_ =	swait.ge [sflag:s18], $0x20  }
0x1c: {  	[sflag:s18] =	ssyncset.done $0x0  }
0x1d: {  	s19 =	simm.s32 $0x180;
	[sflag:s18] =	ssyncadd.s32 $0xFFFFFFE0  }
0x1e: {  	[tilespmem:s19], [sflag:$0x2] =	stream.linear.gather [hbm4b:s7+s1], $0x20, $0x38;
	[tilespmem:$0x10200] =	vst v63  }
0x1f: {  	_ =	swait.ge [sflag:s18], $0x20  }
0x20: {  	[sflag:s18] =	ssyncset.done $0x0  }
0x21: {  	[sflag:s18] =	ssyncadd.s32 $0xFFFFFFE0  }
0x22: {  	v3 =	vld [tilespmem:$0x0];
	_ =	sdelay $0x4  }
0x23: {  	v4 =	vshll.u32 v3, $0x3  }
0x24: {  	v3 =	vand.u32 $0x7, v3;
	v4 =	vand.u32 $0xFFFFFFC0, v4  }
0x25: {  	v3 =	vor.u32 v3, v4  }
0x26: {  	v4 =	vperm.xlane v3, v0;
	_ =	sdelay $0x1  }
0x27: {  	v4 =	vadd.s32 v1, v4;
	_ =	sdelay $0x4  }
0x28: {  	[tilespmem:s22], [sflag:$0x1] =	stream.indirect_vreg.gather [hbm4b:s3+s1], $0x80, v4, vm0, $0xb8;
	[tilespmem:$0x10200] =	vst v63  }
0x29: {  	s20 =	simm.s32 $0xA00;
	v3 =	vperm.xlane v3, v2  }
0x2a: {  	[tilespmem:s20], [sflag:$0x1] =	stream.indirect_vreg.gather [hbm4b:s8+s1], $0x80, v4, vm0, $0xb8;
	[tilespmem:$0x10200] =	vst v63  }
0x2b: {  	s21 =	simm.s32 $0x1200;
	v3 =	vadd.s32 v1, v3  }
0x2c: {  	[tilespmem:s21], [sflag:$0x1] =	stream.indirect_vreg.gather [hbm4b:s9+s1], $0x80, v4, vm0, $0xb8;
	[tilespmem:$0x10200] =	vst v63  }
0x2d: {  	s2 =	simm.s32 $0x1A00  }
0x2e: {  	[tilespmem:s2], [sflag:$0x1] =	stream.indirect_vreg.gather [hbm4b:s10+s1], $0x80, v4, vm0, $0xb8;
	[tilespmem:$0x10200] =	vst v63  }
0x2f: {  	s19 =	simm.s32 $0x2200  }
0x30: {  	[tilespmem:s19], [sflag:$0x1] =	stream.indirect_vreg.gather [hbm4b:s3+s1], $0x80, v3, vm0, $0xb8;
	[tilespmem:$0x10200] =	vst v63  }
0x31: {  	s20 =	simm.s32 $0x2A00  }
0x32: {  	[tilespmem:s20], [sflag:$0x1] =	stream.indirect_vreg.gather [hbm4b:s8+s1], $0x80, v3, vm0, $0xb8;
	[tilespmem:$0x10200] =	vst v63  }
0x33: {  	s21 =	simm.s32 $0x3200  }
0x34: {  	[tilespmem:s21], [sflag:$0x1] =	stream.indirect_vreg.gather [hbm4b:s9+s1], $0x80, v3, vm0, $0xb8;
	[tilespmem:$0x10200] =	vst v63  }
0x35: {  	s2 =	simm.s32 $0x3A00  }
0x36: {  	[tilespmem:s2], [sflag:$0x1] =	stream.indirect_vreg.gather [hbm4b:s10+s1], $0x80, v3, vm0, $0xb8;
	[tilespmem:$0x10200] =	vst v63  }
0x37: {  	v3 =	vld [tilespmem:$0x10];
	_ =	sdelay $0x4  }
0x38: {  	v4 =	vshll.u32 v3, $0x3  }
0x39: {  	v3 =	vand.u32 $0x7, v3;
	v4 =	vand.u32 $0xFFFFFFC0, v4  }
0x3a: {  	v3 =	vor.u32 v3, v4  }
0x3b: {  	v4 =	vperm.xlane v3, v0;
	_ =	sdelay $0x1  }
0x3c: {  	v4 =	vadd.s32 v1, v4;
	_ =	sdelay $0x3  }
0x3d: {  	s19 =	simm.s32 $0x4200  }
0x3e: {  	[tilespmem:s19], [sflag:$0x1] =	stream.indirect_vreg.gather [hbm4b:s3+s1], $0x80, v4, vm0, $0xb8;
	[tilespmem:$0x10200] =	vst v63  }
0x3f: {  	s20 =	simm.s32 $0x4A00;
	v3 =	vperm.xlane v3, v2  }
0x40: {  	[tilespmem:s20], [sflag:$0x1] =	stream.indirect_vreg.gather [hbm4b:s8+s1], $0x80, v4, vm0, $0xb8;
	[tilespmem:$0x10200] =	vst v63  }
0x41: {  	s21 =	simm.s32 $0x5200;
	v3 =	vadd.s32 v1, v3  }
0x42: {  	[tilespmem:s21], [sflag:$0x1] =	stream.indirect_vreg.gather [hbm4b:s9+s1], $0x80, v4, vm0, $0xb8;
	[tilespmem:$0x10200] =	vst v63  }
0x43: {  	s2 =	simm.s32 $0x5A00  }
0x44: {  	[tilespmem:s2], [sflag:$0x1] =	stream.indirect_vreg.gather [hbm4b:s10+s1], $0x80, v4, vm0, $0xb8;
	[tilespmem:$0x10200] =	vst v63  }
0x45: {  	s19 =	simm.s32 $0x6200  }
0x46: {  	[tilespmem:s19], [sflag:$0x1] =	stream.indirect_vreg.gather [hbm4b:s3+s1], $0x80, v3, vm0, $0xb8;
	[tilespmem:$0x10200] =	vst v63  }
0x47: {  	s20 =	simm.s32 $0x6A00  }
0x48: {  	[tilespmem:s20], [sflag:$0x1] =	stream.indirect_vreg.gather [hbm4b:s8+s1], $0x80, v3, vm0, $0xb8;
	[tilespmem:$0x10200] =	vst v63  }
0x49: {  	s21 =	simm.s32 $0x7200  }
0x4a: {  	[tilespmem:s21], [sflag:$0x1] =	stream.indirect_vreg.gather [hbm4b:s9+s1], $0x80, v3, vm0, $0xb8;
	[tilespmem:$0x10200] =	vst v63  }
0x4b: {  	s2 =	simm.s32 $0x7A00  }
0x4c: {  	[tilespmem:s2], [sflag:$0x1] =	stream.indirect_vreg.gather [hbm4b:s10+s1], $0x80, v3, vm0, $0xb8;
	[tilespmem:$0x10200] =	vst v63  }
0x4d: {  	_ =	swait.ge [sflag:s25], $0x8000  }
0x4e: {  	[sflag:s25] =	ssyncset.done $0x0  }
0x4f: {  	[sflag:s25] =	ssyncadd.s32 $0xFFFF8000  }
0x50: {  	v3 =	vld [tilespmem:$0x80];
	_ =	sdelay $0x4  }
0x51: {  	v4 =	vshll.u32 v3, $0x3  }
0x52: {  	v3 =	vand.u32 $0x7, v3;
	v4 =	vand.u32 $0xFFFFFFC0, v4  }
0x53: {  	v3 =	vor.u32 v3, v4  }
0x54: {  	v4 =	vperm.xlane v3, v0;
	_ =	sdelay $0x1  }
0x55: {  	v4 =	vadd.s32 v1, v4;
	_ =	sdelay $0x3  }
0x56: {  	s19 =	simm.s32 $0x8200  }
0x57: {  	[tilespmem:s19], [sflag:$0x1] =	stream.indirect_vreg.gather [hbm4b:s3+s1], $0x80, v4, vm0, $0xb8;
	[tilespmem:$0x10200] =	vst v63  }
0x58: {  	s20 =	simm.s32 $0x8A00;
	v3 =	vperm.xlane v3, v2  }
0x59: {  	[tilespmem:s20], [sflag:$0x1] =	stream.indirect_vreg.gather [hbm4b:s8+s1], $0x80, v4, vm0, $0xb8;
	[tilespmem:$0x10200] =	vst v63  }
0x5a: {  	s21 =	simm.s32 $0x9200;
	v3 =	vadd.s32 v1, v3  }
0x5b: {  	[tilespmem:s21], [sflag:$0x1] =	stream.indirect_vreg.gather [hbm4b:s9+s1], $0x80, v4, vm0, $0xb8;
	[tilespmem:$0x10200] =	vst v63  }
0x5c: {  	s2 =	simm.s32 $0x9A00  }
0x5d: {  	[tilespmem:s2], [sflag:$0x1] =	stream.indirect_vreg.gather [hbm4b:s10+s1], $0x80, v4, vm0, $0xb8;
	[tilespmem:$0x10200] =	vst v63  }
0x5e: {  	s19 =	simm.s32 $0xA200  }
0x5f: {  	[tilespmem:s19], [sflag:$0x1] =	stream.indirect_vreg.gather [hbm4b:s3+s1], $0x80, v3, vm0, $0xb8;
	[tilespmem:$0x10200] =	vst v63  }
0x60: {  	s20 =	simm.s32 $0xAA00  }
0x61: {  	[tilespmem:s20], [sflag:$0x1] =	stream.indirect_vreg.gather [hbm4b:s8+s1], $0x80, v3, vm0, $0xb8;
	[tilespmem:$0x10200] =	vst v63  }
0x62: {  	s21 =	simm.s32 $0xB200  }
0x63: {  	[tilespmem:s21], [sflag:$0x1] =	stream.indirect_vreg.gather [hbm4b:s9+s1], $0x80, v3, vm0, $0xb8;
	[tilespmem:$0x10200] =	vst v63  }
0x64: {  	s2 =	simm.s32 $0xBA00  }
0x65: {  	[tilespmem:s2], [sflag:$0x1] =	stream.indirect_vreg.gather [hbm4b:s10+s1], $0x80, v3, vm0, $0xb8;
	[tilespmem:$0x10200] =	vst v63  }
0x66: {  	v3 =	vld [tilespmem:$0x90];
	_ =	sdelay $0x4  }
0x67: {  	v4 =	vshll.u32 v3, $0x3  }
0x68: {  	v3 =	vand.u32 $0x7, v3;
	v4 =	vand.u32 $0xFFFFFFC0, v4  }
0x69: {  	v3 =	vor.u32 v3, v4  }
0x6a: {  	v4 =	vperm.xlane v3, v0;
	_ =	sdelay $0x1  }
0x6b: {  	v4 =	vadd.s32 v1, v4;
	_ =	sdelay $0x3  }
0x6c: {  	s19 =	simm.s32 $0xC200  }
0x6d: {  	[tilespmem:s19], [sflag:$0x1] =	stream.indirect_vreg.gather [hbm4b:s3+s1], $0x80, v4, vm0, $0xb8;
	[tilespmem:$0x10200] =	vst v63  }
0x6e: {  	s20 =	simm.s32 $0xCA00;
	v3 =	vperm.xlane v3, v2  }
0x6f: {  	[tilespmem:s20], [sflag:$0x1] =	stream.indirect_vreg.gather [hbm4b:s8+s1], $0x80, v4, vm0, $0xb8;
	[tilespmem:$0x10200] =	vst v63  }
0x70: {  	v3 =	vadd.s32 v1, v3  }
0x71: {  	[tilespmem:s23], [sflag:$0x1] =	stream.indirect_vreg.gather [hbm4b:s9+s1], $0x80, v4, vm0, $0xb8;
	[tilespmem:$0x10200] =	vst v63  }
0x72: {  	_ = 	snop  }
0x73: {  	[tilespmem:s24], [sflag:$0x1] =	stream.indirect_vreg.gather [hbm4b:s10+s1], $0x80, v4, vm0, $0xb8;
	[tilespmem:$0x10200] =	vst v63  }
0x74: {  	_ = 	snop  }
0x75: {  	[tilespmem:s26], [sflag:$0x1] =	stream.indirect_vreg.gather [hbm4b:s3+s1], $0x80, v3, vm0, $0xb8;
	[tilespmem:$0x10200] =	vst v63  }
0x76: {  	_ = 	snop  }
0x77: {  	[tilespmem:s28], [sflag:$0x1] =	stream.indirect_vreg.gather [hbm4b:s8+s1], $0x80, v3, vm0, $0xb8;
	[tilespmem:$0x10200] =	vst v63  }
0x78: {  	_ = 	snop  }
0x79: {  	[tilespmem:s29], [sflag:$0x1] =	stream.indirect_vreg.gather [hbm4b:s9+s1], $0x80, v3, vm0, $0xb8;
	[tilespmem:$0x10200] =	vst v63  }
0x7a: {  	_ = 	snop  }
0x7b: {  	[tilespmem:s30], [sflag:$0x1] =	stream.indirect_vreg.gather [hbm4b:s10+s1], $0x80, v3, vm0, $0xb8;
	[tilespmem:$0x10200] =	vst v63  }
0x7c: {  	_ =	swait.ge [sflag:s25], $0x8000  }
0x7d: {  	[sflag:s25] =	ssyncset.done $0x0  }
0x7e: {  	[sflag:s25] =	ssyncadd.s32 $0xFFFF8000  }
0x7f: {  	s21 =	sand.u32 $0x70, s1;
	s2 =	sand.u32 $0x1C00, s1;
	v3 =	vld [tilespmem:$0x100]  }
0x80: {  	s0 =	sor.u32 s21, s2;
	v4 =	vld [tilespmem:$0x180]  }
0x81: {  	v7 =	vld [tilespmem:s0+$0x8200]  }
0x82: {  	v8 =	vld [tilespmem:s0+$0x200];
	_ =	sdelay $0x2  }
0x83: {  	v5 =	vbroadcast v3, $0x0;
	v6 =	vbroadcast v4, $0x0;
	_ =	sdelay $0x1  }
0x84: {  	v8 =	vmul.f32 v8, v5;
	v7 =	vmul.f32 v7, v6  }
0x85: {  	s2 =	simm.s32 $0x80;
	s19 =	simm.s32 $0x10  }
0x86: {  	s19 =	sand.u32 $0x70, s19;
	s20 =	sand.u32 $0x1C00, s2;
	v7 =	vadd.f32 v7, v8  }
0x87: {  	s20 =	sor.u32 s19, s20;
	s19 =	simm.s32 $0x20  }
.LBB2_2:
0x88: {  	p0 =	seq.s32 s19, $0x3F0;
	v8 =	vld [tilespmem:s20+$0x8200];
	[tilespmem:s0+$0x200] =	vst v7;
	s0 =	smov.u32 s20  }
0x89: {  	v7 =	vld [tilespmem:s0+$0x200];
	_ =	sdelay $0x3  }
.Ltmp0:
0x8a: {  	(pc) =	sbr.rel @!p0 .LBB2_2-.Ltmp0, $4  }
0x8b: {  	v8 =	vmul.f32 v8, v6;
	v7 =	vmul.f32 v7, v5  }
0x8c: {  	s2 =	sadd.s32 $0x80, s2  }
0x8d: {  	s20 =	sand.u32 $0x70, s19;
	s21 =	sand.u32 $0x1C00, s2;
	v7 =	vadd.f32 v8, v7  }
0x8e: {  	s19 =	sadd.s32 $0x10, s19;
	s20 =	sor.u32 s20, s21  }
0x8f: {  	v8 =	vld [tilespmem:s20+$0x8200];
	[tilespmem:s0+$0x200] =	vst v7  }
0x90: {  	v7 =	vld [tilespmem:s20+$0x200];
	_ =	sdelay $0x4  }
0x91: {  	v6 =	vmul.f32 v8, v6;
	v5 =	vmul.f32 v7, v5;
	_ =	sdelay $0x1  }
0x92: {  	v5 =	vadd.f32 v6, v5;
	_ =	sdelay $0x1  }
0x93: {  	[tilespmem:s20+$0x200] =	vst v5;
	s20 =	simm.s32 $0x0  }
0x94: {  	s2 =	sand.u32 $0x70, s20;
	s0 =	sand.u32 $0x1C00, s20  }
0x95: {  	s0 =	sor.u32 s0, s2  }
0x96: {  	v7 =	vld [tilespmem:s0+$0x8280]  }
0x97: {  	v8 =	vld [tilespmem:s0+$0x280];
	_ =	sdelay $0x2  }
0x98: {  	v6 =	vbroadcast v4, $0x1;
	v5 =	vbroadcast v3, $0x1;
	_ =	sdelay $0x1  }
0x99: {  	v8 =	vmul.f32 v8, v5;
	v7 =	vmul.f32 v7, v6  }
0x9a: {  	s19 =	simm.s32 $0x10;
	s2 =	simm.s32 $0x80  }
0x9b: {  	s19 =	sand.u32 $0x70, s19;
	s21 =	sand.u32 $0x1C00, s2;
	v7 =	vadd.f32 v7, v8  }
0x9c: {  	s20 =	sor.u32 s21, s19;
	s19 =	simm.s32 $0x20  }
.LBB2_4:
0x9d: {  	p0 =	seq.s32 s19, $0x3F0;
	v8 =	vld [tilespmem:s20+$0x8280];
	[tilespmem:s0+$0x280] =	vst v7;
	s0 =	smov.u32 s20  }
0x9e: {  	v7 =	vld [tilespmem:s0+$0x280];
	_ =	sdelay $0x3  }
.Ltmp1:
0x9f: {  	(pc) =	sbr.rel @!p0 .LBB2_4-.Ltmp1, $4  }
0xa0: {  	v8 =	vmul.f32 v8, v6;
	v7 =	vmul.f32 v7, v5  }
0xa1: {  	s2 =	sadd.s32 $0x80, s2  }
0xa2: {  	s20 =	sand.u32 $0x70, s19;
	s21 =	sand.u32 $0x1C00, s2;
	v7 =	vadd.f32 v8, v7  }
0xa3: {  	s19 =	sadd.s32 $0x10, s19;
	s20 =	sor.u32 s21, s20  }
0xa4: {  	v8 =	vld [tilespmem:s20+$0x8280];
	[tilespmem:s0+$0x280] =	vst v7  }
0xa5: {  	v7 =	vld [tilespmem:s20+$0x280];
	_ =	sdelay $0x4  }
0xa6: {  	v6 =	vmul.f32 v8, v6;
	v5 =	vmul.f32 v7, v5;
	_ =	sdelay $0x1  }
0xa7: {  	v5 =	vadd.f32 v6, v5;
	_ =	sdelay $0x1  }
0xa8: {  	[tilespmem:s20+$0x280] =	vst v5;
	s20 =	simm.s32 $0x0  }
0xa9: {  	s2 =	sand.u32 $0x70, s20;
	s0 =	sand.u32 $0x1C00, s20  }
0xaa: {  	s0 =	sor.u32 s0, s2  }
0xab: {  	v7 =	vld [tilespmem:s0+$0x8300]  }
0xac: {  	v8 =	vld [tilespmem:s0+$0x300];
	_ =	sdelay $0x2  }
0xad: {  	v6 =	vbroadcast v4, $0x2;
	v5 =	vbroadcast v3, $0x2;
	_ =	sdelay $0x1  }
0xae: {  	v8 =	vmul.f32 v8, v5;
	v7 =	vmul.f32 v7, v6  }
0xaf: {  	s19 =	simm.s32 $0x10;
	s2 =	simm.s32 $0x80  }
0xb0: {  	s19 =	sand.u32 $0x70, s19;
	s21 =	sand.u32 $0x1C00, s2;
	v7 =	vadd.f32 v7, v8  }
0xb1: {  	s20 =	sor.u32 s21, s19;
	s19 =	simm.s32 $0x20  }
.LBB2_6:
0xb2: {  	p0 =	seq.s32 s19, $0x3F0;
	v8 =	vld [tilespmem:s20+$0x8300];
	[tilespmem:s0+$0x300] =	vst v7;
	s0 =	smov.u32 s20  }
0xb3: {  	v7 =	vld [tilespmem:s0+$0x300];
	_ =	sdelay $0x3  }
.Ltmp2:
0xb4: {  	(pc) =	sbr.rel @!p0 .LBB2_6-.Ltmp2, $4  }
0xb5: {  	v8 =	vmul.f32 v8, v6;
	v7 =	vmul.f32 v7, v5  }
0xb6: {  	s2 =	sadd.s32 $0x80, s2  }
0xb7: {  	s20 =	sand.u32 $0x70, s19;
	s21 =	sand.u32 $0x1C00, s2;
	v7 =	vadd.f32 v8, v7  }
0xb8: {  	s19 =	sadd.s32 $0x10, s19;
	s20 =	sor.u32 s21, s20  }
0xb9: {  	v8 =	vld [tilespmem:s20+$0x8300];
	[tilespmem:s0+$0x300] =	vst v7  }
0xba: {  	v7 =	vld [tilespmem:s20+$0x300];
	_ =	sdelay $0x4  }
0xbb: {  	v6 =	vmul.f32 v8, v6;
	v5 =	vmul.f32 v7, v5;
	_ =	sdelay $0x1  }
0xbc: {  	v5 =	vadd.f32 v6, v5;
	_ =	sdelay $0x1  }
0xbd: {  	[tilespmem:s20+$0x300] =	vst v5;
	s20 =	simm.s32 $0x0  }
0xbe: {  	s2 =	sand.u32 $0x70, s20;
	s0 =	sand.u32 $0x1C00, s20  }
0xbf: {  	s0 =	sor.u32 s0, s2  }
0xc0: {  	v7 =	vld [tilespmem:s0+$0x8380]  }
0xc1: {  	v8 =	vld [tilespmem:s0+$0x380];
	_ =	sdelay $0x2  }
0xc2: {  	v6 =	vbroadcast v4, $0x3;
	v5 =	vbroadcast v3, $0x3;
	_ =	sdelay $0x1  }
0xc3: {  	v8 =	vmul.f32 v8, v5;
	v7 =	vmul.f32 v7, v6  }
0xc4: {  	s19 =	simm.s32 $0x10;
	s2 =	simm.s32 $0x80  }
0xc5: {  	s19 =	sand.u32 $0x70, s19;
	s21 =	sand.u32 $0x1C00, s2;
	v7 =	vadd.f32 v7, v8  }
0xc6: {  	s20 =	sor.u32 s21, s19;
	s19 =	simm.s32 $0x20  }
.LBB2_8:
0xc7: {  	p0 =	seq.s32 s19, $0x3F0;
	v8 =	vld [tilespmem:s20+$0x8380];
	[tilespmem:s0+$0x380] =	vst v7;
	s0 =	smov.u32 s20  }
0xc8: {  	v7 =	vld [tilespmem:s0+$0x380];
	_ =	sdelay $0x3  }
.Ltmp3:
0xc9: {  	(pc) =	sbr.rel @!p0 .LBB2_8-.Ltmp3, $4  }
0xca: {  	v8 =	vmul.f32 v8, v6;
	v7 =	vmul.f32 v7, v5  }
0xcb: {  	s2 =	sadd.s32 $0x80, s2  }
0xcc: {  	s20 =	sand.u32 $0x70, s19;
	s21 =	sand.u32 $0x1C00, s2;
	v7 =	vadd.f32 v8, v7  }
0xcd: {  	s19 =	sadd.s32 $0x10, s19;
	s20 =	sor.u32 s21, s20  }
0xce: {  	v8 =	vld [tilespmem:s20+$0x8380];
	[tilespmem:s0+$0x380] =	vst v7  }
0xcf: {  	v7 =	vld [tilespmem:s20+$0x380];
	_ =	sdelay $0x4  }
0xd0: {  	v6 =	vmul.f32 v8, v6;
	v5 =	vmul.f32 v7, v5;
	_ =	sdelay $0x1  }
0xd1: {  	v5 =	vadd.f32 v6, v5;
	_ =	sdelay $0x1  }
0xd2: {  	[tilespmem:s20+$0x380] =	vst v5;
	s20 =	simm.s32 $0x0  }
0xd3: {  	s2 =	sand.u32 $0x70, s20;
	s0 =	sand.u32 $0x1C00, s20  }
0xd4: {  	s0 =	sor.u32 s0, s2  }
0xd5: {  	v7 =	vld [tilespmem:s0+$0x8400]  }
0xd6: {  	v8 =	vld [tilespmem:s0+$0x400];
	_ =	sdelay $0x2  }
0xd7: {  	v6 =	vbroadcast v4, $0x4;
	v5 =	vbroadcast v3, $0x4;
	_ =	sdelay $0x1  }
0xd8: {  	v8 =	vmul.f32 v8, v5;
	v7 =	vmul.f32 v7, v6  }
0xd9: {  	s19 =	simm.s32 $0x10;
	s2 =	simm.s32 $0x80  }
0xda: {  	s19 =	sand.u32 $0x70, s19;
	s21 =	sand.u32 $0x1C00, s2;
	v7 =	vadd.f32 v7, v8  }
0xdb: {  	s20 =	sor.u32 s21, s19;
	s19 =	simm.s32 $0x20  }
.LBB2_10:
0xdc: {  	p0 =	seq.s32 s19, $0x3F0;
	v8 =	vld [tilespmem:s20+$0x8400];
	[tilespmem:s0+$0x400] =	vst v7;
	s0 =	smov.u32 s20  }
0xdd: {  	v7 =	vld [tilespmem:s0+$0x400];
	_ =	sdelay $0x3  }
.Ltmp4:
0xde: {  	(pc) =	sbr.rel @!p0 .LBB2_10-.Ltmp4, $4  }
0xdf: {  	v8 =	vmul.f32 v8, v6;
	v7 =	vmul.f32 v7, v5  }
0xe0: {  	s2 =	sadd.s32 $0x80, s2  }
0xe1: {  	s20 =	sand.u32 $0x70, s19;
	s21 =	sand.u32 $0x1C00, s2;
	v7 =	vadd.f32 v8, v7  }
0xe2: {  	s19 =	sadd.s32 $0x10, s19;
	s20 =	sor.u32 s21, s20  }
0xe3: {  	v8 =	vld [tilespmem:s20+$0x8400];
	[tilespmem:s0+$0x400] =	vst v7  }
0xe4: {  	v7 =	vld [tilespmem:s20+$0x400];
	_ =	sdelay $0x4  }
0xe5: {  	v6 =	vmul.f32 v8, v6;
	v5 =	vmul.f32 v7, v5;
	_ =	sdelay $0x1  }
0xe6: {  	v5 =	vadd.f32 v6, v5;
	_ =	sdelay $0x1  }
0xe7: {  	[tilespmem:s20+$0x400] =	vst v5;
	s20 =	simm.s32 $0x0  }
0xe8: {  	s2 =	sand.u32 $0x70, s20;
	s0 =	sand.u32 $0x1C00, s20  }
0xe9: {  	s0 =	sor.u32 s0, s2  }
0xea: {  	v7 =	vld [tilespmem:s0+$0x8480]  }
0xeb: {  	v8 =	vld [tilespmem:s0+$0x480];
	_ =	sdelay $0x2  }
0xec: {  	v6 =	vbroadcast v4, $0x5;
	v5 =	vbroadcast v3, $0x5;
	_ =	sdelay $0x1  }
0xed: {  	v8 =	vmul.f32 v8, v5;
	v7 =	vmul.f32 v7, v6  }
0xee: {  	s19 =	simm.s32 $0x10;
	s2 =	simm.s32 $0x80  }
0xef: {  	s19 =	sand.u32 $0x70, s19;
	s21 =	sand.u32 $0x1C00, s2;
	v7 =	vadd.f32 v7, v8  }
0xf0: {  	s20 =	sor.u32 s21, s19;
	s19 =	simm.s32 $0x20  }
.LBB2_12:
0xf1: {  	p0 =	seq.s32 s19, $0x3F0;
	v8 =	vld [tilespmem:s20+$0x8480];
	[tilespmem:s0+$0x480] =	vst v7;
	s0 =	smov.u32 s20  }
0xf2: {  	v7 =	vld [tilespmem:s0+$0x480];
	_ =	sdelay $0x3  }
.Ltmp5:
0xf3: {  	(pc) =	sbr.rel @!p0 .LBB2_12-.Ltmp5, $4  }
0xf4: {  	v8 =	vmul.f32 v8, v6;
	v7 =	vmul.f32 v7, v5  }
0xf5: {  	s2 =	sadd.s32 $0x80, s2  }
0xf6: {  	s20 =	sand.u32 $0x70, s19;
	s21 =	sand.u32 $0x1C00, s2;
	v7 =	vadd.f32 v8, v7  }
0xf7: {  	s19 =	sadd.s32 $0x10, s19;
	s20 =	sor.u32 s21, s20  }
0xf8: {  	v8 =	vld [tilespmem:s20+$0x8480];
	[tilespmem:s0+$0x480] =	vst v7  }
0xf9: {  	v7 =	vld [tilespmem:s20+$0x480];
	_ =	sdelay $0x4  }
0xfa: {  	v6 =	vmul.f32 v8, v6;
	v5 =	vmul.f32 v7, v5;
	_ =	sdelay $0x1  }
0xfb: {  	v5 =	vadd.f32 v6, v5;
	_ =	sdelay $0x1  }
0xfc: {  	[tilespmem:s20+$0x480] =	vst v5;
	s20 =	simm.s32 $0x0  }
0xfd: {  	s2 =	sand.u32 $0x70, s20;
	s0 =	sand.u32 $0x1C00, s20  }
0xfe: {  	s0 =	sor.u32 s0, s2  }
0xff: {  	v7 =	vld [tilespmem:s0+$0x8500]  }
0x100: {  	v8 =	vld [tilespmem:s0+$0x500];
	_ =	sdelay $0x2  }
0x101: {  	v6 =	vbroadcast v4, $0x6;
	v5 =	vbroadcast v3, $0x6;
	_ =	sdelay $0x1  }
0x102: {  	v8 =	vmul.f32 v8, v5;
	v7 =	vmul.f32 v7, v6  }
0x103: {  	s19 =	simm.s32 $0x10;
	s2 =	simm.s32 $0x80  }
0x104: {  	s19 =	sand.u32 $0x70, s19;
	s21 =	sand.u32 $0x1C00, s2;
	v7 =	vadd.f32 v7, v8  }
0x105: {  	s20 =	sor.u32 s21, s19;
	s19 =	simm.s32 $0x20  }
.LBB2_14:
0x106: {  	p0 =	seq.s32 s19, $0x3F0;
	v8 =	vld [tilespmem:s20+$0x8500];
	[tilespmem:s0+$0x500] =	vst v7;
	s0 =	smov.u32 s20  }
0x107: {  	v7 =	vld [tilespmem:s0+$0x500];
	_ =	sdelay $0x3  }
.Ltmp6:
0x108: {  	(pc) =	sbr.rel @!p0 .LBB2_14-.Ltmp6, $4  }
0x109: {  	v8 =	vmul.f32 v8, v6;
	v7 =	vmul.f32 v7, v5  }
0x10a: {  	s2 =	sadd.s32 $0x80, s2  }
0x10b: {  	s20 =	sand.u32 $0x70, s19;
	s21 =	sand.u32 $0x1C00, s2;
	v7 =	vadd.f32 v8, v7  }
0x10c: {  	s19 =	sadd.s32 $0x10, s19;
	s20 =	sor.u32 s21, s20  }
0x10d: {  	v8 =	vld [tilespmem:s20+$0x8500];
	[tilespmem:s0+$0x500] =	vst v7  }
0x10e: {  	v7 =	vld [tilespmem:s20+$0x500];
	_ =	sdelay $0x4  }
0x10f: {  	v6 =	vmul.f32 v8, v6;
	v5 =	vmul.f32 v7, v5;
	_ =	sdelay $0x1  }
0x110: {  	s21 =	simm.s32 $0x0;
	v5 =	vadd.f32 v6, v5  }
0x111: {  	s0 =	sor.u32 s21, s21  }
0x112: {  	s0 =	sor.u32 $0x380, s0;
	[tilespmem:s20+$0x500] =	vst v5  }
0x113: {  	v7 =	vld [tilespmem:s0+$0x8200]  }
0x114: {  	v8 =	vld [tilespmem:s0+$0x200];
	_ =	sdelay $0x2  }
0x115: {  	v6 =	vbroadcast v4, $0x7;
	v5 =	vbroadcast v3, $0x7;
	_ =	sdelay $0x1  }
0x116: {  	v8 =	vmul.f32 v8, v5;
	v7 =	vmul.f32 v7, v6  }
0x117: {  	s19 =	simm.s32 $0x10;
	s2 =	simm.s32 $0x80  }
0x118: {  	s19 =	sor.u32 s2, s19;
	v7 =	vadd.f32 v7, v8  }
0x119: {  	s20 =	sor.u32 $0x380, s19;
	s19 =	simm.s32 $0x20  }
.LBB2_16:
0x11a: {  	p0 =	seq.s32 s19, $0x3F0;
	v8 =	vld [tilespmem:s20+$0x8200];
	[tilespmem:s0+$0x200] =	vst v7;
	s0 =	smov.u32 s20  }
0x11b: {  	v7 =	vld [tilespmem:s0+$0x200];
	_ =	sdelay $0x3  }
.Ltmp7:
0x11c: {  	(pc) =	sbr.rel @!p0 .LBB2_16-.Ltmp7, $4  }
0x11d: {  	v8 =	vmul.f32 v8, v6;
	v7 =	vmul.f32 v7, v5  }
0x11e: {  	s2 =	sadd.s32 $0x80, s2  }
0x11f: {  	s20 =	sor.u32 s2, s19;
	v7 =	vadd.f32 v8, v7  }
0x120: {  	s19 =	sadd.s32 $0x10, s19;
	s20 =	sor.u32 $0x380, s20  }
0x121: {  	v8 =	vld [tilespmem:s20+$0x8200];
	[tilespmem:s0+$0x200] =	vst v7  }
0x122: {  	v7 =	vld [tilespmem:s20+$0x200];
	_ =	sdelay $0x4  }
0x123: {  	v6 =	vmul.f32 v8, v6;
	v5 =	vmul.f32 v7, v5;
	_ =	sdelay $0x1  }
0x124: {  	v5 =	vadd.f32 v6, v5;
	_ =	sdelay $0x1  }
0x125: {  	[tilespmem:s20+$0x200] =	vst v5;
	s20 =	simm.s32 $0x0  }
0x126: {  	s2 =	sand.u32 $0x70, s20;
	s0 =	sand.u32 $0x1C00, s20  }
0x127: {  	s0 =	sor.u32 s0, s2  }
0x128: {  	v7 =	vld [tilespmem:s0+$0xA200]  }
0x129: {  	v8 =	vld [tilespmem:s0+$0x2200];
	_ =	sdelay $0x2  }
0x12a: {  	v6 =	vbroadcast v4, $0x8;
	v5 =	vbroadcast v3, $0x8;
	_ =	sdelay $0x1  }
0x12b: {  	v8 =	vmul.f32 v8, v5;
	v7 =	vmul.f32 v7, v6  }
0x12c: {  	s19 =	simm.s32 $0x10;
	s2 =	simm.s32 $0x80  }
0x12d: {  	s19 =	sand.u32 $0x70, s19;
	s21 =	sand.u32 $0x1C00, s2;
	v7 =	vadd.f32 v7, v8  }
0x12e: {  	s20 =	sor.u32 s21, s19;
	s19 =	simm.s32 $0x20  }
.LBB2_18:
0x12f: {  	p0 =	seq.s32 s19, $0x3F0;
	v8 =	vld [tilespmem:s20+$0xA200];
	[tilespmem:s0+$0x2200] =	vst v7;
	s0 =	smov.u32 s20  }
0x130: {  	v7 =	vld [tilespmem:s0+$0x2200];
	_ =	sdelay $0x3  }
.Ltmp8:
0x131: {  	(pc) =	sbr.rel @!p0 .LBB2_18-.Ltmp8, $4  }
0x132: {  	v8 =	vmul.f32 v8, v6;
	v7 =	vmul.f32 v7, v5  }
0x133: {  	s2 =	sadd.s32 $0x80, s2  }
0x134: {  	s20 =	sand.u32 $0x70, s19;
	s21 =	sand.u32 $0x1C00, s2;
	v7 =	vadd.f32 v8, v7  }
0x135: {  	s19 =	sadd.s32 $0x10, s19;
	s20 =	sor.u32 s21, s20  }
0x136: {  	v8 =	vld [tilespmem:s20+$0xA200];
	[tilespmem:s0+$0x2200] =	vst v7  }
0x137: {  	v7 =	vld [tilespmem:s20+$0x2200];
	_ =	sdelay $0x4  }
0x138: {  	v6 =	vmul.f32 v8, v6;
	v5 =	vmul.f32 v7, v5;
	_ =	sdelay $0x1  }
0x139: {  	v5 =	vadd.f32 v6, v5;
	_ =	sdelay $0x1  }
0x13a: {  	[tilespmem:s20+$0x2200] =	vst v5;
	s20 =	simm.s32 $0x0  }
0x13b: {  	s2 =	sand.u32 $0x70, s20;
	s0 =	sand.u32 $0x1C00, s20  }
0x13c: {  	s0 =	sor.u32 s0, s2  }
0x13d: {  	v7 =	vld [tilespmem:s0+$0xA280]  }
0x13e: {  	v8 =	vld [tilespmem:s0+$0x2280];
	_ =	sdelay $0x2  }
0x13f: {  	v6 =	vbroadcast v4, $0x9;
	v5 =	vbroadcast v3, $0x9;
	_ =	sdelay $0x1  }
0x140: {  	v8 =	vmul.f32 v8, v5;
	v7 =	vmul.f32 v7, v6  }
0x141: {  	s19 =	simm.s32 $0x10;
	s2 =	simm.s32 $0x80  }
0x142: {  	s19 =	sand.u32 $0x70, s19;
	s21 =	sand.u32 $0x1C00, s2;
	v7 =	vadd.f32 v7, v8  }
0x143: {  	s20 =	sor.u32 s21, s19;
	s19 =	simm.s32 $0x20  }
.LBB2_20:
0x144: {  	p0 =	seq.s32 s19, $0x3F0;
	v8 =	vld [tilespmem:s20+$0xA280];
	[tilespmem:s0+$0x2280] =	vst v7;
	s0 =	smov.u32 s20  }
0x145: {  	v7 =	vld [tilespmem:s0+$0x2280];
	_ =	sdelay $0x3  }
.Ltmp9:
0x146: {  	(pc) =	sbr.rel @!p0 .LBB2_20-.Ltmp9, $4  }
0x147: {  	v8 =	vmul.f32 v8, v6;
	v7 =	vmul.f32 v7, v5  }
0x148: {  	s2 =	sadd.s32 $0x80, s2  }
0x149: {  	s20 =	sand.u32 $0x70, s19;
	s21 =	sand.u32 $0x1C00, s2;
	v7 =	vadd.f32 v8, v7  }
0x14a: {  	s19 =	sadd.s32 $0x10, s19;
	s20 =	sor.u32 s21, s20  }
0x14b: {  	v8 =	vld [tilespmem:s20+$0xA280];
	[tilespmem:s0+$0x2280] =	vst v7  }
0x14c: {  	v7 =	vld [tilespmem:s20+$0x2280];
	_ =	sdelay $0x4  }
0x14d: {  	v6 =	vmul.f32 v8, v6;
	v5 =	vmul.f32 v7, v5;
	_ =	sdelay $0x1  }
0x14e: {  	v5 =	vadd.f32 v6, v5;
	_ =	sdelay $0x1  }
0x14f: {  	[tilespmem:s20+$0x2280] =	vst v5;
	s20 =	simm.s32 $0x0  }
0x150: {  	s2 =	sand.u32 $0x70, s20;
	s0 =	sand.u32 $0x1C00, s20  }
0x151: {  	s0 =	sor.u32 s0, s2  }
0x152: {  	v7 =	vld [tilespmem:s0+$0xA300]  }
0x153: {  	v8 =	vld [tilespmem:s0+$0x2300];
	_ =	sdelay $0x2  }
0x154: {  	v6 =	vbroadcast v4, $0xA;
	v5 =	vbroadcast v3, $0xA;
	_ =	sdelay $0x1  }
0x155: {  	v8 =	vmul.f32 v8, v5;
	v7 =	vmul.f32 v7, v6  }
0x156: {  	s19 =	simm.s32 $0x10;
	s2 =	simm.s32 $0x80  }
0x157: {  	s19 =	sand.u32 $0x70, s19;
	s21 =	sand.u32 $0x1C00, s2;
	v7 =	vadd.f32 v7, v8  }
0x158: {  	s20 =	sor.u32 s21, s19;
	s19 =	simm.s32 $0x20  }
.LBB2_22:
0x159: {  	p0 =	seq.s32 s19, $0x3F0;
	v8 =	vld [tilespmem:s20+$0xA300];
	[tilespmem:s0+$0x2300] =	vst v7;
	s0 =	smov.u32 s20  }
0x15a: {  	v7 =	vld [tilespmem:s0+$0x2300];
	_ =	sdelay $0x3  }
.Ltmp10:
0x15b: {  	(pc) =	sbr.rel @!p0 .LBB2_22-.Ltmp10, $4  }
0x15c: {  	v8 =	vmul.f32 v8, v6;
	v7 =	vmul.f32 v7, v5  }
0x15d: {  	s2 =	sadd.s32 $0x80, s2  }
0x15e: {  	s20 =	sand.u32 $0x70, s19;
	s21 =	sand.u32 $0x1C00, s2;
	v7 =	vadd.f32 v8, v7  }
0x15f: {  	s19 =	sadd.s32 $0x10, s19;
	s20 =	sor.u32 s21, s20  }
0x160: {  	v8 =	vld [tilespmem:s20+$0xA300];
	[tilespmem:s0+$0x2300] =	vst v7  }
0x161: {  	v7 =	vld [tilespmem:s20+$0x2300];
	_ =	sdelay $0x4  }
0x162: {  	v6 =	vmul.f32 v8, v6;
	v5 =	vmul.f32 v7, v5;
	_ =	sdelay $0x1  }
0x163: {  	v5 =	vadd.f32 v6, v5;
	_ =	sdelay $0x1  }
0x164: {  	[tilespmem:s20+$0x2300] =	vst v5;
	s20 =	simm.s32 $0x0  }
0x165: {  	s2 =	sand.u32 $0x70, s20;
	s0 =	sand.u32 $0x1C00, s20  }
0x166: {  	s0 =	sor.u32 s0, s2  }
0x167: {  	v7 =	vld [tilespmem:s0+$0xA380]  }
0x168: {  	v8 =	vld [tilespmem:s0+$0x2380];
	_ =	sdelay $0x2  }
0x169: {  	v6 =	vbroadcast v4, $0xB;
	v5 =	vbroadcast v3, $0xB;
	_ =	sdelay $0x1  }
0x16a: {  	v8 =	vmul.f32 v8, v5;
	v7 =	vmul.f32 v7, v6  }
0x16b: {  	s19 =	simm.s32 $0x10;
	s2 =	simm.s32 $0x80  }
0x16c: {  	s19 =	sand.u32 $0x70, s19;
	s21 =	sand.u32 $0x1C00, s2;
	v7 =	vadd.f32 v7, v8  }
0x16d: {  	s20 =	sor.u32 s21, s19;
	s19 =	simm.s32 $0x20  }
.LBB2_24:
0x16e: {  	p0 =	seq.s32 s19, $0x3F0;
	v8 =	vld [tilespmem:s20+$0xA380];
	[tilespmem:s0+$0x2380] =	vst v7;
	s0 =	smov.u32 s20  }
0x16f: {  	v7 =	vld [tilespmem:s0+$0x2380];
	_ =	sdelay $0x3  }
.Ltmp11:
0x170: {  	(pc) =	sbr.rel @!p0 .LBB2_24-.Ltmp11, $4  }
0x171: {  	v8 =	vmul.f32 v8, v6;
	v7 =	vmul.f32 v7, v5  }
0x172: {  	s2 =	sadd.s32 $0x80, s2  }
0x173: {  	s20 =	sand.u32 $0x70, s19;
	s21 =	sand.u32 $0x1C00, s2;
	v7 =	vadd.f32 v8, v7  }
0x174: {  	s19 =	sadd.s32 $0x10, s19;
	s20 =	sor.u32 s21, s20  }
0x175: {  	v8 =	vld [tilespmem:s20+$0xA380];
	[tilespmem:s0+$0x2380] =	vst v7  }
0x176: {  	v7 =	vld [tilespmem:s20+$0x2380];
	_ =	sdelay $0x4  }
0x177: {  	v6 =	vmul.f32 v8, v6;
	v5 =	vmul.f32 v7, v5;
	_ =	sdelay $0x1  }
0x178: {  	v5 =	vadd.f32 v6, v5;
	_ =	sdelay $0x1  }
0x179: {  	[tilespmem:s20+$0x2380] =	vst v5;
	s20 =	simm.s32 $0x0  }
0x17a: {  	s2 =	sand.u32 $0x70, s20;
	s0 =	sand.u32 $0x1C00, s20  }
0x17b: {  	s0 =	sor.u32 s0, s2  }
0x17c: {  	v7 =	vld [tilespmem:s0+$0xA400]  }
0x17d: {  	v8 =	vld [tilespmem:s0+$0x2400];
	_ =	sdelay $0x2  }
0x17e: {  	v6 =	vbroadcast v4, $0xC;
	v5 =	vbroadcast v3, $0xC;
	_ =	sdelay $0x1  }
0x17f: {  	v8 =	vmul.f32 v8, v5;
	v7 =	vmul.f32 v7, v6  }
0x180: {  	s19 =	simm.s32 $0x10;
	s2 =	simm.s32 $0x80  }
0x181: {  	s19 =	sand.u32 $0x70, s19;
	s21 =	sand.u32 $0x1C00, s2;
	v7 =	vadd.f32 v7, v8  }
0x182: {  	s20 =	sor.u32 s21, s19;
	s19 =	simm.s32 $0x20  }
.LBB2_26:
0x183: {  	p0 =	seq.s32 s19, $0x3F0;
	v8 =	vld [tilespmem:s20+$0xA400];
	[tilespmem:s0+$0x2400] =	vst v7;
	s0 =	smov.u32 s20  }
0x184: {  	v7 =	vld [tilespmem:s0+$0x2400];
	_ =	sdelay $0x3  }
.Ltmp12:
0x185: {  	(pc) =	sbr.rel @!p0 .LBB2_26-.Ltmp12, $4  }
0x186: {  	v8 =	vmul.f32 v8, v6;
	v7 =	vmul.f32 v7, v5  }
0x187: {  	s2 =	sadd.s32 $0x80, s2  }
0x188: {  	s20 =	sand.u32 $0x70, s19;
	s21 =	sand.u32 $0x1C00, s2;
	v7 =	vadd.f32 v8, v7  }
0x189: {  	s19 =	sadd.s32 $0x10, s19;
	s20 =	sor.u32 s21, s20  }
0x18a: {  	v8 =	vld [tilespmem:s20+$0xA400];
	[tilespmem:s0+$0x2400] =	vst v7  }
0x18b: {  	v7 =	vld [tilespmem:s20+$0x2400];
	_ =	sdelay $0x4  }
0x18c: {  	v6 =	vmul.f32 v8, v6;
	v5 =	vmul.f32 v7, v5;
	_ =	sdelay $0x1  }
0x18d: {  	v5 =	vadd.f32 v6, v5;
	_ =	sdelay $0x1  }
0x18e: {  	[tilespmem:s20+$0x2400] =	vst v5;
	s20 =	simm.s32 $0x0  }
0x18f: {  	s2 =	sand.u32 $0x70, s20;
	s0 =	sand.u32 $0x1C00, s20  }
0x190: {  	s0 =	sor.u32 s0, s2  }
0x191: {  	v7 =	vld [tilespmem:s0+$0xA480]  }
0x192: {  	v8 =	vld [tilespmem:s0+$0x2480];
	_ =	sdelay $0x2  }
0x193: {  	v6 =	vbroadcast v4, $0xD;
	v5 =	vbroadcast v3, $0xD;
	_ =	sdelay $0x1  }
0x194: {  	v8 =	vmul.f32 v8, v5;
	v7 =	vmul.f32 v7, v6  }
0x195: {  	s19 =	simm.s32 $0x10;
	s2 =	simm.s32 $0x80  }
0x196: {  	s19 =	sand.u32 $0x70, s19;
	s21 =	sand.u32 $0x1C00, s2;
	v7 =	vadd.f32 v7, v8  }
0x197: {  	s20 =	sor.u32 s21, s19;
	s19 =	simm.s32 $0x20  }
.LBB2_28:
0x198: {  	p0 =	seq.s32 s19, $0x3F0;
	v8 =	vld [tilespmem:s20+$0xA480];
	[tilespmem:s0+$0x2480] =	vst v7;
	s0 =	smov.u32 s20  }
0x199: {  	v7 =	vld [tilespmem:s0+$0x2480];
	_ =	sdelay $0x3  }
.Ltmp13:
0x19a: {  	(pc) =	sbr.rel @!p0 .LBB2_28-.Ltmp13, $4  }
0x19b: {  	v8 =	vmul.f32 v8, v6;
	v7 =	vmul.f32 v7, v5  }
0x19c: {  	s2 =	sadd.s32 $0x80, s2  }
0x19d: {  	s20 =	sand.u32 $0x70, s19;
	s21 =	sand.u32 $0x1C00, s2;
	v7 =	vadd.f32 v8, v7  }
0x19e: {  	s19 =	sadd.s32 $0x10, s19;
	s20 =	sor.u32 s21, s20  }
0x19f: {  	v8 =	vld [tilespmem:s20+$0xA480];
	[tilespmem:s0+$0x2480] =	vst v7  }
0x1a0: {  	v7 =	vld [tilespmem:s20+$0x2480];
	_ =	sdelay $0x4  }
0x1a1: {  	v6 =	vmul.f32 v8, v6;
	v5 =	vmul.f32 v7, v5;
	_ =	sdelay $0x1  }
0x1a2: {  	v5 =	vadd.f32 v6, v5;
	_ =	sdelay $0x1  }
0x1a3: {  	[tilespmem:s20+$0x2480] =	vst v5;
	s20 =	simm.s32 $0x0  }
0x1a4: {  	s2 =	sand.u32 $0x70, s20;
	s0 =	sand.u32 $0x1C00, s20  }
0x1a5: {  	s0 =	sor.u32 s0, s2  }
0x1a6: {  	v7 =	vld [tilespmem:s0+$0xA500]  }
0x1a7: {  	v8 =	vld [tilespmem:s0+$0x2500];
	_ =	sdelay $0x2  }
0x1a8: {  	v6 =	vbroadcast v4, $0xE;
	v5 =	vbroadcast v3, $0xE;
	_ =	sdelay $0x1  }
0x1a9: {  	v8 =	vmul.f32 v8, v5;
	v7 =	vmul.f32 v7, v6  }
0x1aa: {  	s19 =	simm.s32 $0x10;
	s2 =	simm.s32 $0x80  }
0x1ab: {  	s19 =	sand.u32 $0x70, s19;
	s21 =	sand.u32 $0x1C00, s2;
	v7 =	vadd.f32 v7, v8  }
0x1ac: {  	s20 =	sor.u32 s21, s19;
	s19 =	simm.s32 $0x20  }
.LBB2_30:
0x1ad: {  	p0 =	seq.s32 s19, $0x3F0;
	v8 =	vld [tilespmem:s20+$0xA500];
	[tilespmem:s0+$0x2500] =	vst v7;
	s0 =	smov.u32 s20  }
0x1ae: {  	v7 =	vld [tilespmem:s0+$0x2500];
	_ =	sdelay $0x3  }
.Ltmp14:
0x1af: {  	(pc) =	sbr.rel @!p0 .LBB2_30-.Ltmp14, $4  }
0x1b0: {  	v8 =	vmul.f32 v8, v6;
	v7 =	vmul.f32 v7, v5  }
0x1b1: {  	s2 =	sadd.s32 $0x80, s2  }
0x1b2: {  	s20 =	sand.u32 $0x70, s19;
	s21 =	sand.u32 $0x1C00, s2;
	v7 =	vadd.f32 v8, v7  }
0x1b3: {  	s19 =	sadd.s32 $0x10, s19;
	s20 =	sor.u32 s21, s20  }
0x1b4: {  	v8 =	vld [tilespmem:s20+$0xA500];
	[tilespmem:s0+$0x2500] =	vst v7  }
0x1b5: {  	v7 =	vld [tilespmem:s20+$0x2500];
	_ =	sdelay $0x4  }
0x1b6: {  	v6 =	vmul.f32 v8, v6;
	v5 =	vmul.f32 v7, v5;
	_ =	sdelay $0x1  }
0x1b7: {  	s21 =	simm.s32 $0x0;
	v5 =	vadd.f32 v6, v5  }
0x1b8: {  	s0 =	sor.u32 s21, s21  }
0x1b9: {  	s0 =	sor.u32 $0x2380, s0;
	[tilespmem:s20+$0x2500] =	vst v5  }
0x1ba: {  	v5 =	vld [tilespmem:s0+$0x8200]  }
0x1bb: {  	v6 =	vld [tilespmem:s0+$0x200];
	_ =	sdelay $0x2  }
0x1bc: {  	v3 =	vbroadcast v3, $0xF;
	v4 =	vbroadcast v4, $0xF;
	_ =	sdelay $0x1  }
0x1bd: {  	v6 =	vmul.f32 v6, v3;
	v5 =	vmul.f32 v5, v4  }
0x1be: {  	s19 =	simm.s32 $0x10;
	s2 =	simm.s32 $0x80  }
0x1bf: {  	s19 =	sor.u32 s2, s19;
	v5 =	vadd.f32 v5, v6  }
0x1c0: {  	s20 =	sor.u32 $0x2380, s19;
	s19 =	simm.s32 $0x20  }
.LBB2_32:
0x1c1: {  	p0 =	sne.s32 s19, $0x3F0;
	v6 =	vld [tilespmem:s20+$0x8200];
	[tilespmem:s0+$0x200] =	vst v5;
	s0 =	smov.u32 s20  }
0x1c2: {  	v5 =	vld [tilespmem:s0+$0x200];
	_ =	sdelay $0x3  }
.Ltmp15:
0x1c3: {  	(pc) =	sbr.rel @p0 .LBB2_32-.Ltmp15, $4  }
0x1c4: {  	v6 =	vmul.f32 v6, v4;
	v5 =	vmul.f32 v5, v3  }
0x1c5: {  	s2 =	sadd.s32 $0x80, s2  }
0x1c6: {  	s20 =	sor.u32 s2, s19;
	v5 =	vadd.f32 v6, v5  }
0x1c7: {  	s19 =	sadd.s32 $0x10, s19;
	s20 =	sor.u32 $0x2380, s20  }
0x1c8: {  	v6 =	vld [tilespmem:s20+$0x8200];
	[tilespmem:s0+$0x200] =	vst v5  }
0x1c9: {  	v5 =	vld [tilespmem:s20+$0x200];
	_ =	sdelay $0x4  }
0x1ca: {  	v4 =	vmul.f32 v6, v4;
	v3 =	vmul.f32 v5, v3;
	_ =	sdelay $0x1  }
0x1cb: {  	v3 =	vadd.f32 v4, v3;
	_ =	sdelay $0x1  }
0x1cc: {  	[tilespmem:s20+$0x200] =	vst v3;
	s20 =	simm.s32 $0x0  }
0x1cd: {  	v3 =	vld [tilespmem:$0x110];
	s2 =	sand.u32 $0x70, s20;
	s0 =	sand.u32 $0x1C00, s20  }
0x1ce: {  	v4 =	vld [tilespmem:$0x190];
	s0 =	sor.u32 s0, s2  }
0x1cf: {  	v7 =	vld [tilespmem:s0+$0xC200]  }
0x1d0: {  	v8 =	vld [tilespmem:s0+$0x4200];
	_ =	sdelay $0x2  }
0x1d1: {  	v5 =	vbroadcast v3, $0x0;
	v6 =	vbroadcast v4, $0x0;
	_ =	sdelay $0x1  }
0x1d2: {  	v8 =	vmul.f32 v8, v5;
	v7 =	vmul.f32 v7, v6  }
0x1d3: {  	s19 =	simm.s32 $0x10;
	s2 =	simm.s32 $0x80  }
0x1d4: {  	s19 =	sand.u32 $0x70, s19;
	s21 =	sand.u32 $0x1C00, s2;
	v7 =	vadd.f32 v7, v8  }
0x1d5: {  	s20 =	sor.u32 s21, s19;
	s19 =	simm.s32 $0x20  }
.LBB2_34:
0x1d6: {  	p0 =	seq.s32 s19, $0x3F0;
	v8 =	vld [tilespmem:s20+$0xC200];
	[tilespmem:s0+$0x4200] =	vst v7;
	s0 =	smov.u32 s20  }
0x1d7: {  	v7 =	vld [tilespmem:s0+$0x4200];
	_ =	sdelay $0x3  }
.Ltmp16:
0x1d8: {  	(pc) =	sbr.rel @!p0 .LBB2_34-.Ltmp16, $4  }
0x1d9: {  	v8 =	vmul.f32 v8, v6;
	v7 =	vmul.f32 v7, v5  }
0x1da: {  	s2 =	sadd.s32 $0x80, s2  }
0x1db: {  	s20 =	sand.u32 $0x70, s19;
	s21 =	sand.u32 $0x1C00, s2;
	v7 =	vadd.f32 v8, v7  }
0x1dc: {  	s19 =	sadd.s32 $0x10, s19;
	s20 =	sor.u32 s21, s20  }
0x1dd: {  	v8 =	vld [tilespmem:s20+$0xC200];
	[tilespmem:s0+$0x4200] =	vst v7  }
0x1de: {  	v7 =	vld [tilespmem:s20+$0x4200];
	_ =	sdelay $0x4  }
0x1df: {  	v6 =	vmul.f32 v8, v6;
	v5 =	vmul.f32 v7, v5;
	_ =	sdelay $0x1  }
0x1e0: {  	v5 =	vadd.f32 v6, v5;
	_ =	sdelay $0x1  }
0x1e1: {  	[tilespmem:s20+$0x4200] =	vst v5;
	s20 =	simm.s32 $0x0  }
0x1e2: {  	s2 =	sand.u32 $0x70, s20;
	s0 =	sand.u32 $0x1C00, s20  }
0x1e3: {  	s0 =	sor.u32 s0, s2  }
0x1e4: {  	v7 =	vld [tilespmem:s0+$0xC280]  }
0x1e5: {  	v8 =	vld [tilespmem:s0+$0x4280];
	_ =	sdelay $0x2  }
0x1e6: {  	v6 =	vbroadcast v4, $0x1;
	v5 =	vbroadcast v3, $0x1;
	_ =	sdelay $0x1  }
0x1e7: {  	v8 =	vmul.f32 v8, v5;
	v7 =	vmul.f32 v7, v6  }
0x1e8: {  	s19 =	simm.s32 $0x10;
	s2 =	simm.s32 $0x80  }
0x1e9: {  	s19 =	sand.u32 $0x70, s19;
	s21 =	sand.u32 $0x1C00, s2;
	v7 =	vadd.f32 v7, v8  }
0x1ea: {  	s20 =	sor.u32 s21, s19;
	s19 =	simm.s32 $0x20  }
.LBB2_36:
0x1eb: {  	p0 =	seq.s32 s19, $0x3F0;
	v8 =	vld [tilespmem:s20+$0xC280];
	[tilespmem:s0+$0x4280] =	vst v7;
	s0 =	smov.u32 s20  }
0x1ec: {  	v7 =	vld [tilespmem:s0+$0x4280];
	_ =	sdelay $0x3  }
.Ltmp17:
0x1ed: {  	(pc) =	sbr.rel @!p0 .LBB2_36-.Ltmp17, $4  }
0x1ee: {  	v8 =	vmul.f32 v8, v6;
	v7 =	vmul.f32 v7, v5  }
0x1ef: {  	s2 =	sadd.s32 $0x80, s2  }
0x1f0: {  	s20 =	sand.u32 $0x70, s19;
	s21 =	sand.u32 $0x1C00, s2;
	v7 =	vadd.f32 v8, v7  }
0x1f1: {  	s19 =	sadd.s32 $0x10, s19;
	s20 =	sor.u32 s21, s20  }
0x1f2: {  	v8 =	vld [tilespmem:s20+$0xC280];
	[tilespmem:s0+$0x4280] =	vst v7  }
0x1f3: {  	v7 =	vld [tilespmem:s20+$0x4280];
	_ =	sdelay $0x4  }
0x1f4: {  	v6 =	vmul.f32 v8, v6;
	v5 =	vmul.f32 v7, v5;
	_ =	sdelay $0x1  }
0x1f5: {  	v5 =	vadd.f32 v6, v5;
	_ =	sdelay $0x1  }
0x1f6: {  	[tilespmem:s20+$0x4280] =	vst v5;
	s20 =	simm.s32 $0x0  }
0x1f7: {  	s2 =	sand.u32 $0x70, s20;
	s0 =	sand.u32 $0x1C00, s20  }
0x1f8: {  	s0 =	sor.u32 s0, s2  }
0x1f9: {  	v7 =	vld [tilespmem:s0+$0xC300]  }
0x1fa: {  	v8 =	vld [tilespmem:s0+$0x4300];
	_ =	sdelay $0x2  }
0x1fb: {  	v6 =	vbroadcast v4, $0x2;
	v5 =	vbroadcast v3, $0x2;
	_ =	sdelay $0x1  }
0x1fc: {  	v8 =	vmul.f32 v8, v5;
	v7 =	vmul.f32 v7, v6  }
0x1fd: {  	s19 =	simm.s32 $0x10;
	s2 =	simm.s32 $0x80  }
0x1fe: {  	s19 =	sand.u32 $0x70, s19;
	s21 =	sand.u32 $0x1C00, s2;
	v7 =	vadd.f32 v7, v8  }
0x1ff: {  	s20 =	sor.u32 s21, s19;
	s19 =	simm.s32 $0x20  }
.LBB2_38:
0x200: {  	p0 =	seq.s32 s19, $0x3F0;
	v8 =	vld [tilespmem:s20+$0xC300];
	[tilespmem:s0+$0x4300] =	vst v7;
	s0 =	smov.u32 s20  }
0x201: {  	v7 =	vld [tilespmem:s0+$0x4300];
	_ =	sdelay $0x3  }
.Ltmp18:
0x202: {  	(pc) =	sbr.rel @!p0 .LBB2_38-.Ltmp18, $4  }
0x203: {  	v8 =	vmul.f32 v8, v6;
	v7 =	vmul.f32 v7, v5  }
0x204: {  	s2 =	sadd.s32 $0x80, s2  }
0x205: {  	s20 =	sand.u32 $0x70, s19;
	s21 =	sand.u32 $0x1C00, s2;
	v7 =	vadd.f32 v8, v7  }
0x206: {  	s19 =	sadd.s32 $0x10, s19;
	s20 =	sor.u32 s21, s20  }
0x207: {  	v8 =	vld [tilespmem:s20+$0xC300];
	[tilespmem:s0+$0x4300] =	vst v7  }
0x208: {  	v7 =	vld [tilespmem:s20+$0x4300];
	_ =	sdelay $0x4  }
0x209: {  	v6 =	vmul.f32 v8, v6;
	v5 =	vmul.f32 v7, v5;
	_ =	sdelay $0x1  }
0x20a: {  	v5 =	vadd.f32 v6, v5;
	_ =	sdelay $0x1  }
0x20b: {  	[tilespmem:s20+$0x4300] =	vst v5;
	s20 =	simm.s32 $0x0  }
0x20c: {  	s2 =	sand.u32 $0x70, s20;
	s0 =	sand.u32 $0x1C00, s20  }
0x20d: {  	s0 =	sor.u32 s0, s2  }
0x20e: {  	v7 =	vld [tilespmem:s0+$0xC380]  }
0x20f: {  	v8 =	vld [tilespmem:s0+$0x4380];
	_ =	sdelay $0x2  }
0x210: {  	v6 =	vbroadcast v4, $0x3;
	v5 =	vbroadcast v3, $0x3;
	_ =	sdelay $0x1  }
0x211: {  	v8 =	vmul.f32 v8, v5;
	v7 =	vmul.f32 v7, v6  }
0x212: {  	s19 =	simm.s32 $0x10;
	s2 =	simm.s32 $0x80  }
0x213: {  	s19 =	sand.u32 $0x70, s19;
	s21 =	sand.u32 $0x1C00, s2;
	v7 =	vadd.f32 v7, v8  }
0x214: {  	s20 =	sor.u32 s21, s19;
	s19 =	simm.s32 $0x20  }
.LBB2_40:
0x215: {  	p0 =	seq.s32 s19, $0x3F0;
	v8 =	vld [tilespmem:s20+$0xC380];
	[tilespmem:s0+$0x4380] =	vst v7;
	s0 =	smov.u32 s20  }
0x216: {  	v7 =	vld [tilespmem:s0+$0x4380];
	_ =	sdelay $0x3  }
.Ltmp19:
0x217: {  	(pc) =	sbr.rel @!p0 .LBB2_40-.Ltmp19, $4  }
0x218: {  	v8 =	vmul.f32 v8, v6;
	v7 =	vmul.f32 v7, v5  }
0x219: {  	s2 =	sadd.s32 $0x80, s2  }
0x21a: {  	s20 =	sand.u32 $0x70, s19;
	s21 =	sand.u32 $0x1C00, s2;
	v7 =	vadd.f32 v8, v7  }
0x21b: {  	s19 =	sadd.s32 $0x10, s19;
	s20 =	sor.u32 s21, s20  }
0x21c: {  	v8 =	vld [tilespmem:s20+$0xC380];
	[tilespmem:s0+$0x4380] =	vst v7  }
0x21d: {  	v7 =	vld [tilespmem:s20+$0x4380];
	_ =	sdelay $0x4  }
0x21e: {  	v6 =	vmul.f32 v8, v6;
	v5 =	vmul.f32 v7, v5;
	_ =	sdelay $0x1  }
0x21f: {  	v5 =	vadd.f32 v6, v5;
	_ =	sdelay $0x1  }
0x220: {  	[tilespmem:s20+$0x4380] =	vst v5;
	s20 =	simm.s32 $0x0  }
0x221: {  	s2 =	sand.u32 $0x70, s20;
	s0 =	sand.u32 $0x1C00, s20  }
0x222: {  	s0 =	sor.u32 s0, s2  }
0x223: {  	v7 =	vld [tilespmem:s0+$0xC400]  }
0x224: {  	v8 =	vld [tilespmem:s0+$0x4400];
	_ =	sdelay $0x2  }
0x225: {  	v6 =	vbroadcast v4, $0x4;
	v5 =	vbroadcast v3, $0x4;
	_ =	sdelay $0x1  }
0x226: {  	v8 =	vmul.f32 v8, v5;
	v7 =	vmul.f32 v7, v6  }
0x227: {  	s19 =	simm.s32 $0x10;
	s2 =	simm.s32 $0x80  }
0x228: {  	s19 =	sand.u32 $0x70, s19;
	s21 =	sand.u32 $0x1C00, s2;
	v7 =	vadd.f32 v7, v8  }
0x229: {  	s20 =	sor.u32 s21, s19;
	s19 =	simm.s32 $0x20  }
.LBB2_42:
0x22a: {  	p0 =	seq.s32 s19, $0x3F0;
	v8 =	vld [tilespmem:s20+$0xC400];
	[tilespmem:s0+$0x4400] =	vst v7;
	s0 =	smov.u32 s20  }
0x22b: {  	v7 =	vld [tilespmem:s0+$0x4400];
	_ =	sdelay $0x3  }
.Ltmp20:
0x22c: {  	(pc) =	sbr.rel @!p0 .LBB2_42-.Ltmp20, $4  }
0x22d: {  	v8 =	vmul.f32 v8, v6;
	v7 =	vmul.f32 v7, v5  }
0x22e: {  	s2 =	sadd.s32 $0x80, s2  }
0x22f: {  	s20 =	sand.u32 $0x70, s19;
	s21 =	sand.u32 $0x1C00, s2;
	v7 =	vadd.f32 v8, v7  }
0x230: {  	s19 =	sadd.s32 $0x10, s19;
	s20 =	sor.u32 s21, s20  }
0x231: {  	v8 =	vld [tilespmem:s20+$0xC400];
	[tilespmem:s0+$0x4400] =	vst v7  }
0x232: {  	v7 =	vld [tilespmem:s20+$0x4400];
	_ =	sdelay $0x4  }
0x233: {  	v6 =	vmul.f32 v8, v6;
	v5 =	vmul.f32 v7, v5;
	_ =	sdelay $0x1  }
0x234: {  	v5 =	vadd.f32 v6, v5;
	_ =	sdelay $0x1  }
0x235: {  	[tilespmem:s20+$0x4400] =	vst v5;
	s20 =	simm.s32 $0x0  }
0x236: {  	s2 =	sand.u32 $0x70, s20;
	s0 =	sand.u32 $0x1C00, s20  }
0x237: {  	s0 =	sor.u32 s0, s2  }
0x238: {  	v7 =	vld [tilespmem:s0+$0xC480]  }
0x239: {  	v8 =	vld [tilespmem:s0+$0x4480];
	_ =	sdelay $0x2  }
0x23a: {  	v6 =	vbroadcast v4, $0x5;
	v5 =	vbroadcast v3, $0x5;
	_ =	sdelay $0x1  }
0x23b: {  	v8 =	vmul.f32 v8, v5;
	v7 =	vmul.f32 v7, v6  }
0x23c: {  	s19 =	simm.s32 $0x10;
	s2 =	simm.s32 $0x80  }
0x23d: {  	s19 =	sand.u32 $0x70, s19;
	s21 =	sand.u32 $0x1C00, s2;
	v7 =	vadd.f32 v7, v8  }
0x23e: {  	s20 =	sor.u32 s21, s19;
	s19 =	simm.s32 $0x20  }
.LBB2_44:
0x23f: {  	p0 =	seq.s32 s19, $0x3F0;
	v8 =	vld [tilespmem:s20+$0xC480];
	[tilespmem:s0+$0x4480] =	vst v7;
	s0 =	smov.u32 s20  }
0x240: {  	v7 =	vld [tilespmem:s0+$0x4480];
	_ =	sdelay $0x3  }
.Ltmp21:
0x241: {  	(pc) =	sbr.rel @!p0 .LBB2_44-.Ltmp21, $4  }
0x242: {  	v8 =	vmul.f32 v8, v6;
	v7 =	vmul.f32 v7, v5  }
0x243: {  	s2 =	sadd.s32 $0x80, s2  }
0x244: {  	s20 =	sand.u32 $0x70, s19;
	s21 =	sand.u32 $0x1C00, s2;
	v7 =	vadd.f32 v8, v7  }
0x245: {  	s19 =	sadd.s32 $0x10, s19;
	s20 =	sor.u32 s21, s20  }
0x246: {  	v8 =	vld [tilespmem:s20+$0xC480];
	[tilespmem:s0+$0x4480] =	vst v7  }
0x247: {  	v7 =	vld [tilespmem:s20+$0x4480];
	_ =	sdelay $0x4  }
0x248: {  	v6 =	vmul.f32 v8, v6;
	v5 =	vmul.f32 v7, v5;
	_ =	sdelay $0x1  }
0x249: {  	v5 =	vadd.f32 v6, v5;
	_ =	sdelay $0x1  }
0x24a: {  	[tilespmem:s20+$0x4480] =	vst v5;
	s20 =	simm.s32 $0x0  }
0x24b: {  	s2 =	sand.u32 $0x70, s20;
	s0 =	sand.u32 $0x1C00, s20  }
0x24c: {  	s0 =	sor.u32 s0, s2  }
0x24d: {  	v7 =	vld [tilespmem:s0+$0xC500]  }
0x24e: {  	v8 =	vld [tilespmem:s0+$0x4500];
	_ =	sdelay $0x2  }
0x24f: {  	v6 =	vbroadcast v4, $0x6;
	v5 =	vbroadcast v3, $0x6;
	_ =	sdelay $0x1  }
0x250: {  	v8 =	vmul.f32 v8, v5;
	v7 =	vmul.f32 v7, v6  }
0x251: {  	s19 =	simm.s32 $0x10;
	s2 =	simm.s32 $0x80  }
0x252: {  	s19 =	sand.u32 $0x70, s19;
	s21 =	sand.u32 $0x1C00, s2;
	v7 =	vadd.f32 v7, v8  }
0x253: {  	s20 =	sor.u32 s21, s19;
	s19 =	simm.s32 $0x20  }
.LBB2_46:
0x254: {  	p0 =	seq.s32 s19, $0x3F0;
	v8 =	vld [tilespmem:s20+$0xC500];
	[tilespmem:s0+$0x4500] =	vst v7;
	s0 =	smov.u32 s20  }
0x255: {  	v7 =	vld [tilespmem:s0+$0x4500];
	_ =	sdelay $0x3  }
.Ltmp22:
0x256: {  	(pc) =	sbr.rel @!p0 .LBB2_46-.Ltmp22, $4  }
0x257: {  	v8 =	vmul.f32 v8, v6;
	v7 =	vmul.f32 v7, v5  }
0x258: {  	s2 =	sadd.s32 $0x80, s2  }
0x259: {  	s20 =	sand.u32 $0x70, s19;
	s21 =	sand.u32 $0x1C00, s2;
	v7 =	vadd.f32 v8, v7  }
0x25a: {  	s19 =	sadd.s32 $0x10, s19;
	s20 =	sor.u32 s21, s20  }
0x25b: {  	v8 =	vld [tilespmem:s20+$0xC500];
	[tilespmem:s0+$0x4500] =	vst v7  }
0x25c: {  	v7 =	vld [tilespmem:s20+$0x4500];
	_ =	sdelay $0x4  }
0x25d: {  	v6 =	vmul.f32 v8, v6;
	v5 =	vmul.f32 v7, v5;
	_ =	sdelay $0x1  }
0x25e: {  	s21 =	simm.s32 $0x0;
	v5 =	vadd.f32 v6, v5  }
0x25f: {  	s0 =	sor.u32 s21, s21  }
0x260: {  	s0 =	sor.u32 $0x4380, s0;
	[tilespmem:s20+$0x4500] =	vst v5  }
0x261: {  	v7 =	vld [tilespmem:s0+$0x8200]  }
0x262: {  	v8 =	vld [tilespmem:s0+$0x200];
	_ =	sdelay $0x2  }
0x263: {  	v6 =	vbroadcast v4, $0x7;
	v5 =	vbroadcast v3, $0x7;
	_ =	sdelay $0x1  }
0x264: {  	v8 =	vmul.f32 v8, v5;
	v7 =	vmul.f32 v7, v6  }
0x265: {  	s19 =	simm.s32 $0x10;
	s2 =	simm.s32 $0x80  }
0x266: {  	s19 =	sor.u32 s2, s19;
	v7 =	vadd.f32 v7, v8  }
0x267: {  	s20 =	sor.u32 $0x4380, s19;
	s19 =	simm.s32 $0x20  }
.LBB2_48:
0x268: {  	p0 =	seq.s32 s19, $0x3F0;
	v8 =	vld [tilespmem:s20+$0x8200];
	[tilespmem:s0+$0x200] =	vst v7;
	s0 =	smov.u32 s20  }
0x269: {  	v7 =	vld [tilespmem:s0+$0x200];
	_ =	sdelay $0x3  }
.Ltmp23:
0x26a: {  	(pc) =	sbr.rel @!p0 .LBB2_48-.Ltmp23, $4  }
0x26b: {  	v8 =	vmul.f32 v8, v6;
	v7 =	vmul.f32 v7, v5  }
0x26c: {  	s2 =	sadd.s32 $0x80, s2  }
0x26d: {  	s20 =	sor.u32 s2, s19;
	v7 =	vadd.f32 v8, v7  }
0x26e: {  	s19 =	sadd.s32 $0x10, s19;
	s20 =	sor.u32 $0x4380, s20  }
0x26f: {  	v8 =	vld [tilespmem:s20+$0x8200];
	[tilespmem:s0+$0x200] =	vst v7  }
0x270: {  	v7 =	vld [tilespmem:s20+$0x200];
	_ =	sdelay $0x4  }
0x271: {  	v6 =	vmul.f32 v8, v6;
	v5 =	vmul.f32 v7, v5;
	_ =	sdelay $0x1  }
0x272: {  	v5 =	vadd.f32 v6, v5;
	_ =	sdelay $0x1  }
0x273: {  	[tilespmem:s20+$0x200] =	vst v5;
	s20 =	simm.s32 $0x0  }
0x274: {  	s2 =	sand.u32 $0x70, s20;
	s0 =	sand.u32 $0x1C00, s20  }
0x275: {  	s0 =	sor.u32 s0, s2  }
0x276: {  	v7 =	vld [tilespmem:s0+$0xE200]  }
0x277: {  	v8 =	vld [tilespmem:s0+$0x6200];
	_ =	sdelay $0x2  }
0x278: {  	v6 =	vbroadcast v4, $0x8;
	v5 =	vbroadcast v3, $0x8;
	_ =	sdelay $0x1  }
0x279: {  	v8 =	vmul.f32 v8, v5;
	v7 =	vmul.f32 v7, v6  }
0x27a: {  	s19 =	simm.s32 $0x10;
	s2 =	simm.s32 $0x80  }
0x27b: {  	s19 =	sand.u32 $0x70, s19;
	s21 =	sand.u32 $0x1C00, s2;
	v7 =	vadd.f32 v7, v8  }
0x27c: {  	s20 =	sor.u32 s21, s19;
	s19 =	simm.s32 $0x20  }
.LBB2_50:
0x27d: {  	p0 =	seq.s32 s19, $0x3F0;
	v8 =	vld [tilespmem:s20+$0xE200];
	[tilespmem:s0+$0x6200] =	vst v7;
	s0 =	smov.u32 s20  }
0x27e: {  	v7 =	vld [tilespmem:s0+$0x6200];
	_ =	sdelay $0x3  }
.Ltmp24:
0x27f: {  	(pc) =	sbr.rel @!p0 .LBB2_50-.Ltmp24, $4  }
0x280: {  	v8 =	vmul.f32 v8, v6;
	v7 =	vmul.f32 v7, v5  }
0x281: {  	s2 =	sadd.s32 $0x80, s2  }
0x282: {  	s20 =	sand.u32 $0x70, s19;
	s21 =	sand.u32 $0x1C00, s2;
	v7 =	vadd.f32 v8, v7  }
0x283: {  	s19 =	sadd.s32 $0x10, s19;
	s20 =	sor.u32 s21, s20  }
0x284: {  	v8 =	vld [tilespmem:s20+$0xE200];
	[tilespmem:s0+$0x6200] =	vst v7  }
0x285: {  	v7 =	vld [tilespmem:s20+$0x6200];
	_ =	sdelay $0x4  }
0x286: {  	v6 =	vmul.f32 v8, v6;
	v5 =	vmul.f32 v7, v5;
	_ =	sdelay $0x1  }
0x287: {  	v5 =	vadd.f32 v6, v5;
	_ =	sdelay $0x1  }
0x288: {  	[tilespmem:s20+$0x6200] =	vst v5;
	s20 =	simm.s32 $0x0  }
0x289: {  	s2 =	sand.u32 $0x70, s20;
	s0 =	sand.u32 $0x1C00, s20  }
0x28a: {  	s0 =	sor.u32 s0, s2  }
0x28b: {  	v7 =	vld [tilespmem:s0+$0xE280]  }
0x28c: {  	v8 =	vld [tilespmem:s0+$0x6280];
	_ =	sdelay $0x2  }
0x28d: {  	v6 =	vbroadcast v4, $0x9;
	v5 =	vbroadcast v3, $0x9;
	_ =	sdelay $0x1  }
0x28e: {  	v8 =	vmul.f32 v8, v5;
	v7 =	vmul.f32 v7, v6  }
0x28f: {  	s19 =	simm.s32 $0x10;
	s2 =	simm.s32 $0x80  }
0x290: {  	s19 =	sand.u32 $0x70, s19;
	s21 =	sand.u32 $0x1C00, s2;
	v7 =	vadd.f32 v7, v8  }
0x291: {  	s20 =	sor.u32 s21, s19;
	s19 =	simm.s32 $0x20  }
.LBB2_52:
0x292: {  	p0 =	seq.s32 s19, $0x3F0;
	v8 =	vld [tilespmem:s20+$0xE280];
	[tilespmem:s0+$0x6280] =	vst v7;
	s0 =	smov.u32 s20  }
0x293: {  	v7 =	vld [tilespmem:s0+$0x6280];
	_ =	sdelay $0x3  }
.Ltmp25:
0x294: {  	(pc) =	sbr.rel @!p0 .LBB2_52-.Ltmp25, $4  }
0x295: {  	v8 =	vmul.f32 v8, v6;
	v7 =	vmul.f32 v7, v5  }
0x296: {  	s2 =	sadd.s32 $0x80, s2  }
0x297: {  	s20 =	sand.u32 $0x70, s19;
	s21 =	sand.u32 $0x1C00, s2;
	v7 =	vadd.f32 v8, v7  }
0x298: {  	s19 =	sadd.s32 $0x10, s19;
	s20 =	sor.u32 s21, s20  }
0x299: {  	v8 =	vld [tilespmem:s20+$0xE280];
	[tilespmem:s0+$0x6280] =	vst v7  }
0x29a: {  	v7 =	vld [tilespmem:s20+$0x6280];
	_ =	sdelay $0x4  }
0x29b: {  	v6 =	vmul.f32 v8, v6;
	v5 =	vmul.f32 v7, v5;
	_ =	sdelay $0x1  }
0x29c: {  	v5 =	vadd.f32 v6, v5;
	_ =	sdelay $0x1  }
0x29d: {  	[tilespmem:s20+$0x6280] =	vst v5;
	s20 =	simm.s32 $0x0  }
0x29e: {  	s2 =	sand.u32 $0x70, s20;
	s0 =	sand.u32 $0x1C00, s20  }
0x29f: {  	s0 =	sor.u32 s0, s2  }
0x2a0: {  	v7 =	vld [tilespmem:s0+$0xE300]  }
0x2a1: {  	v8 =	vld [tilespmem:s0+$0x6300];
	_ =	sdelay $0x2  }
0x2a2: {  	v6 =	vbroadcast v4, $0xA;
	v5 =	vbroadcast v3, $0xA;
	_ =	sdelay $0x1  }
0x2a3: {  	v8 =	vmul.f32 v8, v5;
	v7 =	vmul.f32 v7, v6  }
0x2a4: {  	s19 =	simm.s32 $0x10;
	s2 =	simm.s32 $0x80  }
0x2a5: {  	s19 =	sand.u32 $0x70, s19;
	s21 =	sand.u32 $0x1C00, s2;
	v7 =	vadd.f32 v7, v8  }
0x2a6: {  	s20 =	sor.u32 s21, s19;
	s19 =	simm.s32 $0x20  }
.LBB2_54:
0x2a7: {  	p0 =	seq.s32 s19, $0x3F0;
	v8 =	vld [tilespmem:s20+$0xE300];
	[tilespmem:s0+$0x6300] =	vst v7;
	s0 =	smov.u32 s20  }
0x2a8: {  	v7 =	vld [tilespmem:s0+$0x6300];
	_ =	sdelay $0x3  }
.Ltmp26:
0x2a9: {  	(pc) =	sbr.rel @!p0 .LBB2_54-.Ltmp26, $4  }
0x2aa: {  	v8 =	vmul.f32 v8, v6;
	v7 =	vmul.f32 v7, v5  }
0x2ab: {  	s2 =	sadd.s32 $0x80, s2  }
0x2ac: {  	s20 =	sand.u32 $0x70, s19;
	s21 =	sand.u32 $0x1C00, s2;
	v7 =	vadd.f32 v8, v7  }
0x2ad: {  	s19 =	sadd.s32 $0x10, s19;
	s20 =	sor.u32 s21, s20  }
0x2ae: {  	v8 =	vld [tilespmem:s20+$0xE300];
	[tilespmem:s0+$0x6300] =	vst v7  }
0x2af: {  	v7 =	vld [tilespmem:s20+$0x6300];
	_ =	sdelay $0x4  }
0x2b0: {  	v6 =	vmul.f32 v8, v6;
	v5 =	vmul.f32 v7, v5;
	_ =	sdelay $0x1  }
0x2b1: {  	v5 =	vadd.f32 v6, v5;
	_ =	sdelay $0x1  }
0x2b2: {  	[tilespmem:s20+$0x6300] =	vst v5;
	s20 =	simm.s32 $0x0  }
0x2b3: {  	s2 =	sand.u32 $0x70, s20;
	s0 =	sand.u32 $0x1C00, s20  }
0x2b4: {  	s0 =	sor.u32 s0, s2  }
0x2b5: {  	v7 =	vld [tilespmem:s0+$0xE380]  }
0x2b6: {  	v8 =	vld [tilespmem:s0+$0x6380];
	_ =	sdelay $0x2  }
0x2b7: {  	v6 =	vbroadcast v4, $0xB;
	v5 =	vbroadcast v3, $0xB;
	_ =	sdelay $0x1  }
0x2b8: {  	v8 =	vmul.f32 v8, v5;
	v7 =	vmul.f32 v7, v6  }
0x2b9: {  	s19 =	simm.s32 $0x10;
	s2 =	simm.s32 $0x80  }
0x2ba: {  	s19 =	sand.u32 $0x70, s19;
	s21 =	sand.u32 $0x1C00, s2;
	v7 =	vadd.f32 v7, v8  }
0x2bb: {  	s20 =	sor.u32 s21, s19;
	s19 =	simm.s32 $0x20  }
.LBB2_56:
0x2bc: {  	p0 =	seq.s32 s19, $0x3F0;
	v8 =	vld [tilespmem:s20+$0xE380];
	[tilespmem:s0+$0x6380] =	vst v7;
	s0 =	smov.u32 s20  }
0x2bd: {  	v7 =	vld [tilespmem:s0+$0x6380];
	_ =	sdelay $0x3  }
.Ltmp27:
0x2be: {  	(pc) =	sbr.rel @!p0 .LBB2_56-.Ltmp27, $4  }
0x2bf: {  	v8 =	vmul.f32 v8, v6;
	v7 =	vmul.f32 v7, v5  }
0x2c0: {  	s2 =	sadd.s32 $0x80, s2  }
0x2c1: {  	s20 =	sand.u32 $0x70, s19;
	s21 =	sand.u32 $0x1C00, s2;
	v7 =	vadd.f32 v8, v7  }
0x2c2: {  	s19 =	sadd.s32 $0x10, s19;
	s20 =	sor.u32 s21, s20  }
0x2c3: {  	v8 =	vld [tilespmem:s20+$0xE380];
	[tilespmem:s0+$0x6380] =	vst v7  }
0x2c4: {  	v7 =	vld [tilespmem:s20+$0x6380];
	_ =	sdelay $0x4  }
0x2c5: {  	v6 =	vmul.f32 v8, v6;
	v5 =	vmul.f32 v7, v5;
	_ =	sdelay $0x1  }
0x2c6: {  	v5 =	vadd.f32 v6, v5;
	_ =	sdelay $0x1  }
0x2c7: {  	[tilespmem:s20+$0x6380] =	vst v5;
	s20 =	simm.s32 $0x0  }
0x2c8: {  	s2 =	sand.u32 $0x70, s20;
	s0 =	sand.u32 $0x1C00, s20  }
0x2c9: {  	s0 =	sor.u32 s0, s2  }
0x2ca: {  	v7 =	vld [tilespmem:s0+$0xE400]  }
0x2cb: {  	v8 =	vld [tilespmem:s0+$0x6400];
	_ =	sdelay $0x2  }
0x2cc: {  	v6 =	vbroadcast v4, $0xC;
	v5 =	vbroadcast v3, $0xC;
	_ =	sdelay $0x1  }
0x2cd: {  	v8 =	vmul.f32 v8, v5;
	v7 =	vmul.f32 v7, v6  }
0x2ce: {  	s19 =	simm.s32 $0x10;
	s2 =	simm.s32 $0x80  }
0x2cf: {  	s19 =	sand.u32 $0x70, s19;
	s21 =	sand.u32 $0x1C00, s2;
	v7 =	vadd.f32 v7, v8  }
0x2d0: {  	s20 =	sor.u32 s21, s19;
	s19 =	simm.s32 $0x20  }
.LBB2_58:
0x2d1: {  	p0 =	seq.s32 s19, $0x3F0;
	v8 =	vld [tilespmem:s20+$0xE400];
	[tilespmem:s0+$0x6400] =	vst v7;
	s0 =	smov.u32 s20  }
0x2d2: {  	v7 =	vld [tilespmem:s0+$0x6400];
	_ =	sdelay $0x3  }
.Ltmp28:
0x2d3: {  	(pc) =	sbr.rel @!p0 .LBB2_58-.Ltmp28, $4  }
0x2d4: {  	v8 =	vmul.f32 v8, v6;
	v7 =	vmul.f32 v7, v5  }
0x2d5: {  	s2 =	sadd.s32 $0x80, s2  }
0x2d6: {  	s20 =	sand.u32 $0x70, s19;
	s21 =	sand.u32 $0x1C00, s2;
	v7 =	vadd.f32 v8, v7  }
0x2d7: {  	s19 =	sadd.s32 $0x10, s19;
	s20 =	sor.u32 s21, s20  }
0x2d8: {  	v8 =	vld [tilespmem:s20+$0xE400];
	[tilespmem:s0+$0x6400] =	vst v7  }
0x2d9: {  	v7 =	vld [tilespmem:s20+$0x6400];
	_ =	sdelay $0x4  }
0x2da: {  	v6 =	vmul.f32 v8, v6;
	v5 =	vmul.f32 v7, v5;
	_ =	sdelay $0x1  }
0x2db: {  	v5 =	vadd.f32 v6, v5;
	_ =	sdelay $0x1  }
0x2dc: {  	[tilespmem:s20+$0x6400] =	vst v5;
	s20 =	simm.s32 $0x0  }
0x2dd: {  	s2 =	sand.u32 $0x70, s20;
	s0 =	sand.u32 $0x1C00, s20  }
0x2de: {  	s0 =	sor.u32 s0, s2  }
0x2df: {  	v7 =	vld [tilespmem:s0+$0xE480]  }
0x2e0: {  	v8 =	vld [tilespmem:s0+$0x6480];
	_ =	sdelay $0x2  }
0x2e1: {  	v6 =	vbroadcast v4, $0xD;
	v5 =	vbroadcast v3, $0xD;
	_ =	sdelay $0x1  }
0x2e2: {  	v8 =	vmul.f32 v8, v5;
	v7 =	vmul.f32 v7, v6  }
0x2e3: {  	s19 =	simm.s32 $0x10;
	s2 =	simm.s32 $0x80  }
0x2e4: {  	s19 =	sand.u32 $0x70, s19;
	s21 =	sand.u32 $0x1C00, s2;
	v7 =	vadd.f32 v7, v8  }
0x2e5: {  	s20 =	sor.u32 s21, s19;
	s19 =	simm.s32 $0x20  }
.LBB2_60:
0x2e6: {  	p0 =	seq.s32 s19, $0x3F0;
	v8 =	vld [tilespmem:s20+$0xE480];
	[tilespmem:s0+$0x6480] =	vst v7;
	s0 =	smov.u32 s20  }
0x2e7: {  	v7 =	vld [tilespmem:s0+$0x6480];
	_ =	sdelay $0x3  }
.Ltmp29:
0x2e8: {  	(pc) =	sbr.rel @!p0 .LBB2_60-.Ltmp29, $4  }
0x2e9: {  	v8 =	vmul.f32 v8, v6;
	v7 =	vmul.f32 v7, v5  }
0x2ea: {  	s2 =	sadd.s32 $0x80, s2  }
0x2eb: {  	s20 =	sand.u32 $0x70, s19;
	s21 =	sand.u32 $0x1C00, s2;
	v7 =	vadd.f32 v8, v7  }
0x2ec: {  	s19 =	sadd.s32 $0x10, s19;
	s20 =	sor.u32 s21, s20  }
0x2ed: {  	v8 =	vld [tilespmem:s20+$0xE480];
	[tilespmem:s0+$0x6480] =	vst v7  }
0x2ee: {  	v7 =	vld [tilespmem:s20+$0x6480];
	_ =	sdelay $0x4  }
0x2ef: {  	v6 =	vmul.f32 v8, v6;
	v5 =	vmul.f32 v7, v5;
	_ =	sdelay $0x1  }
0x2f0: {  	v5 =	vadd.f32 v6, v5;
	_ =	sdelay $0x1  }
0x2f1: {  	[tilespmem:s20+$0x6480] =	vst v5;
	s20 =	simm.s32 $0x0  }
0x2f2: {  	s2 =	sand.u32 $0x70, s20;
	s0 =	sand.u32 $0x1C00, s20  }
0x2f3: {  	s0 =	sor.u32 s0, s2  }
0x2f4: {  	v7 =	vld [tilespmem:s0+$0xE500]  }
0x2f5: {  	v8 =	vld [tilespmem:s0+$0x6500];
	_ =	sdelay $0x2  }
0x2f6: {  	v6 =	vbroadcast v4, $0xE;
	v5 =	vbroadcast v3, $0xE;
	_ =	sdelay $0x1  }
0x2f7: {  	v8 =	vmul.f32 v8, v5;
	v7 =	vmul.f32 v7, v6  }
0x2f8: {  	s19 =	simm.s32 $0x10;
	s2 =	simm.s32 $0x80  }
0x2f9: {  	s19 =	sand.u32 $0x70, s19;
	s21 =	sand.u32 $0x1C00, s2;
	v7 =	vadd.f32 v7, v8  }
0x2fa: {  	s20 =	sor.u32 s21, s19;
	s19 =	simm.s32 $0x20  }
.LBB2_62:
0x2fb: {  	p0 =	seq.s32 s19, $0x3F0;
	v8 =	vld [tilespmem:s20+$0xE500];
	[tilespmem:s0+$0x6500] =	vst v7;
	s0 =	smov.u32 s20  }
0x2fc: {  	v7 =	vld [tilespmem:s0+$0x6500];
	_ =	sdelay $0x3  }
.Ltmp30:
0x2fd: {  	(pc) =	sbr.rel @!p0 .LBB2_62-.Ltmp30, $4  }
0x2fe: {  	v8 =	vmul.f32 v8, v6;
	v7 =	vmul.f32 v7, v5  }
0x2ff: {  	s2 =	sadd.s32 $0x80, s2  }
0x300: {  	s20 =	sand.u32 $0x70, s19;
	s21 =	sand.u32 $0x1C00, s2;
	v7 =	vadd.f32 v8, v7  }
0x301: {  	s19 =	sadd.s32 $0x10, s19;
	s20 =	sor.u32 s21, s20  }
0x302: {  	v8 =	vld [tilespmem:s20+$0xE500];
	[tilespmem:s0+$0x6500] =	vst v7  }
0x303: {  	v7 =	vld [tilespmem:s20+$0x6500];
	_ =	sdelay $0x4  }
0x304: {  	v6 =	vmul.f32 v8, v6;
	v5 =	vmul.f32 v7, v5;
	_ =	sdelay $0x1  }
0x305: {  	s21 =	simm.s32 $0x0;
	v5 =	vadd.f32 v6, v5  }
0x306: {  	s0 =	sor.u32 s21, s21  }
0x307: {  	s0 =	sor.u32 $0x6380, s0;
	[tilespmem:s20+$0x6500] =	vst v5  }
0x308: {  	v5 =	vld [tilespmem:s0+$0x8200]  }
0x309: {  	v6 =	vld [tilespmem:s0+$0x200];
	_ =	sdelay $0x2  }
0x30a: {  	v3 =	vbroadcast v3, $0xF;
	v4 =	vbroadcast v4, $0xF;
	_ =	sdelay $0x1  }
0x30b: {  	v6 =	vmul.f32 v6, v3;
	v5 =	vmul.f32 v5, v4  }
0x30c: {  	s19 =	simm.s32 $0x10;
	s2 =	simm.s32 $0x80  }
0x30d: {  	s19 =	sor.u32 s2, s19;
	v5 =	vadd.f32 v5, v6  }
0x30e: {  	s20 =	sor.u32 $0x6380, s19;
	s19 =	simm.s32 $0x20  }
.LBB2_64:
0x30f: {  	p0 =	sne.s32 s19, $0x3F0;
	v6 =	vld [tilespmem:s20+$0x8200];
	[tilespmem:s0+$0x200] =	vst v5;
	s0 =	smov.u32 s20  }
0x310: {  	v5 =	vld [tilespmem:s0+$0x200];
	_ =	sdelay $0x3  }
.Ltmp31:
0x311: {  	(pc) =	sbr.rel @p0 .LBB2_64-.Ltmp31, $4  }
0x312: {  	v6 =	vmul.f32 v6, v4;
	v5 =	vmul.f32 v5, v3  }
0x313: {  	s2 =	sadd.s32 $0x80, s2  }
0x314: {  	s20 =	sor.u32 s2, s19;
	v5 =	vadd.f32 v6, v5  }
0x315: {  	s19 =	sadd.s32 $0x10, s19;
	s20 =	sor.u32 $0x6380, s20  }
0x316: {  	v6 =	vld [tilespmem:s20+$0x8200];
	[tilespmem:s0+$0x200] =	vst v5  }
0x317: {  	v5 =	vld [tilespmem:s20+$0x200];
	_ =	sdelay $0x4  }
0x318: {  	v4 =	vmul.f32 v6, v4;
	v3 =	vmul.f32 v5, v3;
	_ =	sdelay $0x1  }
0x319: {  	v3 =	vadd.f32 v4, v3;
	_ =	sdelay $0x1  }
0x31a: {  	s0 =	simm.s32 $0x0;
	[tilespmem:s20+$0x200] =	vst v3  }
0x31b: {  	[hbm4b:s11+s0] =	stream.linear.scatter [tilespmem:s22], [sflag:$0x2], $0x8000, $0x38;
	[tilespmem:$0x10200] =	vst v63  }
0x31c: {  	_ =	swait.ge [sflag:s18], $0x8000  }
0x31d: {  	[sflag:s18] =	ssyncset.done $0x0  }
0x31e: {  	[sflag:s18] =	ssyncadd.s32 $0xFFFF8000  }
0x31f: {  	[tilespmem:s0], [sflag:$0x2] =	stream.linear.gather [hbm4b:s12+s0], $0x20, $0x38;
	[tilespmem:$0x10200] =	vst v63  }
0x320: {  	_ =	swait.ge [sflag:s18], $0x20  }
0x321: {  	[sflag:s18] =	ssyncset.done $0x0  }
0x322: {  	s2 =	simm.s32 $0x80;
	[sflag:s18] =	ssyncadd.s32 $0xFFFFFFE0  }
0x323: {  	[tilespmem:s2], [sflag:$0x2] =	stream.linear.gather [hbm4b:s13+s0], $0x20, $0x38;
	[tilespmem:$0x10200] =	vst v63  }
0x324: {  	_ =	swait.ge [sflag:s18], $0x20  }
0x325: {  	[sflag:s18] =	ssyncset.done $0x0  }
0x326: {  	s20 =	simm.s32 $0x100;
	[sflag:s18] =	ssyncadd.s32 $0xFFFFFFE0  }
0x327: {  	[tilespmem:s20], [sflag:$0x2] =	stream.linear.gather [hbm4b:s14+s0], $0x20, $0x38;
	[tilespmem:$0x10200] =	vst v63  }
0x328: {  	_ =	swait.ge [sflag:s18], $0x20  }
0x329: {  	[sflag:s18] =	ssyncset.done $0x0  }
0x32a: {  	s21 =	simm.s32 $0x180;
	[sflag:s18] =	ssyncadd.s32 $0xFFFFFFE0  }
0x32b: {  	[tilespmem:s21], [sflag:$0x2] =	stream.linear.gather [hbm4b:s15+s0], $0x20, $0x38;
	[tilespmem:$0x10200] =	vst v63  }
0x32c: {  	_ =	swait.ge [sflag:s18], $0x20  }
0x32d: {  	[sflag:s18] =	ssyncset.done $0x0  }
0x32e: {  	[sflag:s18] =	ssyncadd.s32 $0xFFFFFFE0  }
0x32f: {  	v3 =	vld [tilespmem:$0x0];
	_ =	sdelay $0x4  }
0x330: {  	v4 =	vshll.u32 v3, $0x3  }
0x331: {  	v3 =	vand.u32 $0x7, v3;
	v4 =	vand.u32 $0xFFFFFFC0, v4  }
0x332: {  	v3 =	vor.u32 v3, v4  }
0x333: {  	v4 =	vperm.xlane v3, v0;
	_ =	sdelay $0x1  }
0x334: {  	v4 =	vadd.s32 v1, v4;
	_ =	sdelay $0x4  }
0x335: {  	[tilespmem:s22], [sflag:$0x1] =	stream.indirect_vreg.gather [hbm4b:s3+s0], $0x80, v4, vm0, $0xb8;
	[tilespmem:$0x10200] =	vst v63  }
0x336: {  	s19 =	simm.s32 $0xA00;
	v3 =	vperm.xlane v3, v2  }
0x337: {  	[tilespmem:s19], [sflag:$0x1] =	stream.indirect_vreg.gather [hbm4b:s8+s0], $0x80, v4, vm0, $0xb8;
	[tilespmem:$0x10200] =	vst v63  }
0x338: {  	s20 =	simm.s32 $0x1200;
	v3 =	vadd.s32 v1, v3  }
0x339: {  	[tilespmem:s20], [sflag:$0x1] =	stream.indirect_vreg.gather [hbm4b:s9+s0], $0x80, v4, vm0, $0xb8;
	[tilespmem:$0x10200] =	vst v63  }
0x33a: {  	s21 =	simm.s32 $0x1A00  }
0x33b: {  	[tilespmem:s21], [sflag:$0x1] =	stream.indirect_vreg.gather [hbm4b:s10+s0], $0x80, v4, vm0, $0xb8;
	[tilespmem:$0x10200] =	vst v63  }
0x33c: {  	s19 =	simm.s32 $0x2200  }
0x33d: {  	[tilespmem:s19], [sflag:$0x1] =	stream.indirect_vreg.gather [hbm4b:s3+s0], $0x80, v3, vm0, $0xb8;
	[tilespmem:$0x10200] =	vst v63  }
0x33e: {  	s20 =	simm.s32 $0x2A00  }
0x33f: {  	[tilespmem:s20], [sflag:$0x1] =	stream.indirect_vreg.gather [hbm4b:s8+s0], $0x80, v3, vm0, $0xb8;
	[tilespmem:$0x10200] =	vst v63  }
0x340: {  	s21 =	simm.s32 $0x3200  }
0x341: {  	[tilespmem:s21], [sflag:$0x1] =	stream.indirect_vreg.gather [hbm4b:s9+s0], $0x80, v3, vm0, $0xb8;
	[tilespmem:$0x10200] =	vst v63  }
0x342: {  	s19 =	simm.s32 $0x3A00  }
0x343: {  	[tilespmem:s19], [sflag:$0x1] =	stream.indirect_vreg.gather [hbm4b:s10+s0], $0x80, v3, vm0, $0xb8;
	[tilespmem:$0x10200] =	vst v63  }
0x344: {  	v3 =	vld [tilespmem:$0x10];
	_ =	sdelay $0x4  }
0x345: {  	v4 =	vshll.u32 v3, $0x3  }
0x346: {  	v3 =	vand.u32 $0x7, v3;
	v4 =	vand.u32 $0xFFFFFFC0, v4  }
0x347: {  	v3 =	vor.u32 v3, v4  }
0x348: {  	v4 =	vperm.xlane v3, v0;
	_ =	sdelay $0x1  }
0x349: {  	v4 =	vadd.s32 v1, v4;
	_ =	sdelay $0x3  }
0x34a: {  	s20 =	simm.s32 $0x4200  }
0x34b: {  	[tilespmem:s20], [sflag:$0x1] =	stream.indirect_vreg.gather [hbm4b:s3+s0], $0x80, v4, vm0, $0xb8;
	[tilespmem:$0x10200] =	vst v63  }
0x34c: {  	s21 =	simm.s32 $0x4A00;
	v3 =	vperm.xlane v3, v2  }
0x34d: {  	[tilespmem:s21], [sflag:$0x1] =	stream.indirect_vreg.gather [hbm4b:s8+s0], $0x80, v4, vm0, $0xb8;
	[tilespmem:$0x10200] =	vst v63  }
0x34e: {  	s19 =	simm.s32 $0x5200;
	v3 =	vadd.s32 v1, v3  }
0x34f: {  	[tilespmem:s19], [sflag:$0x1] =	stream.indirect_vreg.gather [hbm4b:s9+s0], $0x80, v4, vm0, $0xb8;
	[tilespmem:$0x10200] =	vst v63  }
0x350: {  	s20 =	simm.s32 $0x5A00  }
0x351: {  	[tilespmem:s20], [sflag:$0x1] =	stream.indirect_vreg.gather [hbm4b:s10+s0], $0x80, v4, vm0, $0xb8;
	[tilespmem:$0x10200] =	vst v63  }
0x352: {  	s21 =	simm.s32 $0x6200  }
0x353: {  	[tilespmem:s21], [sflag:$0x1] =	stream.indirect_vreg.gather [hbm4b:s3+s0], $0x80, v3, vm0, $0xb8;
	[tilespmem:$0x10200] =	vst v63  }
0x354: {  	s19 =	simm.s32 $0x6A00  }
0x355: {  	[tilespmem:s19], [sflag:$0x1] =	stream.indirect_vreg.gather [hbm4b:s8+s0], $0x80, v3, vm0, $0xb8;
	[tilespmem:$0x10200] =	vst v63  }
0x356: {  	s20 =	simm.s32 $0x7200  }
0x357: {  	[tilespmem:s20], [sflag:$0x1] =	stream.indirect_vreg.gather [hbm4b:s9+s0], $0x80, v3, vm0, $0xb8;
	[tilespmem:$0x10200] =	vst v63  }
0x358: {  	s21 =	simm.s32 $0x7A00  }
0x359: {  	[tilespmem:s21], [sflag:$0x1] =	stream.indirect_vreg.gather [hbm4b:s10+s0], $0x80, v3, vm0, $0xb8;
	[tilespmem:$0x10200] =	vst v63  }
0x35a: {  	_ =	swait.ge [sflag:s25], $0x8000  }
0x35b: {  	[sflag:s25] =	ssyncset.done $0x0  }
0x35c: {  	[sflag:s25] =	ssyncadd.s32 $0xFFFF8000  }
0x35d: {  	v3 =	vld [tilespmem:$0x80];
	_ =	sdelay $0x4  }
0x35e: {  	v4 =	vshll.u32 v3, $0x3  }
0x35f: {  	v3 =	vand.u32 $0x7, v3;
	v4 =	vand.u32 $0xFFFFFFC0, v4  }
0x360: {  	v3 =	vor.u32 v3, v4  }
0x361: {  	v4 =	vperm.xlane v3, v0;
	_ =	sdelay $0x1  }
0x362: {  	v4 =	vadd.s32 v1, v4;
	_ =	sdelay $0x3  }
0x363: {  	s19 =	simm.s32 $0x8200  }
0x364: {  	[tilespmem:s19], [sflag:$0x1] =	stream.indirect_vreg.gather [hbm4b:s3+s0], $0x80, v4, vm0, $0xb8;
	[tilespmem:$0x10200] =	vst v63  }
0x365: {  	s20 =	simm.s32 $0x8A00;
	v3 =	vperm.xlane v3, v2  }
0x366: {  	[tilespmem:s20], [sflag:$0x1] =	stream.indirect_vreg.gather [hbm4b:s8+s0], $0x80, v4, vm0, $0xb8;
	[tilespmem:$0x10200] =	vst v63  }
0x367: {  	s21 =	simm.s32 $0x9200;
	v3 =	vadd.s32 v1, v3  }
0x368: {  	[tilespmem:s21], [sflag:$0x1] =	stream.indirect_vreg.gather [hbm4b:s9+s0], $0x80, v4, vm0, $0xb8;
	[tilespmem:$0x10200] =	vst v63  }
0x369: {  	s19 =	simm.s32 $0x9A00  }
0x36a: {  	[tilespmem:s19], [sflag:$0x1] =	stream.indirect_vreg.gather [hbm4b:s10+s0], $0x80, v4, vm0, $0xb8;
	[tilespmem:$0x10200] =	vst v63  }
0x36b: {  	s20 =	simm.s32 $0xA200  }
0x36c: {  	[tilespmem:s20], [sflag:$0x1] =	stream.indirect_vreg.gather [hbm4b:s3+s0], $0x80, v3, vm0, $0xb8;
	[tilespmem:$0x10200] =	vst v63  }
0x36d: {  	s21 =	simm.s32 $0xAA00  }
0x36e: {  	[tilespmem:s21], [sflag:$0x1] =	stream.indirect_vreg.gather [hbm4b:s8+s0], $0x80, v3, vm0, $0xb8;
	[tilespmem:$0x10200] =	vst v63  }
0x36f: {  	s19 =	simm.s32 $0xB200  }
0x370: {  	[tilespmem:s19], [sflag:$0x1] =	stream.indirect_vreg.gather [hbm4b:s9+s0], $0x80, v3, vm0, $0xb8;
	[tilespmem:$0x10200] =	vst v63  }
0x371: {  	s20 =	simm.s32 $0xBA00  }
0x372: {  	[tilespmem:s20], [sflag:$0x1] =	stream.indirect_vreg.gather [hbm4b:s10+s0], $0x80, v3, vm0, $0xb8;
	[tilespmem:$0x10200] =	vst v63  }
0x373: {  	v3 =	vld [tilespmem:$0x90];
	_ =	sdelay $0x4  }
0x374: {  	v4 =	vshll.u32 v3, $0x3  }
0x375: {  	v3 =	vand.u32 $0x7, v3;
	v4 =	vand.u32 $0xFFFFFFC0, v4  }
0x376: {  	v3 =	vor.u32 v3, v4  }
0x377: {  	v4 =	vperm.xlane v3, v0;
	_ =	sdelay $0x1  }
0x378: {  	v4 =	vadd.s32 v1, v4;
	_ =	sdelay $0x3  }
0x379: {  	s21 =	simm.s32 $0xC200  }
0x37a: {  	[tilespmem:s21], [sflag:$0x1] =	stream.indirect_vreg.gather [hbm4b:s3+s0], $0x80, v4, vm0, $0xb8;
	[tilespmem:$0x10200] =	vst v63  }
0x37b: {  	s19 =	simm.s32 $0xCA00;
	v3 =	vperm.xlane v3, v2  }
0x37c: {  	[tilespmem:s19], [sflag:$0x1] =	stream.indirect_vreg.gather [hbm4b:s8+s0], $0x80, v4, vm0, $0xb8;
	[tilespmem:$0x10200] =	vst v63  }
0x37d: {  	v3 =	vadd.s32 v1, v3  }
0x37e: {  	[tilespmem:s23], [sflag:$0x1] =	stream.indirect_vreg.gather [hbm4b:s9+s0], $0x80, v4, vm0, $0xb8;
	[tilespmem:$0x10200] =	vst v63  }
0x37f: {  	_ = 	snop  }
0x380: {  	[tilespmem:s24], [sflag:$0x1] =	stream.indirect_vreg.gather [hbm4b:s10+s0], $0x80, v4, vm0, $0xb8;
	[tilespmem:$0x10200] =	vst v63  }
0x381: {  	_ = 	snop  }
0x382: {  	[tilespmem:s26], [sflag:$0x1] =	stream.indirect_vreg.gather [hbm4b:s3+s0], $0x80, v3, vm0, $0xb8;
	[tilespmem:$0x10200] =	vst v63  }
0x383: {  	_ = 	snop  }
0x384: {  	[tilespmem:s28], [sflag:$0x1] =	stream.indirect_vreg.gather [hbm4b:s8+s0], $0x80, v3, vm0, $0xb8;
	[tilespmem:$0x10200] =	vst v63  }
0x385: {  	_ = 	snop  }
0x386: {  	[tilespmem:s29], [sflag:$0x1] =	stream.indirect_vreg.gather [hbm4b:s9+s0], $0x80, v3, vm0, $0xb8;
	[tilespmem:$0x10200] =	vst v63  }
0x387: {  	_ = 	snop  }
0x388: {  	[tilespmem:s30], [sflag:$0x1] =	stream.indirect_vreg.gather [hbm4b:s10+s0], $0x80, v3, vm0, $0xb8;
	[tilespmem:$0x10200] =	vst v63  }
0x389: {  	_ =	swait.ge [sflag:s25], $0x8000  }
0x38a: {  	[sflag:s25] =	ssyncset.done $0x0  }
0x38b: {  	[sflag:s25] =	ssyncadd.s32 $0xFFFF8000  }
0x38c: {  	s20 =	sand.u32 $0x70, s0;
	s0 =	sand.u32 $0x1C00, s0;
	v3 =	vld [tilespmem:$0x100]  }
0x38d: {  	s0 =	sor.u32 s20, s0;
	v4 =	vld [tilespmem:$0x180]  }
0x38e: {  	v7 =	vld [tilespmem:s0+$0x8200]  }
0x38f: {  	v8 =	vld [tilespmem:s0+$0x200];
	_ =	sdelay $0x2  }
0x390: {  	v5 =	vbroadcast v3, $0x0;
	v6 =	vbroadcast v4, $0x0;
	_ =	sdelay $0x1  }
0x391: {  	v8 =	vmul.f32 v8, v5;
	v7 =	vmul.f32 v7, v6  }
0x392: {  	s2 =	simm.s32 $0x80;
	s19 =	simm.s32 $0x10  }
0x393: {  	s21 =	sand.u32 $0x1C00, s2;
	s19 =	sand.u32 $0x70, s19;
	v7 =	vadd.f32 v7, v8  }
0x394: {  	s20 =	sor.u32 s19, s21;
	s19 =	simm.s32 $0x20  }
.LBB2_66:
0x395: {  	p0 =	seq.s32 s19, $0x3F0;
	v8 =	vld [tilespmem:s20+$0x8200];
	[tilespmem:s0+$0x200] =	vst v7;
	s0 =	smov.u32 s20  }
0x396: {  	v7 =	vld [tilespmem:s0+$0x200];
	_ =	sdelay $0x3  }
.Ltmp32:
0x397: {  	(pc) =	sbr.rel @!p0 .LBB2_66-.Ltmp32, $4  }
0x398: {  	v8 =	vmul.f32 v8, v6;
	v7 =	vmul.f32 v7, v5  }
0x399: {  	s2 =	sadd.s32 $0x80, s2  }
0x39a: {  	s20 =	sand.u32 $0x70, s19;
	s21 =	sand.u32 $0x1C00, s2;
	v7 =	vadd.f32 v8, v7  }
0x39b: {  	s19 =	sadd.s32 $0x10, s19;
	s20 =	sor.u32 s20, s21  }
0x39c: {  	v8 =	vld [tilespmem:s20+$0x8200];
	[tilespmem:s0+$0x200] =	vst v7  }
0x39d: {  	v7 =	vld [tilespmem:s20+$0x200];
	_ =	sdelay $0x4  }
0x39e: {  	v6 =	vmul.f32 v8, v6;
	v5 =	vmul.f32 v7, v5;
	_ =	sdelay $0x1  }
0x39f: {  	v5 =	vadd.f32 v6, v5;
	_ =	sdelay $0x1  }
0x3a0: {  	[tilespmem:s20+$0x200] =	vst v5;
	s20 =	simm.s32 $0x0  }
0x3a1: {  	s2 =	sand.u32 $0x70, s20;
	s0 =	sand.u32 $0x1C00, s20  }
0x3a2: {  	s0 =	sor.u32 s0, s2  }
0x3a3: {  	v7 =	vld [tilespmem:s0+$0x8280]  }
0x3a4: {  	v8 =	vld [tilespmem:s0+$0x280];
	_ =	sdelay $0x2  }
0x3a5: {  	v6 =	vbroadcast v4, $0x1;
	v5 =	vbroadcast v3, $0x1;
	_ =	sdelay $0x1  }
0x3a6: {  	v8 =	vmul.f32 v8, v5;
	v7 =	vmul.f32 v7, v6  }
0x3a7: {  	s19 =	simm.s32 $0x10;
	s2 =	simm.s32 $0x80  }
0x3a8: {  	s19 =	sand.u32 $0x70, s19;
	s21 =	sand.u32 $0x1C00, s2;
	v7 =	vadd.f32 v7, v8  }
0x3a9: {  	s20 =	sor.u32 s21, s19;
	s19 =	simm.s32 $0x20  }
.LBB2_68:
0x3aa: {  	p0 =	seq.s32 s19, $0x3F0;
	v8 =	vld [tilespmem:s20+$0x8280];
	[tilespmem:s0+$0x280] =	vst v7;
	s0 =	smov.u32 s20  }
0x3ab: {  	v7 =	vld [tilespmem:s0+$0x280];
	_ =	sdelay $0x3  }
.Ltmp33:
0x3ac: {  	(pc) =	sbr.rel @!p0 .LBB2_68-.Ltmp33, $4  }
0x3ad: {  	v8 =	vmul.f32 v8, v6;
	v7 =	vmul.f32 v7, v5  }
0x3ae: {  	s2 =	sadd.s32 $0x80, s2  }
0x3af: {  	s20 =	sand.u32 $0x70, s19;
	s21 =	sand.u32 $0x1C00, s2;
	v7 =	vadd.f32 v8, v7  }
0x3b0: {  	s19 =	sadd.s32 $0x10, s19;
	s20 =	sor.u32 s21, s20  }
0x3b1: {  	v8 =	vld [tilespmem:s20+$0x8280];
	[tilespmem:s0+$0x280] =	vst v7  }
0x3b2: {  	v7 =	vld [tilespmem:s20+$0x280];
	_ =	sdelay $0x4  }
0x3b3: {  	v6 =	vmul.f32 v8, v6;
	v5 =	vmul.f32 v7, v5;
	_ =	sdelay $0x1  }
0x3b4: {  	v5 =	vadd.f32 v6, v5;
	_ =	sdelay $0x1  }
0x3b5: {  	[tilespmem:s20+$0x280] =	vst v5;
	s20 =	simm.s32 $0x0  }
0x3b6: {  	s2 =	sand.u32 $0x70, s20;
	s0 =	sand.u32 $0x1C00, s20  }
0x3b7: {  	s0 =	sor.u32 s0, s2  }
0x3b8: {  	v7 =	vld [tilespmem:s0+$0x8300]  }
0x3b9: {  	v8 =	vld [tilespmem:s0+$0x300];
	_ =	sdelay $0x2  }
0x3ba: {  	v6 =	vbroadcast v4, $0x2;
	v5 =	vbroadcast v3, $0x2;
	_ =	sdelay $0x1  }
0x3bb: {  	v8 =	vmul.f32 v8, v5;
	v7 =	vmul.f32 v7, v6  }
0x3bc: {  	s19 =	simm.s32 $0x10;
	s2 =	simm.s32 $0x80  }
0x3bd: {  	s19 =	sand.u32 $0x70, s19;
	s21 =	sand.u32 $0x1C00, s2;
	v7 =	vadd.f32 v7, v8  }
0x3be: {  	s20 =	sor.u32 s21, s19;
	s19 =	simm.s32 $0x20  }
.LBB2_70:
0x3bf: {  	p0 =	seq.s32 s19, $0x3F0;
	v8 =	vld [tilespmem:s20+$0x8300];
	[tilespmem:s0+$0x300] =	vst v7;
	s0 =	smov.u32 s20  }
0x3c0: {  	v7 =	vld [tilespmem:s0+$0x300];
	_ =	sdelay $0x3  }
.Ltmp34:
0x3c1: {  	(pc) =	sbr.rel @!p0 .LBB2_70-.Ltmp34, $4  }
0x3c2: {  	v8 =	vmul.f32 v8, v6;
	v7 =	vmul.f32 v7, v5  }
0x3c3: {  	s2 =	sadd.s32 $0x80, s2  }
0x3c4: {  	s20 =	sand.u32 $0x70, s19;
	s21 =	sand.u32 $0x1C00, s2;
	v7 =	vadd.f32 v8, v7  }
0x3c5: {  	s19 =	sadd.s32 $0x10, s19;
	s20 =	sor.u32 s21, s20  }
0x3c6: {  	v8 =	vld [tilespmem:s20+$0x8300];
	[tilespmem:s0+$0x300] =	vst v7  }
0x3c7: {  	v7 =	vld [tilespmem:s20+$0x300];
	_ =	sdelay $0x4  }
0x3c8: {  	v6 =	vmul.f32 v8, v6;
	v5 =	vmul.f32 v7, v5;
	_ =	sdelay $0x1  }
0x3c9: {  	v5 =	vadd.f32 v6, v5;
	_ =	sdelay $0x1  }
0x3ca: {  	[tilespmem:s20+$0x300] =	vst v5;
	s20 =	simm.s32 $0x0  }
0x3cb: {  	s2 =	sand.u32 $0x70, s20;
	s0 =	sand.u32 $0x1C00, s20  }
0x3cc: {  	s0 =	sor.u32 s0, s2  }
0x3cd: {  	v7 =	vld [tilespmem:s0+$0x8380]  }
0x3ce: {  	v8 =	vld [tilespmem:s0+$0x380];
	_ =	sdelay $0x2  }
0x3cf: {  	v6 =	vbroadcast v4, $0x3;
	v5 =	vbroadcast v3, $0x3;
	_ =	sdelay $0x1  }
0x3d0: {  	v8 =	vmul.f32 v8, v5;
	v7 =	vmul.f32 v7, v6  }
0x3d1: {  	s19 =	simm.s32 $0x10;
	s2 =	simm.s32 $0x80  }
0x3d2: {  	s19 =	sand.u32 $0x70, s19;
	s21 =	sand.u32 $0x1C00, s2;
	v7 =	vadd.f32 v7, v8  }
0x3d3: {  	s20 =	sor.u32 s21, s19;
	s19 =	simm.s32 $0x20  }
.LBB2_72:
0x3d4: {  	p0 =	seq.s32 s19, $0x3F0;
	v8 =	vld [tilespmem:s20+$0x8380];
	[tilespmem:s0+$0x380] =	vst v7;
	s0 =	smov.u32 s20  }
0x3d5: {  	v7 =	vld [tilespmem:s0+$0x380];
	_ =	sdelay $0x3  }
.Ltmp35:
0x3d6: {  	(pc) =	sbr.rel @!p0 .LBB2_72-.Ltmp35, $4  }
0x3d7: {  	v8 =	vmul.f32 v8, v6;
	v7 =	vmul.f32 v7, v5  }
0x3d8: {  	s2 =	sadd.s32 $0x80, s2  }
0x3d9: {  	s20 =	sand.u32 $0x70, s19;
	s21 =	sand.u32 $0x1C00, s2;
	v7 =	vadd.f32 v8, v7  }
0x3da: {  	s19 =	sadd.s32 $0x10, s19;
	s20 =	sor.u32 s21, s20  }
0x3db: {  	v8 =	vld [tilespmem:s20+$0x8380];
	[tilespmem:s0+$0x380] =	vst v7  }
0x3dc: {  	v7 =	vld [tilespmem:s20+$0x380];
	_ =	sdelay $0x4  }
0x3dd: {  	v6 =	vmul.f32 v8, v6;
	v5 =	vmul.f32 v7, v5;
	_ =	sdelay $0x1  }
0x3de: {  	v5 =	vadd.f32 v6, v5;
	_ =	sdelay $0x1  }
0x3df: {  	[tilespmem:s20+$0x380] =	vst v5;
	s20 =	simm.s32 $0x0  }
0x3e0: {  	s2 =	sand.u32 $0x70, s20;
	s0 =	sand.u32 $0x1C00, s20  }
0x3e1: {  	s0 =	sor.u32 s0, s2  }
0x3e2: {  	v7 =	vld [tilespmem:s0+$0x8400]  }
0x3e3: {  	v8 =	vld [tilespmem:s0+$0x400];
	_ =	sdelay $0x2  }
0x3e4: {  	v6 =	vbroadcast v4, $0x4;
	v5 =	vbroadcast v3, $0x4;
	_ =	sdelay $0x1  }
0x3e5: {  	v8 =	vmul.f32 v8, v5;
	v7 =	vmul.f32 v7, v6  }
0x3e6: {  	s19 =	simm.s32 $0x10;
	s2 =	simm.s32 $0x80  }
0x3e7: {  	s19 =	sand.u32 $0x70, s19;
	s21 =	sand.u32 $0x1C00, s2;
	v7 =	vadd.f32 v7, v8  }
0x3e8: {  	s20 =	sor.u32 s21, s19;
	s19 =	simm.s32 $0x20  }
.LBB2_74:
0x3e9: {  	p0 =	seq.s32 s19, $0x3F0;
	v8 =	vld [tilespmem:s20+$0x8400];
	[tilespmem:s0+$0x400] =	vst v7;
	s0 =	smov.u32 s20  }
0x3ea: {  	v7 =	vld [tilespmem:s0+$0x400];
	_ =	sdelay $0x3  }
.Ltmp36:
0x3eb: {  	(pc) =	sbr.rel @!p0 .LBB2_74-.Ltmp36, $4  }
0x3ec: {  	v8 =	vmul.f32 v8, v6;
	v7 =	vmul.f32 v7, v5  }
0x3ed: {  	s2 =	sadd.s32 $0x80, s2  }
0x3ee: {  	s20 =	sand.u32 $0x70, s19;
	s21 =	sand.u32 $0x1C00, s2;
	v7 =	vadd.f32 v8, v7  }
0x3ef: {  	s19 =	sadd.s32 $0x10, s19;
	s20 =	sor.u32 s21, s20  }
0x3f0: {  	v8 =	vld [tilespmem:s20+$0x8400];
	[tilespmem:s0+$0x400] =	vst v7  }
0x3f1: {  	v7 =	vld [tilespmem:s20+$0x400];
	_ =	sdelay $0x4  }
0x3f2: {  	v6 =	vmul.f32 v8, v6;
	v5 =	vmul.f32 v7, v5;
	_ =	sdelay $0x1  }
0x3f3: {  	v5 =	vadd.f32 v6, v5;
	_ =	sdelay $0x1  }
0x3f4: {  	[tilespmem:s20+$0x400] =	vst v5;
	s20 =	simm.s32 $0x0  }
0x3f5: {  	s2 =	sand.u32 $0x70, s20;
	s0 =	sand.u32 $0x1C00, s20  }
0x3f6: {  	s0 =	sor.u32 s0, s2  }
0x3f7: {  	v7 =	vld [tilespmem:s0+$0x8480]  }
0x3f8: {  	v8 =	vld [tilespmem:s0+$0x480];
	_ =	sdelay $0x2  }
0x3f9: {  	v6 =	vbroadcast v4, $0x5;
	v5 =	vbroadcast v3, $0x5;
	_ =	sdelay $0x1  }
0x3fa: {  	v8 =	vmul.f32 v8, v5;
	v7 =	vmul.f32 v7, v6  }
0x3fb: {  	s19 =	simm.s32 $0x10;
	s2 =	simm.s32 $0x80  }
0x3fc: {  	s19 =	sand.u32 $0x70, s19;
	s21 =	sand.u32 $0x1C00, s2;
	v7 =	vadd.f32 v7, v8  }
0x3fd: {  	s20 =	sor.u32 s21, s19;
	s19 =	simm.s32 $0x20  }
.LBB2_76:
0x3fe: {  	p0 =	seq.s32 s19, $0x3F0;
	v8 =	vld [tilespmem:s20+$0x8480];
	[tilespmem:s0+$0x480] =	vst v7;
	s0 =	smov.u32 s20  }
0x3ff: {  	v7 =	vld [tilespmem:s0+$0x480];
	_ =	sdelay $0x3  }
.Ltmp37:
0x400: {  	(pc) =	sbr.rel @!p0 .LBB2_76-.Ltmp37, $4  }
0x401: {  	v8 =	vmul.f32 v8, v6;
	v7 =	vmul.f32 v7, v5  }
0x402: {  	s2 =	sadd.s32 $0x80, s2  }
0x403: {  	s20 =	sand.u32 $0x70, s19;
	s21 =	sand.u32 $0x1C00, s2;
	v7 =	vadd.f32 v8, v7  }
0x404: {  	s19 =	sadd.s32 $0x10, s19;
	s20 =	sor.u32 s21, s20  }
0x405: {  	v8 =	vld [tilespmem:s20+$0x8480];
	[tilespmem:s0+$0x480] =	vst v7  }
0x406: {  	v7 =	vld [tilespmem:s20+$0x480];
	_ =	sdelay $0x4  }
0x407: {  	v6 =	vmul.f32 v8, v6;
	v5 =	vmul.f32 v7, v5;
	_ =	sdelay $0x1  }
0x408: {  	v5 =	vadd.f32 v6, v5;
	_ =	sdelay $0x1  }
0x409: {  	[tilespmem:s20+$0x480] =	vst v5;
	s20 =	simm.s32 $0x0  }
0x40a: {  	s2 =	sand.u32 $0x70, s20;
	s0 =	sand.u32 $0x1C00, s20  }
0x40b: {  	s0 =	sor.u32 s0, s2  }
0x40c: {  	v7 =	vld [tilespmem:s0+$0x8500]  }
0x40d: {  	v8 =	vld [tilespmem:s0+$0x500];
	_ =	sdelay $0x2  }
0x40e: {  	v6 =	vbroadcast v4, $0x6;
	v5 =	vbroadcast v3, $0x6;
	_ =	sdelay $0x1  }
0x40f: {  	v8 =	vmul.f32 v8, v5;
	v7 =	vmul.f32 v7, v6  }
0x410: {  	s19 =	simm.s32 $0x10;
	s2 =	simm.s32 $0x80  }
0x411: {  	s19 =	sand.u32 $0x70, s19;
	s21 =	sand.u32 $0x1C00, s2;
	v7 =	vadd.f32 v7, v8  }
0x412: {  	s20 =	sor.u32 s21, s19;
	s19 =	simm.s32 $0x20  }
.LBB2_78:
0x413: {  	p0 =	seq.s32 s19, $0x3F0;
	v8 =	vld [tilespmem:s20+$0x8500];
	[tilespmem:s0+$0x500] =	vst v7;
	s0 =	smov.u32 s20  }
0x414: {  	v7 =	vld [tilespmem:s0+$0x500];
	_ =	sdelay $0x3  }
.Ltmp38:
0x415: {  	(pc) =	sbr.rel @!p0 .LBB2_78-.Ltmp38, $4  }
0x416: {  	v8 =	vmul.f32 v8, v6;
	v7 =	vmul.f32 v7, v5  }
0x417: {  	s2 =	sadd.s32 $0x80, s2  }
0x418: {  	s20 =	sand.u32 $0x70, s19;
	s21 =	sand.u32 $0x1C00, s2;
	v7 =	vadd.f32 v8, v7  }
0x419: {  	s19 =	sadd.s32 $0x10, s19;
	s20 =	sor.u32 s21, s20  }
0x41a: {  	v8 =	vld [tilespmem:s20+$0x8500];
	[tilespmem:s0+$0x500] =	vst v7  }
0x41b: {  	v7 =	vld [tilespmem:s20+$0x500];
	_ =	sdelay $0x4  }
0x41c: {  	v6 =	vmul.f32 v8, v6;
	v5 =	vmul.f32 v7, v5;
	_ =	sdelay $0x1  }
0x41d: {  	s21 =	simm.s32 $0x0;
	v5 =	vadd.f32 v6, v5  }
0x41e: {  	s0 =	sor.u32 s21, s21  }
0x41f: {  	s0 =	sor.u32 $0x380, s0;
	[tilespmem:s20+$0x500] =	vst v5  }
0x420: {  	v7 =	vld [tilespmem:s0+$0x8200]  }
0x421: {  	v8 =	vld [tilespmem:s0+$0x200];
	_ =	sdelay $0x2  }
0x422: {  	v6 =	vbroadcast v4, $0x7;
	v5 =	vbroadcast v3, $0x7;
	_ =	sdelay $0x1  }
0x423: {  	v8 =	vmul.f32 v8, v5;
	v7 =	vmul.f32 v7, v6  }
0x424: {  	s19 =	simm.s32 $0x10;
	s2 =	simm.s32 $0x80  }
0x425: {  	s19 =	sor.u32 s2, s19;
	v7 =	vadd.f32 v7, v8  }
0x426: {  	s20 =	sor.u32 $0x380, s19;
	s19 =	simm.s32 $0x20  }
.LBB2_80:
0x427: {  	p0 =	seq.s32 s19, $0x3F0;
	v8 =	vld [tilespmem:s20+$0x8200];
	[tilespmem:s0+$0x200] =	vst v7;
	s0 =	smov.u32 s20  }
0x428: {  	v7 =	vld [tilespmem:s0+$0x200];
	_ =	sdelay $0x3  }
.Ltmp39:
0x429: {  	(pc) =	sbr.rel @!p0 .LBB2_80-.Ltmp39, $4  }
0x42a: {  	v8 =	vmul.f32 v8, v6;
	v7 =	vmul.f32 v7, v5  }
0x42b: {  	s2 =	sadd.s32 $0x80, s2  }
0x42c: {  	s20 =	sor.u32 s2, s19;
	v7 =	vadd.f32 v8, v7  }
0x42d: {  	s19 =	sadd.s32 $0x10, s19;
	s20 =	sor.u32 $0x380, s20  }
0x42e: {  	v8 =	vld [tilespmem:s20+$0x8200];
	[tilespmem:s0+$0x200] =	vst v7  }
0x42f: {  	v7 =	vld [tilespmem:s20+$0x200];
	_ =	sdelay $0x4  }
0x430: {  	v6 =	vmul.f32 v8, v6;
	v5 =	vmul.f32 v7, v5;
	_ =	sdelay $0x1  }
0x431: {  	v5 =	vadd.f32 v6, v5;
	_ =	sdelay $0x1  }
0x432: {  	[tilespmem:s20+$0x200] =	vst v5;
	s20 =	simm.s32 $0x0  }
0x433: {  	s2 =	sand.u32 $0x70, s20;
	s0 =	sand.u32 $0x1C00, s20  }
0x434: {  	s0 =	sor.u32 s0, s2  }
0x435: {  	v7 =	vld [tilespmem:s0+$0xA200]  }
0x436: {  	v8 =	vld [tilespmem:s0+$0x2200];
	_ =	sdelay $0x2  }
0x437: {  	v6 =	vbroadcast v4, $0x8;
	v5 =	vbroadcast v3, $0x8;
	_ =	sdelay $0x1  }
0x438: {  	v8 =	vmul.f32 v8, v5;
	v7 =	vmul.f32 v7, v6  }
0x439: {  	s19 =	simm.s32 $0x10;
	s2 =	simm.s32 $0x80  }
0x43a: {  	s19 =	sand.u32 $0x70, s19;
	s21 =	sand.u32 $0x1C00, s2;
	v7 =	vadd.f32 v7, v8  }
0x43b: {  	s20 =	sor.u32 s21, s19;
	s19 =	simm.s32 $0x20  }
.LBB2_82:
0x43c: {  	p0 =	seq.s32 s19, $0x3F0;
	v8 =	vld [tilespmem:s20+$0xA200];
	[tilespmem:s0+$0x2200] =	vst v7;
	s0 =	smov.u32 s20  }
0x43d: {  	v7 =	vld [tilespmem:s0+$0x2200];
	_ =	sdelay $0x3  }
.Ltmp40:
0x43e: {  	(pc) =	sbr.rel @!p0 .LBB2_82-.Ltmp40, $4  }
0x43f: {  	v8 =	vmul.f32 v8, v6;
	v7 =	vmul.f32 v7, v5  }
0x440: {  	s2 =	sadd.s32 $0x80, s2  }
0x441: {  	s20 =	sand.u32 $0x70, s19;
	s21 =	sand.u32 $0x1C00, s2;
	v7 =	vadd.f32 v8, v7  }
0x442: {  	s19 =	sadd.s32 $0x10, s19;
	s20 =	sor.u32 s21, s20  }
0x443: {  	v8 =	vld [tilespmem:s20+$0xA200];
	[tilespmem:s0+$0x2200] =	vst v7  }
0x444: {  	v7 =	vld [tilespmem:s20+$0x2200];
	_ =	sdelay $0x4  }
0x445: {  	v6 =	vmul.f32 v8, v6;
	v5 =	vmul.f32 v7, v5;
	_ =	sdelay $0x1  }
0x446: {  	v5 =	vadd.f32 v6, v5;
	_ =	sdelay $0x1  }
0x447: {  	[tilespmem:s20+$0x2200] =	vst v5;
	s20 =	simm.s32 $0x0  }
0x448: {  	s2 =	sand.u32 $0x70, s20;
	s0 =	sand.u32 $0x1C00, s20  }
0x449: {  	s0 =	sor.u32 s0, s2  }
0x44a: {  	v7 =	vld [tilespmem:s0+$0xA280]  }
0x44b: {  	v8 =	vld [tilespmem:s0+$0x2280];
	_ =	sdelay $0x2  }
0x44c: {  	v6 =	vbroadcast v4, $0x9;
	v5 =	vbroadcast v3, $0x9;
	_ =	sdelay $0x1  }
0x44d: {  	v8 =	vmul.f32 v8, v5;
	v7 =	vmul.f32 v7, v6  }
0x44e: {  	s19 =	simm.s32 $0x10;
	s2 =	simm.s32 $0x80  }
0x44f: {  	s19 =	sand.u32 $0x70, s19;
	s21 =	sand.u32 $0x1C00, s2;
	v7 =	vadd.f32 v7, v8  }
0x450: {  	s20 =	sor.u32 s21, s19;
	s19 =	simm.s32 $0x20  }
.LBB2_84:
0x451: {  	p0 =	seq.s32 s19, $0x3F0;
	v8 =	vld [tilespmem:s20+$0xA280];
	[tilespmem:s0+$0x2280] =	vst v7;
	s0 =	smov.u32 s20  }
0x452: {  	v7 =	vld [tilespmem:s0+$0x2280];
	_ =	sdelay $0x3  }
.Ltmp41:
0x453: {  	(pc) =	sbr.rel @!p0 .LBB2_84-.Ltmp41, $4  }
0x454: {  	v8 =	vmul.f32 v8, v6;
	v7 =	vmul.f32 v7, v5  }
0x455: {  	s2 =	sadd.s32 $0x80, s2  }
0x456: {  	s20 =	sand.u32 $0x70, s19;
	s21 =	sand.u32 $0x1C00, s2;
	v7 =	vadd.f32 v8, v7  }
0x457: {  	s19 =	sadd.s32 $0x10, s19;
	s20 =	sor.u32 s21, s20  }
0x458: {  	v8 =	vld [tilespmem:s20+$0xA280];
	[tilespmem:s0+$0x2280] =	vst v7  }
0x459: {  	v7 =	vld [tilespmem:s20+$0x2280];
	_ =	sdelay $0x4  }
0x45a: {  	v6 =	vmul.f32 v8, v6;
	v5 =	vmul.f32 v7, v5;
	_ =	sdelay $0x1  }
0x45b: {  	v5 =	vadd.f32 v6, v5;
	_ =	sdelay $0x1  }
0x45c: {  	[tilespmem:s20+$0x2280] =	vst v5;
	s20 =	simm.s32 $0x0  }
0x45d: {  	s2 =	sand.u32 $0x70, s20;
	s0 =	sand.u32 $0x1C00, s20  }
0x45e: {  	s0 =	sor.u32 s0, s2  }
0x45f: {  	v7 =	vld [tilespmem:s0+$0xA300]  }
0x460: {  	v8 =	vld [tilespmem:s0+$0x2300];
	_ =	sdelay $0x2  }
0x461: {  	v6 =	vbroadcast v4, $0xA;
	v5 =	vbroadcast v3, $0xA;
	_ =	sdelay $0x1  }
0x462: {  	v8 =	vmul.f32 v8, v5;
	v7 =	vmul.f32 v7, v6  }
0x463: {  	s19 =	simm.s32 $0x10;
	s2 =	simm.s32 $0x80  }
0x464: {  	s19 =	sand.u32 $0x70, s19;
	s21 =	sand.u32 $0x1C00, s2;
	v7 =	vadd.f32 v7, v8  }
0x465: {  	s20 =	sor.u32 s21, s19;
	s19 =	simm.s32 $0x20  }
.LBB2_86:
0x466: {  	p0 =	seq.s32 s19, $0x3F0;
	v8 =	vld [tilespmem:s20+$0xA300];
	[tilespmem:s0+$0x2300] =	vst v7;
	s0 =	smov.u32 s20  }
0x467: {  	v7 =	vld [tilespmem:s0+$0x2300];
	_ =	sdelay $0x3  }
.Ltmp42:
0x468: {  	(pc) =	sbr.rel @!p0 .LBB2_86-.Ltmp42, $4  }
0x469: {  	v8 =	vmul.f32 v8, v6;
	v7 =	vmul.f32 v7, v5  }
0x46a: {  	s2 =	sadd.s32 $0x80, s2  }
0x46b: {  	s20 =	sand.u32 $0x70, s19;
	s21 =	sand.u32 $0x1C00, s2;
	v7 =	vadd.f32 v8, v7  }
0x46c: {  	s19 =	sadd.s32 $0x10, s19;
	s20 =	sor.u32 s21, s20  }
0x46d: {  	v8 =	vld [tilespmem:s20+$0xA300];
	[tilespmem:s0+$0x2300] =	vst v7  }
0x46e: {  	v7 =	vld [tilespmem:s20+$0x2300];
	_ =	sdelay $0x4  }
0x46f: {  	v6 =	vmul.f32 v8, v6;
	v5 =	vmul.f32 v7, v5;
	_ =	sdelay $0x1  }
0x470: {  	v5 =	vadd.f32 v6, v5;
	_ =	sdelay $0x1  }
0x471: {  	[tilespmem:s20+$0x2300] =	vst v5;
	s20 =	simm.s32 $0x0  }
0x472: {  	s2 =	sand.u32 $0x70, s20;
	s0 =	sand.u32 $0x1C00, s20  }
0x473: {  	s0 =	sor.u32 s0, s2  }
0x474: {  	v7 =	vld [tilespmem:s0+$0xA380]  }
0x475: {  	v8 =	vld [tilespmem:s0+$0x2380];
	_ =	sdelay $0x2  }
0x476: {  	v6 =	vbroadcast v4, $0xB;
	v5 =	vbroadcast v3, $0xB;
	_ =	sdelay $0x1  }
0x477: {  	v8 =	vmul.f32 v8, v5;
	v7 =	vmul.f32 v7, v6  }
0x478: {  	s19 =	simm.s32 $0x10;
	s2 =	simm.s32 $0x80  }
0x479: {  	s19 =	sand.u32 $0x70, s19;
	s21 =	sand.u32 $0x1C00, s2;
	v7 =	vadd.f32 v7, v8  }
0x47a: {  	s20 =	sor.u32 s21, s19;
	s19 =	simm.s32 $0x20  }
.LBB2_88:
0x47b: {  	p0 =	seq.s32 s19, $0x3F0;
	v8 =	vld [tilespmem:s20+$0xA380];
	[tilespmem:s0+$0x2380] =	vst v7;
	s0 =	smov.u32 s20  }
0x47c: {  	v7 =	vld [tilespmem:s0+$0x2380];
	_ =	sdelay $0x3  }
.Ltmp43:
0x47d: {  	(pc) =	sbr.rel @!p0 .LBB2_88-.Ltmp43, $4  }
0x47e: {  	v8 =	vmul.f32 v8, v6;
	v7 =	vmul.f32 v7, v5  }
0x47f: {  	s2 =	sadd.s32 $0x80, s2  }
0x480: {  	s20 =	sand.u32 $0x70, s19;
	s21 =	sand.u32 $0x1C00, s2;
	v7 =	vadd.f32 v8, v7  }
0x481: {  	s19 =	sadd.s32 $0x10, s19;
	s20 =	sor.u32 s21, s20  }
0x482: {  	v8 =	vld [tilespmem:s20+$0xA380];
	[tilespmem:s0+$0x2380] =	vst v7  }
0x483: {  	v7 =	vld [tilespmem:s20+$0x2380];
	_ =	sdelay $0x4  }
0x484: {  	v6 =	vmul.f32 v8, v6;
	v5 =	vmul.f32 v7, v5;
	_ =	sdelay $0x1  }
0x485: {  	v5 =	vadd.f32 v6, v5;
	_ =	sdelay $0x1  }
0x486: {  	[tilespmem:s20+$0x2380] =	vst v5;
	s20 =	simm.s32 $0x0  }
0x487: {  	s2 =	sand.u32 $0x70, s20;
	s0 =	sand.u32 $0x1C00, s20  }
0x488: {  	s0 =	sor.u32 s0, s2  }
0x489: {  	v7 =	vld [tilespmem:s0+$0xA400]  }
0x48a: {  	v8 =	vld [tilespmem:s0+$0x2400];
	_ =	sdelay $0x2  }
0x48b: {  	v6 =	vbroadcast v4, $0xC;
	v5 =	vbroadcast v3, $0xC;
	_ =	sdelay $0x1  }
0x48c: {  	v8 =	vmul.f32 v8, v5;
	v7 =	vmul.f32 v7, v6  }
0x48d: {  	s19 =	simm.s32 $0x10;
	s2 =	simm.s32 $0x80  }
0x48e: {  	s19 =	sand.u32 $0x70, s19;
	s21 =	sand.u32 $0x1C00, s2;
	v7 =	vadd.f32 v7, v8  }
0x48f: {  	s20 =	sor.u32 s21, s19;
	s19 =	simm.s32 $0x20  }
.LBB2_90:
0x490: {  	p0 =	seq.s32 s19, $0x3F0;
	v8 =	vld [tilespmem:s20+$0xA400];
	[tilespmem:s0+$0x2400] =	vst v7;
	s0 =	smov.u32 s20  }
0x491: {  	v7 =	vld [tilespmem:s0+$0x2400];
	_ =	sdelay $0x3  }
.Ltmp44:
0x492: {  	(pc) =	sbr.rel @!p0 .LBB2_90-.Ltmp44, $4  }
0x493: {  	v8 =	vmul.f32 v8, v6;
	v7 =	vmul.f32 v7, v5  }
0x494: {  	s2 =	sadd.s32 $0x80, s2  }
0x495: {  	s20 =	sand.u32 $0x70, s19;
	s21 =	sand.u32 $0x1C00, s2;
	v7 =	vadd.f32 v8, v7  }
0x496: {  	s19 =	sadd.s32 $0x10, s19;
	s20 =	sor.u32 s21, s20  }
0x497: {  	v8 =	vld [tilespmem:s20+$0xA400];
	[tilespmem:s0+$0x2400] =	vst v7  }
0x498: {  	v7 =	vld [tilespmem:s20+$0x2400];
	_ =	sdelay $0x4  }
0x499: {  	v6 =	vmul.f32 v8, v6;
	v5 =	vmul.f32 v7, v5;
	_ =	sdelay $0x1  }
0x49a: {  	v5 =	vadd.f32 v6, v5;
	_ =	sdelay $0x1  }
0x49b: {  	[tilespmem:s20+$0x2400] =	vst v5;
	s20 =	simm.s32 $0x0  }
0x49c: {  	s2 =	sand.u32 $0x70, s20;
	s0 =	sand.u32 $0x1C00, s20  }
0x49d: {  	s0 =	sor.u32 s0, s2  }
0x49e: {  	v7 =	vld [tilespmem:s0+$0xA480]  }
0x49f: {  	v8 =	vld [tilespmem:s0+$0x2480];
	_ =	sdelay $0x2  }
0x4a0: {  	v6 =	vbroadcast v4, $0xD;
	v5 =	vbroadcast v3, $0xD;
	_ =	sdelay $0x1  }
0x4a1: {  	v8 =	vmul.f32 v8, v5;
	v7 =	vmul.f32 v7, v6  }
0x4a2: {  	s19 =	simm.s32 $0x10;
	s2 =	simm.s32 $0x80  }
0x4a3: {  	s19 =	sand.u32 $0x70, s19;
	s21 =	sand.u32 $0x1C00, s2;
	v7 =	vadd.f32 v7, v8  }
0x4a4: {  	s20 =	sor.u32 s21, s19;
	s19 =	simm.s32 $0x20  }
.LBB2_92:
0x4a5: {  	p0 =	seq.s32 s19, $0x3F0;
	v8 =	vld [tilespmem:s20+$0xA480];
	[tilespmem:s0+$0x2480] =	vst v7;
	s0 =	smov.u32 s20  }
0x4a6: {  	v7 =	vld [tilespmem:s0+$0x2480];
	_ =	sdelay $0x3  }
.Ltmp45:
0x4a7: {  	(pc) =	sbr.rel @!p0 .LBB2_92-.Ltmp45, $4  }
0x4a8: {  	v8 =	vmul.f32 v8, v6;
	v7 =	vmul.f32 v7, v5  }
0x4a9: {  	s2 =	sadd.s32 $0x80, s2  }
0x4aa: {  	s20 =	sand.u32 $0x70, s19;
	s21 =	sand.u32 $0x1C00, s2;
	v7 =	vadd.f32 v8, v7  }
0x4ab: {  	s19 =	sadd.s32 $0x10, s19;
	s20 =	sor.u32 s21, s20  }
0x4ac: {  	v8 =	vld [tilespmem:s20+$0xA480];
	[tilespmem:s0+$0x2480] =	vst v7  }
0x4ad: {  	v7 =	vld [tilespmem:s20+$0x2480];
	_ =	sdelay $0x4  }
0x4ae: {  	v6 =	vmul.f32 v8, v6;
	v5 =	vmul.f32 v7, v5;
	_ =	sdelay $0x1  }
0x4af: {  	v5 =	vadd.f32 v6, v5;
	_ =	sdelay $0x1  }
0x4b0: {  	[tilespmem:s20+$0x2480] =	vst v5;
	s20 =	simm.s32 $0x0  }
0x4b1: {  	s2 =	sand.u32 $0x70, s20;
	s0 =	sand.u32 $0x1C00, s20  }
0x4b2: {  	s0 =	sor.u32 s0, s2  }
0x4b3: {  	v7 =	vld [tilespmem:s0+$0xA500]  }
0x4b4: {  	v8 =	vld [tilespmem:s0+$0x2500];
	_ =	sdelay $0x2  }
0x4b5: {  	v6 =	vbroadcast v4, $0xE;
	v5 =	vbroadcast v3, $0xE;
	_ =	sdelay $0x1  }
0x4b6: {  	v8 =	vmul.f32 v8, v5;
	v7 =	vmul.f32 v7, v6  }
0x4b7: {  	s19 =	simm.s32 $0x10;
	s2 =	simm.s32 $0x80  }
0x4b8: {  	s19 =	sand.u32 $0x70, s19;
	s21 =	sand.u32 $0x1C00, s2;
	v7 =	vadd.f32 v7, v8  }
0x4b9: {  	s20 =	sor.u32 s21, s19;
	s19 =	simm.s32 $0x20  }
.LBB2_94:
0x4ba: {  	p0 =	seq.s32 s19, $0x3F0;
	v8 =	vld [tilespmem:s20+$0xA500];
	[tilespmem:s0+$0x2500] =	vst v7;
	s0 =	smov.u32 s20  }
0x4bb: {  	v7 =	vld [tilespmem:s0+$0x2500];
	_ =	sdelay $0x3  }
.Ltmp46:
0x4bc: {  	(pc) =	sbr.rel @!p0 .LBB2_94-.Ltmp46, $4  }
0x4bd: {  	v8 =	vmul.f32 v8, v6;
	v7 =	vmul.f32 v7, v5  }
0x4be: {  	s2 =	sadd.s32 $0x80, s2  }
0x4bf: {  	s20 =	sand.u32 $0x70, s19;
	s21 =	sand.u32 $0x1C00, s2;
	v7 =	vadd.f32 v8, v7  }
0x4c0: {  	s19 =	sadd.s32 $0x10, s19;
	s20 =	sor.u32 s21, s20  }
0x4c1: {  	v8 =	vld [tilespmem:s20+$0xA500];
	[tilespmem:s0+$0x2500] =	vst v7  }
0x4c2: {  	v7 =	vld [tilespmem:s20+$0x2500];
	_ =	sdelay $0x4  }
0x4c3: {  	v6 =	vmul.f32 v8, v6;
	v5 =	vmul.f32 v7, v5;
	_ =	sdelay $0x1  }
0x4c4: {  	s21 =	simm.s32 $0x0;
	v5 =	vadd.f32 v6, v5  }
0x4c5: {  	s0 =	sor.u32 s21, s21  }
0x4c6: {  	s0 =	sor.u32 $0x2380, s0;
	[tilespmem:s20+$0x2500] =	vst v5  }
0x4c7: {  	v5 =	vld [tilespmem:s0+$0x8200]  }
0x4c8: {  	v6 =	vld [tilespmem:s0+$0x200];
	_ =	sdelay $0x2  }
0x4c9: {  	v3 =	vbroadcast v3, $0xF;
	v4 =	vbroadcast v4, $0xF;
	_ =	sdelay $0x1  }
0x4ca: {  	v6 =	vmul.f32 v6, v3;
	v5 =	vmul.f32 v5, v4  }
0x4cb: {  	s19 =	simm.s32 $0x10;
	s2 =	simm.s32 $0x80  }
0x4cc: {  	s19 =	sor.u32 s2, s19;
	v5 =	vadd.f32 v5, v6  }
0x4cd: {  	s20 =	sor.u32 $0x2380, s19;
	s19 =	simm.s32 $0x20  }
.LBB2_96:
0x4ce: {  	p0 =	sne.s32 s19, $0x3F0;
	v6 =	vld [tilespmem:s20+$0x8200];
	[tilespmem:s0+$0x200] =	vst v5;
	s0 =	smov.u32 s20  }
0x4cf: {  	v5 =	vld [tilespmem:s0+$0x200];
	_ =	sdelay $0x3  }
.Ltmp47:
0x4d0: {  	(pc) =	sbr.rel @p0 .LBB2_96-.Ltmp47, $4  }
0x4d1: {  	v6 =	vmul.f32 v6, v4;
	v5 =	vmul.f32 v5, v3  }
0x4d2: {  	s2 =	sadd.s32 $0x80, s2  }
0x4d3: {  	s20 =	sor.u32 s2, s19;
	v5 =	vadd.f32 v6, v5  }
0x4d4: {  	s19 =	sadd.s32 $0x10, s19;
	s20 =	sor.u32 $0x2380, s20  }
0x4d5: {  	v6 =	vld [tilespmem:s20+$0x8200];
	[tilespmem:s0+$0x200] =	vst v5  }
0x4d6: {  	v5 =	vld [tilespmem:s20+$0x200];
	_ =	sdelay $0x4  }
0x4d7: {  	v4 =	vmul.f32 v6, v4;
	v3 =	vmul.f32 v5, v3;
	_ =	sdelay $0x1  }
0x4d8: {  	v3 =	vadd.f32 v4, v3;
	_ =	sdelay $0x1  }
0x4d9: {  	[tilespmem:s20+$0x200] =	vst v3;
	s20 =	simm.s32 $0x0  }
0x4da: {  	v3 =	vld [tilespmem:$0x110];
	s2 =	sand.u32 $0x70, s20;
	s0 =	sand.u32 $0x1C00, s20  }
0x4db: {  	v4 =	vld [tilespmem:$0x190];
	s0 =	sor.u32 s0, s2  }
0x4dc: {  	v7 =	vld [tilespmem:s0+$0xC200]  }
0x4dd: {  	v8 =	vld [tilespmem:s0+$0x4200];
	_ =	sdelay $0x2  }
0x4de: {  	v5 =	vbroadcast v3, $0x0;
	v6 =	vbroadcast v4, $0x0;
	_ =	sdelay $0x1  }
0x4df: {  	v8 =	vmul.f32 v8, v5;
	v7 =	vmul.f32 v7, v6  }
0x4e0: {  	s19 =	simm.s32 $0x10;
	s2 =	simm.s32 $0x80  }
0x4e1: {  	s19 =	sand.u32 $0x70, s19;
	s21 =	sand.u32 $0x1C00, s2;
	v7 =	vadd.f32 v7, v8  }
0x4e2: {  	s20 =	sor.u32 s21, s19;
	s19 =	simm.s32 $0x20  }
.LBB2_98:
0x4e3: {  	p0 =	seq.s32 s19, $0x3F0;
	v8 =	vld [tilespmem:s20+$0xC200];
	[tilespmem:s0+$0x4200] =	vst v7;
	s0 =	smov.u32 s20  }
0x4e4: {  	v7 =	vld [tilespmem:s0+$0x4200];
	_ =	sdelay $0x3  }
.Ltmp48:
0x4e5: {  	(pc) =	sbr.rel @!p0 .LBB2_98-.Ltmp48, $4  }
0x4e6: {  	v8 =	vmul.f32 v8, v6;
	v7 =	vmul.f32 v7, v5  }
0x4e7: {  	s2 =	sadd.s32 $0x80, s2  }
0x4e8: {  	s20 =	sand.u32 $0x70, s19;
	s21 =	sand.u32 $0x1C00, s2;
	v7 =	vadd.f32 v8, v7  }
0x4e9: {  	s19 =	sadd.s32 $0x10, s19;
	s20 =	sor.u32 s21, s20  }
0x4ea: {  	v8 =	vld [tilespmem:s20+$0xC200];
	[tilespmem:s0+$0x4200] =	vst v7  }
0x4eb: {  	v7 =	vld [tilespmem:s20+$0x4200];
	_ =	sdelay $0x4  }
0x4ec: {  	v6 =	vmul.f32 v8, v6;
	v5 =	vmul.f32 v7, v5;
	_ =	sdelay $0x1  }
0x4ed: {  	v5 =	vadd.f32 v6, v5;
	_ =	sdelay $0x1  }
0x4ee: {  	[tilespmem:s20+$0x4200] =	vst v5;
	s20 =	simm.s32 $0x0  }
0x4ef: {  	s2 =	sand.u32 $0x70, s20;
	s0 =	sand.u32 $0x1C00, s20  }
0x4f0: {  	s0 =	sor.u32 s0, s2  }
0x4f1: {  	v7 =	vld [tilespmem:s0+$0xC280]  }
0x4f2: {  	v8 =	vld [tilespmem:s0+$0x4280];
	_ =	sdelay $0x2  }
0x4f3: {  	v6 =	vbroadcast v4, $0x1;
	v5 =	vbroadcast v3, $0x1;
	_ =	sdelay $0x1  }
0x4f4: {  	v8 =	vmul.f32 v8, v5;
	v7 =	vmul.f32 v7, v6  }
0x4f5: {  	s19 =	simm.s32 $0x10;
	s2 =	simm.s32 $0x80  }
0x4f6: {  	s19 =	sand.u32 $0x70, s19;
	s21 =	sand.u32 $0x1C00, s2;
	v7 =	vadd.f32 v7, v8  }
0x4f7: {  	s20 =	sor.u32 s21, s19;
	s19 =	simm.s32 $0x20  }
.LBB2_100:
0x4f8: {  	p0 =	seq.s32 s19, $0x3F0;
	v8 =	vld [tilespmem:s20+$0xC280];
	[tilespmem:s0+$0x4280] =	vst v7;
	s0 =	smov.u32 s20  }
0x4f9: {  	v7 =	vld [tilespmem:s0+$0x4280];
	_ =	sdelay $0x3  }
.Ltmp49:
0x4fa: {  	(pc) =	sbr.rel @!p0 .LBB2_100-.Ltmp49, $4  }
0x4fb: {  	v8 =	vmul.f32 v8, v6;
	v7 =	vmul.f32 v7, v5  }
0x4fc: {  	s2 =	sadd.s32 $0x80, s2  }
0x4fd: {  	s20 =	sand.u32 $0x70, s19;
	s21 =	sand.u32 $0x1C00, s2;
	v7 =	vadd.f32 v8, v7  }
0x4fe: {  	s19 =	sadd.s32 $0x10, s19;
	s20 =	sor.u32 s21, s20  }
0x4ff: {  	v8 =	vld [tilespmem:s20+$0xC280];
	[tilespmem:s0+$0x4280] =	vst v7  }
0x500: {  	v7 =	vld [tilespmem:s20+$0x4280];
	_ =	sdelay $0x4  }
0x501: {  	v6 =	vmul.f32 v8, v6;
	v5 =	vmul.f32 v7, v5;
	_ =	sdelay $0x1  }
0x502: {  	v5 =	vadd.f32 v6, v5;
	_ =	sdelay $0x1  }
0x503: {  	[tilespmem:s20+$0x4280] =	vst v5;
	s20 =	simm.s32 $0x0  }
0x504: {  	s2 =	sand.u32 $0x70, s20;
	s0 =	sand.u32 $0x1C00, s20  }
0x505: {  	s0 =	sor.u32 s0, s2  }
0x506: {  	v7 =	vld [tilespmem:s0+$0xC300]  }
0x507: {  	v8 =	vld [tilespmem:s0+$0x4300];
	_ =	sdelay $0x2  }
0x508: {  	v6 =	vbroadcast v4, $0x2;
	v5 =	vbroadcast v3, $0x2;
	_ =	sdelay $0x1  }
0x509: {  	v8 =	vmul.f32 v8, v5;
	v7 =	vmul.f32 v7, v6  }
0x50a: {  	s19 =	simm.s32 $0x10;
	s2 =	simm.s32 $0x80  }
0x50b: {  	s19 =	sand.u32 $0x70, s19;
	s21 =	sand.u32 $0x1C00, s2;
	v7 =	vadd.f32 v7, v8  }
0x50c: {  	s20 =	sor.u32 s21, s19;
	s19 =	simm.s32 $0x20  }
.LBB2_102:
0x50d: {  	p0 =	seq.s32 s19, $0x3F0;
	v8 =	vld [tilespmem:s20+$0xC300];
	[tilespmem:s0+$0x4300] =	vst v7;
	s0 =	smov.u32 s20  }
0x50e: {  	v7 =	vld [tilespmem:s0+$0x4300];
	_ =	sdelay $0x3  }
.Ltmp50:
0x50f: {  	(pc) =	sbr.rel @!p0 .LBB2_102-.Ltmp50, $4  }
0x510: {  	v8 =	vmul.f32 v8, v6;
	v7 =	vmul.f32 v7, v5  }
0x511: {  	s2 =	sadd.s32 $0x80, s2  }
0x512: {  	s20 =	sand.u32 $0x70, s19;
	s21 =	sand.u32 $0x1C00, s2;
	v7 =	vadd.f32 v8, v7  }
0x513: {  	s19 =	sadd.s32 $0x10, s19;
	s20 =	sor.u32 s21, s20  }
0x514: {  	v8 =	vld [tilespmem:s20+$0xC300];
	[tilespmem:s0+$0x4300] =	vst v7  }
0x515: {  	v7 =	vld [tilespmem:s20+$0x4300];
	_ =	sdelay $0x4  }
0x516: {  	v6 =	vmul.f32 v8, v6;
	v5 =	vmul.f32 v7, v5;
	_ =	sdelay $0x1  }
0x517: {  	v5 =	vadd.f32 v6, v5;
	_ =	sdelay $0x1  }
0x518: {  	[tilespmem:s20+$0x4300] =	vst v5;
	s20 =	simm.s32 $0x0  }
0x519: {  	s2 =	sand.u32 $0x70, s20;
	s0 =	sand.u32 $0x1C00, s20  }
0x51a: {  	s0 =	sor.u32 s0, s2  }
0x51b: {  	v7 =	vld [tilespmem:s0+$0xC380]  }
0x51c: {  	v8 =	vld [tilespmem:s0+$0x4380];
	_ =	sdelay $0x2  }
0x51d: {  	v6 =	vbroadcast v4, $0x3;
	v5 =	vbroadcast v3, $0x3;
	_ =	sdelay $0x1  }
0x51e: {  	v8 =	vmul.f32 v8, v5;
	v7 =	vmul.f32 v7, v6  }
0x51f: {  	s19 =	simm.s32 $0x10;
	s2 =	simm.s32 $0x80  }
0x520: {  	s19 =	sand.u32 $0x70, s19;
	s21 =	sand.u32 $0x1C00, s2;
	v7 =	vadd.f32 v7, v8  }
0x521: {  	s20 =	sor.u32 s21, s19;
	s19 =	simm.s32 $0x20  }
.LBB2_104:
0x522: {  	p0 =	seq.s32 s19, $0x3F0;
	v8 =	vld [tilespmem:s20+$0xC380];
	[tilespmem:s0+$0x4380] =	vst v7;
	s0 =	smov.u32 s20  }
0x523: {  	v7 =	vld [tilespmem:s0+$0x4380];
	_ =	sdelay $0x3  }
.Ltmp51:
0x524: {  	(pc) =	sbr.rel @!p0 .LBB2_104-.Ltmp51, $4  }
0x525: {  	v8 =	vmul.f32 v8, v6;
	v7 =	vmul.f32 v7, v5  }
0x526: {  	s2 =	sadd.s32 $0x80, s2  }
0x527: {  	s20 =	sand.u32 $0x70, s19;
	s21 =	sand.u32 $0x1C00, s2;
	v7 =	vadd.f32 v8, v7  }
0x528: {  	s19 =	sadd.s32 $0x10, s19;
	s20 =	sor.u32 s21, s20  }
0x529: {  	v8 =	vld [tilespmem:s20+$0xC380];
	[tilespmem:s0+$0x4380] =	vst v7  }
0x52a: {  	v7 =	vld [tilespmem:s20+$0x4380];
	_ =	sdelay $0x4  }
0x52b: {  	v6 =	vmul.f32 v8, v6;
	v5 =	vmul.f32 v7, v5;
	_ =	sdelay $0x1  }
0x52c: {  	v5 =	vadd.f32 v6, v5;
	_ =	sdelay $0x1  }
0x52d: {  	[tilespmem:s20+$0x4380] =	vst v5;
	s20 =	simm.s32 $0x0  }
0x52e: {  	s2 =	sand.u32 $0x70, s20;
	s0 =	sand.u32 $0x1C00, s20  }
0x52f: {  	s0 =	sor.u32 s0, s2  }
0x530: {  	v7 =	vld [tilespmem:s0+$0xC400]  }
0x531: {  	v8 =	vld [tilespmem:s0+$0x4400];
	_ =	sdelay $0x2  }
0x532: {  	v6 =	vbroadcast v4, $0x4;
	v5 =	vbroadcast v3, $0x4;
	_ =	sdelay $0x1  }
0x533: {  	v8 =	vmul.f32 v8, v5;
	v7 =	vmul.f32 v7, v6  }
0x534: {  	s19 =	simm.s32 $0x10;
	s2 =	simm.s32 $0x80  }
0x535: {  	s19 =	sand.u32 $0x70, s19;
	s21 =	sand.u32 $0x1C00, s2;
	v7 =	vadd.f32 v7, v8  }
0x536: {  	s20 =	sor.u32 s21, s19;
	s19 =	simm.s32 $0x20  }
.LBB2_106:
0x537: {  	p0 =	seq.s32 s19, $0x3F0;
	v8 =	vld [tilespmem:s20+$0xC400];
	[tilespmem:s0+$0x4400] =	vst v7;
	s0 =	smov.u32 s20  }
0x538: {  	v7 =	vld [tilespmem:s0+$0x4400];
	_ =	sdelay $0x3  }
.Ltmp52:
0x539: {  	(pc) =	sbr.rel @!p0 .LBB2_106-.Ltmp52, $4  }
0x53a: {  	v8 =	vmul.f32 v8, v6;
	v7 =	vmul.f32 v7, v5  }
0x53b: {  	s2 =	sadd.s32 $0x80, s2  }
0x53c: {  	s20 =	sand.u32 $0x70, s19;
	s21 =	sand.u32 $0x1C00, s2;
	v7 =	vadd.f32 v8, v7  }
0x53d: {  	s19 =	sadd.s32 $0x10, s19;
	s20 =	sor.u32 s21, s20  }
0x53e: {  	v8 =	vld [tilespmem:s20+$0xC400];
	[tilespmem:s0+$0x4400] =	vst v7  }
0x53f: {  	v7 =	vld [tilespmem:s20+$0x4400];
	_ =	sdelay $0x4  }
0x540: {  	v6 =	vmul.f32 v8, v6;
	v5 =	vmul.f32 v7, v5;
	_ =	sdelay $0x1  }
0x541: {  	v5 =	vadd.f32 v6, v5;
	_ =	sdelay $0x1  }
0x542: {  	[tilespmem:s20+$0x4400] =	vst v5;
	s20 =	simm.s32 $0x0  }
0x543: {  	s2 =	sand.u32 $0x70, s20;
	s0 =	sand.u32 $0x1C00, s20  }
0x544: {  	s0 =	sor.u32 s0, s2  }
0x545: {  	v7 =	vld [tilespmem:s0+$0xC480]  }
0x546: {  	v8 =	vld [tilespmem:s0+$0x4480];
	_ =	sdelay $0x2  }
0x547: {  	v6 =	vbroadcast v4, $0x5;
	v5 =	vbroadcast v3, $0x5;
	_ =	sdelay $0x1  }
0x548: {  	v8 =	vmul.f32 v8, v5;
	v7 =	vmul.f32 v7, v6  }
0x549: {  	s19 =	simm.s32 $0x10;
	s2 =	simm.s32 $0x80  }
0x54a: {  	s19 =	sand.u32 $0x70, s19;
	s21 =	sand.u32 $0x1C00, s2;
	v7 =	vadd.f32 v7, v8  }
0x54b: {  	s20 =	sor.u32 s21, s19;
	s19 =	simm.s32 $0x20  }
.LBB2_108:
0x54c: {  	p0 =	seq.s32 s19, $0x3F0;
	v8 =	vld [tilespmem:s20+$0xC480];
	[tilespmem:s0+$0x4480] =	vst v7;
	s0 =	smov.u32 s20  }
0x54d: {  	v7 =	vld [tilespmem:s0+$0x4480];
	_ =	sdelay $0x3  }
.Ltmp53:
0x54e: {  	(pc) =	sbr.rel @!p0 .LBB2_108-.Ltmp53, $4  }
0x54f: {  	v8 =	vmul.f32 v8, v6;
	v7 =	vmul.f32 v7, v5  }
0x550: {  	s2 =	sadd.s32 $0x80, s2  }
0x551: {  	s20 =	sand.u32 $0x70, s19;
	s21 =	sand.u32 $0x1C00, s2;
	v7 =	vadd.f32 v8, v7  }
0x552: {  	s19 =	sadd.s32 $0x10, s19;
	s20 =	sor.u32 s21, s20  }
0x553: {  	v8 =	vld [tilespmem:s20+$0xC480];
	[tilespmem:s0+$0x4480] =	vst v7  }
0x554: {  	v7 =	vld [tilespmem:s20+$0x4480];
	_ =	sdelay $0x4  }
0x555: {  	v6 =	vmul.f32 v8, v6;
	v5 =	vmul.f32 v7, v5;
	_ =	sdelay $0x1  }
0x556: {  	v5 =	vadd.f32 v6, v5;
	_ =	sdelay $0x1  }
0x557: {  	[tilespmem:s20+$0x4480] =	vst v5;
	s20 =	simm.s32 $0x0  }
0x558: {  	s2 =	sand.u32 $0x70, s20;
	s0 =	sand.u32 $0x1C00, s20  }
0x559: {  	s0 =	sor.u32 s0, s2  }
0x55a: {  	v7 =	vld [tilespmem:s0+$0xC500]  }
0x55b: {  	v8 =	vld [tilespmem:s0+$0x4500];
	_ =	sdelay $0x2  }
0x55c: {  	v6 =	vbroadcast v4, $0x6;
	v5 =	vbroadcast v3, $0x6;
	_ =	sdelay $0x1  }
0x55d: {  	v8 =	vmul.f32 v8, v5;
	v7 =	vmul.f32 v7, v6  }
0x55e: {  	s19 =	simm.s32 $0x10;
	s2 =	simm.s32 $0x80  }
0x55f: {  	s19 =	sand.u32 $0x70, s19;
	s21 =	sand.u32 $0x1C00, s2;
	v7 =	vadd.f32 v7, v8  }
0x560: {  	s20 =	sor.u32 s21, s19;
	s19 =	simm.s32 $0x20  }
.LBB2_110:
0x561: {  	p0 =	seq.s32 s19, $0x3F0;
	v8 =	vld [tilespmem:s20+$0xC500];
	[tilespmem:s0+$0x4500] =	vst v7;
	s0 =	smov.u32 s20  }
0x562: {  	v7 =	vld [tilespmem:s0+$0x4500];
	_ =	sdelay $0x3  }
.Ltmp54:
0x563: {  	(pc) =	sbr.rel @!p0 .LBB2_110-.Ltmp54, $4  }
0x564: {  	v8 =	vmul.f32 v8, v6;
	v7 =	vmul.f32 v7, v5  }
0x565: {  	s2 =	sadd.s32 $0x80, s2  }
0x566: {  	s20 =	sand.u32 $0x70, s19;
	s21 =	sand.u32 $0x1C00, s2;
	v7 =	vadd.f32 v8, v7  }
0x567: {  	s19 =	sadd.s32 $0x10, s19;
	s20 =	sor.u32 s21, s20  }
0x568: {  	v8 =	vld [tilespmem:s20+$0xC500];
	[tilespmem:s0+$0x4500] =	vst v7  }
0x569: {  	v7 =	vld [tilespmem:s20+$0x4500];
	_ =	sdelay $0x4  }
0x56a: {  	v6 =	vmul.f32 v8, v6;
	v5 =	vmul.f32 v7, v5;
	_ =	sdelay $0x1  }
0x56b: {  	s21 =	simm.s32 $0x0;
	v5 =	vadd.f32 v6, v5  }
0x56c: {  	s0 =	sor.u32 s21, s21  }
0x56d: {  	s0 =	sor.u32 $0x4380, s0;
	[tilespmem:s20+$0x4500] =	vst v5  }
0x56e: {  	v7 =	vld [tilespmem:s0+$0x8200]  }
0x56f: {  	v8 =	vld [tilespmem:s0+$0x200];
	_ =	sdelay $0x2  }
0x570: {  	v6 =	vbroadcast v4, $0x7;
	v5 =	vbroadcast v3, $0x7;
	_ =	sdelay $0x1  }
0x571: {  	v8 =	vmul.f32 v8, v5;
	v7 =	vmul.f32 v7, v6  }
0x572: {  	s19 =	simm.s32 $0x10;
	s2 =	simm.s32 $0x80  }
0x573: {  	s19 =	sor.u32 s2, s19;
	v7 =	vadd.f32 v7, v8  }
0x574: {  	s20 =	sor.u32 $0x4380, s19;
	s19 =	simm.s32 $0x20  }
.LBB2_112:
0x575: {  	p0 =	seq.s32 s19, $0x3F0;
	v8 =	vld [tilespmem:s20+$0x8200];
	[tilespmem:s0+$0x200] =	vst v7;
	s0 =	smov.u32 s20  }
0x576: {  	v7 =	vld [tilespmem:s0+$0x200];
	_ =	sdelay $0x3  }
.Ltmp55:
0x577: {  	(pc) =	sbr.rel @!p0 .LBB2_112-.Ltmp55, $4  }
0x578: {  	v8 =	vmul.f32 v8, v6;
	v7 =	vmul.f32 v7, v5  }
0x579: {  	s2 =	sadd.s32 $0x80, s2  }
0x57a: {  	s20 =	sor.u32 s2, s19;
	v7 =	vadd.f32 v8, v7  }
0x57b: {  	s19 =	sadd.s32 $0x10, s19;
	s20 =	sor.u32 $0x4380, s20  }
0x57c: {  	v8 =	vld [tilespmem:s20+$0x8200];
	[tilespmem:s0+$0x200] =	vst v7  }
0x57d: {  	v7 =	vld [tilespmem:s20+$0x200];
	_ =	sdelay $0x4  }
0x57e: {  	v6 =	vmul.f32 v8, v6;
	v5 =	vmul.f32 v7, v5;
	_ =	sdelay $0x1  }
0x57f: {  	v5 =	vadd.f32 v6, v5;
	_ =	sdelay $0x1  }
0x580: {  	[tilespmem:s20+$0x200] =	vst v5;
	s20 =	simm.s32 $0x0  }
0x581: {  	s2 =	sand.u32 $0x70, s20;
	s0 =	sand.u32 $0x1C00, s20  }
0x582: {  	s0 =	sor.u32 s0, s2  }
0x583: {  	v7 =	vld [tilespmem:s0+$0xE200]  }
0x584: {  	v8 =	vld [tilespmem:s0+$0x6200];
	_ =	sdelay $0x2  }
0x585: {  	v6 =	vbroadcast v4, $0x8;
	v5 =	vbroadcast v3, $0x8;
	_ =	sdelay $0x1  }
0x586: {  	v8 =	vmul.f32 v8, v5;
	v7 =	vmul.f32 v7, v6  }
0x587: {  	s19 =	simm.s32 $0x10;
	s2 =	simm.s32 $0x80  }
0x588: {  	s19 =	sand.u32 $0x70, s19;
	s21 =	sand.u32 $0x1C00, s2;
	v7 =	vadd.f32 v7, v8  }
0x589: {  	s20 =	sor.u32 s21, s19;
	s19 =	simm.s32 $0x20  }
.LBB2_114:
0x58a: {  	p0 =	seq.s32 s19, $0x3F0;
	v8 =	vld [tilespmem:s20+$0xE200];
	[tilespmem:s0+$0x6200] =	vst v7;
	s0 =	smov.u32 s20  }
0x58b: {  	v7 =	vld [tilespmem:s0+$0x6200];
	_ =	sdelay $0x3  }
.Ltmp56:
0x58c: {  	(pc) =	sbr.rel @!p0 .LBB2_114-.Ltmp56, $4  }
0x58d: {  	v8 =	vmul.f32 v8, v6;
	v7 =	vmul.f32 v7, v5  }
0x58e: {  	s2 =	sadd.s32 $0x80, s2  }
0x58f: {  	s20 =	sand.u32 $0x70, s19;
	s21 =	sand.u32 $0x1C00, s2;
	v7 =	vadd.f32 v8, v7  }
0x590: {  	s19 =	sadd.s32 $0x10, s19;
	s20 =	sor.u32 s21, s20  }
0x591: {  	v8 =	vld [tilespmem:s20+$0xE200];
	[tilespmem:s0+$0x6200] =	vst v7  }
0x592: {  	v7 =	vld [tilespmem:s20+$0x6200];
	_ =	sdelay $0x4  }
0x593: {  	v6 =	vmul.f32 v8, v6;
	v5 =	vmul.f32 v7, v5;
	_ =	sdelay $0x1  }
0x594: {  	v5 =	vadd.f32 v6, v5;
	_ =	sdelay $0x1  }
0x595: {  	[tilespmem:s20+$0x6200] =	vst v5;
	s20 =	simm.s32 $0x0  }
0x596: {  	s2 =	sand.u32 $0x70, s20;
	s0 =	sand.u32 $0x1C00, s20  }
0x597: {  	s0 =	sor.u32 s0, s2  }
0x598: {  	v7 =	vld [tilespmem:s0+$0xE280]  }
0x599: {  	v8 =	vld [tilespmem:s0+$0x6280];
	_ =	sdelay $0x2  }
0x59a: {  	v6 =	vbroadcast v4, $0x9;
	v5 =	vbroadcast v3, $0x9;
	_ =	sdelay $0x1  }
0x59b: {  	v8 =	vmul.f32 v8, v5;
	v7 =	vmul.f32 v7, v6  }
0x59c: {  	s19 =	simm.s32 $0x10;
	s2 =	simm.s32 $0x80  }
0x59d: {  	s19 =	sand.u32 $0x70, s19;
	s21 =	sand.u32 $0x1C00, s2;
	v7 =	vadd.f32 v7, v8  }
0x59e: {  	s20 =	sor.u32 s21, s19;
	s19 =	simm.s32 $0x20  }
.LBB2_116:
0x59f: {  	p0 =	seq.s32 s19, $0x3F0;
	v8 =	vld [tilespmem:s20+$0xE280];
	[tilespmem:s0+$0x6280] =	vst v7;
	s0 =	smov.u32 s20  }
0x5a0: {  	v7 =	vld [tilespmem:s0+$0x6280];
	_ =	sdelay $0x3  }
.Ltmp57:
0x5a1: {  	(pc) =	sbr.rel @!p0 .LBB2_116-.Ltmp57, $4  }
0x5a2: {  	v8 =	vmul.f32 v8, v6;
	v7 =	vmul.f32 v7, v5  }
0x5a3: {  	s2 =	sadd.s32 $0x80, s2  }
0x5a4: {  	s20 =	sand.u32 $0x70, s19;
	s21 =	sand.u32 $0x1C00, s2;
	v7 =	vadd.f32 v8, v7  }
0x5a5: {  	s19 =	sadd.s32 $0x10, s19;
	s20 =	sor.u32 s21, s20  }
0x5a6: {  	v8 =	vld [tilespmem:s20+$0xE280];
	[tilespmem:s0+$0x6280] =	vst v7  }
0x5a7: {  	v7 =	vld [tilespmem:s20+$0x6280];
	_ =	sdelay $0x4  }
0x5a8: {  	v6 =	vmul.f32 v8, v6;
	v5 =	vmul.f32 v7, v5;
	_ =	sdelay $0x1  }
0x5a9: {  	v5 =	vadd.f32 v6, v5;
	_ =	sdelay $0x1  }
0x5aa: {  	[tilespmem:s20+$0x6280] =	vst v5;
	s20 =	simm.s32 $0x0  }
0x5ab: {  	s2 =	sand.u32 $0x70, s20;
	s0 =	sand.u32 $0x1C00, s20  }
0x5ac: {  	s0 =	sor.u32 s0, s2  }
0x5ad: {  	v7 =	vld [tilespmem:s0+$0xE300]  }
0x5ae: {  	v8 =	vld [tilespmem:s0+$0x6300];
	_ =	sdelay $0x2  }
0x5af: {  	v6 =	vbroadcast v4, $0xA;
	v5 =	vbroadcast v3, $0xA;
	_ =	sdelay $0x1  }
0x5b0: {  	v8 =	vmul.f32 v8, v5;
	v7 =	vmul.f32 v7, v6  }
0x5b1: {  	s19 =	simm.s32 $0x10;
	s2 =	simm.s32 $0x80  }
0x5b2: {  	s19 =	sand.u32 $0x70, s19;
	s21 =	sand.u32 $0x1C00, s2;
	v7 =	vadd.f32 v7, v8  }
0x5b3: {  	s20 =	sor.u32 s21, s19;
	s19 =	simm.s32 $0x20  }
.LBB2_118:
0x5b4: {  	p0 =	seq.s32 s19, $0x3F0;
	v8 =	vld [tilespmem:s20+$0xE300];
	[tilespmem:s0+$0x6300] =	vst v7;
	s0 =	smov.u32 s20  }
0x5b5: {  	v7 =	vld [tilespmem:s0+$0x6300];
	_ =	sdelay $0x3  }
.Ltmp58:
0x5b6: {  	(pc) =	sbr.rel @!p0 .LBB2_118-.Ltmp58, $4  }
0x5b7: {  	v8 =	vmul.f32 v8, v6;
	v7 =	vmul.f32 v7, v5  }
0x5b8: {  	s2 =	sadd.s32 $0x80, s2  }
0x5b9: {  	s20 =	sand.u32 $0x70, s19;
	s21 =	sand.u32 $0x1C00, s2;
	v7 =	vadd.f32 v8, v7  }
0x5ba: {  	s19 =	sadd.s32 $0x10, s19;
	s20 =	sor.u32 s21, s20  }
0x5bb: {  	v8 =	vld [tilespmem:s20+$0xE300];
	[tilespmem:s0+$0x6300] =	vst v7  }
0x5bc: {  	v7 =	vld [tilespmem:s20+$0x6300];
	_ =	sdelay $0x4  }
0x5bd: {  	v6 =	vmul.f32 v8, v6;
	v5 =	vmul.f32 v7, v5;
	_ =	sdelay $0x1  }
0x5be: {  	v5 =	vadd.f32 v6, v5;
	_ =	sdelay $0x1  }
0x5bf: {  	[tilespmem:s20+$0x6300] =	vst v5;
	s20 =	simm.s32 $0x0  }
0x5c0: {  	s2 =	sand.u32 $0x70, s20;
	s0 =	sand.u32 $0x1C00, s20  }
0x5c1: {  	s0 =	sor.u32 s0, s2  }
0x5c2: {  	v7 =	vld [tilespmem:s0+$0xE380]  }
0x5c3: {  	v8 =	vld [tilespmem:s0+$0x6380];
	_ =	sdelay $0x2  }
0x5c4: {  	v6 =	vbroadcast v4, $0xB;
	v5 =	vbroadcast v3, $0xB;
	_ =	sdelay $0x1  }
0x5c5: {  	v8 =	vmul.f32 v8, v5;
	v7 =	vmul.f32 v7, v6  }
0x5c6: {  	s19 =	simm.s32 $0x10;
	s2 =	simm.s32 $0x80  }
0x5c7: {  	s19 =	sand.u32 $0x70, s19;
	s21 =	sand.u32 $0x1C00, s2;
	v7 =	vadd.f32 v7, v8  }
0x5c8: {  	s20 =	sor.u32 s21, s19;
	s19 =	simm.s32 $0x20  }
.LBB2_120:
0x5c9: {  	p0 =	seq.s32 s19, $0x3F0;
	v8 =	vld [tilespmem:s20+$0xE380];
	[tilespmem:s0+$0x6380] =	vst v7;
	s0 =	smov.u32 s20  }
0x5ca: {  	v7 =	vld [tilespmem:s0+$0x6380];
	_ =	sdelay $0x3  }
.Ltmp59:
0x5cb: {  	(pc) =	sbr.rel @!p0 .LBB2_120-.Ltmp59, $4  }
0x5cc: {  	v8 =	vmul.f32 v8, v6;
	v7 =	vmul.f32 v7, v5  }
0x5cd: {  	s2 =	sadd.s32 $0x80, s2  }
0x5ce: {  	s20 =	sand.u32 $0x70, s19;
	s21 =	sand.u32 $0x1C00, s2;
	v7 =	vadd.f32 v8, v7  }
0x5cf: {  	s19 =	sadd.s32 $0x10, s19;
	s20 =	sor.u32 s21, s20  }
0x5d0: {  	v8 =	vld [tilespmem:s20+$0xE380];
	[tilespmem:s0+$0x6380] =	vst v7  }
0x5d1: {  	v7 =	vld [tilespmem:s20+$0x6380];
	_ =	sdelay $0x4  }
0x5d2: {  	v6 =	vmul.f32 v8, v6;
	v5 =	vmul.f32 v7, v5;
	_ =	sdelay $0x1  }
0x5d3: {  	v5 =	vadd.f32 v6, v5;
	_ =	sdelay $0x1  }
0x5d4: {  	[tilespmem:s20+$0x6380] =	vst v5;
	s20 =	simm.s32 $0x0  }
0x5d5: {  	s2 =	sand.u32 $0x70, s20;
	s0 =	sand.u32 $0x1C00, s20  }
0x5d6: {  	s0 =	sor.u32 s0, s2  }
0x5d7: {  	v7 =	vld [tilespmem:s0+$0xE400]  }
0x5d8: {  	v8 =	vld [tilespmem:s0+$0x6400];
	_ =	sdelay $0x2  }
0x5d9: {  	v6 =	vbroadcast v4, $0xC;
	v5 =	vbroadcast v3, $0xC;
	_ =	sdelay $0x1  }
0x5da: {  	v8 =	vmul.f32 v8, v5;
	v7 =	vmul.f32 v7, v6  }
0x5db: {  	s19 =	simm.s32 $0x10;
	s2 =	simm.s32 $0x80  }
0x5dc: {  	s19 =	sand.u32 $0x70, s19;
	s21 =	sand.u32 $0x1C00, s2;
	v7 =	vadd.f32 v7, v8  }
0x5dd: {  	s20 =	sor.u32 s21, s19;
	s19 =	simm.s32 $0x20  }
.LBB2_122:
0x5de: {  	p0 =	seq.s32 s19, $0x3F0;
	v8 =	vld [tilespmem:s20+$0xE400];
	[tilespmem:s0+$0x6400] =	vst v7;
	s0 =	smov.u32 s20  }
0x5df: {  	v7 =	vld [tilespmem:s0+$0x6400];
	_ =	sdelay $0x3  }
.Ltmp60:
0x5e0: {  	(pc) =	sbr.rel @!p0 .LBB2_122-.Ltmp60, $4  }
0x5e1: {  	v8 =	vmul.f32 v8, v6;
	v7 =	vmul.f32 v7, v5  }
0x5e2: {  	s2 =	sadd.s32 $0x80, s2  }
0x5e3: {  	s20 =	sand.u32 $0x70, s19;
	s21 =	sand.u32 $0x1C00, s2;
	v7 =	vadd.f32 v8, v7  }
0x5e4: {  	s19 =	sadd.s32 $0x10, s19;
	s20 =	sor.u32 s21, s20  }
0x5e5: {  	v8 =	vld [tilespmem:s20+$0xE400];
	[tilespmem:s0+$0x6400] =	vst v7  }
0x5e6: {  	v7 =	vld [tilespmem:s20+$0x6400];
	_ =	sdelay $0x4  }
0x5e7: {  	v6 =	vmul.f32 v8, v6;
	v5 =	vmul.f32 v7, v5;
	_ =	sdelay $0x1  }
0x5e8: {  	v5 =	vadd.f32 v6, v5;
	_ =	sdelay $0x1  }
0x5e9: {  	[tilespmem:s20+$0x6400] =	vst v5;
	s20 =	simm.s32 $0x0  }
0x5ea: {  	s2 =	sand.u32 $0x70, s20;
	s0 =	sand.u32 $0x1C00, s20  }
0x5eb: {  	s0 =	sor.u32 s0, s2  }
0x5ec: {  	v7 =	vld [tilespmem:s0+$0xE480]  }
0x5ed: {  	v8 =	vld [tilespmem:s0+$0x6480];
	_ =	sdelay $0x2  }
0x5ee: {  	v6 =	vbroadcast v4, $0xD;
	v5 =	vbroadcast v3, $0xD;
	_ =	sdelay $0x1  }
0x5ef: {  	v8 =	vmul.f32 v8, v5;
	v7 =	vmul.f32 v7, v6  }
0x5f0: {  	s19 =	simm.s32 $0x10;
	s2 =	simm.s32 $0x80  }
0x5f1: {  	s19 =	sand.u32 $0x70, s19;
	s21 =	sand.u32 $0x1C00, s2;
	v7 =	vadd.f32 v7, v8  }
0x5f2: {  	s20 =	sor.u32 s21, s19;
	s19 =	simm.s32 $0x20  }
.LBB2_124:
0x5f3: {  	p0 =	seq.s32 s19, $0x3F0;
	v8 =	vld [tilespmem:s20+$0xE480];
	[tilespmem:s0+$0x6480] =	vst v7;
	s0 =	smov.u32 s20  }
0x5f4: {  	v7 =	vld [tilespmem:s0+$0x6480];
	_ =	sdelay $0x3  }
.Ltmp61:
0x5f5: {  	(pc) =	sbr.rel @!p0 .LBB2_124-.Ltmp61, $4  }
0x5f6: {  	v8 =	vmul.f32 v8, v6;
	v7 =	vmul.f32 v7, v5  }
0x5f7: {  	s2 =	sadd.s32 $0x80, s2  }
0x5f8: {  	s20 =	sand.u32 $0x70, s19;
	s21 =	sand.u32 $0x1C00, s2;
	v7 =	vadd.f32 v8, v7  }
0x5f9: {  	s19 =	sadd.s32 $0x10, s19;
	s20 =	sor.u32 s21, s20  }
0x5fa: {  	v8 =	vld [tilespmem:s20+$0xE480];
	[tilespmem:s0+$0x6480] =	vst v7  }
0x5fb: {  	v7 =	vld [tilespmem:s20+$0x6480];
	_ =	sdelay $0x4  }
0x5fc: {  	v6 =	vmul.f32 v8, v6;
	v5 =	vmul.f32 v7, v5;
	_ =	sdelay $0x1  }
0x5fd: {  	v5 =	vadd.f32 v6, v5;
	_ =	sdelay $0x1  }
0x5fe: {  	[tilespmem:s20+$0x6480] =	vst v5;
	s20 =	simm.s32 $0x0  }
0x5ff: {  	s2 =	sand.u32 $0x70, s20;
	s0 =	sand.u32 $0x1C00, s20  }
0x600: {  	s0 =	sor.u32 s0, s2  }
0x601: {  	v7 =	vld [tilespmem:s0+$0xE500]  }
0x602: {  	v8 =	vld [tilespmem:s0+$0x6500];
	_ =	sdelay $0x2  }
0x603: {  	v6 =	vbroadcast v4, $0xE;
	v5 =	vbroadcast v3, $0xE;
	_ =	sdelay $0x1  }
0x604: {  	v8 =	vmul.f32 v8, v5;
	v7 =	vmul.f32 v7, v6  }
0x605: {  	s19 =	simm.s32 $0x10;
	s2 =	simm.s32 $0x80  }
0x606: {  	s19 =	sand.u32 $0x70, s19;
	s21 =	sand.u32 $0x1C00, s2;
	v7 =	vadd.f32 v7, v8  }
0x607: {  	s20 =	sor.u32 s21, s19;
	s19 =	simm.s32 $0x20  }
.LBB2_126:
0x608: {  	p0 =	seq.s32 s19, $0x3F0;
	v8 =	vld [tilespmem:s20+$0xE500];
	[tilespmem:s0+$0x6500] =	vst v7;
	s0 =	smov.u32 s20  }
0x609: {  	v7 =	vld [tilespmem:s0+$0x6500];
	_ =	sdelay $0x3  }
.Ltmp62:
0x60a: {  	(pc) =	sbr.rel @!p0 .LBB2_126-.Ltmp62, $4  }
0x60b: {  	v8 =	vmul.f32 v8, v6;
	v7 =	vmul.f32 v7, v5  }
0x60c: {  	s2 =	sadd.s32 $0x80, s2  }
0x60d: {  	s20 =	sand.u32 $0x70, s19;
	s21 =	sand.u32 $0x1C00, s2;
	v7 =	vadd.f32 v8, v7  }
0x60e: {  	s19 =	sadd.s32 $0x10, s19;
	s20 =	sor.u32 s21, s20  }
0x60f: {  	v8 =	vld [tilespmem:s20+$0xE500];
	[tilespmem:s0+$0x6500] =	vst v7  }
0x610: {  	v7 =	vld [tilespmem:s20+$0x6500];
	_ =	sdelay $0x4  }
0x611: {  	v6 =	vmul.f32 v8, v6;
	v5 =	vmul.f32 v7, v5;
	_ =	sdelay $0x1  }
0x612: {  	s21 =	simm.s32 $0x0;
	v5 =	vadd.f32 v6, v5  }
0x613: {  	s0 =	sor.u32 s21, s21  }
0x614: {  	s0 =	sor.u32 $0x6380, s0;
	[tilespmem:s20+$0x6500] =	vst v5  }
0x615: {  	v5 =	vld [tilespmem:s0+$0x8200]  }
0x616: {  	v6 =	vld [tilespmem:s0+$0x200];
	_ =	sdelay $0x2  }
0x617: {  	v3 =	vbroadcast v3, $0xF;
	v4 =	vbroadcast v4, $0xF;
	_ =	sdelay $0x1  }
0x618: {  	v6 =	vmul.f32 v6, v3;
	v5 =	vmul.f32 v5, v4  }
0x619: {  	s19 =	simm.s32 $0x10;
	s2 =	simm.s32 $0x80  }
0x61a: {  	s19 =	sor.u32 s2, s19;
	v5 =	vadd.f32 v5, v6  }
0x61b: {  	s20 =	sor.u32 $0x6380, s19;
	s19 =	simm.s32 $0x20  }
.LBB2_128:
0x61c: {  	p0 =	sne.s32 s19, $0x3F0;
	v6 =	vld [tilespmem:s20+$0x8200];
	[tilespmem:s0+$0x200] =	vst v5;
	s0 =	smov.u32 s20  }
0x61d: {  	v5 =	vld [tilespmem:s0+$0x200];
	_ =	sdelay $0x3  }
.Ltmp63:
0x61e: {  	(pc) =	sbr.rel @p0 .LBB2_128-.Ltmp63, $4  }
0x61f: {  	v6 =	vmul.f32 v6, v4;
	v5 =	vmul.f32 v5, v3  }
0x620: {  	s2 =	sadd.s32 $0x80, s2  }
0x621: {  	s20 =	sor.u32 s2, s19;
	v5 =	vadd.f32 v6, v5  }
0x622: {  	s19 =	sadd.s32 $0x10, s19;
	s20 =	sor.u32 $0x6380, s20  }
0x623: {  	v6 =	vld [tilespmem:s20+$0x8200];
	[tilespmem:s0+$0x200] =	vst v5  }
0x624: {  	v5 =	vld [tilespmem:s20+$0x200];
	_ =	sdelay $0x4  }
0x625: {  	v4 =	vmul.f32 v6, v4;
	v3 =	vmul.f32 v5, v3;
	_ =	sdelay $0x1  }
0x626: {  	s31 =	sadd.s32 $0x1, s31;
	v3 =	vadd.f32 v4, v3  }
0x627: {  	p0 =	sne.s32 s31, s17  }
.Ltmp64:
0x628: {  	[tilespmem:s20+$0x200] =	vst v3;
	(pc) =	sbr.rel @p0 .LBB2_1-.Ltmp64, $4  }
0x629: {  	[hbm4b:s16+s1] =	stream.linear.scatter [tilespmem:s22], [sflag:$0x2], $0x8000, $0x38;
	[tilespmem:$0x10200] =	vst v63  }
0x62a: {  	_ =	swait.ge [sflag:s18], $0x8000  }
0x62b: {  	[sflag:s18] =	ssyncset.done $0x0  }
0x62c: {  	[sflag:s18] =	ssyncadd.s32 $0xFFFF8000  }
0x62d: {  	_ =	sfence.sel $0x180000  }
0x62e: {  	[bflag:$0x0] =	sbarrier.arrive $0xFFFF  }
0x62f: {  	_ =	strace $0x9000004A  }
0x630: {  	s0 =	stileid.u32;
	[bflag:$0x2] =	sbarrier.arrive $0xFFFF  }
0x631: {  	p0 =	sne.s32 s0, $0x0;
	s0 =	rddreg [dreg:$0x2]  }
0x632: {  	s0 =	sadd.s32 @!p0 $0x100000, s0  }
0x633: {  	[sflag:s0] =	ssyncadd.tile.s32 @!p0 $0x1;
	_ =	shalt  }
.Lfunc_end2:
_tile_overlayer_lowered:
.L_overlay_start_2:
0x634: {  	(tag) =	ssettag $0x2  }
0x635: {  	s0 =	rddreg [dreg:$0x0];
	s2 =	stileid.u32  }
0x636: {  	s1 =	rddreg [dreg:$0x1];
	p0 =	sne.s32 s2, $0x0  }
0x637: {  	s3 =	rddreg [dreg:$0x2];
	[bflag:$0x3] =	sbarrier.arrive $0xFFFF;
	s2 =	simm.s32 @!p0 $0x1C02  }
0x638: {  	[timem:s3], [sflag:s2] =	dma.local @!p0 [hbm:s0], s1  }
0x639: {  	s0 =	simm.s32 @!p0 $0x2  }
0x63a: {  	_ =	swait.ge @!p0 [sflag:s0], s1  }
0x63b: {  	s1 =	ssub.s32 @!p0 $0x0, s1;
	[sflag:s0] =	ssyncset.done @!p0 $0x0  }
0x63c: {  	[sflag:s0] =	ssyncadd.s32 @!p0 s1  }
0x63d: {  	[bflag:$0x3] =	sbarrier.arrive $0xFFFF  }
0x63e: {  	_ =	shalt  }

</sc_bundles>
